<compile_context>
chip_gen: v7x
topology: tpu7x:2x2x1
jax: 0.10.2.dev20260603
libtpu: 0.0.44.dev20260713+nightly
codegen_flags: <defaults>
</compile_context>

<pallas_src>
import jax
import jax.numpy as jnp
from jax import lax
from jax.experimental import pallas as pl
from jax.experimental.pallas import tpu as pltpu
from jax.experimental.pallas import tpu_sc as plsc

_H, _W = 384, 512
_B, _C, _S = 2, 2, 2
_P = _H * _W
_NUM_IDS = 9
_I = _NUM_IDS - 1
_SCALE = 64.0
_RESCALE = 1.0 / 64.0
_EMB = (64.0, 64.0)

_NW = 32
_WPB = _NW // _B
_CH = _P // _WPB
_NQ = 5


_RPW = _H // _WPB


def _sc_body(lab_hbm, sig_hbm, off_hbm, out_hbm,
             lab0_v, lab1_v, sig_v, off0_v, off1_v, sem_a, sem_b, *accs):
    cid = lax.axis_index("c")
    sid = lax.axis_index("s")
    wid = sid * 2 + cid
    b = wid // _WPB
    wq = wid % _WPB
    h0 = wq * _RPW

    srcs = (lab_hbm.at[b, 0], lab_hbm.at[b, 1], sig_hbm.at[b, 0],
            off_hbm.at[b, 0], off_hbm.at[b, 1])
    dsts = (lab0_v, lab1_v, sig_v, off0_v, off1_v)
    cps = []
    for lo, n, sem in ((0, 8, sem_a), (8, 16, sem_b)):
        for src, dst in zip(srcs, dsts):
            cps.append(pltpu.async_copy(
                src.at[pl.ds(h0 + lo, n), :],
                dst.at[pl.ds(lo, n), :], sem))

    for a in accs:
        for l in range(16):
            a[l, :] = jnp.zeros((16,), jnp.float32)

    lane = lax.iota(jnp.int32, 16)
    ones = jnp.full((16,), 1.0, jnp.float32)

    def make_loop(lo, hi):
        @plsc.parallel_loop(lo, hi, unroll=4)
        def _step(s):
            r = jnp.right_shift(s, 4)
            rowf = (h0 + r).astype(jnp.float32)
            for g in range(2):
                cb = jnp.bitwise_and(s, 15) * 32 + g * 16
                sg = sig_v[r, pl.ds(cb, 16)]
                sgn = _SCALE / (1.0 + jnp.exp(sg * (-1.0 / (2.0 * _SCALE))))
                sgc = sgn - 32.0
                colf = (cb + lane).astype(jnp.float32)
                e0 = (rowf * (_EMB[0] / _H) + off0_v[r, pl.ds(cb, 16)]) * _RESCALE
                e1 = (colf * (_EMB[1] / _W) + off1_v[r, pl.ds(cb, 16)]) * _RESCALE
                vals = (ones, sgc, sgc * sgc, e0, e1)
                for ci, lab_v in ((0, lab0_v), (1, lab1_v)):
                    labv = lab_v[r, pl.ds(cb, 16)]
                    for qi in range(_NQ):
                        plsc.addupdate_scatter(
                            accs[ci * 2 * _NQ + g * _NQ + qi], [labv, lane],
                            vals[qi])

    ngrp = _RPW * (_W // 32)
    for c_ in cps[:5]:
        c_.wait()
    make_loop(0, 8 * (_W // 32))
    for c_ in cps[5:]:
        c_.wait()
    make_loop(8 * (_W // 32), ngrp)

    for ci in range(_C):
        for k in range(2 * _NQ):
            pltpu.sync_copy(accs[ci * 2 * _NQ + k], out_hbm.at[b, wq, ci, k])


def _phase_a_sc(labels, sigma_map, offset_map):
    mesh = plsc.VectorSubcoreMesh(core_axis_name="c", subcore_axis_name="s")
    scratch = [
        pltpu.VMEM((_RPW, _W), jnp.int32),
        pltpu.VMEM((_RPW, _W), jnp.int32),
        pltpu.VMEM((_RPW, _W), jnp.float32),
        pltpu.VMEM((_RPW, _W), jnp.float32),
        pltpu.VMEM((_RPW, _W), jnp.float32),
        pltpu.SemaphoreType.DMA,
        pltpu.SemaphoreType.DMA,
    ] + [pltpu.VMEM((16, 16), jnp.float32) for _ in range(2 * _C * _NQ)]
    fn = pl.kernel(
        _sc_body,
        mesh=mesh,
        out_type=jax.ShapeDtypeStruct((_B, _WPB, _C, 2 * _NQ, 16, 16),
                                      jnp.float32),
        scratch_types=scratch,
        compiler_params=pltpu.CompilerParams(needs_layout_passes=False),
    )
    return fn(labels, sigma_map, offset_map)


def _tc_body(seed_ref, off_ref, lab_ref, sig_ref, part_ref, dists_ref, sums_ref):
    b = pl.program_id(0)
    c = pl.program_id(1)
    lab = lab_ref[0, 0]
    sig = _SCALE / (1.0 + jnp.exp(sig_ref[0, 0] * (-1.0 / (2.0 * _SCALE))))
    row = lax.broadcasted_iota(jnp.int32, (_H, _W), 0).astype(jnp.float32)
    col = lax.broadcasted_iota(jnp.int32, (_H, _W), 1).astype(jnp.float32)
    e0 = (row * (_EMB[0] / _H) + off_ref[0, 0]) * _RESCALE
    e1 = (col * (_EMB[1] / _W) + off_ref[0, 1]) * _RESCALE
    seed = seed_ref[0, 0]

    w = jnp.sum(part_ref[0, :, 0], axis=(0, 3))
    sums = w[0:_NQ] + w[_NQ:2 * _NQ]

    inst_sum = jnp.zeros((), jnp.float32)
    smooth_sum = jnp.zeros((), jnp.float32)
    seed_mask = jnp.zeros((_H, _W), jnp.float32)
    for i in range(_I):
        cnt = sums[0, i + 1]
        smc = sums[1, i + 1] / cnt
        ssq = sums[2, i + 1]
        m0 = sums[3, i + 1] / cnt
        m1 = sums[4, i + 1] / cnt
        sm = 32.0 + smc
        inv2s2 = 1.0 / (2.0 * sm * sm)
        m = lab == (i + 1)
        d0 = e0 - m0
        d1 = e1 - m1
        d = (d0 * d0 + d1 * d1) * inv2s2
        phi = jnp.exp(-d)

        @pl.when(c == _C - 1)
        def _store():
            dists_ref[0, i] = phi

        logp = jnp.maximum(-d, -100.0)
        log1mp = jnp.maximum(jnp.log(1.0 - phi), -100.0)
        inst_sum = inst_sum - (jnp.sum(log1mp)
                               + jnp.sum(jnp.where(m, logp - log1mp, 0.0)))
        smooth_sum = smooth_sum + (ssq / cnt - smc * smc)
        seed_mask = seed_mask + jnp.where(m, phi, 0.0)

    dseed = seed - seed_mask
    seed_sum = jnp.sum(dseed * dseed) * (1.0 / (_H * _W))

    cur = jnp.stack([
        jnp.full((8, 128), inst_sum, jnp.float32),
        jnp.full((8, 128), smooth_sum, jnp.float32),
        jnp.full((8, 128), seed_sum, jnp.float32),
    ])
    first = jnp.logical_and(b == 0, c == 0)

    @pl.when(first)
    def _init():
        sums_ref[...] = cur

    @pl.when(jnp.logical_not(first))
    def _acc():
        sums_ref[...] = sums_ref[...] + cur


def _phase_b_tc(seed_map, offset_map, labels, sigma_map, partials):
    dists, sums = pl.pallas_call(
        _tc_body,
        grid=(_B, _C),
        in_specs=[
            pl.BlockSpec((1, 1, _H, _W), lambda b, c: (b, c, 0, 0)),
            pl.BlockSpec((1, _S, _H, _W), lambda b, c: (b, 0, 0, 0)),
            pl.BlockSpec((1, 1, _H, _W), lambda b, c: (b, c, 0, 0)),
            pl.BlockSpec((1, 1, _H, _W), lambda b, c: (b, 0, 0, 0)),
            pl.BlockSpec((1, _WPB, 1, 2 * _NQ, 16, 16),
                         lambda b, c: (b, 0, c, 0, 0, 0)),
        ],
        out_specs=[
            pl.BlockSpec((1, _I, _H, _W), lambda b, c: (b, 0, 0, 0)),
            pl.BlockSpec((3, 8, 128), lambda b, c: (0, 0, 0)),
        ],
        out_shape=[
            jax.ShapeDtypeStruct((_B, _I, _H, _W), jnp.float32),
            jax.ShapeDtypeStruct((3, 8, 128), jnp.float32),
        ],
    )(seed_map, offset_map, labels, sigma_map, partials)
    return dists, sums


def kernel(seed_map, offset_map, labels, sigma_map):
    labels = labels.astype(jnp.int32)
    partials = _phase_a_sc(labels, sigma_map, offset_map)
    dists, sums = _phase_b_tc(seed_map, offset_map, labels, sigma_map, partials)
    s = sums[:, 0, 0]
    n = float(_B * _C * _I)
    il = s[0] / n
    sl = s[1] / n
    sel = s[2]
    loss = (il + sl + sel) * (1.0 / (_B * _C))
    stats = jnp.stack([il, sl, sel])
    return loss, dists, stats

# --- scband reference (transcript-rebuilt; emitter-appended) ---
"""Pipeline reference for scband-neven-loss-80882824118610 (READ-ONLY COPY).

The authoritative reference and input builder live on the scoring server;
editing this copy changes nothing except your own understanding.
"""

import jax, jax.numpy as jnp
import numpy as np

H, W = 384, 512
B, C, S = 2, 2, 2
NUM_IDS = 9  # ids 0..8; 0 is background -> I = 8 instances per (b,c)
SCALE = 64.0
RESCALE = 1.0 / 64.0
EMB_DIMS = (64.0, 64.0)


def setup_inputs(seed: int = 0) -> dict:
    key = jax.random.key(seed)
    k1, k2, k3, k4 = jax.random.split(key, 4)
    seed_map = jax.random.uniform(k1, (B, C, H, W), dtype=jnp.float32)
    offset_map = jax.random.normal(k2, (B, S, H, W), dtype=jnp.float32)
    labels = jax.random.randint(k3, (B, C, H, W), 0, NUM_IDS)
    sigma_map = jax.random.normal(k4, (B, 1, H, W), dtype=jnp.float32)
    return {"seed_map": seed_map, "offset_map": offset_map, "labels": labels, "sigma_map": sigma_map}


def _bce_sum(p, t):
    # torch.nn.BCELoss(reduction='sum') with log clamped at -100
    logp = jnp.clip(jnp.log(p), -100.0, None)
    log1mp = jnp.clip(jnp.log(1.0 - p), -100.0, None)
    return -(t * logp + (1.0 - t) * log1mp).sum()


def reference(seed_map, offset_map, labels, sigma_map):
    # ScaledSigmoidActivation(64): scale / (1 + exp(-x / (2*scale)))
    sigma_n = SCALE / (1.0 + jnp.exp(-sigma_map / (2.0 * SCALE)))
    # EmbeddingVectors
    grid = jnp.stack(jnp.meshgrid(jnp.arange(H), jnp.arange(W), indexing='ij')).astype(jnp.float32)
    scaler = jnp.array([EMB_DIMS[0] / H, EMB_DIMS[1] / W], dtype=jnp.float32).reshape(2, 1, 1)
    positions = grid * scaler
    ev = (positions[None] + offset_map) * RESCALE  # [B,S,H,W]

    I = NUM_IDS - 1
    P = H * W
    smooth_loss = 0.0
    instance_loss = 0.0
    seed_loss = 0.0
    N = 0
    dists = []
    for b in range(B):
        emb_b = ev[b].reshape(S, P)
        sig_b = sigma_n[b].reshape(1, P)
        phi_last = None
        for c in range(C):
            lab = labels[b, c].reshape(P)
            masks = jnp.stack([(lab == iid) for iid in range(1, NUM_IDS)]).astype(jnp.float32)  # [I,P]
            counts = masks.sum(1)
            N += I
            sigma_means = (masks[:, None, :] * sig_b[None]).sum(-1) / counts[:, None]  # [I,1]
            emb_means = (masks[:, None, :] * emb_b[None]).sum(-1) / counts[:, None]    # [I,S]
            sg_sm = jax.lax.stop_gradient(sigma_means)
            smooth_bc = ((((sig_b[None] - sg_sm[:, :, None]) ** 2).sum(1)) * masks).sum(1) / counts
            smooth_loss = smooth_loss + smooth_bc.sum()
            inv2s2 = 1.0 / (2.0 * (sigma_means[:, :, None] ** 2))  # [I,1,1]
            phi = jnp.exp(-(((emb_b[None] - emb_means[:, :, None]) ** 2) * inv2s2).sum(1))  # [I,P]
            phi_last = jax.lax.stop_gradient(phi).reshape(I, H, W)
            instance_loss = instance_loss + _bce_sum(phi, masks)
            seed_mask = (jax.lax.stop_gradient(phi) * masks).sum(0)
            seed_loss = seed_loss + ((seed_map[b, c].reshape(P) - seed_mask) ** 2).mean()
        dists.append(phi_last)
    instance_loss = instance_loss / N
    smooth_loss = smooth_loss / N
    loss = 1.0 * instance_loss + 1.0 * smooth_loss + 1.0 * seed_loss
    return (loss / (B * C), jnp.stack(dists), jax.lax.stop_gradient(jnp.stack([instance_loss, smooth_loss, seed_loss])))

if __name__ == "__main__":
    import jax
    _d = setup_inputs()
    print(jax.jit(kernel)(*tuple(_d.values())))

</pallas_src>

<mosaic_0001>
#map = affine_map<(d0, d1) -> (0, 0, 0, 0)>
#map1 = affine_map<(d0, d1) -> (0, 0, 0, 0, 0, 0)>
module attributes {stable_mosaic.version = 14 : i64} {
  func.func @_sc_body(%arg0: i32, %arg1: i32, %arg2: memref<2x2x384x512xi32, #tpu.memory_space<hbm>>, %arg3: memref<2x1x384x512xf32, #tpu.memory_space<hbm>>, %arg4: memref<2x2x384x512xf32, #tpu.memory_space<hbm>>, %arg5: memref<2x16x2x10x16x16xf32, #tpu.memory_space<hbm>>, %arg6: memref<24x512xi32, #tpu.memory_space<vmem>>, %arg7: memref<24x512xi32, #tpu.memory_space<vmem>>, %arg8: memref<24x512xf32, #tpu.memory_space<vmem>>, %arg9: memref<24x512xf32, #tpu.memory_space<vmem>>, %arg10: memref<24x512xf32, #tpu.memory_space<vmem>>, %arg11: memref<!tpu.dma_semaphore, #tpu.memory_space<semaphore_mem>>, %arg12: memref<!tpu.dma_semaphore, #tpu.memory_space<semaphore_mem>>, %arg13: memref<16x16xf32, #tpu.memory_space<vmem>>, %arg14: memref<16x16xf32, #tpu.memory_space<vmem>>, %arg15: memref<16x16xf32, #tpu.memory_space<vmem>>, %arg16: memref<16x16xf32, #tpu.memory_space<vmem>>, %arg17: memref<16x16xf32, #tpu.memory_space<vmem>>, %arg18: memref<16x16xf32, #tpu.memory_space<vmem>>, %arg19: memref<16x16xf32, #tpu.memory_space<vmem>>, %arg20: memref<16x16xf32, #tpu.memory_space<vmem>>, %arg21: memref<16x16xf32, #tpu.memory_space<vmem>>, %arg22: memref<16x16xf32, #tpu.memory_space<vmem>>, %arg23: memref<16x16xf32, #tpu.memory_space<vmem>>, %arg24: memref<16x16xf32, #tpu.memory_space<vmem>>, %arg25: memref<16x16xf32, #tpu.memory_space<vmem>>, %arg26: memref<16x16xf32, #tpu.memory_space<vmem>>, %arg27: memref<16x16xf32, #tpu.memory_space<vmem>>, %arg28: memref<16x16xf32, #tpu.memory_space<vmem>>, %arg29: memref<16x16xf32, #tpu.memory_space<vmem>>, %arg30: memref<16x16xf32, #tpu.memory_space<vmem>>, %arg31: memref<16x16xf32, #tpu.memory_space<vmem>>, %arg32: memref<16x16xf32, #tpu.memory_space<vmem>>) attributes {dimension_semantics = [#tpu.dimension_semantics<core_parallel>, #tpu.dimension_semantics<subcore_parallel>], iteration_bounds = array<i64: 2, 16>, scalar_prefetch = 0 : i64, scratch_operands = 27 : i64, tpu.core_type = #tpu.core_type<sc_vector_subcore>, window_params = [{transform_indices = #map}, {transform_indices = #map}, {transform_indices = #map}, {transform_indices = #map1}]} {
    %mul3A = arith.constant 2 : i32
    %mul3A_0 = arith.muli %arg1, %mul3A : i32
    %add3A = arith.addi %mul3A_0, %arg0 : i32
    %jit3A = arith.constant 16 : i32
    %div3A = arith.divsi %add3A, %jit3A : i32
    %sign3A = arith.constant 0 : i32
    %sign3A_1 = arith.cmpi sgt, %add3A, %sign3A : i32
    %sign3A_2 = arith.extui %sign3A_1 : i1 to i32
    %sign3A_3 = arith.constant 0 : i32
    %sign3A_4 = arith.cmpi slt, %add3A, %sign3A_3 : i32
    %sign3A_5 = arith.extui %sign3A_4 : i1 to i32
    %sign3A_6 = arith.subi %sign3A_2, %sign3A_5 : i32
    %sign3A_7 = arith.constant 0 : i32
    %sign3A_8 = arith.cmpi sgt, %jit3A, %sign3A_7 : i32
    %sign3A_9 = arith.extui %sign3A_8 : i1 to i32
    %sign3A_10 = arith.constant 0 : i32
    %sign3A_11 = arith.cmpi slt, %jit3A, %sign3A_10 : i32
    %sign3A_12 = arith.extui %sign3A_11 : i1 to i32
    %sign3A_13 = arith.subi %sign3A_9, %sign3A_12 : i32
    %ne3A = arith.cmpi ne, %sign3A_6, %sign3A_13 : i32
    %rem3A = arith.remsi %add3A, %jit3A : i32
    %ne3A_14 = arith.constant 0 : i32
    %ne3A_15 = arith.cmpi ne, %rem3A, %ne3A_14 : i32
    %and3A = arith.andi %ne3A, %ne3A_15 : i1
    %sub3A = arith.constant 1 : i32
    %sub3A_16 = arith.subi %div3A, %sub3A : i32
    %select_n3A = arith.select %and3A, %sub3A_16, %div3A : i32
    %jit3A_17 = arith.constant 16 : i32
    %eq3A = arith.constant 0 : i32
    %eq3A_18 = arith.cmpi eq, %jit3A_17, %eq3A : i32
    %jit3A_19 = arith.constant 1 : i32
    %select_n3A_20 = arith.select %eq3A_18, %jit3A_19, %jit3A_17 : i32
    %rem3A_21 = arith.remsi %add3A, %select_n3A_20 : i32
    %ne3A_22 = arith.constant 0 : i32
    %ne3A_23 = arith.cmpi ne, %rem3A_21, %ne3A_22 : i32
    %lt3A = arith.constant 0 : i32
    %lt3A_24 = arith.cmpi slt, %rem3A_21, %lt3A : i32
    %lt3A_25 = arith.constant 0 : i32
    %lt3A_26 = arith.cmpi slt, %select_n3A_20, %lt3A_25 : i32
    %ne3A_27 = arith.xori %lt3A_24, %lt3A_26 : i1
    %and3A_28 = arith.andi %ne3A_27, %ne3A_23 : i1
    %add3A_29 = arith.addi %rem3A_21, %select_n3A_20 : i32
    %select_n3A_30 = arith.select %and3A_28, %add3A_29, %rem3A_21 : i32
    %mul3A_31 = arith.constant 24 : i32
    %mul3A_32 = arith.muli %select_n3A_30, %mul3A_31 : i32
    %add3A_33 = arith.constant 0 : i32
    %add3A_34 = arith.addi %mul3A_32, %add3A_33 : i32
    %dma_start3A = arith.constant 0 : i32
    %dma_start3A_35 = arith.constant 0 : i32
    %dma_start3A_36 = arith.constant 0 : i32
    %dma_start3A_37 = tpu.memref_slice %arg6[%dma_start3A_35, %dma_start3A_36] : memref<24x512xi32, #tpu.memory_space<vmem>> -> memref<8x512xi32, #tpu.memory_space<vmem>>
    %dma_start3A_38 = arith.constant 0 : i32
    %dma_start3A_39 = arith.constant 0 : i32
    %dma_start3A_40 = tpu.memref_slice %arg2[%select_n3A, %dma_start3A, %dma_start3A_38, %dma_start3A_39] : memref<2x2x384x512xi32, #tpu.memory_space<hbm>> -> memref<1x1x384x512xi32, #tpu.memory_space<hbm>>
    %dma_start3A_41 = tpu.memref_squeeze %dma_start3A_40 : memref<1x1x384x512xi32, #tpu.memory_space<hbm>> -> memref<384x512xi32, #tpu.memory_space<hbm>>
    %dma_start3A_42 = arith.constant 0 : i32
    %dma_start3A_43 = tpu.memref_slice %dma_start3A_41[%add3A_34, %dma_start3A_42] : memref<384x512xi32, #tpu.memory_space<hbm>> -> memref<8x512xi32, #tpu.memory_space<hbm>>
    %dma_start3A_44 = arith.constant 0 : i32
    %dma_start3A_45 = arith.constant 0 : i32
    %dma_start3A_46 = tpu.memref_slice %arg6[%dma_start3A_44, %dma_start3A_45] : memref<24x512xi32, #tpu.memory_space<vmem>> -> memref<8x512xi32, #tpu.memory_space<vmem>>
    %dma_start3A_47 = arith.constant 0 : i32
    %dma_start3A_48 = arith.constant 0 : i32
    %dma_start3A_49 = tpu.memref_slice %arg2[%select_n3A, %dma_start3A, %dma_start3A_47, %dma_start3A_48] : memref<2x2x384x512xi32, #tpu.memory_space<hbm>> -> memref<1x1x384x512xi32, #tpu.memory_space<hbm>>
    %dma_start3A_50 = tpu.memref_squeeze %dma_start3A_49 : memref<1x1x384x512xi32, #tpu.memory_space<hbm>> -> memref<384x512xi32, #tpu.memory_space<hbm>>
    %dma_start3A_51 = arith.constant 0 : i32
    %dma_start3A_52 = tpu.memref_slice %dma_start3A_50[%add3A_34, %dma_start3A_51] : memref<384x512xi32, #tpu.memory_space<hbm>> -> memref<8x512xi32, #tpu.memory_space<hbm>>
    tpu.enqueue_dma source(%dma_start3A_52 : memref<8x512xi32, #tpu.memory_space<hbm>>) target(%dma_start3A_46 : memref<8x512xi32, #tpu.memory_space<vmem>>) target_semaphore(%arg11 : memref<!tpu.dma_semaphore, #tpu.memory_space<semaphore_mem>>)
    %add3A_53 = arith.constant 0 : i32
    %add3A_54 = arith.addi %mul3A_32, %add3A_53 : i32
    %dma_start3A_55 = arith.constant 1 : i32
    %dma_start3A_56 = arith.constant 0 : i32
    %dma_start3A_57 = arith.constant 0 : i32
    %dma_start3A_58 = tpu.memref_slice %arg7[%dma_start3A_56, %dma_start3A_57] : memref<24x512xi32, #tpu.memory_space<vmem>> -> memref<8x512xi32, #tpu.memory_space<vmem>>
    %dma_start3A_59 = arith.constant 0 : i32
    %dma_start3A_60 = arith.constant 0 : i32
    %dma_start3A_61 = tpu.memref_slice %arg2[%select_n3A, %dma_start3A_55, %dma_start3A_59, %dma_start3A_60] : memref<2x2x384x512xi32, #tpu.memory_space<hbm>> -> memref<1x1x384x512xi32, #tpu.memory_space<hbm>>
    %dma_start3A_62 = tpu.memref_squeeze %dma_start3A_61 : memref<1x1x384x512xi32, #tpu.memory_space<hbm>> -> memref<384x512xi32, #tpu.memory_space<hbm>>
    %dma_start3A_63 = arith.constant 0 : i32
    %dma_start3A_64 = tpu.memref_slice %dma_start3A_62[%add3A_54, %dma_start3A_63] : memref<384x512xi32, #tpu.memory_space<hbm>> -> memref<8x512xi32, #tpu.memory_space<hbm>>
    %dma_start3A_65 = arith.constant 0 : i32
    %dma_start3A_66 = arith.constant 0 : i32
    %dma_start3A_67 = tpu.memref_slice %arg7[%dma_start3A_65, %dma_start3A_66] : memref<24x512xi32, #tpu.memory_space<vmem>> -> memref<8x512xi32, #tpu.memory_space<vmem>>
    %dma_start3A_68 = arith.constant 0 : i32
    %dma_start3A_69 = arith.constant 0 : i32
    %dma_start3A_70 = tpu.memref_slice %arg2[%select_n3A, %dma_start3A_55, %dma_start3A_68, %dma_start3A_69] : memref<2x2x384x512xi32, #tpu.memory_space<hbm>> -> memref<1x1x384x512xi32, #tpu.memory_space<hbm>>
    %dma_start3A_71 = tpu.memref_squeeze %dma_start3A_70 : memref<1x1x384x512xi32, #tpu.memory_space<hbm>> -> memref<384x512xi32, #tpu.memory_space<hbm>>
    %dma_start3A_72 = arith.constant 0 : i32
    %dma_start3A_73 = tpu.memref_slice %dma_start3A_71[%add3A_54, %dma_start3A_72] : memref<384x512xi32, #tpu.memory_space<hbm>> -> memref<8x512xi32, #tpu.memory_space<hbm>>
    tpu.enqueue_dma source(%dma_start3A_73 : memref<8x512xi32, #tpu.memory_space<hbm>>) target(%dma_start3A_67 : memref<8x512xi32, #tpu.memory_space<vmem>>) target_semaphore(%arg11 : memref<!tpu.dma_semaphore, #tpu.memory_space<semaphore_mem>>)
    %add3A_74 = arith.constant 0 : i32
    %add3A_75 = arith.addi %mul3A_32, %add3A_74 : i32
    %dma_start3A_76 = arith.constant 0 : i32
    %dma_start3A_77 = arith.constant 0 : i32
    %dma_start3A_78 = arith.constant 0 : i32
    %dma_start3A_79 = tpu.memref_slice %arg8[%dma_start3A_77, %dma_start3A_78] : memref<24x512xf32, #tpu.memory_space<vmem>> -> memref<8x512xf32, #tpu.memory_space<vmem>>
    %dma_start3A_80 = arith.constant 0 : i32
    %dma_start3A_81 = arith.constant 0 : i32
    %dma_start3A_82 = tpu.memref_slice %arg3[%select_n3A, %dma_start3A_76, %dma_start3A_80, %dma_start3A_81] : memref<2x1x384x512xf32, #tpu.memory_space<hbm>> -> memref<1x1x384x512xf32, #tpu.memory_space<hbm>>
    %dma_start3A_83 = tpu.memref_squeeze %dma_start3A_82 : memref<1x1x384x512xf32, #tpu.memory_space<hbm>> -> memref<384x512xf32, #tpu.memory_space<hbm>>
    %dma_start3A_84 = arith.constant 0 : i32
    %dma_start3A_85 = tpu.memref_slice %dma_start3A_83[%add3A_75, %dma_start3A_84] : memref<384x512xf32, #tpu.memory_space<hbm>> -> memref<8x512xf32, #tpu.memory_space<hbm>>
    %dma_start3A_86 = arith.constant 0 : i32
    %dma_start3A_87 = arith.constant 0 : i32
    %dma_start3A_88 = tpu.memref_slice %arg8[%dma_start3A_86, %dma_start3A_87] : memref<24x512xf32, #tpu.memory_space<vmem>> -> memref<8x512xf32, #tpu.memory_space<vmem>>
    %dma_start3A_89 = arith.constant 0 : i32
    %dma_start3A_90 = arith.constant 0 : i32
    %dma_start3A_91 = tpu.memref_slice %arg3[%select_n3A, %dma_start3A_76, %dma_start3A_89, %dma_start3A_90] : memref<2x1x384x512xf32, #tpu.memory_space<hbm>> -> memref<1x1x384x512xf32, #tpu.memory_space<hbm>>
    %dma_start3A_92 = tpu.memref_squeeze %dma_start3A_91 : memref<1x1x384x512xf32, #tpu.memory_space<hbm>> -> memref<384x512xf32, #tpu.memory_space<hbm>>
    %dma_start3A_93 = arith.constant 0 : i32
    %dma_start3A_94 = tpu.memref_slice %dma_start3A_92[%add3A_75, %dma_start3A_93] : memref<384x512xf32, #tpu.memory_space<hbm>> -> memref<8x512xf32, #tpu.memory_space<hbm>>
    tpu.enqueue_dma source(%dma_start3A_94 : memref<8x512xf32, #tpu.memory_space<hbm>>) target(%dma_start3A_88 : memref<8x512xf32, #tpu.memory_space<vmem>>) target_semaphore(%arg11 : memref<!tpu.dma_semaphore, #tpu.memory_space<semaphore_mem>>)
    %add3A_95 = arith.constant 0 : i32
    %add3A_96 = arith.addi %mul3A_32, %add3A_95 : i32
    %dma_start3A_97 = arith.constant 0 : i32
    %dma_start3A_98 = arith.constant 0 : i32
    %dma_start3A_99 = arith.constant 0 : i32
    %dma_start3A_100 = tpu.memref_slice %arg9[%dma_start3A_98, %dma_start3A_99] : memref<24x512xf32, #tpu.memory_space<vmem>> -> memref<8x512xf32, #tpu.memory_space<vmem>>
    %dma_start3A_101 = arith.constant 0 : i32
    %dma_start3A_102 = arith.constant 0 : i32
    %dma_start3A_103 = tpu.memref_slice %arg4[%select_n3A, %dma_start3A_97, %dma_start3A_101, %dma_start3A_102] : memref<2x2x384x512xf32, #tpu.memory_space<hbm>> -> memref<1x1x384x512xf32, #tpu.memory_space<hbm>>
    %dma_start3A_104 = tpu.memref_squeeze %dma_start3A_103 : memref<1x1x384x512xf32, #tpu.memory_space<hbm>> -> memref<384x512xf32, #tpu.memory_space<hbm>>
    %dma_start3A_105 = arith.constant 0 : i32
    %dma_start3A_106 = tpu.memref_slice %dma_start3A_104[%add3A_96, %dma_start3A_105] : memref<384x512xf32, #tpu.memory_space<hbm>> -> memref<8x512xf32, #tpu.memory_space<hbm>>
    %dma_start3A_107 = arith.constant 0 : i32
    %dma_start3A_108 = arith.constant 0 : i32
    %dma_start3A_109 = tpu.memref_slice %arg9[%dma_start3A_107, %dma_start3A_108] : memref<24x512xf32, #tpu.memory_space<vmem>> -> memref<8x512xf32, #tpu.memory_space<vmem>>
    %dma_start3A_110 = arith.constant 0 : i32
    %dma_start3A_111 = arith.constant 0 : i32
    %dma_start3A_112 = tpu.memref_slice %arg4[%select_n3A, %dma_start3A_97, %dma_start3A_110, %dma_start3A_111] : memref<2x2x384x512xf32, #tpu.memory_space<hbm>> -> memref<1x1x384x512xf32, #tpu.memory_space<hbm>>
    %dma_start3A_113 = tpu.memref_squeeze %dma_start3A_112 : memref<1x1x384x512xf32, #tpu.memory_space<hbm>> -> memref<384x512xf32, #tpu.memory_space<hbm>>
    %dma_start3A_114 = arith.constant 0 : i32
    %dma_start3A_115 = tpu.memref_slice %dma_start3A_113[%add3A_96, %dma_start3A_114] : memref<384x512xf32, #tpu.memory_space<hbm>> -> memref<8x512xf32, #tpu.memory_space<hbm>>
    tpu.enqueue_dma source(%dma_start3A_115 : memref<8x512xf32, #tpu.memory_space<hbm>>) target(%dma_start3A_109 : memref<8x512xf32, #tpu.memory_space<vmem>>) target_semaphore(%arg11 : memref<!tpu.dma_semaphore, #tpu.memory_space<semaphore_mem>>)
    %add3A_116 = arith.constant 0 : i32
    %add3A_117 = arith.addi %mul3A_32, %add3A_116 : i32
    %dma_start3A_118 = arith.constant 1 : i32
    %dma_start3A_119 = arith.constant 0 : i32
    %dma_start3A_120 = arith.constant 0 : i32
    %dma_start3A_121 = tpu.memref_slice %arg10[%dma_start3A_119, %dma_start3A_120] : memref<24x512xf32, #tpu.memory_space<vmem>> -> memref<8x512xf32, #tpu.memory_space<vmem>>
    %dma_start3A_122 = arith.constant 0 : i32
    %dma_start3A_123 = arith.constant 0 : i32
    %dma_start3A_124 = tpu.memref_slice %arg4[%select_n3A, %dma_start3A_118, %dma_start3A_122, %dma_start3A_123] : memref<2x2x384x512xf32, #tpu.memory_space<hbm>> -> memref<1x1x384x512xf32, #tpu.memory_space<hbm>>
    %dma_start3A_125 = tpu.memref_squeeze %dma_start3A_124 : memref<1x1x384x512xf32, #tpu.memory_space<hbm>> -> memref<384x512xf32, #tpu.memory_space<hbm>>
    %dma_start3A_126 = arith.constant 0 : i32
    %dma_start3A_127 = tpu.memref_slice %dma_start3A_125[%add3A_117, %dma_start3A_126] : memref<384x512xf32, #tpu.memory_space<hbm>> -> memref<8x512xf32, #tpu.memory_space<hbm>>
    %dma_start3A_128 = arith.constant 0 : i32
    %dma_start3A_129 = arith.constant 0 : i32
    %dma_start3A_130 = tpu.memref_slice %arg10[%dma_start3A_128, %dma_start3A_129] : memref<24x512xf32, #tpu.memory_space<vmem>> -> memref<8x512xf32, #tpu.memory_space<vmem>>
    %dma_start3A_131 = arith.constant 0 : i32
    %dma_start3A_132 = arith.constant 0 : i32
    %dma_start3A_133 = tpu.memref_slice %arg4[%select_n3A, %dma_start3A_118, %dma_start3A_131, %dma_start3A_132] : memref<2x2x384x512xf32, #tpu.memory_space<hbm>> -> memref<1x1x384x512xf32, #tpu.memory_space<hbm>>
    %dma_start3A_134 = tpu.memref_squeeze %dma_start3A_133 : memref<1x1x384x512xf32, #tpu.memory_space<hbm>> -> memref<384x512xf32, #tpu.memory_space<hbm>>
    %dma_start3A_135 = arith.constant 0 : i32
    %dma_start3A_136 = tpu.memref_slice %dma_start3A_134[%add3A_117, %dma_start3A_135] : memref<384x512xf32, #tpu.memory_space<hbm>> -> memref<8x512xf32, #tpu.memory_space<hbm>>
    tpu.enqueue_dma source(%dma_start3A_136 : memref<8x512xf32, #tpu.memory_space<hbm>>) target(%dma_start3A_130 : memref<8x512xf32, #tpu.memory_space<vmem>>) target_semaphore(%arg11 : memref<!tpu.dma_semaphore, #tpu.memory_space<semaphore_mem>>)
    %add3A_137 = arith.constant 8 : i32
    %add3A_138 = arith.addi %mul3A_32, %add3A_137 : i32
    %dma_start3A_139 = arith.constant 0 : i32
    %dma_start3A_140 = arith.constant 8 : i32
    %dma_start3A_141 = arith.constant 0 : i32
    %dma_start3A_142 = tpu.memref_slice %arg6[%dma_start3A_140, %dma_start3A_141] : memref<24x512xi32, #tpu.memory_space<vmem>> -> memref<16x512xi32, #tpu.memory_space<vmem>>
    %dma_start3A_143 = arith.constant 0 : i32
    %dma_start3A_144 = arith.constant 0 : i32
    %dma_start3A_145 = tpu.memref_slice %arg2[%select_n3A, %dma_start3A_139, %dma_start3A_143, %dma_start3A_144] : memref<2x2x384x512xi32, #tpu.memory_space<hbm>> -> memref<1x1x384x512xi32, #tpu.memory_space<hbm>>
    %dma_start3A_146 = tpu.memref_squeeze %dma_start3A_145 : memref<1x1x384x512xi32, #tpu.memory_space<hbm>> -> memref<384x512xi32, #tpu.memory_space<hbm>>
    %dma_start3A_147 = arith.constant 0 : i32
    %dma_start3A_148 = tpu.memref_slice %dma_start3A_146[%add3A_138, %dma_start3A_147] : memref<384x512xi32, #tpu.memory_space<hbm>> -> memref<16x512xi32, #tpu.memory_space<hbm>>
    %dma_start3A_149 = arith.constant 8 : i32
    %dma_start3A_150 = arith.constant 0 : i32
    %dma_start3A_151 = tpu.memref_slice %arg6[%dma_start3A_149, %dma_start3A_150] : memref<24x512xi32, #tpu.memory_space<vmem>> -> memref<16x512xi32, #tpu.memory_space<vmem>>
    %dma_start3A_152 = arith.constant 0 : i32
    %dma_start3A_153 = arith.constant 0 : i32
    %dma_start3A_154 = tpu.memref_slice %arg2[%select_n3A, %dma_start3A_139, %dma_start3A_152, %dma_start3A_153] : memref<2x2x384x512xi32, #tpu.memory_space<hbm>> -> memref<1x1x384x512xi32, #tpu.memory_space<hbm>>
    %dma_start3A_155 = tpu.memref_squeeze %dma_start3A_154 : memref<1x1x384x512xi32, #tpu.memory_space<hbm>> -> memref<384x512xi32, #tpu.memory_space<hbm>>
    %dma_start3A_156 = arith.constant 0 : i32
    %dma_start3A_157 = tpu.memref_slice %dma_start3A_155[%add3A_138, %dma_start3A_156] : memref<384x512xi32, #tpu.memory_space<hbm>> -> memref<16x512xi32, #tpu.memory_space<hbm>>
    tpu.enqueue_dma source(%dma_start3A_157 : memref<16x512xi32, #tpu.memory_space<hbm>>) target(%dma_start3A_151 : memref<16x512xi32, #tpu.memory_space<vmem>>) target_semaphore(%arg12 : memref<!tpu.dma_semaphore, #tpu.memory_space<semaphore_mem>>)
    %add3A_158 = arith.constant 8 : i32
    %add3A_159 = arith.addi %mul3A_32, %add3A_158 : i32
    %dma_start3A_160 = arith.constant 1 : i32
    %dma_start3A_161 = arith.constant 8 : i32
    %dma_start3A_162 = arith.constant 0 : i32
    %dma_start3A_163 = tpu.memref_slice %arg7[%dma_start3A_161, %dma_start3A_162] : memref<24x512xi32, #tpu.memory_space<vmem>> -> memref<16x512xi32, #tpu.memory_space<vmem>>
    %dma_start3A_164 = arith.constant 0 : i32
    %dma_start3A_165 = arith.constant 0 : i32
    %dma_start3A_166 = tpu.memref_slice %arg2[%select_n3A, %dma_start3A_160, %dma_start3A_164, %dma_start3A_165] : memref<2x2x384x512xi32, #tpu.memory_space<hbm>> -> memref<1x1x384x512xi32, #tpu.memory_space<hbm>>
    %dma_start3A_167 = tpu.memref_squeeze %dma_start3A_166 : memref<1x1x384x512xi32, #tpu.memory_space<hbm>> -> memref<384x512xi32, #tpu.memory_space<hbm>>
    %dma_start3A_168 = arith.constant 0 : i32
    %dma_start3A_169 = tpu.memref_slice %dma_start3A_167[%add3A_159, %dma_start3A_168] : memref<384x512xi32, #tpu.memory_space<hbm>> -> memref<16x512xi32, #tpu.memory_space<hbm>>
    %dma_start3A_170 = arith.constant 8 : i32
    %dma_start3A_171 = arith.constant 0 : i32
    %dma_start3A_172 = tpu.memref_slice %arg7[%dma_start3A_170, %dma_start3A_171] : memref<24x512xi32, #tpu.memory_space<vmem>> -> memref<16x512xi32, #tpu.memory_space<vmem>>
    %dma_start3A_173 = arith.constant 0 : i32
    %dma_start3A_174 = arith.constant 0 : i32
    %dma_start3A_175 = tpu.memref_slice %arg2[%select_n3A, %dma_start3A_160, %dma_start3A_173, %dma_start3A_174] : memref<2x2x384x512xi32, #tpu.memory_space<hbm>> -> memref<1x1x384x512xi32, #tpu.memory_space<hbm>>
    %dma_start3A_176 = tpu.memref_squeeze %dma_start3A_175 : memref<1x1x384x512xi32, #tpu.memory_space<hbm>> -> memref<384x512xi32, #tpu.memory_space<hbm>>
    %dma_start3A_177 = arith.constant 0 : i32
    %dma_start3A_178 = tpu.memref_slice %dma_start3A_176[%add3A_159, %dma_start3A_177] : memref<384x512xi32, #tpu.memory_space<hbm>> -> memref<16x512xi32, #tpu.memory_space<hbm>>
    tpu.enqueue_dma source(%dma_start3A_178 : memref<16x512xi32, #tpu.memory_space<hbm>>) target(%dma_start3A_172 : memref<16x512xi32, #tpu.memory_space<vmem>>) target_semaphore(%arg12 : memref<!tpu.dma_semaphore, #tpu.memory_space<semaphore_mem>>)
    %add3A_179 = arith.constant 8 : i32
    %add3A_180 = arith.addi %mul3A_32, %add3A_179 : i32
    %dma_start3A_181 = arith.constant 0 : i32
    %dma_start3A_182 = arith.constant 8 : i32
    %dma_start3A_183 = arith.constant 0 : i32
    %dma_start3A_184 = tpu.memref_slice %arg8[%dma_start3A_182, %dma_start3A_183] : memref<24x512xf32, #tpu.memory_space<vmem>> -> memref<16x512xf32, #tpu.memory_space<vmem>>
    %dma_start3A_185 = arith.constant 0 : i32
    %dma_start3A_186 = arith.constant 0 : i32
    %dma_start3A_187 = tpu.memref_slice %arg3[%select_n3A, %dma_start3A_181, %dma_start3A_185, %dma_start3A_186] : memref<2x1x384x512xf32, #tpu.memory_space<hbm>> -> memref<1x1x384x512xf32, #tpu.memory_space<hbm>>
    %dma_start3A_188 = tpu.memref_squeeze %dma_start3A_187 : memref<1x1x384x512xf32, #tpu.memory_space<hbm>> -> memref<384x512xf32, #tpu.memory_space<hbm>>
    %dma_start3A_189 = arith.constant 0 : i32
    %dma_start3A_190 = tpu.memref_slice %dma_start3A_188[%add3A_180, %dma_start3A_189] : memref<384x512xf32, #tpu.memory_space<hbm>> -> memref<16x512xf32, #tpu.memory_space<hbm>>
    %dma_start3A_191 = arith.constant 8 : i32
    %dma_start3A_192 = arith.constant 0 : i32
    %dma_start3A_193 = tpu.memref_slice %arg8[%dma_start3A_191, %dma_start3A_192] : memref<24x512xf32, #tpu.memory_space<vmem>> -> memref<16x512xf32, #tpu.memory_space<vmem>>
    %dma_start3A_194 = arith.constant 0 : i32
    %dma_start3A_195 = arith.constant 0 : i32
    %dma_start3A_196 = tpu.memref_slice %arg3[%select_n3A, %dma_start3A_181, %dma_start3A_194, %dma_start3A_195] : memref<2x1x384x512xf32, #tpu.memory_space<hbm>> -> memref<1x1x384x512xf32, #tpu.memory_space<hbm>>
    %dma_start3A_197 = tpu.memref_squeeze %dma_start3A_196 : memref<1x1x384x512xf32, #tpu.memory_space<hbm>> -> memref<384x512xf32, #tpu.memory_space<hbm>>
    %dma_start3A_198 = arith.constant 0 : i32
    %dma_start3A_199 = tpu.memref_slice %dma_start3A_197[%add3A_180, %dma_start3A_198] : memref<384x512xf32, #tpu.memory_space<hbm>> -> memref<16x512xf32, #tpu.memory_space<hbm>>
    tpu.enqueue_dma source(%dma_start3A_199 : memref<16x512xf32, #tpu.memory_space<hbm>>) target(%dma_start3A_193 : memref<16x512xf32, #tpu.memory_space<vmem>>) target_semaphore(%arg12 : memref<!tpu.dma_semaphore, #tpu.memory_space<semaphore_mem>>)
    %add3A_200 = arith.constant 8 : i32
    %add3A_201 = arith.addi %mul3A_32, %add3A_200 : i32
    %dma_start3A_202 = arith.constant 0 : i32
    %dma_start3A_203 = arith.constant 8 : i32
    %dma_start3A_204 = arith.constant 0 : i32
    %dma_start3A_205 = tpu.memref_slice %arg9[%dma_start3A_203, %dma_start3A_204] : memref<24x512xf32, #tpu.memory_space<vmem>> -> memref<16x512xf32, #tpu.memory_space<vmem>>
    %dma_start3A_206 = arith.constant 0 : i32
    %dma_start3A_207 = arith.constant 0 : i32
    %dma_start3A_208 = tpu.memref_slice %arg4[%select_n3A, %dma_start3A_202, %dma_start3A_206, %dma_start3A_207] : memref<2x2x384x512xf32, #tpu.memory_space<hbm>> -> memref<1x1x384x512xf32, #tpu.memory_space<hbm>>
    %dma_start3A_209 = tpu.memref_squeeze %dma_start3A_208 : memref<1x1x384x512xf32, #tpu.memory_space<hbm>> -> memref<384x512xf32, #tpu.memory_space<hbm>>
    %dma_start3A_210 = arith.constant 0 : i32
    %dma_start3A_211 = tpu.memref_slice %dma_start3A_209[%add3A_201, %dma_start3A_210] : memref<384x512xf32, #tpu.memory_space<hbm>> -> memref<16x512xf32, #tpu.memory_space<hbm>>
    %dma_start3A_212 = arith.constant 8 : i32
    %dma_start3A_213 = arith.constant 0 : i32
    %dma_start3A_214 = tpu.memref_slice %arg9[%dma_start3A_212, %dma_start3A_213] : memref<24x512xf32, #tpu.memory_space<vmem>> -> memref<16x512xf32, #tpu.memory_space<vmem>>
    %dma_start3A_215 = arith.constant 0 : i32
    %dma_start3A_216 = arith.constant 0 : i32
    %dma_start3A_217 = tpu.memref_slice %arg4[%select_n3A, %dma_start3A_202, %dma_start3A_215, %dma_start3A_216] : memref<2x2x384x512xf32, #tpu.memory_space<hbm>> -> memref<1x1x384x512xf32, #tpu.memory_space<hbm>>
    %dma_start3A_218 = tpu.memref_squeeze %dma_start3A_217 : memref<1x1x384x512xf32, #tpu.memory_space<hbm>> -> memref<384x512xf32, #tpu.memory_space<hbm>>
    %dma_start3A_219 = arith.constant 0 : i32
    %dma_start3A_220 = tpu.memref_slice %dma_start3A_218[%add3A_201, %dma_start3A_219] : memref<384x512xf32, #tpu.memory_space<hbm>> -> memref<16x512xf32, #tpu.memory_space<hbm>>
    tpu.enqueue_dma source(%dma_start3A_220 : memref<16x512xf32, #tpu.memory_space<hbm>>) target(%dma_start3A_214 : memref<16x512xf32, #tpu.memory_space<vmem>>) target_semaphore(%arg12 : memref<!tpu.dma_semaphore, #tpu.memory_space<semaphore_mem>>)
    %add3A_221 = arith.constant 8 : i32
    %add3A_222 = arith.addi %mul3A_32, %add3A_221 : i32
    %dma_start3A_223 = arith.constant 1 : i32
    %dma_start3A_224 = arith.constant 8 : i32
    %dma_start3A_225 = arith.constant 0 : i32
    %dma_start3A_226 = tpu.memref_slice %arg10[%dma_start3A_224, %dma_start3A_225] : memref<24x512xf32, #tpu.memory_space<vmem>> -> memref<16x512xf32, #tpu.memory_space<vmem>>
    %dma_start3A_227 = arith.constant 0 : i32
    %dma_start3A_228 = arith.constant 0 : i32
    %dma_start3A_229 = tpu.memref_slice %arg4[%select_n3A, %dma_start3A_223, %dma_start3A_227, %dma_start3A_228] : memref<2x2x384x512xf32, #tpu.memory_space<hbm>> -> memref<1x1x384x512xf32, #tpu.memory_space<hbm>>
    %dma_start3A_230 = tpu.memref_squeeze %dma_start3A_229 : memref<1x1x384x512xf32, #tpu.memory_space<hbm>> -> memref<384x512xf32, #tpu.memory_space<hbm>>
    %dma_start3A_231 = arith.constant 0 : i32
    %dma_start3A_232 = tpu.memref_slice %dma_start3A_230[%add3A_222, %dma_start3A_231] : memref<384x512xf32, #tpu.memory_space<hbm>> -> memref<16x512xf32, #tpu.memory_space<hbm>>
    %dma_start3A_233 = arith.constant 8 : i32
    %dma_start3A_234 = arith.constant 0 : i32
    %dma_start3A_235 = tpu.memref_slice %arg10[%dma_start3A_233, %dma_start3A_234] : memref<24x512xf32, #tpu.memory_space<vmem>> -> memref<16x512xf32, #tpu.memory_space<vmem>>
    %dma_start3A_236 = arith.constant 0 : i32
    %dma_start3A_237 = arith.constant 0 : i32
    %dma_start3A_238 = tpu.memref_slice %arg4[%select_n3A, %dma_start3A_223, %dma_start3A_236, %dma_start3A_237] : memref<2x2x384x512xf32, #tpu.memory_space<hbm>> -> memref<1x1x384x512xf32, #tpu.memory_space<hbm>>
    %dma_start3A_239 = tpu.memref_squeeze %dma_start3A_238 : memref<1x1x384x512xf32, #tpu.memory_space<hbm>> -> memref<384x512xf32, #tpu.memory_space<hbm>>
    %dma_start3A_240 = arith.constant 0 : i32
    %dma_start3A_241 = tpu.memref_slice %dma_start3A_239[%add3A_222, %dma_start3A_240] : memref<384x512xf32, #tpu.memory_space<hbm>> -> memref<16x512xf32, #tpu.memory_space<hbm>>
    tpu.enqueue_dma source(%dma_start3A_241 : memref<16x512xf32, #tpu.memory_space<hbm>>) target(%dma_start3A_235 : memref<16x512xf32, #tpu.memory_space<vmem>>) target_semaphore(%arg12 : memref<!tpu.dma_semaphore, #tpu.memory_space<semaphore_mem>>)
    %broadcast_in_dim3A = arith.constant 0.000000e+00 : f32
    %broadcast_in_dim3A_242 = vector.broadcast %broadcast_in_dim3A : f32 to vector<16xf32>
    %swap3A = arith.constant 0 : i32
    %swap3A_243 = arith.index_cast %swap3A : i32 to index
    %swap3A_244 = arith.constant 0 : index
    %swap3A_245 = tpu.vector_load %arg13[%swap3A_243, %swap3A_244] {strides = array<i32>} : memref<16x16xf32, #tpu.memory_space<vmem>>, vector<16xf32>,
    tpu.vector_store %arg13[%swap3A_243, %swap3A_244], %broadcast_in_dim3A_242 {strides = array<i32>} : memref<16x16xf32, #tpu.memory_space<vmem>>, vector<16xf32>,
    %broadcast_in_dim3A_246 = arith.constant 0.000000e+00 : f32
    %broadcast_in_dim3A_247 = vector.broadcast %broadcast_in_dim3A_246 : f32 to vector<16xf32>
    %swap3A_248 = arith.constant 1 : i32
    %swap3A_249 = arith.index_cast %swap3A_248 : i32 to index
    %swap3A_250 = arith.constant 0 : index
    %swap3A_251 = tpu.vector_load %arg13[%swap3A_249, %swap3A_250] {strides = array<i32>} : memref<16x16xf32, #tpu.memory_space<vmem>>, vector<16xf32>,
    tpu.vector_store %arg13[%swap3A_249, %swap3A_250], %broadcast_in_dim3A_247 {strides = array<i32>} : memref<16x16xf32, #tpu.memory_space<vmem>>, vector<16xf32>,
    %broadcast_in_dim3A_252 = arith.constant 0.000000e+00 : f32
    %broadcast_in_dim3A_253 = vector.broadcast %broadcast_in_dim3A_252 : f32 to vector<16xf32>
    %swap3A_254 = arith.constant 2 : i32
    %swap3A_255 = arith.index_cast %swap3A_254 : i32 to index
    %swap3A_256 = arith.constant 0 : index
    %swap3A_257 = tpu.vector_load %arg13[%swap3A_255, %swap3A_256] {strides = array<i32>} : memref<16x16xf32, #tpu.memory_space<vmem>>, vector<16xf32>,
    tpu.vector_store %arg13[%swap3A_255, %swap3A_256], %broadcast_in_dim3A_253 {strides = array<i32>} : memref<16x16xf32, #tpu.memory_space<vmem>>, vector<16xf32>,
    %broadcast_in_dim3A_258 = arith.constant 0.000000e+00 : f32
    %broadcast_in_dim3A_259 = vector.broadcast %broadcast_in_dim3A_258 : f32 to vector<16xf32>
    %swap3A_260 = arith.constant 3 : i32
    %swap3A_261 = arith.index_cast %swap3A_260 : i32 to index
    %swap3A_262 = arith.constant 0 : index
    %swap3A_263 = tpu.vector_load %arg13[%swap3A_261, %swap3A_262] {strides = array<i32>} : memref<16x16xf32, #tpu.memory_space<vmem>>, vector<16xf32>,
    tpu.vector_store %arg13[%swap3A_261, %swap3A_262], %broadcast_in_dim3A_259 {strides = array<i32>} : memref<16x16xf32, #tpu.memory_space<vmem>>, vector<16xf32>,
    %broadcast_in_dim3A_264 = arith.constant 0.000000e+00 : f32
    %broadcast_in_dim3A_265 = vector.broadcast %broadcast_in_dim3A_264 : f32 to vector<16xf32>
    %swap3A_266 = arith.constant 4 : i32
    %swap3A_267 = arith.index_cast %swap3A_266 : i32 to index
    %swap3A_268 = arith.constant 0 : index
    %swap3A_269 = tpu.vector_load %arg13[%swap3A_267, %swap3A_268] {strides = array<i32>} : memref<16x16xf32, #tpu.memory_space<vmem>>, vector<16xf32>,
    tpu.vector_store %arg13[%swap3A_267, %swap3A_268], %broadcast_in_dim3A_265 {strides = array<i32>} : memref<16x16xf32, #tpu.memory_space<vmem>>, vector<16xf32>,
    %broadcast_in_dim3A_270 = arith.constant 0.000000e+00 : f32
    %broadcast_in_dim3A_271 = vector.broadcast %broadcast_in_dim3A_270 : f32 to vector<16xf32>
    %swap3A_272 = arith.constant 5 : i32
    %swap3A_273 = arith.index_cast %swap3A_272 : i32 to index
    %swap3A_274 = arith.constant 0 : index
    %swap3A_275 = tpu.vector_load %arg13[%swap3A_273, %swap3A_274] {strides = array<i32>} : memref<16x16xf32, #tpu.memory_space<vmem>>, vector<16xf32>,
    tpu.vector_store %arg13[%swap3A_273, %swap3A_274], %broadcast_in_dim3A_271 {strides = array<i32>} : memref<16x16xf32, #tpu.memory_space<vmem>>, vector<16xf32>,
    %broadcast_in_dim3A_276 = arith.constant 0.000000e+00 : f32
    %broadcast_in_dim3A_277 = vector.broadcast %broadcast_in_dim3A_276 : f32 to vector<16xf32>
    %swap3A_278 = arith.constant 6 : i32
    %swap3A_279 = arith.index_cast %swap3A_278 : i32 to index
    %swap3A_280 = arith.constant 0 : index
    %swap3A_281 = tpu.vector_load %arg13[%swap3A_279, %swap3A_280] {strides = array<i32>} : memref<16x16xf32, #tpu.memory_space<vmem>>, vector<16xf32>,
    tpu.vector_store %arg13[%swap3A_279, %swap3A_280], %broadcast_in_dim3A_277 {strides = array<i32>} : memref<16x16xf32, #tpu.memory_space<vmem>>, vector<16xf32>,
    %broadcast_in_dim3A_282 = arith.constant 0.000000e+00 : f32
    %broadcast_in_dim3A_283 = vector.broadcast %broadcast_in_dim3A_282 : f32 to vector<16xf32>
    %swap3A_284 = arith.constant 7 : i32
    %swap3A_285 = arith.index_cast %swap3A_284 : i32 to index
    %swap3A_286 = arith.constant 0 : index
    %swap3A_287 = tpu.vector_load %arg13[%swap3A_285, %swap3A_286] {strides = array<i32>} : memref<16x16xf32, #tpu.memory_space<vmem>>, vector<16xf32>,
    tpu.vector_store %arg13[%swap3A_285, %swap3A_286], %broadcast_in_dim3A_283 {strides = array<i32>} : memref<16x16xf32, #tpu.memory_space<vmem>>, vector<16xf32>,
    %broadcast_in_dim3A_288 = arith.constant 0.000000e+00 : f32
    %broadcast_in_dim3A_289 = vector.broadcast %broadcast_in_dim3A_288 : f32 to vector<16xf32>
    %swap3A_290 = arith.constant 8 : i32
    %swap3A_291 = arith.index_cast %swap3A_290 : i32 to index
    %swap3A_292 = arith.constant 0 : index
    %swap3A_293 = tpu.vector_load %arg13[%swap3A_291, %swap3A_292] {strides = array<i32>} : memref<16x16xf32, #tpu.memory_space<vmem>>, vector<16xf32>,
    tpu.vector_store %arg13[%swap3A_291, %swap3A_292], %broadcast_in_dim3A_289 {strides = array<i32>} : memref<16x16xf32, #tpu.memory_space<vmem>>, vector<16xf32>,
    %broadcast_in_dim3A_294 = arith.constant 0.000000e+00 : f32
    %broadcast_in_dim3A_295 = vector.broadcast %broadcast_in_dim3A_294 : f32 to vector<16xf32>
    %swap3A_296 = arith.constant 9 : i32
    %swap3A_297 = arith.index_cast %swap3A_296 : i32 to index
    %swap3A_298 = arith.constant 0 : index
    %swap3A_299 = tpu.vector_load %arg13[%swap3A_297, %swap3A_298] {strides = array<i32>} : memref<16x16xf32, #tpu.memory_space<vmem>>, vector<16xf32>,
    tpu.vector_store %arg13[%swap3A_297, %swap3A_298], %broadcast_in_dim3A_295 {strides = array<i32>} : memref<16x16xf32, #tpu.memory_space<vmem>>, vector<16xf32>,
    %broadcast_in_dim3A_300 = arith.constant 0.000000e+00 : f32
    %broadcast_in_dim3A_301 = vector.broadcast %broadcast_in_dim3A_300 : f32 to vector<16xf32>
    %swap3A_302 = arith.constant 10 : i32
    %swap3A_303 = arith.index_cast %swap3A_302 : i32 to index
    %swap3A_304 = arith.constant 0 : index
    %swap3A_305 = tpu.vector_load %arg13[%swap3A_303, %swap3A_304] {strides = array<i32>} : memref<16x16xf32, #tpu.memory_space<vmem>>, vector<16xf32>,
    tpu.vector_store %arg13[%swap3A_303, %swap3A_304], %broadcast_in_dim3A_301 {strides = array<i32>} : memref<16x16xf32, #tpu.memory_space<vmem>>, vector<16xf32>,
    %broadcast_in_dim3A_306 = arith.constant 0.000000e+00 : f32
    %broadcast_in_dim3A_307 = vector.broadcast %broadcast_in_dim3A_306 : f32 to vector<16xf32>
    %swap3A_308 = arith.constant 11 : i32
    %swap3A_309 = arith.index_cast %swap3A_308 : i32 to index
    %swap3A_310 = arith.constant 0 : index
    %swap3A_311 = tpu.vector_load %arg13[%swap3A_309, %swap3A_310] {strides = array<i32>} : memref<16x16xf32, #tpu.memory_space<vmem>>, vector<16xf32>,
    tpu.vector_store %arg13[%swap3A_309, %swap3A_310], %broadcast_in_dim3A_307 {strides = array<i32>} : memref<16x16xf32, #tpu.memory_space<vmem>>, vector<16xf32>,
    %broadcast_in_dim3A_312 = arith.constant 0.000000e+00 : f32
    %broadcast_in_dim3A_313 = vector.broadcast %broadcast_in_dim3A_312 : f32 to vector<16xf32>
    %swap3A_314 = arith.constant 12 : i32
    %swap3A_315 = arith.index_cast %swap3A_314 : i32 to index
    %swap3A_316 = arith.constant 0 : index
    %swap3A_317 = tpu.vector_load %arg13[%swap3A_315, %swap3A_316] {strides = array<i32>} : memref<16x16xf32, #tpu.memory_space<vmem>>, vector<16xf32>,
    tpu.vector_store %arg13[%swap3A_315, %swap3A_316], %broadcast_in_dim3A_313 {strides = array<i32>} : memref<16x16xf32, #tpu.memory_space<vmem>>, vector<16xf32>,
    %broadcast_in_dim3A_318 = arith.constant 0.000000e+00 : f32
    %broadcast_in_dim3A_319 = vector.broadcast %broadcast_in_dim3A_318 : f32 to vector<16xf32>
    %swap3A_320 = arith.constant 13 : i32
    %swap3A_321 = arith.index_cast %swap3A_320 : i32 to index
    %swap3A_322 = arith.constant 0 : index
    %swap3A_323 = tpu.vector_load %arg13[%swap3A_321, %swap3A_322] {strides = array<i32>} : memref<16x16xf32, #tpu.memory_space<vmem>>, vector<16xf32>,
    tpu.vector_store %arg13[%swap3A_321, %swap3A_322], %broadcast_in_dim3A_319 {strides = array<i32>} : memref<16x16xf32, #tpu.memory_space<vmem>>, vector<16xf32>,
    %broadcast_in_dim3A_324 = arith.constant 0.000000e+00 : f32
    %broadcast_in_dim3A_325 = vector.broadcast %broadcast_in_dim3A_324 : f32 to vector<16xf32>
    %swap3A_326 = arith.constant 14 : i32
    %swap3A_327 = arith.index_cast %swap3A_326 : i32 to index
    %swap3A_328 = arith.constant 0 : index
    %swap3A_329 = tpu.vector_load %arg13[%swap3A_327, %swap3A_328] {strides = array<i32>} : memref<16x16xf32, #tpu.memory_space<vmem>>, vector<16xf32>,
    tpu.vector_store %arg13[%swap3A_327, %swap3A_328], %broadcast_in_dim3A_325 {strides = array<i32>} : memref<16x16xf32, #tpu.memory_space<vmem>>, vector<16xf32>,
    %broadcast_in_dim3A_330 = arith.constant 0.000000e+00 : f32
    %broadcast_in_dim3A_331 = vector.broadcast %broadcast_in_dim3A_330 : f32 to vector<16xf32>
    %swap3A_332 = arith.constant 15 : i32
    %swap3A_333 = arith.index_cast %swap3A_332 : i32 to index
    %swap3A_334 = arith.constant 0 : index
    %swap3A_335 = tpu.vector_load %arg13[%swap3A_333, %swap3A_334] {strides = array<i32>} : memref<16x16xf32, #tpu.memory_space<vmem>>, vector<16xf32>,
    tpu.vector_store %arg13[%swap3A_333, %swap3A_334], %broadcast_in_dim3A_331 {strides = array<i32>} : memref<16x16xf32, #tpu.memory_space<vmem>>, vector<16xf32>,
    %broadcast_in_dim3A_336 = arith.constant 0.000000e+00 : f32
    %broadcast_in_dim3A_337 = vector.broadcast %broadcast_in_dim3A_336 : f32 to vector<16xf32>
    %swap3A_338 = arith.constant 0 : i32
    %swap3A_339 = arith.index_cast %swap3A_338 : i32 to index
    %swap3A_340 = arith.constant 0 : index
    %swap3A_341 = tpu.vector_load %arg14[%swap3A_339, %swap3A_340] {strides = array<i32>} : memref<16x16xf32, #tpu.memory_space<vmem>>, vector<16xf32>,
    tpu.vector_store %arg14[%swap3A_339, %swap3A_340], %broadcast_in_dim3A_337 {strides = array<i32>} : memref<16x16xf32, #tpu.memory_space<vmem>>, vector<16xf32>,
    %broadcast_in_dim3A_342 = arith.constant 0.000000e+00 : f32
    %broadcast_in_dim3A_343 = vector.broadcast %broadcast_in_dim3A_342 : f32 to vector<16xf32>
    %swap3A_344 = arith.constant 1 : i32
    %swap3A_345 = arith.index_cast %swap3A_344 : i32 to index
    %swap3A_346 = arith.constant 0 : index
    %swap3A_347 = tpu.vector_load %arg14[%swap3A_345, %swap3A_346] {strides = array<i32>} : memref<16x16xf32, #tpu.memory_space<vmem>>, vector<16xf32>,
    tpu.vector_store %arg14[%swap3A_345, %swap3A_346], %broadcast_in_dim3A_343 {strides = array<i32>} : memref<16x16xf32, #tpu.memory_space<vmem>>, vector<16xf32>,
    %broadcast_in_dim3A_348 = arith.constant 0.000000e+00 : f32
    %broadcast_in_dim3A_349 = vector.broadcast %broadcast_in_dim3A_348 : f32 to vector<16xf32>
    %swap3A_350 = arith.constant 2 : i32
    %swap3A_351 = arith.index_cast %swap3A_350 : i32 to index
    %swap3A_352 = arith.constant 0 : index
    %swap3A_353 = tpu.vector_load %arg14[%swap3A_351, %swap3A_352] {strides = array<i32>} : memref<16x16xf32, #tpu.memory_space<vmem>>, vector<16xf32>,
    tpu.vector_store %arg14[%swap3A_351, %swap3A_352], %broadcast_in_dim3A_349 {strides = array<i32>} : memref<16x16xf32, #tpu.memory_space<vmem>>, vector<16xf32>,
    %broadcast_in_dim3A_354 = arith.constant 0.000000e+00 : f32
    %broadcast_in_dim3A_355 = vector.broadcast %broadcast_in_dim3A_354 : f32 to vector<16xf32>
    %swap3A_356 = arith.constant 3 : i32
    %swap3A_357 = arith.index_cast %swap3A_356 : i32 to index
    %swap3A_358 = arith.constant 0 : index
    %swap3A_359 = tpu.vector_load %arg14[%swap3A_357, %swap3A_358] {strides = array<i32>} : memref<16x16xf32, #tpu.memory_space<vmem>>, vector<16xf32>,
    tpu.vector_store %arg14[%swap3A_357, %swap3A_358], %broadcast_in_dim3A_355 {strides = array<i32>} : memref<16x16xf32, #tpu.memory_space<vmem>>, vector<16xf32>,
    %broadcast_in_dim3A_360 = arith.constant 0.000000e+00 : f32
    %broadcast_in_dim3A_361 = vector.broadcast %broadcast_in_dim3A_360 : f32 to vector<16xf32>
    %swap3A_362 = arith.constant 4 : i32
    %swap3A_363 = arith.index_cast %swap3A_362 : i32 to index
    %swap3A_364 = arith.constant 0 : index
    %swap3A_365 = tpu.vector_load %arg14[%swap3A_363, %swap3A_364] {strides = array<i32>} : memref<16x16xf32, #tpu.memory_space<vmem>>, vector<16xf32>,
    tpu.vector_store %arg14[%swap3A_363, %swap3A_364], %broadcast_in_dim3A_361 {strides = array<i32>} : memref<16x16xf32, #tpu.memory_space<vmem>>, vector<16xf32>,
    %broadcast_in_dim3A_366 = arith.constant 0.000000e+00 : f32
    %broadcast_in_dim3A_367 = vector.broadcast %broadcast_in_dim3A_366 : f32 to vector<16xf32>
    %swap3A_368 = arith.constant 5 : i32
    %swap3A_369 = arith.index_cast %swap3A_368 : i32 to index
    %swap3A_370 = arith.constant 0 : index
    %swap3A_371 = tpu.vector_load %arg14[%swap3A_369, %swap3A_370] {strides = array<i32>} : memref<16x16xf32, #tpu.memory_space<vmem>>, vector<16xf32>,
    tpu.vector_store %arg14[%swap3A_369, %swap3A_370], %broadcast_in_dim3A_367 {strides = array<i32>} : memref<16x16xf32, #tpu.memory_space<vmem>>, vector<16xf32>,
    %broadcast_in_dim3A_372 = arith.constant 0.000000e+00 : f32
    %broadcast_in_dim3A_373 = vector.broadcast %broadcast_in_dim3A_372 : f32 to vector<16xf32>
    %swap3A_374 = arith.constant 6 : i32
    %swap3A_375 = arith.index_cast %swap3A_374 : i32 to index
    %swap3A_376 = arith.constant 0 : index
    %swap3A_377 = tpu.vector_load %arg14[%swap3A_375, %swap3A_376] {strides = array<i32>} : memref<16x16xf32, #tpu.memory_space<vmem>>, vector<16xf32>,
    tpu.vector_store %arg14[%swap3A_375, %swap3A_376], %broadcast_in_dim3A_373 {strides = array<i32>} : memref<16x16xf32, #tpu.memory_space<vmem>>, vector<16xf32>,
    %broadcast_in_dim3A_378 = arith.constant 0.000000e+00 : f32
    %broadcast_in_dim3A_379 = vector.broadcast %broadcast_in_dim3A_378 : f32 to vector<16xf32>
    %swap3A_380 = arith.constant 7 : i32
    %swap3A_381 = arith.index_cast %swap3A_380 : i32 to index
    %swap3A_382 = arith.constant 0 : index
    %swap3A_383 = tpu.vector_load %arg14[%swap3A_381, %swap3A_382] {strides = array<i32>} : memref<16x16xf32, #tpu.memory_space<vmem>>, vector<16xf32>,
    tpu.vector_store %arg14[%swap3A_381, %swap3A_382], %broadcast_in_dim3A_379 {strides = array<i32>} : memref<16x16xf32, #tpu.memory_space<vmem>>, vector<16xf32>,
    %broadcast_in_dim3A_384 = arith.constant 0.000000e+00 : f32
    %broadcast_in_dim3A_385 = vector.broadcast %broadcast_in_dim3A_384 : f32 to vector<16xf32>
    %swap3A_386 = arith.constant 8 : i32
    %swap3A_387 = arith.index_cast %swap3A_386 : i32 to index
    %swap3A_388 = arith.constant 0 : index
    %swap3A_389 = tpu.vector_load %arg14[%swap3A_387, %swap3A_388] {strides = array<i32>} : memref<16x16xf32, #tpu.memory_space<vmem>>, vector<16xf32>,
    tpu.vector_store %arg14[%swap3A_387, %swap3A_388], %broadcast_in_dim3A_385 {strides = array<i32>} : memref<16x16xf32, #tpu.memory_space<vmem>>, vector<16xf32>,
    %broadcast_in_dim3A_390 = arith.constant 0.000000e+00 : f32
    %broadcast_in_dim3A_391 = vector.broadcast %broadcast_in_dim3A_390 : f32 to vector<16xf32>
    %swap3A_392 = arith.constant 9 : i32
    %swap3A_393 = arith.index_cast %swap3A_392 : i32 to index
    %swap3A_394 = arith.constant 0 : index
    %swap3A_395 = tpu.vector_load %arg14[%swap3A_393, %swap3A_394] {strides = array<i32>} : memref<16x16xf32, #tpu.memory_space<vmem>>, vector<16xf32>,
    tpu.vector_store %arg14[%swap3A_393, %swap3A_394], %broadcast_in_dim3A_391 {strides = array<i32>} : memref<16x16xf32, #tpu.memory_space<vmem>>, vector<16xf32>,
    %broadcast_in_dim3A_396 = arith.constant 0.000000e+00 : f32
    %broadcast_in_dim3A_397 = vector.broadcast %broadcast_in_dim3A_396 : f32 to vector<16xf32>
    %swap3A_398 = arith.constant 10 : i32
    %swap3A_399 = arith.index_cast %swap3A_398 : i32 to index
    %swap3A_400 = arith.constant 0 : index
    %swap3A_401 = tpu.vector_load %arg14[%swap3A_399, %swap3A_400] {strides = array<i32>} : memref<16x16xf32, #tpu.memory_space<vmem>>, vector<16xf32>,
    tpu.vector_store %arg14[%swap3A_399, %swap3A_400], %broadcast_in_dim3A_397 {strides = array<i32>} : memref<16x16xf32, #tpu.memory_space<vmem>>, vector<16xf32>,
    %broadcast_in_dim3A_402 = arith.constant 0.000000e+00 : f32
    %broadcast_in_dim3A_403 = vector.broadcast %broadcast_in_dim3A_402 : f32 to vector<16xf32>
    %swap3A_404 = arith.constant 11 : i32
    %swap3A_405 = arith.index_cast %swap3A_404 : i32 to index
    %swap3A_406 = arith.constant 0 : index
    %swap3A_407 = tpu.vector_load %arg14[%swap3A_405, %swap3A_406] {strides = array<i32>} : memref<16x16xf32, #tpu.memory_space<vmem>>, vector<16xf32>,
    tpu.vector_store %arg14[%swap3A_405, %swap3A_406], %broadcast_in_dim3A_403 {strides = array<i32>} : memref<16x16xf32, #tpu.memory_space<vmem>>, vector<16xf32>,
    %broadcast_in_dim3A_408 = arith.constant 0.000000e+00 : f32
    %broadcast_in_dim3A_409 = vector.broadcast %broadcast_in_dim3A_408 : f32 to vector<16xf32>
    %swap3A_410 = arith.constant 12 : i32
    %swap3A_411 = arith.index_cast %swap3A_410 : i32 to index
    %swap3A_412 = arith.constant 0 : index
    %swap3A_413 = tpu.vector_load %arg14[%swap3A_411, %swap3A_412] {strides = array<i32>} : memref<16x16xf32, #tpu.memory_space<vmem>>, vector<16xf32>,
    tpu.vector_store %arg14[%swap3A_411, %swap3A_412], %broadcast_in_dim3A_409 {strides = array<i32>} : memref<16x16xf32, #tpu.memory_space<vmem>>, vector<16xf32>,
    %broadcast_in_dim3A_414 = arith.constant 0.000000e+00 : f32
    %broadcast_in_dim3A_415 = vector.broadcast %broadcast_in_dim3A_414 : f32 to vector<16xf32>
    %swap3A_416 = arith.constant 13 : i32
    %swap3A_417 = arith.index_cast %swap3A_416 : i32 to index
    %swap3A_418 = arith.constant 0 : index
    %swap3A_419 = tpu.vector_load %arg14[%swap3A_417, %swap3A_418] {strides = array<i32>} : memref<16x16xf32, #tpu.memory_space<vmem>>, vector<16xf32>,
    tpu.vector_store %arg14[%swap3A_417, %swap3A_418], %broadcast_in_dim3A_415 {strides = array<i32>} : memref<16x16xf32, #tpu.memory_space<vmem>>, vector<16xf32>,
    %broadcast_in_dim3A_420 = arith.constant 0.000000e+00 : f32
    %broadcast_in_dim3A_421 = vector.broadcast %broadcast_in_dim3A_420 : f32 to vector<16xf32>
    %swap3A_422 = arith.constant 14 : i32
    %swap3A_423 = arith.index_cast %swap3A_422 : i32 to index
    %swap3A_424 = arith.constant 0 : index
    %swap3A_425 = tpu.vector_load %arg14[%swap3A_423, %swap3A_424] {strides = array<i32>} : memref<16x16xf32, #tpu.memory_space<vmem>>, vector<16xf32>,
    tpu.vector_store %arg14[%swap3A_423, %swap3A_424], %broadcast_in_dim3A_421 {strides = array<i32>} : memref<16x16xf32, #tpu.memory_space<vmem>>, vector<16xf32>,
    %broadcast_in_dim3A_426 = arith.constant 0.000000e+00 : f32
    %broadcast_in_dim3A_427 = vector.broadcast %broadcast_in_dim3A_426 : f32 to vector<16xf32>
    %swap3A_428 = arith.constant 15 : i32
    %swap3A_429 = arith.index_cast %swap3A_428 : i32 to index
    %swap3A_430 = arith.constant 0 : index
    %swap3A_431 = tpu.vector_load %arg14[%swap3A_429, %swap3A_430] {strides = array<i32>} : memref<16x16xf32, #tpu.memory_space<vmem>>, vector<16xf32>,
    tpu.vector_store %arg14[%swap3A_429, %swap3A_430], %broadcast_in_dim3A_427 {strides = array<i32>} : memref<16x16xf32, #tpu.memory_space<vmem>>, vector<16xf32>,
    %broadcast_in_dim3A_432 = arith.constant 0.000000e+00 : f32
    %broadcast_in_dim3A_433 = vector.broadcast %broadcast_in_dim3A_432 : f32 to vector<16xf32>
    %swap3A_434 = arith.constant 0 : i32
    %swap3A_435 = arith.index_cast %swap3A_434 : i32 to index
    %swap3A_436 = arith.constant 0 : index
    %swap3A_437 = tpu.vector_load %arg15[%swap3A_435, %swap3A_436] {strides = array<i32>} : memref<16x16xf32, #tpu.memory_space<vmem>>, vector<16xf32>,
    tpu.vector_store %arg15[%swap3A_435, %swap3A_436], %broadcast_in_dim3A_433 {strides = array<i32>} : memref<16x16xf32, #tpu.memory_space<vmem>>, vector<16xf32>,
    %broadcast_in_dim3A_438 = arith.constant 0.000000e+00 : f32
    %broadcast_in_dim3A_439 = vector.broadcast %broadcast_in_dim3A_438 : f32 to vector<16xf32>
    %swap3A_440 = arith.constant 1 : i32
    %swap3A_441 = arith.index_cast %swap3A_440 : i32 to index
    %swap3A_442 = arith.constant 0 : index
    %swap3A_443 = tpu.vector_load %arg15[%swap3A_441, %swap3A_442] {strides = array<i32>} : memref<16x16xf32, #tpu.memory_space<vmem>>, vector<16xf32>,
    tpu.vector_store %arg15[%swap3A_441, %swap3A_442], %broadcast_in_dim3A_439 {strides = array<i32>} : memref<16x16xf32, #tpu.memory_space<vmem>>, vector<16xf32>,
    %broadcast_in_dim3A_444 = arith.constant 0.000000e+00 : f32
    %broadcast_in_dim3A_445 = vector.broadcast %broadcast_in_dim3A_444 : f32 to vector<16xf32>
    %swap3A_446 = arith.constant 2 : i32
    %swap3A_447 = arith.index_cast %swap3A_446 : i32 to index
    %swap3A_448 = arith.constant 0 : index
    %swap3A_449 = tpu.vector_load %arg15[%swap3A_447, %swap3A_448] {strides = array<i32>} : memref<16x16xf32, #tpu.memory_space<vmem>>, vector<16xf32>,
    tpu.vector_store %arg15[%swap3A_447, %swap3A_448], %broadcast_in_dim3A_445 {strides = array<i32>} : memref<16x16xf32, #tpu.memory_space<vmem>>, vector<16xf32>,
    %broadcast_in_dim3A_450 = arith.constant 0.000000e+00 : f32
    %broadcast_in_dim3A_451 = vector.broadcast %broadcast_in_dim3A_450 : f32 to vector<16xf32>
    %swap3A_452 = arith.constant 3 : i32
    %swap3A_453 = arith.index_cast %swap3A_452 : i32 to index
    %swap3A_454 = arith.constant 0 : index
    %swap3A_455 = tpu.vector_load %arg15[%swap3A_453, %swap3A_454] {strides = array<i32>} : memref<16x16xf32, #tpu.memory_space<vmem>>, vector<16xf32>,
    tpu.vector_store %arg15[%swap3A_453, %swap3A_454], %broadcast_in_dim3A_451 {strides = array<i32>} : memref<16x16xf32, #tpu.memory_space<vmem>>, vector<16xf32>,
    %broadcast_in_dim3A_456 = arith.constant 0.000000e+00 : f32
    %broadcast_in_dim3A_457 = vector.broadcast %broadcast_in_dim3A_456 : f32 to vector<16xf32>
    %swap3A_458 = arith.constant 4 : i32
    %swap3A_459 = arith.index_cast %swap3A_458 : i32 to index
    %swap3A_460 = arith.constant 0 : index
    %swap3A_461 = tpu.vector_load %arg15[%swap3A_459, %swap3A_460] {strides = array<i32>} : memref<16x16xf32, #tpu.memory_space<vmem>>, vector<16xf32>,
    tpu.vector_store %arg15[%swap3A_459, %swap3A_460], %broadcast_in_dim3A_457 {strides = array<i32>} : memref<16x16xf32, #tpu.memory_space<vmem>>, vector<16xf32>,
    %broadcast_in_dim3A_462 = arith.constant 0.000000e+00 : f32
    %broadcast_in_dim3A_463 = vector.broadcast %broadcast_in_dim3A_462 : f32 to vector<16xf32>
    %swap3A_464 = arith.constant 5 : i32
    %swap3A_465 = arith.index_cast %swap3A_464 : i32 to index
    %swap3A_466 = arith.constant 0 : index
    %swap3A_467 = tpu.vector_load %arg15[%swap3A_465, %swap3A_466] {strides = array<i32>} : memref<16x16xf32, #tpu.memory_space<vmem>>, vector<16xf32>,
    tpu.vector_store %arg15[%swap3A_465, %swap3A_466], %broadcast_in_dim3A_463 {strides = array<i32>} : memref<16x16xf32, #tpu.memory_space<vmem>>, vector<16xf32>,
    %broadcast_in_dim3A_468 = arith.constant 0.000000e+00 : f32
    %broadcast_in_dim3A_469 = vector.broadcast %broadcast_in_dim3A_468 : f32 to vector<16xf32>
    %swap3A_470 = arith.constant 6 : i32
    %swap3A_471 = arith.index_cast %swap3A_470 : i32 to index
    %swap3A_472 = arith.constant 0 : index
    %swap3A_473 = tpu.vector_load %arg15[%swap3A_471, %swap3A_472] {strides = array<i32>} : memref<16x16xf32, #tpu.memory_space<vmem>>, vector<16xf32>,
    tpu.vector_store %arg15[%swap3A_471, %swap3A_472], %broadcast_in_dim3A_469 {strides = array<i32>} : memref<16x16xf32, #tpu.memory_space<vmem>>, vector<16xf32>,
    %broadcast_in_dim3A_474 = arith.constant 0.000000e+00 : f32
    %broadcast_in_dim3A_475 = vector.broadcast %broadcast_in_dim3A_474 : f32 to vector<16xf32>
    %swap3A_476 = arith.constant 7 : i32
    %swap3A_477 = arith.index_cast %swap3A_476 : i32 to index
    %swap3A_478 = arith.constant 0 : index
    %swap3A_479 = tpu.vector_load %arg15[%swap3A_477, %swap3A_478] {strides = array<i32>} : memref<16x16xf32, #tpu.memory_space<vmem>>, vector<16xf32>,
    tpu.vector_store %arg15[%swap3A_477, %swap3A_478], %broadcast_in_dim3A_475 {strides = array<i32>} : memref<16x16xf32, #tpu.memory_space<vmem>>, vector<16xf32>,
    %broadcast_in_dim3A_480 = arith.constant 0.000000e+00 : f32
    %broadcast_in_dim3A_481 = vector.broadcast %broadcast_in_dim3A_480 : f32 to vector<16xf32>
    %swap3A_482 = arith.constant 8 : i32
    %swap3A_483 = arith.index_cast %swap3A_482 : i32 to index
    %swap3A_484 = arith.constant 0 : index
    %swap3A_485 = tpu.vector_load %arg15[%swap3A_483, %swap3A_484] {strides = array<i32>} : memref<16x16xf32, #tpu.memory_space<vmem>>, vector<16xf32>,
    tpu.vector_store %arg15[%swap3A_483, %swap3A_484], %broadcast_in_dim3A_481 {strides = array<i32>} : memref<16x16xf32, #tpu.memory_space<vmem>>, vector<16xf32>,
    %broadcast_in_dim3A_486 = arith.constant 0.000000e+00 : f32
    %broadcast_in_dim3A_487 = vector.broadcast %broadcast_in_dim3A_486 : f32 to vector<16xf32>
    %swap3A_488 = arith.constant 9 : i32
    %swap3A_489 = arith.index_cast %swap3A_488 : i32 to index
    %swap3A_490 = arith.constant 0 : index
    %swap3A_491 = tpu.vector_load %arg15[%swap3A_489, %swap3A_490] {strides = array<i32>} : memref<16x16xf32, #tpu.memory_space<vmem>>, vector<16xf32>,
    tpu.vector_store %arg15[%swap3A_489, %swap3A_490], %broadcast_in_dim3A_487 {strides = array<i32>} : memref<16x16xf32, #tpu.memory_space<vmem>>, vector<16xf32>,
    %broadcast_in_dim3A_492 = arith.constant 0.000000e+00 : f32
    %broadcast_in_dim3A_493 = vector.broadcast %broadcast_in_dim3A_492 : f32 to vector<16xf32>
    %swap3A_494 = arith.constant 10 : i32
    %swap3A_495 = arith.index_cast %swap3A_494 : i32 to index
    %swap3A_496 = arith.constant 0 : index
    %swap3A_497 = tpu.vector_load %arg15[%swap3A_495, %swap3A_496] {strides = array<i32>} : memref<16x16xf32, #tpu.memory_space<vmem>>, vector<16xf32>,
    tpu.vector_store %arg15[%swap3A_495, %swap3A_496], %broadcast_in_dim3A_493 {strides = array<i32>} : memref<16x16xf32, #tpu.memory_space<vmem>>, vector<16xf32>,
    %broadcast_in_dim3A_498 = arith.constant 0.000000e+00 : f32
    %broadcast_in_dim3A_499 = vector.broadcast %broadcast_in_dim3A_498 : f32 to vector<16xf32>
    %swap3A_500 = arith.constant 11 : i32
    %swap3A_501 = arith.index_cast %swap3A_500 : i32 to index
    %swap3A_502 = arith.constant 0 : index
    %swap3A_503 = tpu.vector_load %arg15[%swap3A_501, %swap3A_502] {strides = array<i32>} : memref<16x16xf32, #tpu.memory_space<vmem>>, vector<16xf32>,
    tpu.vector_store %arg15[%swap3A_501, %swap3A_502], %broadcast_in_dim3A_499 {strides = array<i32>} : memref<16x16xf32, #tpu.memory_space<vmem>>, vector<16xf32>,
    %broadcast_in_dim3A_504 = arith.constant 0.000000e+00 : f32
    %broadcast_in_dim3A_505 = vector.broadcast %broadcast_in_dim3A_504 : f32 to vector<16xf32>
    %swap3A_506 = arith.constant 12 : i32
    %swap3A_507 = arith.index_cast %swap3A_506 : i32 to index
    %swap3A_508 = arith.constant 0 : index
    %swap3A_509 = tpu.vector_load %arg15[%swap3A_507, %swap3A_508] {strides = array<i32>} : memref<16x16xf32, #tpu.memory_space<vmem>>, vector<16xf32>,
    tpu.vector_store %arg15[%swap3A_507, %swap3A_508], %broadcast_in_dim3A_505 {strides = array<i32>} : memref<16x16xf32, #tpu.memory_space<vmem>>, vector<16xf32>,
    %broadcast_in_dim3A_510 = arith.constant 0.000000e+00 : f32
    %broadcast_in_dim3A_511 = vector.broadcast %broadcast_in_dim3A_510 : f32 to vector<16xf32>
    %swap3A_512 = arith.constant 13 : i32
    %swap3A_513 = arith.index_cast %swap3A_512 : i32 to index
    %swap3A_514 = arith.constant 0 : index
    %swap3A_515 = tpu.vector_load %arg15[%swap3A_513, %swap3A_514] {strides = array<i32>} : memref<16x16xf32, #tpu.memory_space<vmem>>, vector<16xf32>,
    tpu.vector_store %arg15[%swap3A_513, %swap3A_514], %broadcast_in_dim3A_511 {strides = array<i32>} : memref<16x16xf32, #tpu.memory_space<vmem>>, vector<16xf32>,
    %broadcast_in_dim3A_516 = arith.constant 0.000000e+00 : f32
    %broadcast_in_dim3A_517 = vector.broadcast %broadcast_in_dim3A_516 : f32 to vector<16xf32>
    %swap3A_518 = arith.constant 14 : i32
    %swap3A_519 = arith.index_cast %swap3A_518 : i32 to index
    %swap3A_520 = arith.constant 0 : index
    %swap3A_521 = tpu.vector_load %arg15[%swap3A_519, %swap3A_520] {strides = array<i32>} : memref<16x16xf32, #tpu.memory_space<vmem>>, vector<16xf32>,
    tpu.vector_store %arg15[%swap3A_519, %swap3A_520], %broadcast_in_dim3A_517 {strides = array<i32>} : memref<16x16xf32, #tpu.memory_space<vmem>>, vector<16xf32>,
    %broadcast_in_dim3A_522 = arith.constant 0.000000e+00 : f32
    %broadcast_in_dim3A_523 = vector.broadcast %broadcast_in_dim3A_522 : f32 to vector<16xf32>
    %swap3A_524 = arith.constant 15 : i32
    %swap3A_525 = arith.index_cast %swap3A_524 : i32 to index
    %swap3A_526 = arith.constant 0 : index
    %swap3A_527 = tpu.vector_load %arg15[%swap3A_525, %swap3A_526] {strides = array<i32>} : memref<16x16xf32, #tpu.memory_space<vmem>>, vector<16xf32>,
    tpu.vector_store %arg15[%swap3A_525, %swap3A_526], %broadcast_in_dim3A_523 {strides = array<i32>} : memref<16x16xf32, #tpu.memory_space<vmem>>, vector<16xf32>,
    %broadcast_in_dim3A_528 = arith.constant 0.000000e+00 : f32
    %broadcast_in_dim3A_529 = vector.broadcast %broadcast_in_dim3A_528 : f32 to vector<16xf32>
    %swap3A_530 = arith.constant 0 : i32
    %swap3A_531 = arith.index_cast %swap3A_530 : i32 to index
    %swap3A_532 = arith.constant 0 : index
    %swap3A_533 = tpu.vector_load %arg16[%swap3A_531, %swap3A_532] {strides = array<i32>} : memref<16x16xf32, #tpu.memory_space<vmem>>, vector<16xf32>,
    tpu.vector_store %arg16[%swap3A_531, %swap3A_532], %broadcast_in_dim3A_529 {strides = array<i32>} : memref<16x16xf32, #tpu.memory_space<vmem>>, vector<16xf32>,
    %broadcast_in_dim3A_534 = arith.constant 0.000000e+00 : f32
    %broadcast_in_dim3A_535 = vector.broadcast %broadcast_in_dim3A_534 : f32 to vector<16xf32>
    %swap3A_536 = arith.constant 1 : i32
    %swap3A_537 = arith.index_cast %swap3A_536 : i32 to index
    %swap3A_538 = arith.constant 0 : index
    %swap3A_539 = tpu.vector_load %arg16[%swap3A_537, %swap3A_538] {strides = array<i32>} : memref<16x16xf32, #tpu.memory_space<vmem>>, vector<16xf32>,
    tpu.vector_store %arg16[%swap3A_537, %swap3A_538], %broadcast_in_dim3A_535 {strides = array<i32>} : memref<16x16xf32, #tpu.memory_space<vmem>>, vector<16xf32>,
    %broadcast_in_dim3A_540 = arith.constant 0.000000e+00 : f32
    %broadcast_in_dim3A_541 = vector.broadcast %broadcast_in_dim3A_540 : f32 to vector<16xf32>
    %swap3A_542 = arith.constant 2 : i32
    %swap3A_543 = arith.index_cast %swap3A_542 : i32 to index
    %swap3A_544 = arith.constant 0 : index
    %swap3A_545 = tpu.vector_load %arg16[%swap3A_543, %swap3A_544] {strides = array<i32>} : memref<16x16xf32, #tpu.memory_space<vmem>>, vector<16xf32>,
    tpu.vector_store %arg16[%swap3A_543, %swap3A_544], %broadcast_in_dim3A_541 {strides = array<i32>} : memref<16x16xf32, #tpu.memory_space<vmem>>, vector<16xf32>,
    %broadcast_in_dim3A_546 = arith.constant 0.000000e+00 : f32
    %broadcast_in_dim3A_547 = vector.broadcast %broadcast_in_dim3A_546 : f32 to vector<16xf32>
    %swap3A_548 = arith.constant 3 : i32
    %swap3A_549 = arith.index_cast %swap3A_548 : i32 to index
    %swap3A_550 = arith.constant 0 : index
    %swap3A_551 = tpu.vector_load %arg16[%swap3A_549, %swap3A_550] {strides = array<i32>} : memref<16x16xf32, #tpu.memory_space<vmem>>, vector<16xf32>,
    tpu.vector_store %arg16[%swap3A_549, %swap3A_550], %broadcast_in_dim3A_547 {strides = array<i32>} : memref<16x16xf32, #tpu.memory_space<vmem>>, vector<16xf32>,
    %broadcast_in_dim3A_552 = arith.constant 0.000000e+00 : f32
    %broadcast_in_dim3A_553 = vector.broadcast %broadcast_in_dim3A_552 : f32 to vector<16xf32>
    %swap3A_554 = arith.constant 4 : i32
    %swap3A_555 = arith.index_cast %swap3A_554 : i32 to index
    %swap3A_556 = arith.constant 0 : index
    %swap3A_557 = tpu.vector_load %arg16[%swap3A_555, %swap3A_556] {strides = array<i32>} : memref<16x16xf32, #tpu.memory_space<vmem>>, vector<16xf32>,
    tpu.vector_store %arg16[%swap3A_555, %swap3A_556], %broadcast_in_dim3A_553 {strides = array<i32>} : memref<16x16xf32, #tpu.memory_space<vmem>>, vector<16xf32>,
    %broadcast_in_dim3A_558 = arith.constant 0.000000e+00 : f32
    %broadcast_in_dim3A_559 = vector.broadcast %broadcast_in_dim3A_558 : f32 to vector<16xf32>
    %swap3A_560 = arith.constant 5 : i32
    %swap3A_561 = arith.index_cast %swap3A_560 : i32 to index
    %swap3A_562 = arith.constant 0 : index
    %swap3A_563 = tpu.vector_load %arg16[%swap3A_561, %swap3A_562] {strides = array<i32>} : memref<16x16xf32, #tpu.memory_space<vmem>>, vector<16xf32>,
    tpu.vector_store %arg16[%swap3A_561, %swap3A_562], %broadcast_in_dim3A_559 {strides = array<i32>} : memref<16x16xf32, #tpu.memory_space<vmem>>, vector<16xf32>,
    %broadcast_in_dim3A_564 = arith.constant 0.000000e+00 : f32
    %broadcast_in_dim3A_565 = vector.broadcast %broadcast_in_dim3A_564 : f32 to vector<16xf32>
    %swap3A_566 = arith.constant 6 : i32
    %swap3A_567 = arith.index_cast %swap3A_566 : i32 to index
    %swap3A_568 = arith.constant 0 : index
    %swap3A_569 = tpu.vector_load %arg16[%swap3A_567, %swap3A_568] {strides = array<i32>} : memref<16x16xf32, #tpu.memory_space<vmem>>, vector<16xf32>,
    tpu.vector_store %arg16[%swap3A_567, %swap3A_568], %broadcast_in_dim3A_565 {strides = array<i32>} : memref<16x16xf32, #tpu.memory_space<vmem>>, vector<16xf32>,
    %broadcast_in_dim3A_570 = arith.constant 0.000000e+00 : f32
    %broadcast_in_dim3A_571 = vector.broadcast %broadcast_in_dim3A_570 : f32 to vector<16xf32>
    %swap3A_572 = arith.constant 7 : i32
    %swap3A_573 = arith.index_cast %swap3A_572 : i32 to index
    %swap3A_574 = arith.constant 0 : index
    %swap3A_575 = tpu.vector_load %arg16[%swap3A_573, %swap3A_574] {strides = array<i32>} : memref<16x16xf32, #tpu.memory_space<vmem>>, vector<16xf32>,
    tpu.vector_store %arg16[%swap3A_573, %swap3A_574], %broadcast_in_dim3A_571 {strides = array<i32>} : memref<16x16xf32, #tpu.memory_space<vmem>>, vector<16xf32>,
    %broadcast_in_dim3A_576 = arith.constant 0.000000e+00 : f32
    %broadcast_in_dim3A_577 = vector.broadcast %broadcast_in_dim3A_576 : f32 to vector<16xf32>
    %swap3A_578 = arith.constant 8 : i32
    %swap3A_579 = arith.index_cast %swap3A_578 : i32 to index
    %swap3A_580 = arith.constant 0 : index
    %swap3A_581 = tpu.vector_load %arg16[%swap3A_579, %swap3A_580] {strides = array<i32>} : memref<16x16xf32, #tpu.memory_space<vmem>>, vector<16xf32>,
    tpu.vector_store %arg16[%swap3A_579, %swap3A_580], %broadcast_in_dim3A_577 {strides = array<i32>} : memref<16x16xf32, #tpu.memory_space<vmem>>, vector<16xf32>,
    %broadcast_in_dim3A_582 = arith.constant 0.000000e+00 : f32
    %broadcast_in_dim3A_583 = vector.broadcast %broadcast_in_dim3A_582 : f32 to vector<16xf32>
    %swap3A_584 = arith.constant 9 : i32
    %swap3A_585 = arith.index_cast %swap3A_584 : i32 to index
    %swap3A_586 = arith.constant 0 : index
    %swap3A_587 = tpu.vector_load %arg16[%swap3A_585, %swap3A_586] {strides = array<i32>} : memref<16x16xf32, #tpu.memory_space<vmem>>, vector<16xf32>,
    tpu.vector_store %arg16[%swap3A_585, %swap3A_586], %broadcast_in_dim3A_583 {strides = array<i32>} : memref<16x16xf32, #tpu.memory_space<vmem>>, vector<16xf32>,
    %broadcast_in_dim3A_588 = arith.constant 0.000000e+00 : f32
    %broadcast_in_dim3A_589 = vector.broadcast %broadcast_in_dim3A_588 : f32 to vector<16xf32>
    %swap3A_590 = arith.constant 10 : i32
    %swap3A_591 = arith.index_cast %swap3A_590 : i32 to index
    %swap3A_592 = arith.constant 0 : index
    %swap3A_593 = tpu.vector_load %arg16[%swap3A_591, %swap3A_592] {strides = array<i32>} : memref<16x16xf32, #tpu.memory_space<vmem>>, vector<16xf32>,
    tpu.vector_store %arg16[%swap3A_591, %swap3A_592], %broadcast_in_dim3A_589 {strides = array<i32>} : memref<16x16xf32, #tpu.memory_space<vmem>>, vector<16xf32>,
    %broadcast_in_dim3A_594 = arith.constant 0.000000e+00 : f32
    %broadcast_in_dim3A_595 = vector.broadcast %broadcast_in_dim3A_594 : f32 to vector<16xf32>
    %swap3A_596 = arith.constant 11 : i32
    %swap3A_597 = arith.index_cast %swap3A_596 : i32 to index
    %swap3A_598 = arith.constant 0 : index
    %swap3A_599 = tpu.vector_load %arg16[%swap3A_597, %swap3A_598] {strides = array<i32>} : memref<16x16xf32, #tpu.memory_space<vmem>>, vector<16xf32>,
    tpu.vector_store %arg16[%swap3A_597, %swap3A_598], %broadcast_in_dim3A_595 {strides = array<i32>} : memref<16x16xf32, #tpu.memory_space<vmem>>, vector<16xf32>,
    %broadcast_in_dim3A_600 = arith.constant 0.000000e+00 : f32
    %broadcast_in_dim3A_601 = vector.broadcast %broadcast_in_dim3A_600 : f32 to vector<16xf32>
    %swap3A_602 = arith.constant 12 : i32
    %swap3A_603 = arith.index_cast %swap3A_602 : i32 to index
    %swap3A_604 = arith.constant 0 : index
    %swap3A_605 = tpu.vector_load %arg16[%swap3A_603, %swap3A_604] {strides = array<i32>} : memref<16x16xf32, #tpu.memory_space<vmem>>, vector<16xf32>,
    tpu.vector_store %arg16[%swap3A_603, %swap3A_604], %broadcast_in_dim3A_601 {strides = array<i32>} : memref<16x16xf32, #tpu.memory_space<vmem>>, vector<16xf32>,
    %broadcast_in_dim3A_606 = arith.constant 0.000000e+00 : f32
    %broadcast_in_dim3A_607 = vector.broadcast %broadcast_in_dim3A_606 : f32 to vector<16xf32>
    %swap3A_608 = arith.constant 13 : i32
    %swap3A_609 = arith.index_cast %swap3A_608 : i32 to index
    %swap3A_610 = arith.constant 0 : index
    %swap3A_611 = tpu.vector_load %arg16[%swap3A_609, %swap3A_610] {strides = array<i32>} : memref<16x16xf32, #tpu.memory_space<vmem>>, vector<16xf32>,
    tpu.vector_store %arg16[%swap3A_609, %swap3A_610], %broadcast_in_dim3A_607 {strides = array<i32>} : memref<16x16xf32, #tpu.memory_space<vmem>>, vector<16xf32>,
    %broadcast_in_dim3A_612 = arith.constant 0.000000e+00 : f32
    %broadcast_in_dim3A_613 = vector.broadcast %broadcast_in_dim3A_612 : f32 to vector<16xf32>
    %swap3A_614 = arith.constant 14 : i32
    %swap3A_615 = arith.index_cast %swap3A_614 : i32 to index
    %swap3A_616 = arith.constant 0 : index
    %swap3A_617 = tpu.vector_load %arg16[%swap3A_615, %swap3A_616] {strides = array<i32>} : memref<16x16xf32, #tpu.memory_space<vmem>>, vector<16xf32>,
    tpu.vector_store %arg16[%swap3A_615, %swap3A_616], %broadcast_in_dim3A_613 {strides = array<i32>} : memref<16x16xf32, #tpu.memory_space<vmem>>, vector<16xf32>,
    %broadcast_in_dim3A_618 = arith.constant 0.000000e+00 : f32
    %broadcast_in_dim3A_619 = vector.broadcast %broadcast_in_dim3A_618 : f32 to vector<16xf32>
    %swap3A_620 = arith.constant 15 : i32
    %swap3A_621 = arith.index_cast %swap3A_620 : i32 to index
    %swap3A_622 = arith.constant 0 : index
    %swap3A_623 = tpu.vector_load %arg16[%swap3A_621, %swap3A_622] {strides = array<i32>} : memref<16x16xf32, #tpu.memory_space<vmem>>, vector<16xf32>,
    tpu.vector_store %arg16[%swap3A_621, %swap3A_622], %broadcast_in_dim3A_619 {strides = array<i32>} : memref<16x16xf32, #tpu.memory_space<vmem>>, vector<16xf32>,
    %broadcast_in_dim3A_624 = arith.constant 0.000000e+00 : f32
    %broadcast_in_dim3A_625 = vector.broadcast %broadcast_in_dim3A_624 : f32 to vector<16xf32>
    %swap3A_626 = arith.constant 0 : i32
    %swap3A_627 = arith.index_cast %swap3A_626 : i32 to index
    %swap3A_628 = arith.constant 0 : index
    %swap3A_629 = tpu.vector_load %arg17[%swap3A_627, %swap3A_628] {strides = array<i32>} : memref<16x16xf32, #tpu.memory_space<vmem>>, vector<16xf32>,
    tpu.vector_store %arg17[%swap3A_627, %swap3A_628], %broadcast_in_dim3A_625 {strides = array<i32>} : memref<16x16xf32, #tpu.memory_space<vmem>>, vector<16xf32>,
    %broadcast_in_dim3A_630 = arith.constant 0.000000e+00 : f32
    %broadcast_in_dim3A_631 = vector.broadcast %broadcast_in_dim3A_630 : f32 to vector<16xf32>
    %swap3A_632 = arith.constant 1 : i32
    %swap3A_633 = arith.index_cast %swap3A_632 : i32 to index
    %swap3A_634 = arith.constant 0 : index
    %swap3A_635 = tpu.vector_load %arg17[%swap3A_633, %swap3A_634] {strides = array<i32>} : memref<16x16xf32, #tpu.memory_space<vmem>>, vector<16xf32>,
    tpu.vector_store %arg17[%swap3A_633, %swap3A_634], %broadcast_in_dim3A_631 {strides = array<i32>} : memref<16x16xf32, #tpu.memory_space<vmem>>, vector<16xf32>,
    %broadcast_in_dim3A_636 = arith.constant 0.000000e+00 : f32
    %broadcast_in_dim3A_637 = vector.broadcast %broadcast_in_dim3A_636 : f32 to vector<16xf32>
    %swap3A_638 = arith.constant 2 : i32
    %swap3A_639 = arith.index_cast %swap3A_638 : i32 to index
    %swap3A_640 = arith.constant 0 : index
    %swap3A_641 = tpu.vector_load %arg17[%swap3A_639, %swap3A_640] {strides = array<i32>} : memref<16x16xf32, #tpu.memory_space<vmem>>, vector<16xf32>,
    tpu.vector_store %arg17[%swap3A_639, %swap3A_640], %broadcast_in_dim3A_637 {strides = array<i32>} : memref<16x16xf32, #tpu.memory_space<vmem>>, vector<16xf32>,
    %broadcast_in_dim3A_642 = arith.constant 0.000000e+00 : f32
    %broadcast_in_dim3A_643 = vector.broadcast %broadcast_in_dim3A_642 : f32 to vector<16xf32>
    %swap3A_644 = arith.constant 3 : i32
    %swap3A_645 = arith.index_cast %swap3A_644 : i32 to index
    %swap3A_646 = arith.constant 0 : index
    %swap3A_647 = tpu.vector_load %arg17[%swap3A_645, %swap3A_646] {strides = array<i32>} : memref<16x16xf32, #tpu.memory_space<vmem>>, vector<16xf32>,
    tpu.vector_store %arg17[%swap3A_645, %swap3A_646], %broadcast_in_dim3A_643 {strides = array<i32>} : memref<16x16xf32, #tpu.memory_space<vmem>>, vector<16xf32>,
    %broadcast_in_dim3A_648 = arith.constant 0.000000e+00 : f32
    %broadcast_in_dim3A_649 = vector.broadcast %broadcast_in_dim3A_648 : f32 to vector<16xf32>
    %swap3A_650 = arith.constant 4 : i32
    %swap3A_651 = arith.index_cast %swap3A_650 : i32 to index
    %swap3A_652 = arith.constant 0 : index
    %swap3A_653 = tpu.vector_load %arg17[%swap3A_651, %swap3A_652] {strides = array<i32>} : memref<16x16xf32, #tpu.memory_space<vmem>>, vector<16xf32>,
    tpu.vector_store %arg17[%swap3A_651, %swap3A_652], %broadcast_in_dim3A_649 {strides = array<i32>} : memref<16x16xf32, #tpu.memory_space<vmem>>, vector<16xf32>,
    %broadcast_in_dim3A_654 = arith.constant 0.000000e+00 : f32
    %broadcast_in_dim3A_655 = vector.broadcast %broadcast_in_dim3A_654 : f32 to vector<16xf32>
    %swap3A_656 = arith.constant 5 : i32
    %swap3A_657 = arith.index_cast %swap3A_656 : i32 to index
    %swap3A_658 = arith.constant 0 : index
    %swap3A_659 = tpu.vector_load %arg17[%swap3A_657, %swap3A_658] {strides = array<i32>} : memref<16x16xf32, #tpu.memory_space<vmem>>, vector<16xf32>,
    tpu.vector_store %arg17[%swap3A_657, %swap3A_658], %broadcast_in_dim3A_655 {strides = array<i32>} : memref<16x16xf32, #tpu.memory_space<vmem>>, vector<16xf32>,
    %broadcast_in_dim3A_660 = arith.constant 0.000000e+00 : f32
    %broadcast_in_dim3A_661 = vector.broadcast %broadcast_in_dim3A_660 : f32 to vector<16xf32>
    %swap3A_662 = arith.constant 6 : i32
    %swap3A_663 = arith.index_cast %swap3A_662 : i32 to index
    %swap3A_664 = arith.constant 0 : index
    %swap3A_665 = tpu.vector_load %arg17[%swap3A_663, %swap3A_664] {strides = array<i32>} : memref<16x16xf32, #tpu.memory_space<vmem>>, vector<16xf32>,
    tpu.vector_store %arg17[%swap3A_663, %swap3A_664], %broadcast_in_dim3A_661 {strides = array<i32>} : memref<16x16xf32, #tpu.memory_space<vmem>>, vector<16xf32>,
    %broadcast_in_dim3A_666 = arith.constant 0.000000e+00 : f32
    %broadcast_in_dim3A_667 = vector.broadcast %broadcast_in_dim3A_666 : f32 to vector<16xf32>
    %swap3A_668 = arith.constant 7 : i32
    %swap3A_669 = arith.index_cast %swap3A_668 : i32 to index
    %swap3A_670 = arith.constant 0 : index
    %swap3A_671 = tpu.vector_load %arg17[%swap3A_669, %swap3A_670] {strides = array<i32>} : memref<16x16xf32, #tpu.memory_space<vmem>>, vector<16xf32>,
    tpu.vector_store %arg17[%swap3A_669, %swap3A_670], %broadcast_in_dim3A_667 {strides = array<i32>} : memref<16x16xf32, #tpu.memory_space<vmem>>, vector<16xf32>,
    %broadcast_in_dim3A_672 = arith.constant 0.000000e+00 : f32
    %broadcast_in_dim3A_673 = vector.broadcast %broadcast_in_dim3A_672 : f32 to vector<16xf32>
    %swap3A_674 = arith.constant 8 : i32
    %swap3A_675 = arith.index_cast %swap3A_674 : i32 to index
    %swap3A_676 = arith.constant 0 : index
    %swap3A_677 = tpu.vector_load %arg17[%swap3A_675, %swap3A_676] {strides = array<i32>} : memref<16x16xf32, #tpu.memory_space<vmem>>, vector<16xf32>,
    tpu.vector_store %arg17[%swap3A_675, %swap3A_676], %broadcast_in_dim3A_673 {strides = array<i32>} : memref<16x16xf32, #tpu.memory_space<vmem>>, vector<16xf32>,
    %broadcast_in_dim3A_678 = arith.constant 0.000000e+00 : f32
    %broadcast_in_dim3A_679 = vector.broadcast %broadcast_in_dim3A_678 : f32 to vector<16xf32>
    %swap3A_680 = arith.constant 9 : i32
    %swap3A_681 = arith.index_cast %swap3A_680 : i32 to index
    %swap3A_682 = arith.constant 0 : index
    %swap3A_683 = tpu.vector_load %arg17[%swap3A_681, %swap3A_682] {strides = array<i32>} : memref<16x16xf32, #tpu.memory_space<vmem>>, vector<16xf32>,
    tpu.vector_store %arg17[%swap3A_681, %swap3A_682], %broadcast_in_dim3A_679 {strides = array<i32>} : memref<16x16xf32, #tpu.memory_space<vmem>>, vector<16xf32>,
    %broadcast_in_dim3A_684 = arith.constant 0.000000e+00 : f32
    %broadcast_in_dim3A_685 = vector.broadcast %broadcast_in_dim3A_684 : f32 to vector<16xf32>
    %swap3A_686 = arith.constant 10 : i32
    %swap3A_687 = arith.index_cast %swap3A_686 : i32 to index
    %swap3A_688 = arith.constant 0 : index
    %swap3A_689 = tpu.vector_load %arg17[%swap3A_687, %swap3A_688] {strides = array<i32>} : memref<16x16xf32, #tpu.memory_space<vmem>>, vector<16xf32>,
    tpu.vector_store %arg17[%swap3A_687, %swap3A_688], %broadcast_in_dim3A_685 {strides = array<i32>} : memref<16x16xf32, #tpu.memory_space<vmem>>, vector<16xf32>,
    %broadcast_in_dim3A_690 = arith.constant 0.000000e+00 : f32
    %broadcast_in_dim3A_691 = vector.broadcast %broadcast_in_dim3A_690 : f32 to vector<16xf32>
    %swap3A_692 = arith.constant 11 : i32
    %swap3A_693 = arith.index_cast %swap3A_692 : i32 to index
    %swap3A_694 = arith.constant 0 : index
    %swap3A_695 = tpu.vector_load %arg17[%swap3A_693, %swap3A_694] {strides = array<i32>} : memref<16x16xf32, #tpu.memory_space<vmem>>, vector<16xf32>,
    tpu.vector_store %arg17[%swap3A_693, %swap3A_694], %broadcast_in_dim3A_691 {strides = array<i32>} : memref<16x16xf32, #tpu.memory_space<vmem>>, vector<16xf32>,
    %broadcast_in_dim3A_696 = arith.constant 0.000000e+00 : f32
    %broadcast_in_dim3A_697 = vector.broadcast %broadcast_in_dim3A_696 : f32 to vector<16xf32>
    %swap3A_698 = arith.constant 12 : i32
    %swap3A_699 = arith.index_cast %swap3A_698 : i32 to index
    %swap3A_700 = arith.constant 0 : index
    %swap3A_701 = tpu.vector_load %arg17[%swap3A_699, %swap3A_700] {strides = array<i32>} : memref<16x16xf32, #tpu.memory_space<vmem>>, vector<16xf32>,
    tpu.vector_store %arg17[%swap3A_699, %swap3A_700], %broadcast_in_dim3A_697 {strides = array<i32>} : memref<16x16xf32, #tpu.memory_space<vmem>>, vector<16xf32>,
    %broadcast_in_dim3A_702 = arith.constant 0.000000e+00 : f32
    %broadcast_in_dim3A_703 = vector.broadcast %broadcast_in_dim3A_702 : f32 to vector<16xf32>
    %swap3A_704 = arith.constant 13 : i32
    %swap3A_705 = arith.index_cast %swap3A_704 : i32 to index
    %swap3A_706 = arith.constant 0 : index
    %swap3A_707 = tpu.vector_load %arg17[%swap3A_705, %swap3A_706] {strides = array<i32>} : memref<16x16xf32, #tpu.memory_space<vmem>>, vector<16xf32>,
    tpu.vector_store %arg17[%swap3A_705, %swap3A_706], %broadcast_in_dim3A_703 {strides = array<i32>} : memref<16x16xf32, #tpu.memory_space<vmem>>, vector<16xf32>,
    %broadcast_in_dim3A_708 = arith.constant 0.000000e+00 : f32
    %broadcast_in_dim3A_709 = vector.broadcast %broadcast_in_dim3A_708 : f32 to vector<16xf32>
    %swap3A_710 = arith.constant 14 : i32
    %swap3A_711 = arith.index_cast %swap3A_710 : i32 to index
    %swap3A_712 = arith.constant 0 : index
    %swap3A_713 = tpu.vector_load %arg17[%swap3A_711, %swap3A_712] {strides = array<i32>} : memref<16x16xf32, #tpu.memory_space<vmem>>, vector<16xf32>,
    tpu.vector_store %arg17[%swap3A_711, %swap3A_712], %broadcast_in_dim3A_709 {strides = array<i32>} : memref<16x16xf32, #tpu.memory_space<vmem>>, vector<16xf32>,
    %broadcast_in_dim3A_714 = arith.constant 0.000000e+00 : f32
    %broadcast_in_dim3A_715 = vector.broadcast %broadcast_in_dim3A_714 : f32 to vector<16xf32>
    %swap3A_716 = arith.constant 15 : i32
    %swap3A_717 = arith.index_cast %swap3A_716 : i32 to index
    %swap3A_718 = arith.constant 0 : index
    %swap3A_719 = tpu.vector_load %arg17[%swap3A_717, %swap3A_718] {strides = array<i32>} : memref<16x16xf32, #tpu.memory_space<vmem>>, vector<16xf32>,
    tpu.vector_store %arg17[%swap3A_717, %swap3A_718], %broadcast_in_dim3A_715 {strides = array<i32>} : memref<16x16xf32, #tpu.memory_space<vmem>>, vector<16xf32>,
    %broadcast_in_dim3A_720 = arith.constant 0.000000e+00 : f32
    %broadcast_in_dim3A_721 = vector.broadcast %broadcast_in_dim3A_720 : f32 to vector<16xf32>
    %swap3A_722 = arith.constant 0 : i32
    %swap3A_723 = arith.index_cast %swap3A_722 : i32 to index
    %swap3A_724 = arith.constant 0 : index
    %swap3A_725 = tpu.vector_load %arg18[%swap3A_723, %swap3A_724] {strides = array<i32>} : memref<16x16xf32, #tpu.memory_space<vmem>>, vector<16xf32>,
    tpu.vector_store %arg18[%swap3A_723, %swap3A_724], %broadcast_in_dim3A_721 {strides = array<i32>} : memref<16x16xf32, #tpu.memory_space<vmem>>, vector<16xf32>,
    %broadcast_in_dim3A_726 = arith.constant 0.000000e+00 : f32
    %broadcast_in_dim3A_727 = vector.broadcast %broadcast_in_dim3A_726 : f32 to vector<16xf32>
    %swap3A_728 = arith.constant 1 : i32
    %swap3A_729 = arith.index_cast %swap3A_728 : i32 to index
    %swap3A_730 = arith.constant 0 : index
    %swap3A_731 = tpu.vector_load %arg18[%swap3A_729, %swap3A_730] {strides = array<i32>} : memref<16x16xf32, #tpu.memory_space<vmem>>, vector<16xf32>,
    tpu.vector_store %arg18[%swap3A_729, %swap3A_730], %broadcast_in_dim3A_727 {strides = array<i32>} : memref<16x16xf32, #tpu.memory_space<vmem>>, vector<16xf32>,
    %broadcast_in_dim3A_732 = arith.constant 0.000000e+00 : f32
    %broadcast_in_dim3A_733 = vector.broadcast %broadcast_in_dim3A_732 : f32 to vector<16xf32>
    %swap3A_734 = arith.constant 2 : i32
    %swap3A_735 = arith.index_cast %swap3A_734 : i32 to index
    %swap3A_736 = arith.constant 0 : index
    %swap3A_737 = tpu.vector_load %arg18[%swap3A_735, %swap3A_736] {strides = array<i32>} : memref<16x16xf32, #tpu.memory_space<vmem>>, vector<16xf32>,
    tpu.vector_store %arg18[%swap3A_735, %swap3A_736], %broadcast_in_dim3A_733 {strides = array<i32>} : memref<16x16xf32, #tpu.memory_space<vmem>>, vector<16xf32>,
    %broadcast_in_dim3A_738 = arith.constant 0.000000e+00 : f32
    %broadcast_in_dim3A_739 = vector.broadcast %broadcast_in_dim3A_738 : f32 to vector<16xf32>
    %swap3A_740 = arith.constant 3 : i32
    %swap3A_741 = arith.index_cast %swap3A_740 : i32 to index
    %swap3A_742 = arith.constant 0 : index
    %swap3A_743 = tpu.vector_load %arg18[%swap3A_741, %swap3A_742] {strides = array<i32>} : memref<16x16xf32, #tpu.memory_space<vmem>>, vector<16xf32>,
    tpu.vector_store %arg18[%swap3A_741, %swap3A_742], %broadcast_in_dim3A_739 {strides = array<i32>} : memref<16x16xf32, #tpu.memory_space<vmem>>, vector<16xf32>,
    %broadcast_in_dim3A_744 = arith.constant 0.000000e+00 : f32
    %broadcast_in_dim3A_745 = vector.broadcast %broadcast_in_dim3A_744 : f32 to vector<16xf32>
    %swap3A_746 = arith.constant 4 : i32
    %swap3A_747 = arith.index_cast %swap3A_746 : i32 to index
    %swap3A_748 = arith.constant 0 : index
    %swap3A_749 = tpu.vector_load %arg18[%swap3A_747, %swap3A_748] {strides = array<i32>} : memref<16x16xf32, #tpu.memory_space<vmem>>, vector<16xf32>,
    tpu.vector_store %arg18[%swap3A_747, %swap3A_748], %broadcast_in_dim3A_745 {strides = array<i32>} : memref<16x16xf32, #tpu.memory_space<vmem>>, vector<16xf32>,
    %broadcast_in_dim3A_750 = arith.constant 0.000000e+00 : f32
    %broadcast_in_dim3A_751 = vector.broadcast %broadcast_in_dim3A_750 : f32 to vector<16xf32>
    %swap3A_752 = arith.constant 5 : i32
    %swap3A_753 = arith.index_cast %swap3A_752 : i32 to index
    %swap3A_754 = arith.constant 0 : index
    %swap3A_755 = tpu.vector_load %arg18[%swap3A_753, %swap3A_754] {strides = array<i32>} : memref<16x16xf32, #tpu.memory_space<vmem>>, vector<16xf32>,
    tpu.vector_store %arg18[%swap3A_753, %swap3A_754], %broadcast_in_dim3A_751 {strides = array<i32>} : memref<16x16xf32, #tpu.memory_space<vmem>>, vector<16xf32>,
    %broadcast_in_dim3A_756 = arith.constant 0.000000e+00 : f32
    %broadcast_in_dim3A_757 = vector.broadcast %broadcast_in_dim3A_756 : f32 to vector<16xf32>
    %swap3A_758 = arith.constant 6 : i32
    %swap3A_759 = arith.index_cast %swap3A_758 : i32 to index
    %swap3A_760 = arith.constant 0 : index
    %swap3A_761 = tpu.vector_load %arg18[%swap3A_759, %swap3A_760] {strides = array<i32>} : memref<16x16xf32, #tpu.memory_space<vmem>>, vector<16xf32>,
    tpu.vector_store %arg18[%swap3A_759, %swap3A_760], %broadcast_in_dim3A_757 {strides = array<i32>} : memref<16x16xf32, #tpu.memory_space<vmem>>, vector<16xf32>,
    %broadcast_in_dim3A_762 = arith.constant 0.000000e+00 : f32
    %broadcast_in_dim3A_763 = vector.broadcast %broadcast_in_dim3A_762 : f32 to vector<16xf32>
    %swap3A_764 = arith.constant 7 : i32
    %swap3A_765 = arith.index_cast %swap3A_764 : i32 to index
    %swap3A_766 = arith.constant 0 : index
    %swap3A_767 = tpu.vector_load %arg18[%swap3A_765, %swap3A_766] {strides = array<i32>} : memref<16x16xf32, #tpu.memory_space<vmem>>, vector<16xf32>,
    tpu.vector_store %arg18[%swap3A_765, %swap3A_766], %broadcast_in_dim3A_763 {strides = array<i32>} : memref<16x16xf32, #tpu.memory_space<vmem>>, vector<16xf32>,
    %broadcast_in_dim3A_768 = arith.constant 0.000000e+00 : f32
    %broadcast_in_dim3A_769 = vector.broadcast %broadcast_in_dim3A_768 : f32 to vector<16xf32>
    %swap3A_770 = arith.constant 8 : i32
    %swap3A_771 = arith.index_cast %swap3A_770 : i32 to index
    %swap3A_772 = arith.constant 0 : index
    %swap3A_773 = tpu.vector_load %arg18[%swap3A_771, %swap3A_772] {strides = array<i32>} : memref<16x16xf32, #tpu.memory_space<vmem>>, vector<16xf32>,
    tpu.vector_store %arg18[%swap3A_771, %swap3A_772], %broadcast_in_dim3A_769 {strides = array<i32>} : memref<16x16xf32, #tpu.memory_space<vmem>>, vector<16xf32>,
    %broadcast_in_dim3A_774 = arith.constant 0.000000e+00 : f32
    %broadcast_in_dim3A_775 = vector.broadcast %broadcast_in_dim3A_774 : f32 to vector<16xf32>
    %swap3A_776 = arith.constant 9 : i32
    %swap3A_777 = arith.index_cast %swap3A_776 : i32 to index
    %swap3A_778 = arith.constant 0 : index
    %swap3A_779 = tpu.vector_load %arg18[%swap3A_777, %swap3A_778] {strides = array<i32>} : memref<16x16xf32, #tpu.memory_space<vmem>>, vector<16xf32>,
    tpu.vector_store %arg18[%swap3A_777, %swap3A_778], %broadcast_in_dim3A_775 {strides = array<i32>} : memref<16x16xf32, #tpu.memory_space<vmem>>, vector<16xf32>,
    %broadcast_in_dim3A_780 = arith.constant 0.000000e+00 : f32
    %broadcast_in_dim3A_781 = vector.broadcast %broadcast_in_dim3A_780 : f32 to vector<16xf32>
    %swap3A_782 = arith.constant 10 : i32
    %swap3A_783 = arith.index_cast %swap3A_782 : i32 to index
    %swap3A_784 = arith.constant 0 : index
    %swap3A_785 = tpu.vector_load %arg18[%swap3A_783, %swap3A_784] {strides = array<i32>} : memref<16x16xf32, #tpu.memory_space<vmem>>, vector<16xf32>,
    tpu.vector_store %arg18[%swap3A_783, %swap3A_784], %broadcast_in_dim3A_781 {strides = array<i32>} : memref<16x16xf32, #tpu.memory_space<vmem>>, vector<16xf32>,
    %broadcast_in_dim3A_786 = arith.constant 0.000000e+00 : f32
    %broadcast_in_dim3A_787 = vector.broadcast %broadcast_in_dim3A_786 : f32 to vector<16xf32>
    %swap3A_788 = arith.constant 11 : i32
    %swap3A_789 = arith.index_cast %swap3A_788 : i32 to index
    %swap3A_790 = arith.constant 0 : index
    %swap3A_791 = tpu.vector_load %arg18[%swap3A_789, %swap3A_790] {strides = array<i32>} : memref<16x16xf32, #tpu.memory_space<vmem>>, vector<16xf32>,
    tpu.vector_store %arg18[%swap3A_789, %swap3A_790], %broadcast_in_dim3A_787 {strides = array<i32>} : memref<16x16xf32, #tpu.memory_space<vmem>>, vector<16xf32>,
    %broadcast_in_dim3A_792 = arith.constant 0.000000e+00 : f32
    %broadcast_in_dim3A_793 = vector.broadcast %broadcast_in_dim3A_792 : f32 to vector<16xf32>
    %swap3A_794 = arith.constant 12 : i32
    %swap3A_795 = arith.index_cast %swap3A_794 : i32 to index
    %swap3A_796 = arith.constant 0 : index
    %swap3A_797 = tpu.vector_load %arg18[%swap3A_795, %swap3A_796] {strides = array<i32>} : memref<16x16xf32, #tpu.memory_space<vmem>>, vector<16xf32>,
    tpu.vector_store %arg18[%swap3A_795, %swap3A_796], %broadcast_in_dim3A_793 {strides = array<i32>} : memref<16x16xf32, #tpu.memory_space<vmem>>, vector<16xf32>,
    %broadcast_in_dim3A_798 = arith.constant 0.000000e+00 : f32
    %broadcast_in_dim3A_799 = vector.broadcast %broadcast_in_dim3A_798 : f32 to vector<16xf32>
    %swap3A_800 = arith.constant 13 : i32
    %swap3A_801 = arith.index_cast %swap3A_800 : i32 to index
    %swap3A_802 = arith.constant 0 : index
    %swap3A_803 = tpu.vector_load %arg18[%swap3A_801, %swap3A_802] {strides = array<i32>} : memref<16x16xf32, #tpu.memory_space<vmem>>, vector<16xf32>,
    tpu.vector_store %arg18[%swap3A_801, %swap3A_802], %broadcast_in_dim3A_799 {strides = array<i32>} : memref<16x16xf32, #tpu.memory_space<vmem>>, vector<16xf32>,
    %broadcast_in_dim3A_804 = arith.constant 0.000000e+00 : f32
    %broadcast_in_dim3A_805 = vector.broadcast %broadcast_in_dim3A_804 : f32 to vector<16xf32>
    %swap3A_806 = arith.constant 14 : i32
    %swap3A_807 = arith.index_cast %swap3A_806 : i32 to index
    %swap3A_808 = arith.constant 0 : index
    %swap3A_809 = tpu.vector_load %arg18[%swap3A_807, %swap3A_808] {strides = array<i32>} : memref<16x16xf32, #tpu.memory_space<vmem>>, vector<16xf32>,
    tpu.vector_store %arg18[%swap3A_807, %swap3A_808], %broadcast_in_dim3A_805 {strides = array<i32>} : memref<16x16xf32, #tpu.memory_space<vmem>>, vector<16xf32>,
    %broadcast_in_dim3A_810 = arith.constant 0.000000e+00 : f32
    %broadcast_in_dim3A_811 = vector.broadcast %broadcast_in_dim3A_810 : f32 to vector<16xf32>
    %swap3A_812 = arith.constant 15 : i32
    %swap3A_813 = arith.index_cast %swap3A_812 : i32 to index
    %swap3A_814 = arith.constant 0 : index
    %swap3A_815 = tpu.vector_load %arg18[%swap3A_813, %swap3A_814] {strides = array<i32>} : memref<16x16xf32, #tpu.memory_space<vmem>>, vector<16xf32>,
    tpu.vector_store %arg18[%swap3A_813, %swap3A_814], %broadcast_in_dim3A_811 {strides = array<i32>} : memref<16x16xf32, #tpu.memory_space<vmem>>, vector<16xf32>,
    %broadcast_in_dim3A_816 = arith.constant 0.000000e+00 : f32
    %broadcast_in_dim3A_817 = vector.broadcast %broadcast_in_dim3A_816 : f32 to vector<16xf32>
    %swap3A_818 = arith.constant 0 : i32
    %swap3A_819 = arith.index_cast %swap3A_818 : i32 to index
    %swap3A_820 = arith.constant 0 : index
    %swap3A_821 = tpu.vector_load %arg19[%swap3A_819, %swap3A_820] {strides = array<i32>} : memref<16x16xf32, #tpu.memory_space<vmem>>, vector<16xf32>,
    tpu.vector_store %arg19[%swap3A_819, %swap3A_820], %broadcast_in_dim3A_817 {strides = array<i32>} : memref<16x16xf32, #tpu.memory_space<vmem>>, vector<16xf32>,
    %broadcast_in_dim3A_822 = arith.constant 0.000000e+00 : f32
    %broadcast_in_dim3A_823 = vector.broadcast %broadcast_in_dim3A_822 : f32 to vector<16xf32>
    %swap3A_824 = arith.constant 1 : i32
    %swap3A_825 = arith.index_cast %swap3A_824 : i32 to index
    %swap3A_826 = arith.constant 0 : index
    %swap3A_827 = tpu.vector_load %arg19[%swap3A_825, %swap3A_826] {strides = array<i32>} : memref<16x16xf32, #tpu.memory_space<vmem>>, vector<16xf32>,
    tpu.vector_store %arg19[%swap3A_825, %swap3A_826], %broadcast_in_dim3A_823 {strides = array<i32>} : memref<16x16xf32, #tpu.memory_space<vmem>>, vector<16xf32>,
    %broadcast_in_dim3A_828 = arith.constant 0.000000e+00 : f32
    %broadcast_in_dim3A_829 = vector.broadcast %broadcast_in_dim3A_828 : f32 to vector<16xf32>
    %swap3A_830 = arith.constant 2 : i32
    %swap3A_831 = arith.index_cast %swap3A_830 : i32 to index
    %swap3A_832 = arith.constant 0 : index
    %swap3A_833 = tpu.vector_load %arg19[%swap3A_831, %swap3A_832] {strides = array<i32>} : memref<16x16xf32, #tpu.memory_space<vmem>>, vector<16xf32>,
    tpu.vector_store %arg19[%swap3A_831, %swap3A_832], %broadcast_in_dim3A_829 {strides = array<i32>} : memref<16x16xf32, #tpu.memory_space<vmem>>, vector<16xf32>,
    %broadcast_in_dim3A_834 = arith.constant 0.000000e+00 : f32
    %broadcast_in_dim3A_835 = vector.broadcast %broadcast_in_dim3A_834 : f32 to vector<16xf32>
    %swap3A_836 = arith.constant 3 : i32
    %swap3A_837 = arith.index_cast %swap3A_836 : i32 to index
    %swap3A_838 = arith.constant 0 : index
    %swap3A_839 = tpu.vector_load %arg19[%swap3A_837, %swap3A_838] {strides = array<i32>} : memref<16x16xf32, #tpu.memory_space<vmem>>, vector<16xf32>,
    tpu.vector_store %arg19[%swap3A_837, %swap3A_838], %broadcast_in_dim3A_835 {strides = array<i32>} : memref<16x16xf32, #tpu.memory_space<vmem>>, vector<16xf32>,
    %broadcast_in_dim3A_840 = arith.constant 0.000000e+00 : f32
    %broadcast_in_dim3A_841 = vector.broadcast %broadcast_in_dim3A_840 : f32 to vector<16xf32>
    %swap3A_842 = arith.constant 4 : i32
    %swap3A_843 = arith.index_cast %swap3A_842 : i32 to index
    %swap3A_844 = arith.constant 0 : index
    %swap3A_845 = tpu.vector_load %arg19[%swap3A_843, %swap3A_844] {strides = array<i32>} : memref<16x16xf32, #tpu.memory_space<vmem>>, vector<16xf32>,
    tpu.vector_store %arg19[%swap3A_843, %swap3A_844], %broadcast_in_dim3A_841 {strides = array<i32>} : memref<16x16xf32, #tpu.memory_space<vmem>>, vector<16xf32>,
    %broadcast_in_dim3A_846 = arith.constant 0.000000e+00 : f32
    %broadcast_in_dim3A_847 = vector.broadcast %broadcast_in_dim3A_846 : f32 to vector<16xf32>
    %swap3A_848 = arith.constant 5 : i32
    %swap3A_849 = arith.index_cast %swap3A_848 : i32 to index
    %swap3A_850 = arith.constant 0 : index
    %swap3A_851 = tpu.vector_load %arg19[%swap3A_849, %swap3A_850] {strides = array<i32>} : memref<16x16xf32, #tpu.memory_space<vmem>>, vector<16xf32>,
    tpu.vector_store %arg19[%swap3A_849, %swap3A_850], %broadcast_in_dim3A_847 {strides = array<i32>} : memref<16x16xf32, #tpu.memory_space<vmem>>, vector<16xf32>,
    %broadcast_in_dim3A_852 = arith.constant 0.000000e+00 : f32
    %broadcast_in_dim3A_853 = vector.broadcast %broadcast_in_dim3A_852 : f32 to vector<16xf32>
    %swap3A_854 = arith.constant 6 : i32
    %swap3A_855 = arith.index_cast %swap3A_854 : i32 to index
    %swap3A_856 = arith.constant 0 : index
    %swap3A_857 = tpu.vector_load %arg19[%swap3A_855, %swap3A_856] {strides = array<i32>} : memref<16x16xf32, #tpu.memory_space<vmem>>, vector<16xf32>,
    tpu.vector_store %arg19[%swap3A_855, %swap3A_856], %broadcast_in_dim3A_853 {strides = array<i32>} : memref<16x16xf32, #tpu.memory_space<vmem>>, vector<16xf32>,
    %broadcast_in_dim3A_858 = arith.constant 0.000000e+00 : f32
    %broadcast_in_dim3A_859 = vector.broadcast %broadcast_in_dim3A_858 : f32 to vector<16xf32>
    %swap3A_860 = arith.constant 7 : i32
    %swap3A_861 = arith.index_cast %swap3A_860 : i32 to index
    %swap3A_862 = arith.constant 0 : index
    %swap3A_863 = tpu.vector_load %arg19[%swap3A_861, %swap3A_862] {strides = array<i32>} : memref<16x16xf32, #tpu.memory_space<vmem>>, vector<16xf32>,
    tpu.vector_store %arg19[%swap3A_861, %swap3A_862], %broadcast_in_dim3A_859 {strides = array<i32>} : memref<16x16xf32, #tpu.memory_space<vmem>>, vector<16xf32>,
    %broadcast_in_dim3A_864 = arith.constant 0.000000e+00 : f32
    %broadcast_in_dim3A_865 = vector.broadcast %broadcast_in_dim3A_864 : f32 to vector<16xf32>
    %swap3A_866 = arith.constant 8 : i32
    %swap3A_867 = arith.index_cast %swap3A_866 : i32 to index
    %swap3A_868 = arith.constant 0 : index
    %swap3A_869 = tpu.vector_load %arg19[%swap3A_867, %swap3A_868] {strides = array<i32>} : memref<16x16xf32, #tpu.memory_space<vmem>>, vector<16xf32>,
    tpu.vector_store %arg19[%swap3A_867, %swap3A_868], %broadcast_in_dim3A_865 {strides = array<i32>} : memref<16x16xf32, #tpu.memory_space<vmem>>, vector<16xf32>,
    %broadcast_in_dim3A_870 = arith.constant 0.000000e+00 : f32
    %broadcast_in_dim3A_871 = vector.broadcast %broadcast_in_dim3A_870 : f32 to vector<16xf32>
    %swap3A_872 = arith.constant 9 : i32
    %swap3A_873 = arith.index_cast %swap3A_872 : i32 to index
    %swap3A_874 = arith.constant 0 : index
    %swap3A_875 = tpu.vector_load %arg19[%swap3A_873, %swap3A_874] {strides = array<i32>} : memref<16x16xf32, #tpu.memory_space<vmem>>, vector<16xf32>,
    tpu.vector_store %arg19[%swap3A_873, %swap3A_874], %broadcast_in_dim3A_871 {strides = array<i32>} : memref<16x16xf32, #tpu.memory_space<vmem>>, vector<16xf32>,
    %broadcast_in_dim3A_876 = arith.constant 0.000000e+00 : f32
    %broadcast_in_dim3A_877 = vector.broadcast %broadcast_in_dim3A_876 : f32 to vector<16xf32>
    %swap3A_878 = arith.constant 10 : i32
    %swap3A_879 = arith.index_cast %swap3A_878 : i32 to index
    %swap3A_880 = arith.constant 0 : index
    %swap3A_881 = tpu.vector_load %arg19[%swap3A_879, %swap3A_880] {strides = array<i32>} : memref<16x16xf32, #tpu.memory_space<vmem>>, vector<16xf32>,
    tpu.vector_store %arg19[%swap3A_879, %swap3A_880], %broadcast_in_dim3A_877 {strides = array<i32>} : memref<16x16xf32, #tpu.memory_space<vmem>>, vector<16xf32>,
    %broadcast_in_dim3A_882 = arith.constant 0.000000e+00 : f32
    %broadcast_in_dim3A_883 = vector.broadcast %broadcast_in_dim3A_882 : f32 to vector<16xf32>
    %swap3A_884 = arith.constant 11 : i32
    %swap3A_885 = arith.index_cast %swap3A_884 : i32 to index
    %swap3A_886 = arith.constant 0 : index
    %swap3A_887 = tpu.vector_load %arg19[%swap3A_885, %swap3A_886] {strides = array<i32>} : memref<16x16xf32, #tpu.memory_space<vmem>>, vector<16xf32>,
    tpu.vector_store %arg19[%swap3A_885, %swap3A_886], %broadcast_in_dim3A_883 {strides = array<i32>} : memref<16x16xf32, #tpu.memory_space<vmem>>, vector<16xf32>,
    %broadcast_in_dim3A_888 = arith.constant 0.000000e+00 : f32
    %broadcast_in_dim3A_889 = vector.broadcast %broadcast_in_dim3A_888 : f32 to vector<16xf32>
    %swap3A_890 = arith.constant 12 : i32
    %swap3A_891 = arith.index_cast %swap3A_890 : i32 to index
    %swap3A_892 = arith.constant 0 : index
    %swap3A_893 = tpu.vector_load %arg19[%swap3A_891, %swap3A_892] {strides = array<i32>} : memref<16x16xf32, #tpu.memory_space<vmem>>, vector<16xf32>,
    tpu.vector_store %arg19[%swap3A_891, %swap3A_892], %broadcast_in_dim3A_889 {strides = array<i32>} : memref<16x16xf32, #tpu.memory_space<vmem>>, vector<16xf32>,
    %broadcast_in_dim3A_894 = arith.constant 0.000000e+00 : f32
    %broadcast_in_dim3A_895 = vector.broadcast %broadcast_in_dim3A_894 : f32 to vector<16xf32>
    %swap3A_896 = arith.constant 13 : i32
    %swap3A_897 = arith.index_cast %swap3A_896 : i32 to index
    %swap3A_898 = arith.constant 0 : index
    %swap3A_899 = tpu.vector_load %arg19[%swap3A_897, %swap3A_898] {strides = array<i32>} : memref<16x16xf32, #tpu.memory_space<vmem>>, vector<16xf32>,
    tpu.vector_store %arg19[%swap3A_897, %swap3A_898], %broadcast_in_dim3A_895 {strides = array<i32>} : memref<16x16xf32, #tpu.memory_space<vmem>>, vector<16xf32>,
    %broadcast_in_dim3A_900 = arith.constant 0.000000e+00 : f32
    %broadcast_in_dim3A_901 = vector.broadcast %broadcast_in_dim3A_900 : f32 to vector<16xf32>
    %swap3A_902 = arith.constant 14 : i32
    %swap3A_903 = arith.index_cast %swap3A_902 : i32 to index
    %swap3A_904 = arith.constant 0 : index
    %swap3A_905 = tpu.vector_load %arg19[%swap3A_903, %swap3A_904] {strides = array<i32>} : memref<16x16xf32, #tpu.memory_space<vmem>>, vector<16xf32>,
    tpu.vector_store %arg19[%swap3A_903, %swap3A_904], %broadcast_in_dim3A_901 {strides = array<i32>} : memref<16x16xf32, #tpu.memory_space<vmem>>, vector<16xf32>,
    %broadcast_in_dim3A_906 = arith.constant 0.000000e+00 : f32
    %broadcast_in_dim3A_907 = vector.broadcast %broadcast_in_dim3A_906 : f32 to vector<16xf32>
    %swap3A_908 = arith.constant 15 : i32
    %swap3A_909 = arith.index_cast %swap3A_908 : i32 to index
    %swap3A_910 = arith.constant 0 : index
    %swap3A_911 = tpu.vector_load %arg19[%swap3A_909, %swap3A_910] {strides = array<i32>} : memref<16x16xf32, #tpu.memory_space<vmem>>, vector<16xf32>,
    tpu.vector_store %arg19[%swap3A_909, %swap3A_910], %broadcast_in_dim3A_907 {strides = array<i32>} : memref<16x16xf32, #tpu.memory_space<vmem>>, vector<16xf32>,
    %broadcast_in_dim3A_912 = arith.constant 0.000000e+00 : f32
    %broadcast_in_dim3A_913 = vector.broadcast %broadcast_in_dim3A_912 : f32 to vector<16xf32>
    %swap3A_914 = arith.constant 0 : i32
    %swap3A_915 = arith.index_cast %swap3A_914 : i32 to index
    %swap3A_916 = arith.constant 0 : index
    %swap3A_917 = tpu.vector_load %arg20[%swap3A_915, %swap3A_916] {strides = array<i32>} : memref<16x16xf32, #tpu.memory_space<vmem>>, vector<16xf32>,
    tpu.vector_store %arg20[%swap3A_915, %swap3A_916], %broadcast_in_dim3A_913 {strides = array<i32>} : memref<16x16xf32, #tpu.memory_space<vmem>>, vector<16xf32>,
    %broadcast_in_dim3A_918 = arith.constant 0.000000e+00 : f32
    %broadcast_in_dim3A_919 = vector.broadcast %broadcast_in_dim3A_918 : f32 to vector<16xf32>
    %swap3A_920 = arith.constant 1 : i32
    %swap3A_921 = arith.index_cast %swap3A_920 : i32 to index
    %swap3A_922 = arith.constant 0 : index
    %swap3A_923 = tpu.vector_load %arg20[%swap3A_921, %swap3A_922] {strides = array<i32>} : memref<16x16xf32, #tpu.memory_space<vmem>>, vector<16xf32>,
    tpu.vector_store %arg20[%swap3A_921, %swap3A_922], %broadcast_in_dim3A_919 {strides = array<i32>} : memref<16x16xf32, #tpu.memory_space<vmem>>, vector<16xf32>,
    %broadcast_in_dim3A_924 = arith.constant 0.000000e+00 : f32
    %broadcast_in_dim3A_925 = vector.broadcast %broadcast_in_dim3A_924 : f32 to vector<16xf32>
    %swap3A_926 = arith.constant 2 : i32
    %swap3A_927 = arith.index_cast %swap3A_926 : i32 to index
    %swap3A_928 = arith.constant 0 : index
    %swap3A_929 = tpu.vector_load %arg20[%swap3A_927, %swap3A_928] {strides = array<i32>} : memref<16x16xf32, #tpu.memory_space<vmem>>, vector<16xf32>,
    tpu.vector_store %arg20[%swap3A_927, %swap3A_928], %broadcast_in_dim3A_925 {strides = array<i32>} : memref<16x16xf32, #tpu.memory_space<vmem>>, vector<16xf32>,
    %broadcast_in_dim3A_930 = arith.constant 0.000000e+00 : f32
    %broadcast_in_dim3A_931 = vector.broadcast %broadcast_in_dim3A_930 : f32 to vector<16xf32>
    %swap3A_932 = arith.constant 3 : i32
    %swap3A_933 = arith.index_cast %swap3A_932 : i32 to index
    %swap3A_934 = arith.constant 0 : index
    %swap3A_935 = tpu.vector_load %arg20[%swap3A_933, %swap3A_934] {strides = array<i32>} : memref<16x16xf32, #tpu.memory_space<vmem>>, vector<16xf32>,
    tpu.vector_store %arg20[%swap3A_933, %swap3A_934], %broadcast_in_dim3A_931 {strides = array<i32>} : memref<16x16xf32, #tpu.memory_space<vmem>>, vector<16xf32>,
    %broadcast_in_dim3A_936 = arith.constant 0.000000e+00 : f32
    %broadcast_in_dim3A_937 = vector.broadcast %broadcast_in_dim3A_936 : f32 to vector<16xf32>
    %swap3A_938 = arith.constant 4 : i32
    %swap3A_939 = arith.index_cast %swap3A_938 : i32 to index
    %swap3A_940 = arith.constant 0 : index
    %swap3A_941 = tpu.vector_load %arg20[%swap3A_939, %swap3A_940] {strides = array<i32>} : memref<16x16xf32, #tpu.memory_space<vmem>>, vector<16xf32>,
    tpu.vector_store %arg20[%swap3A_939, %swap3A_940], %broadcast_in_dim3A_937 {strides = array<i32>} : memref<16x16xf32, #tpu.memory_space<vmem>>, vector<16xf32>,
    %broadcast_in_dim3A_942 = arith.constant 0.000000e+00 : f32
    %broadcast_in_dim3A_943 = vector.broadcast %broadcast_in_dim3A_942 : f32 to vector<16xf32>
    %swap3A_944 = arith.constant 5 : i32
    %swap3A_945 = arith.index_cast %swap3A_944 : i32 to index
    %swap3A_946 = arith.constant 0 : index
    %swap3A_947 = tpu.vector_load %arg20[%swap3A_945, %swap3A_946] {strides = array<i32>} : memref<16x16xf32, #tpu.memory_space<vmem>>, vector<16xf32>,
    tpu.vector_store %arg20[%swap3A_945, %swap3A_946], %broadcast_in_dim3A_943 {strides = array<i32>} : memref<16x16xf32, #tpu.memory_space<vmem>>, vector<16xf32>,
    %broadcast_in_dim3A_948 = arith.constant 0.000000e+00 : f32
    %broadcast_in_dim3A_949 = vector.broadcast %broadcast_in_dim3A_948 : f32 to vector<16xf32>
    %swap3A_950 = arith.constant 6 : i32
    %swap3A_951 = arith.index_cast %swap3A_950 : i32 to index
    %swap3A_952 = arith.constant 0 : index
    %swap3A_953 = tpu.vector_load %arg20[%swap3A_951, %swap3A_952] {strides = array<i32>} : memref<16x16xf32, #tpu.memory_space<vmem>>, vector<16xf32>,
    tpu.vector_store %arg20[%swap3A_951, %swap3A_952], %broadcast_in_dim3A_949 {strides = array<i32>} : memref<16x16xf32, #tpu.memory_space<vmem>>, vector<16xf32>,
    %broadcast_in_dim3A_954 = arith.constant 0.000000e+00 : f32
    %broadcast_in_dim3A_955 = vector.broadcast %broadcast_in_dim3A_954 : f32 to vector<16xf32>
    %swap3A_956 = arith.constant 7 : i32
    %swap3A_957 = arith.index_cast %swap3A_956 : i32 to index
    %swap3A_958 = arith.constant 0 : index
    %swap3A_959 = tpu.vector_load %arg20[%swap3A_957, %swap3A_958] {strides = array<i32>} : memref<16x16xf32, #tpu.memory_space<vmem>>, vector<16xf32>,
    tpu.vector_store %arg20[%swap3A_957, %swap3A_958], %broadcast_in_dim3A_955 {strides = array<i32>} : memref<16x16xf32, #tpu.memory_space<vmem>>, vector<16xf32>,
    %broadcast_in_dim3A_960 = arith.constant 0.000000e+00 : f32
    %broadcast_in_dim3A_961 = vector.broadcast %broadcast_in_dim3A_960 : f32 to vector<16xf32>
    %swap3A_962 = arith.constant 8 : i32
    %swap3A_963 = arith.index_cast %swap3A_962 : i32 to index
    %swap3A_964 = arith.constant 0 : index
    %swap3A_965 = tpu.vector_load %arg20[%swap3A_963, %swap3A_964] {strides = array<i32>} : memref<16x16xf32, #tpu.memory_space<vmem>>, vector<16xf32>,
    tpu.vector_store %arg20[%swap3A_963, %swap3A_964], %broadcast_in_dim3A_961 {strides = array<i32>} : memref<16x16xf32, #tpu.memory_space<vmem>>, vector<16xf32>,
    %broadcast_in_dim3A_966 = arith.constant 0.000000e+00 : f32
    %broadcast_in_dim3A_967 = vector.broadcast %broadcast_in_dim3A_966 : f32 to vector<16xf32>
    %swap3A_968 = arith.constant 9 : i32
    %swap3A_969 = arith.index_cast %swap3A_968 : i32 to index
    %swap3A_970 = arith.constant 0 : index
    %swap3A_971 = tpu.vector_load %arg20[%swap3A_969, %swap3A_970] {strides = array<i32>} : memref<16x16xf32, #tpu.memory_space<vmem>>, vector<16xf32>,
    tpu.vector_store %arg20[%swap3A_969, %swap3A_970], %broadcast_in_dim3A_967 {strides = array<i32>} : memref<16x16xf32, #tpu.memory_space<vmem>>, vector<16xf32>,
    %broadcast_in_dim3A_972 = arith.constant 0.000000e+00 : f32
    %broadcast_in_dim3A_973 = vector.broadcast %broadcast_in_dim3A_972 : f32 to vector<16xf32>
    %swap3A_974 = arith.constant 10 : i32
    %swap3A_975 = arith.index_cast %swap3A_974 : i32 to index
    %swap3A_976 = arith.constant 0 : index
    %swap3A_977 = tpu.vector_load %arg20[%swap3A_975, %swap3A_976] {strides = array<i32>} : memref<16x16xf32, #tpu.memory_space<vmem>>, vector<16xf32>,
    tpu.vector_store %arg20[%swap3A_975, %swap3A_976], %broadcast_in_dim3A_973 {strides = array<i32>} : memref<16x16xf32, #tpu.memory_space<vmem>>, vector<16xf32>,
    %broadcast_in_dim3A_978 = arith.constant 0.000000e+00 : f32
    %broadcast_in_dim3A_979 = vector.broadcast %broadcast_in_dim3A_978 : f32 to vector<16xf32>
    %swap3A_980 = arith.constant 11 : i32
    %swap3A_981 = arith.index_cast %swap3A_980 : i32 to index
    %swap3A_982 = arith.constant 0 : index
    %swap3A_983 = tpu.vector_load %arg20[%swap3A_981, %swap3A_982] {strides = array<i32>} : memref<16x16xf32, #tpu.memory_space<vmem>>, vector<16xf32>,
    tpu.vector_store %arg20[%swap3A_981, %swap3A_982], %broadcast_in_dim3A_979 {strides = array<i32>} : memref<16x16xf32, #tpu.memory_space<vmem>>, vector<16xf32>,
    %broadcast_in_dim3A_984 = arith.constant 0.000000e+00 : f32
    %broadcast_in_dim3A_985 = vector.broadcast %broadcast_in_dim3A_984 : f32 to vector<16xf32>
    %swap3A_986 = arith.constant 12 : i32
    %swap3A_987 = arith.index_cast %swap3A_986 : i32 to index
    %swap3A_988 = arith.constant 0 : index
    %swap3A_989 = tpu.vector_load %arg20[%swap3A_987, %swap3A_988] {strides = array<i32>} : memref<16x16xf32, #tpu.memory_space<vmem>>, vector<16xf32>,
    tpu.vector_store %arg20[%swap3A_987, %swap3A_988], %broadcast_in_dim3A_985 {strides = array<i32>} : memref<16x16xf32, #tpu.memory_space<vmem>>, vector<16xf32>,
    %broadcast_in_dim3A_990 = arith.constant 0.000000e+00 : f32
    %broadcast_in_dim3A_991 = vector.broadcast %broadcast_in_dim3A_990 : f32 to vector<16xf32>
    %swap3A_992 = arith.constant 13 : i32
    %swap3A_993 = arith.index_cast %swap3A_992 : i32 to index
    %swap3A_994 = arith.constant 0 : index
    %swap3A_995 = tpu.vector_load %arg20[%swap3A_993, %swap3A_994] {strides = array<i32>} : memref<16x16xf32, #tpu.memory_space<vmem>>, vector<16xf32>,
    tpu.vector_store %arg20[%swap3A_993, %swap3A_994], %broadcast_in_dim3A_991 {strides = array<i32>} : memref<16x16xf32, #tpu.memory_space<vmem>>, vector<16xf32>,
    %broadcast_in_dim3A_996 = arith.constant 0.000000e+00 : f32
    %broadcast_in_dim3A_997 = vector.broadcast %broadcast_in_dim3A_996 : f32 to vector<16xf32>
    %swap3A_998 = arith.constant 14 : i32
    %swap3A_999 = arith.index_cast %swap3A_998 : i32 to index
    %swap3A_1000 = arith.constant 0 : index
    %swap3A_1001 = tpu.vector_load %arg20[%swap3A_999, %swap3A_1000] {strides = array<i32>} : memref<16x16xf32, #tpu.memory_space<vmem>>, vector<16xf32>,
    tpu.vector_store %arg20[%swap3A_999, %swap3A_1000], %broadcast_in_dim3A_997 {strides = array<i32>} : memref<16x16xf32, #tpu.memory_space<vmem>>, vector<16xf32>,
    %broadcast_in_dim3A_1002 = arith.constant 0.000000e+00 : f32
    %broadcast_in_dim3A_1003 = vector.broadcast %broadcast_in_dim3A_1002 : f32 to vector<16xf32>
    %swap3A_1004 = arith.constant 15 : i32
    %swap3A_1005 = arith.index_cast %swap3A_1004 : i32 to index
    %swap3A_1006 = arith.constant 0 : index
    %swap3A_1007 = tpu.vector_load %arg20[%swap3A_1005, %swap3A_1006] {strides = array<i32>} : memref<16x16xf32, #tpu.memory_space<vmem>>, vector<16xf32>,
    tpu.vector_store %arg20[%swap3A_1005, %swap3A_1006], %broadcast_in_dim3A_1003 {strides = array<i32>} : memref<16x16xf32, #tpu.memory_space<vmem>>, vector<16xf32>,
    %broadcast_in_dim3A_1008 = arith.constant 0.000000e+00 : f32
    %broadcast_in_dim3A_1009 = vector.broadcast %broadcast_in_dim3A_1008 : f32 to vector<16xf32>
    %swap3A_1010 = arith.constant 0 : i32
    %swap3A_1011 = arith.index_cast %swap3A_1010 : i32 to index
    %swap3A_1012 = arith.constant 0 : index
    %swap3A_1013 = tpu.vector_load %arg21[%swap3A_1011, %swap3A_1012] {strides = array<i32>} : memref<16x16xf32, #tpu.memory_space<vmem>>, vector<16xf32>,
    tpu.vector_store %arg21[%swap3A_1011, %swap3A_1012], %broadcast_in_dim3A_1009 {strides = array<i32>} : memref<16x16xf32, #tpu.memory_space<vmem>>, vector<16xf32>,
    %broadcast_in_dim3A_1014 = arith.constant 0.000000e+00 : f32
    %broadcast_in_dim3A_1015 = vector.broadcast %broadcast_in_dim3A_1014 : f32 to vector<16xf32>
    %swap3A_1016 = arith.constant 1 : i32
    %swap3A_1017 = arith.index_cast %swap3A_1016 : i32 to index
    %swap3A_1018 = arith.constant 0 : index
    %swap3A_1019 = tpu.vector_load %arg21[%swap3A_1017, %swap3A_1018] {strides = array<i32>} : memref<16x16xf32, #tpu.memory_space<vmem>>, vector<16xf32>,
    tpu.vector_store %arg21[%swap3A_1017, %swap3A_1018], %broadcast_in_dim3A_1015 {strides = array<i32>} : memref<16x16xf32, #tpu.memory_space<vmem>>, vector<16xf32>,
    %broadcast_in_dim3A_1020 = arith.constant 0.000000e+00 : f32
    %broadcast_in_dim3A_1021 = vector.broadcast %broadcast_in_dim3A_1020 : f32 to vector<16xf32>
    %swap3A_1022 = arith.constant 2 : i32
    %swap3A_1023 = arith.index_cast %swap3A_1022 : i32 to index
    %swap3A_1024 = arith.constant 0 : index
    %swap3A_1025 = tpu.vector_load %arg21[%swap3A_1023, %swap3A_1024] {strides = array<i32>} : memref<16x16xf32, #tpu.memory_space<vmem>>, vector<16xf32>,
    tpu.vector_store %arg21[%swap3A_1023, %swap3A_1024], %broadcast_in_dim3A_1021 {strides = array<i32>} : memref<16x16xf32, #tpu.memory_space<vmem>>, vector<16xf32>,
    %broadcast_in_dim3A_1026 = arith.constant 0.000000e+00 : f32
    %broadcast_in_dim3A_1027 = vector.broadcast %broadcast_in_dim3A_1026 : f32 to vector<16xf32>
    %swap3A_1028 = arith.constant 3 : i32
    %swap3A_1029 = arith.index_cast %swap3A_1028 : i32 to index
    %swap3A_1030 = arith.constant 0 : index
    %swap3A_1031 = tpu.vector_load %arg21[%swap3A_1029, %swap3A_1030] {strides = array<i32>} : memref<16x16xf32, #tpu.memory_space<vmem>>, vector<16xf32>,
    tpu.vector_store %arg21[%swap3A_1029, %swap3A_1030], %broadcast_in_dim3A_1027 {strides = array<i32>} : memref<16x16xf32, #tpu.memory_space<vmem>>, vector<16xf32>,
    %broadcast_in_dim3A_1032 = arith.constant 0.000000e+00 : f32
    %broadcast_in_dim3A_1033 = vector.broadcast %broadcast_in_dim3A_1032 : f32 to vector<16xf32>
    %swap3A_1034 = arith.constant 4 : i32
    %swap3A_1035 = arith.index_cast %swap3A_1034 : i32 to index
    %swap3A_1036 = arith.constant 0 : index
    %swap3A_1037 = tpu.vector_load %arg21[%swap3A_1035, %swap3A_1036] {strides = array<i32>} : memref<16x16xf32, #tpu.memory_space<vmem>>, vector<16xf32>,
    tpu.vector_store %arg21[%swap3A_1035, %swap3A_1036], %broadcast_in_dim3A_1033 {strides = array<i32>} : memref<16x16xf32, #tpu.memory_space<vmem>>, vector<16xf32>,
    %broadcast_in_dim3A_1038 = arith.constant 0.000000e+00 : f32
    %broadcast_in_dim3A_1039 = vector.broadcast %broadcast_in_dim3A_1038 : f32 to vector<16xf32>
    %swap3A_1040 = arith.constant 5 : i32
    %swap3A_1041 = arith.index_cast %swap3A_1040 : i32 to index
    %swap3A_1042 = arith.constant 0 : index
    %swap3A_1043 = tpu.vector_load %arg21[%swap3A_1041, %swap3A_1042] {strides = array<i32>} : memref<16x16xf32, #tpu.memory_space<vmem>>, vector<16xf32>,
    tpu.vector_store %arg21[%swap3A_1041, %swap3A_1042], %broadcast_in_dim3A_1039 {strides = array<i32>} : memref<16x16xf32, #tpu.memory_space<vmem>>, vector<16xf32>,
    %broadcast_in_dim3A_1044 = arith.constant 0.000000e+00 : f32
    %broadcast_in_dim3A_1045 = vector.broadcast %broadcast_in_dim3A_1044 : f32 to vector<16xf32>
    %swap3A_1046 = arith.constant 6 : i32
    %swap3A_1047 = arith.index_cast %swap3A_1046 : i32 to index
    %swap3A_1048 = arith.constant 0 : index
    %swap3A_1049 = tpu.vector_load %arg21[%swap3A_1047, %swap3A_1048] {strides = array<i32>} : memref<16x16xf32, #tpu.memory_space<vmem>>, vector<16xf32>,
    tpu.vector_store %arg21[%swap3A_1047, %swap3A_1048], %broadcast_in_dim3A_1045 {strides = array<i32>} : memref<16x16xf32, #tpu.memory_space<vmem>>, vector<16xf32>,
    %broadcast_in_dim3A_1050 = arith.constant 0.000000e+00 : f32
    %broadcast_in_dim3A_1051 = vector.broadcast %broadcast_in_dim3A_1050 : f32 to vector<16xf32>
    %swap3A_1052 = arith.constant 7 : i32
    %swap3A_1053 = arith.index_cast %swap3A_1052 : i32 to index
    %swap3A_1054 = arith.constant 0 : index
    %swap3A_1055 = tpu.vector_load %arg21[%swap3A_1053, %swap3A_1054] {strides = array<i32>} : memref<16x16xf32, #tpu.memory_space<vmem>>, vector<16xf32>,
    tpu.vector_store %arg21[%swap3A_1053, %swap3A_1054], %broadcast_in_dim3A_1051 {strides = array<i32>} : memref<16x16xf32, #tpu.memory_space<vmem>>, vector<16xf32>,
    %broadcast_in_dim3A_1056 = arith.constant 0.000000e+00 : f32
    %broadcast_in_dim3A_1057 = vector.broadcast %broadcast_in_dim3A_1056 : f32 to vector<16xf32>
    %swap3A_1058 = arith.constant 8 : i32
    %swap3A_1059 = arith.index_cast %swap3A_1058 : i32 to index
    %swap3A_1060 = arith.constant 0 : index
    %swap3A_1061 = tpu.vector_load %arg21[%swap3A_1059, %swap3A_1060] {strides = array<i32>} : memref<16x16xf32, #tpu.memory_space<vmem>>, vector<16xf32>,
    tpu.vector_store %arg21[%swap3A_1059, %swap3A_1060], %broadcast_in_dim3A_1057 {strides = array<i32>} : memref<16x16xf32, #tpu.memory_space<vmem>>, vector<16xf32>,
    %broadcast_in_dim3A_1062 = arith.constant 0.000000e+00 : f32
    %broadcast_in_dim3A_1063 = vector.broadcast %broadcast_in_dim3A_1062 : f32 to vector<16xf32>
    %swap3A_1064 = arith.constant 9 : i32
    %swap3A_1065 = arith.index_cast %swap3A_1064 : i32 to index
    %swap3A_1066 = arith.constant 0 : index
    %swap3A_1067 = tpu.vector_load %arg21[%swap3A_1065, %swap3A_1066] {strides = array<i32>} : memref<16x16xf32, #tpu.memory_space<vmem>>, vector<16xf32>,
    tpu.vector_store %arg21[%swap3A_1065, %swap3A_1066], %broadcast_in_dim3A_1063 {strides = array<i32>} : memref<16x16xf32, #tpu.memory_space<vmem>>, vector<16xf32>,
    %broadcast_in_dim3A_1068 = arith.constant 0.000000e+00 : f32
    %broadcast_in_dim3A_1069 = vector.broadcast %broadcast_in_dim3A_1068 : f32 to vector<16xf32>
    %swap3A_1070 = arith.constant 10 : i32
    %swap3A_1071 = arith.index_cast %swap3A_1070 : i32 to index
    %swap3A_1072 = arith.constant 0 : index
    %swap3A_1073 = tpu.vector_load %arg21[%swap3A_1071, %swap3A_1072] {strides = array<i32>} : memref<16x16xf32, #tpu.memory_space<vmem>>, vector<16xf32>,
    tpu.vector_store %arg21[%swap3A_1071, %swap3A_1072], %broadcast_in_dim3A_1069 {strides = array<i32>} : memref<16x16xf32, #tpu.memory_space<vmem>>, vector<16xf32>,
    %broadcast_in_dim3A_1074 = arith.constant 0.000000e+00 : f32
    %broadcast_in_dim3A_1075 = vector.broadcast %broadcast_in_dim3A_1074 : f32 to vector<16xf32>
    %swap3A_1076 = arith.constant 11 : i32
    %swap3A_1077 = arith.index_cast %swap3A_1076 : i32 to index
    %swap3A_1078 = arith.constant 0 : index
    %swap3A_1079 = tpu.vector_load %arg21[%swap3A_1077, %swap3A_1078] {strides = array<i32>} : memref<16x16xf32, #tpu.memory_space<vmem>>, vector<16xf32>,
    tpu.vector_store %arg21[%swap3A_1077, %swap3A_1078], %broadcast_in_dim3A_1075 {strides = array<i32>} : memref<16x16xf32, #tpu.memory_space<vmem>>, vector<16xf32>,
    %broadcast_in_dim3A_1080 = arith.constant 0.000000e+00 : f32
    %broadcast_in_dim3A_1081 = vector.broadcast %broadcast_in_dim3A_1080 : f32 to vector<16xf32>
    %swap3A_1082 = arith.constant 12 : i32
    %swap3A_1083 = arith.index_cast %swap3A_1082 : i32 to index
    %swap3A_1084 = arith.constant 0 : index
    %swap3A_1085 = tpu.vector_load %arg21[%swap3A_1083, %swap3A_1084] {strides = array<i32>} : memref<16x16xf32, #tpu.memory_space<vmem>>, vector<16xf32>,
    tpu.vector_store %arg21[%swap3A_1083, %swap3A_1084], %broadcast_in_dim3A_1081 {strides = array<i32>} : memref<16x16xf32, #tpu.memory_space<vmem>>, vector<16xf32>,
    %broadcast_in_dim3A_1086 = arith.constant 0.000000e+00 : f32
    %broadcast_in_dim3A_1087 = vector.broadcast %broadcast_in_dim3A_1086 : f32 to vector<16xf32>
    %swap3A_1088 = arith.constant 13 : i32
    %swap3A_1089 = arith.index_cast %swap3A_1088 : i32 to index
    %swap3A_1090 = arith.constant 0 : index
    %swap3A_1091 = tpu.vector_load %arg21[%swap3A_1089, %swap3A_1090] {strides = array<i32>} : memref<16x16xf32, #tpu.memory_space<vmem>>, vector<16xf32>,
    tpu.vector_store %arg21[%swap3A_1089, %swap3A_1090], %broadcast_in_dim3A_1087 {strides = array<i32>} : memref<16x16xf32, #tpu.memory_space<vmem>>, vector<16xf32>,
    %broadcast_in_dim3A_1092 = arith.constant 0.000000e+00 : f32
    %broadcast_in_dim3A_1093 = vector.broadcast %broadcast_in_dim3A_1092 : f32 to vector<16xf32>
    %swap3A_1094 = arith.constant 14 : i32
    %swap3A_1095 = arith.index_cast %swap3A_1094 : i32 to index
    %swap3A_1096 = arith.constant 0 : index
    %swap3A_1097 = tpu.vector_load %arg21[%swap3A_1095, %swap3A_1096] {strides = array<i32>} : memref<16x16xf32, #tpu.memory_space<vmem>>, vector<16xf32>,
    tpu.vector_store %arg21[%swap3A_1095, %swap3A_1096], %broadcast_in_dim3A_1093 {strides = array<i32>} : memref<16x16xf32, #tpu.memory_space<vmem>>, vector<16xf32>,
    %broadcast_in_dim3A_1098 = arith.constant 0.000000e+00 : f32
    %broadcast_in_dim3A_1099 = vector.broadcast %broadcast_in_dim3A_1098 : f32 to vector<16xf32>
    %swap3A_1100 = arith.constant 15 : i32
    %swap3A_1101 = arith.index_cast %swap3A_1100 : i32 to index
    %swap3A_1102 = arith.constant 0 : index
    %swap3A_1103 = tpu.vector_load %arg21[%swap3A_1101, %swap3A_1102] {strides = array<i32>} : memref<16x16xf32, #tpu.memory_space<vmem>>, vector<16xf32>,
    tpu.vector_store %arg21[%swap3A_1101, %swap3A_1102], %broadcast_in_dim3A_1099 {strides = array<i32>} : memref<16x16xf32, #tpu.memory_space<vmem>>, vector<16xf32>,
    %broadcast_in_dim3A_1104 = arith.constant 0.000000e+00 : f32
    %broadcast_in_dim3A_1105 = vector.broadcast %broadcast_in_dim3A_1104 : f32 to vector<16xf32>
    %swap3A_1106 = arith.constant 0 : i32
    %swap3A_1107 = arith.index_cast %swap3A_1106 : i32 to index
    %swap3A_1108 = arith.constant 0 : index
    %swap3A_1109 = tpu.vector_load %arg22[%swap3A_1107, %swap3A_1108] {strides = array<i32>} : memref<16x16xf32, #tpu.memory_space<vmem>>, vector<16xf32>,
    tpu.vector_store %arg22[%swap3A_1107, %swap3A_1108], %broadcast_in_dim3A_1105 {strides = array<i32>} : memref<16x16xf32, #tpu.memory_space<vmem>>, vector<16xf32>,
    %broadcast_in_dim3A_1110 = arith.constant 0.000000e+00 : f32
    %broadcast_in_dim3A_1111 = vector.broadcast %broadcast_in_dim3A_1110 : f32 to vector<16xf32>
    %swap3A_1112 = arith.constant 1 : i32
    %swap3A_1113 = arith.index_cast %swap3A_1112 : i32 to index
    %swap3A_1114 = arith.constant 0 : index
    %swap3A_1115 = tpu.vector_load %arg22[%swap3A_1113, %swap3A_1114] {strides = array<i32>} : memref<16x16xf32, #tpu.memory_space<vmem>>, vector<16xf32>,
    tpu.vector_store %arg22[%swap3A_1113, %swap3A_1114], %broadcast_in_dim3A_1111 {strides = array<i32>} : memref<16x16xf32, #tpu.memory_space<vmem>>, vector<16xf32>,
    %broadcast_in_dim3A_1116 = arith.constant 0.000000e+00 : f32
    %broadcast_in_dim3A_1117 = vector.broadcast %broadcast_in_dim3A_1116 : f32 to vector<16xf32>
    %swap3A_1118 = arith.constant 2 : i32
    %swap3A_1119 = arith.index_cast %swap3A_1118 : i32 to index
    %swap3A_1120 = arith.constant 0 : index
    %swap3A_1121 = tpu.vector_load %arg22[%swap3A_1119, %swap3A_1120] {strides = array<i32>} : memref<16x16xf32, #tpu.memory_space<vmem>>, vector<16xf32>,
    tpu.vector_store %arg22[%swap3A_1119, %swap3A_1120], %broadcast_in_dim3A_1117 {strides = array<i32>} : memref<16x16xf32, #tpu.memory_space<vmem>>, vector<16xf32>,
    %broadcast_in_dim3A_1122 = arith.constant 0.000000e+00 : f32
    %broadcast_in_dim3A_1123 = vector.broadcast %broadcast_in_dim3A_1122 : f32 to vector<16xf32>
    %swap3A_1124 = arith.constant 3 : i32
    %swap3A_1125 = arith.index_cast %swap3A_1124 : i32 to index
    %swap3A_1126 = arith.constant 0 : index
    %swap3A_1127 = tpu.vector_load %arg22[%swap3A_1125, %swap3A_1126] {strides = array<i32>} : memref<16x16xf32, #tpu.memory_space<vmem>>, vector<16xf32>,
    tpu.vector_store %arg22[%swap3A_1125, %swap3A_1126], %broadcast_in_dim3A_1123 {strides = array<i32>} : memref<16x16xf32, #tpu.memory_space<vmem>>, vector<16xf32>,
    %broadcast_in_dim3A_1128 = arith.constant 0.000000e+00 : f32
    %broadcast_in_dim3A_1129 = vector.broadcast %broadcast_in_dim3A_1128 : f32 to vector<16xf32>
    %swap3A_1130 = arith.constant 4 : i32
    %swap3A_1131 = arith.index_cast %swap3A_1130 : i32 to index
    %swap3A_1132 = arith.constant 0 : index
    %swap3A_1133 = tpu.vector_load %arg22[%swap3A_1131, %swap3A_1132] {strides = array<i32>} : memref<16x16xf32, #tpu.memory_space<vmem>>, vector<16xf32>,
    tpu.vector_store %arg22[%swap3A_1131, %swap3A_1132], %broadcast_in_dim3A_1129 {strides = array<i32>} : memref<16x16xf32, #tpu.memory_space<vmem>>, vector<16xf32>,
    %broadcast_in_dim3A_1134 = arith.constant 0.000000e+00 : f32
    %broadcast_in_dim3A_1135 = vector.broadcast %broadcast_in_dim3A_1134 : f32 to vector<16xf32>
    %swap3A_1136 = arith.constant 5 : i32
    %swap3A_1137 = arith.index_cast %swap3A_1136 : i32 to index
    %swap3A_1138 = arith.constant 0 : index
    %swap3A_1139 = tpu.vector_load %arg22[%swap3A_1137, %swap3A_1138] {strides = array<i32>} : memref<16x16xf32, #tpu.memory_space<vmem>>, vector<16xf32>,
    tpu.vector_store %arg22[%swap3A_1137, %swap3A_1138], %broadcast_in_dim3A_1135 {strides = array<i32>} : memref<16x16xf32, #tpu.memory_space<vmem>>, vector<16xf32>,
    %broadcast_in_dim3A_1140 = arith.constant 0.000000e+00 : f32
    %broadcast_in_dim3A_1141 = vector.broadcast %broadcast_in_dim3A_1140 : f32 to vector<16xf32>
    %swap3A_1142 = arith.constant 6 : i32
    %swap3A_1143 = arith.index_cast %swap3A_1142 : i32 to index
    %swap3A_1144 = arith.constant 0 : index
    %swap3A_1145 = tpu.vector_load %arg22[%swap3A_1143, %swap3A_1144] {strides = array<i32>} : memref<16x16xf32, #tpu.memory_space<vmem>>, vector<16xf32>,
    tpu.vector_store %arg22[%swap3A_1143, %swap3A_1144], %broadcast_in_dim3A_1141 {strides = array<i32>} : memref<16x16xf32, #tpu.memory_space<vmem>>, vector<16xf32>,
    %broadcast_in_dim3A_1146 = arith.constant 0.000000e+00 : f32
    %broadcast_in_dim3A_1147 = vector.broadcast %broadcast_in_dim3A_1146 : f32 to vector<16xf32>
    %swap3A_1148 = arith.constant 7 : i32
    %swap3A_1149 = arith.index_cast %swap3A_1148 : i32 to index
    %swap3A_1150 = arith.constant 0 : index
    %swap3A_1151 = tpu.vector_load %arg22[%swap3A_1149, %swap3A_1150] {strides = array<i32>} : memref<16x16xf32, #tpu.memory_space<vmem>>, vector<16xf32>,
    tpu.vector_store %arg22[%swap3A_1149, %swap3A_1150], %broadcast_in_dim3A_1147 {strides = array<i32>} : memref<16x16xf32, #tpu.memory_space<vmem>>, vector<16xf32>,
    %broadcast_in_dim3A_1152 = arith.constant 0.000000e+00 : f32
    %broadcast_in_dim3A_1153 = vector.broadcast %broadcast_in_dim3A_1152 : f32 to vector<16xf32>
    %swap3A_1154 = arith.constant 8 : i32
    %swap3A_1155 = arith.index_cast %swap3A_1154 : i32 to index
    %swap3A_1156 = arith.constant 0 : index
    %swap3A_1157 = tpu.vector_load %arg22[%swap3A_1155, %swap3A_1156] {strides = array<i32>} : memref<16x16xf32, #tpu.memory_space<vmem>>, vector<16xf32>,
    tpu.vector_store %arg22[%swap3A_1155, %swap3A_1156], %broadcast_in_dim3A_1153 {strides = array<i32>} : memref<16x16xf32, #tpu.memory_space<vmem>>, vector<16xf32>,
    %broadcast_in_dim3A_1158 = arith.constant 0.000000e+00 : f32
    %broadcast_in_dim3A_1159 = vector.broadcast %broadcast_in_dim3A_1158 : f32 to vector<16xf32>
    %swap3A_1160 = arith.constant 9 : i32
    %swap3A_1161 = arith.index_cast %swap3A_1160 : i32 to index
    %swap3A_1162 = arith.constant 0 : index
    %swap3A_1163 = tpu.vector_load %arg22[%swap3A_1161, %swap3A_1162] {strides = array<i32>} : memref<16x16xf32, #tpu.memory_space<vmem>>, vector<16xf32>,
    tpu.vector_store %arg22[%swap3A_1161, %swap3A_1162], %broadcast_in_dim3A_1159 {strides = array<i32>} : memref<16x16xf32, #tpu.memory_space<vmem>>, vector<16xf32>,
    %broadcast_in_dim3A_1164 = arith.constant 0.000000e+00 : f32
    %broadcast_in_dim3A_1165 = vector.broadcast %broadcast_in_dim3A_1164 : f32 to vector<16xf32>
    %swap3A_1166 = arith.constant 10 : i32
    %swap3A_1167 = arith.index_cast %swap3A_1166 : i32 to index
    %swap3A_1168 = arith.constant 0 : index
    %swap3A_1169 = tpu.vector_load %arg22[%swap3A_1167, %swap3A_1168] {strides = array<i32>} : memref<16x16xf32, #tpu.memory_space<vmem>>, vector<16xf32>,
    tpu.vector_store %arg22[%swap3A_1167, %swap3A_1168], %broadcast_in_dim3A_1165 {strides = array<i32>} : memref<16x16xf32, #tpu.memory_space<vmem>>, vector<16xf32>,
    %broadcast_in_dim3A_1170 = arith.constant 0.000000e+00 : f32
    %broadcast_in_dim3A_1171 = vector.broadcast %broadcast_in_dim3A_1170 : f32 to vector<16xf32>
    %swap3A_1172 = arith.constant 11 : i32
    %swap3A_1173 = arith.index_cast %swap3A_1172 : i32 to index
    %swap3A_1174 = arith.constant 0 : index
    %swap3A_1175 = tpu.vector_load %arg22[%swap3A_1173, %swap3A_1174] {strides = array<i32>} : memref<16x16xf32, #tpu.memory_space<vmem>>, vector<16xf32>,
    tpu.vector_store %arg22[%swap3A_1173, %swap3A_1174], %broadcast_in_dim3A_1171 {strides = array<i32>} : memref<16x16xf32, #tpu.memory_space<vmem>>, vector<16xf32>,
    %broadcast_in_dim3A_1176 = arith.constant 0.000000e+00 : f32
    %broadcast_in_dim3A_1177 = vector.broadcast %broadcast_in_dim3A_1176 : f32 to vector<16xf32>
    %swap3A_1178 = arith.constant 12 : i32
    %swap3A_1179 = arith.index_cast %swap3A_1178 : i32 to index
    %swap3A_1180 = arith.constant 0 : index
    %swap3A_1181 = tpu.vector_load %arg22[%swap3A_1179, %swap3A_1180] {strides = array<i32>} : memref<16x16xf32, #tpu.memory_space<vmem>>, vector<16xf32>,
    tpu.vector_store %arg22[%swap3A_1179, %swap3A_1180], %broadcast_in_dim3A_1177 {strides = array<i32>} : memref<16x16xf32, #tpu.memory_space<vmem>>, vector<16xf32>,
    %broadcast_in_dim3A_1182 = arith.constant 0.000000e+00 : f32
    %broadcast_in_dim3A_1183 = vector.broadcast %broadcast_in_dim3A_1182 : f32 to vector<16xf32>
    %swap3A_1184 = arith.constant 13 : i32
    %swap3A_1185 = arith.index_cast %swap3A_1184 : i32 to index
    %swap3A_1186 = arith.constant 0 : index
    %swap3A_1187 = tpu.vector_load %arg22[%swap3A_1185, %swap3A_1186] {strides = array<i32>} : memref<16x16xf32, #tpu.memory_space<vmem>>, vector<16xf32>,
    tpu.vector_store %arg22[%swap3A_1185, %swap3A_1186], %broadcast_in_dim3A_1183 {strides = array<i32>} : memref<16x16xf32, #tpu.memory_space<vmem>>, vector<16xf32>,
    %broadcast_in_dim3A_1188 = arith.constant 0.000000e+00 : f32
    %broadcast_in_dim3A_1189 = vector.broadcast %broadcast_in_dim3A_1188 : f32 to vector<16xf32>
    %swap3A_1190 = arith.constant 14 : i32
    %swap3A_1191 = arith.index_cast %swap3A_1190 : i32 to index
    %swap3A_1192 = arith.constant 0 : index
    %swap3A_1193 = tpu.vector_load %arg22[%swap3A_1191, %swap3A_1192] {strides = array<i32>} : memref<16x16xf32, #tpu.memory_space<vmem>>, vector<16xf32>,
    tpu.vector_store %arg22[%swap3A_1191, %swap3A_1192], %broadcast_in_dim3A_1189 {strides = array<i32>} : memref<16x16xf32, #tpu.memory_space<vmem>>, vector<16xf32>,
    %broadcast_in_dim3A_1194 = arith.constant 0.000000e+00 : f32
    %broadcast_in_dim3A_1195 = vector.broadcast %broadcast_in_dim3A_1194 : f32 to vector<16xf32>
    %swap3A_1196 = arith.constant 15 : i32
    %swap3A_1197 = arith.index_cast %swap3A_1196 : i32 to index
    %swap3A_1198 = arith.constant 0 : index
    %swap3A_1199 = tpu.vector_load %arg22[%swap3A_1197, %swap3A_1198] {strides = array<i32>} : memref<16x16xf32, #tpu.memory_space<vmem>>, vector<16xf32>,
    tpu.vector_store %arg22[%swap3A_1197, %swap3A_1198], %broadcast_in_dim3A_1195 {strides = array<i32>} : memref<16x16xf32, #tpu.memory_space<vmem>>, vector<16xf32>,
    %broadcast_in_dim3A_1200 = arith.constant 0.000000e+00 : f32
    %broadcast_in_dim3A_1201 = vector.broadcast %broadcast_in_dim3A_1200 : f32 to vector<16xf32>
    %swap3A_1202 = arith.constant 0 : i32
    %swap3A_1203 = arith.index_cast %swap3A_1202 : i32 to index
    %swap3A_1204 = arith.constant 0 : index
    %swap3A_1205 = tpu.vector_load %arg23[%swap3A_1203, %swap3A_1204] {strides = array<i32>} : memref<16x16xf32, #tpu.memory_space<vmem>>, vector<16xf32>,
    tpu.vector_store %arg23[%swap3A_1203, %swap3A_1204], %broadcast_in_dim3A_1201 {strides = array<i32>} : memref<16x16xf32, #tpu.memory_space<vmem>>, vector<16xf32>,
    %broadcast_in_dim3A_1206 = arith.constant 0.000000e+00 : f32
    %broadcast_in_dim3A_1207 = vector.broadcast %broadcast_in_dim3A_1206 : f32 to vector<16xf32>
    %swap3A_1208 = arith.constant 1 : i32
    %swap3A_1209 = arith.index_cast %swap3A_1208 : i32 to index
    %swap3A_1210 = arith.constant 0 : index
    %swap3A_1211 = tpu.vector_load %arg23[%swap3A_1209, %swap3A_1210] {strides = array<i32>} : memref<16x16xf32, #tpu.memory_space<vmem>>, vector<16xf32>,
    tpu.vector_store %arg23[%swap3A_1209, %swap3A_1210], %broadcast_in_dim3A_1207 {strides = array<i32>} : memref<16x16xf32, #tpu.memory_space<vmem>>, vector<16xf32>,
    %broadcast_in_dim3A_1212 = arith.constant 0.000000e+00 : f32
    %broadcast_in_dim3A_1213 = vector.broadcast %broadcast_in_dim3A_1212 : f32 to vector<16xf32>
    %swap3A_1214 = arith.constant 2 : i32
    %swap3A_1215 = arith.index_cast %swap3A_1214 : i32 to index
    %swap3A_1216 = arith.constant 0 : index
    %swap3A_1217 = tpu.vector_load %arg23[%swap3A_1215, %swap3A_1216] {strides = array<i32>} : memref<16x16xf32, #tpu.memory_space<vmem>>, vector<16xf32>,
    tpu.vector_store %arg23[%swap3A_1215, %swap3A_1216], %broadcast_in_dim3A_1213 {strides = array<i32>} : memref<16x16xf32, #tpu.memory_space<vmem>>, vector<16xf32>,
    %broadcast_in_dim3A_1218 = arith.constant 0.000000e+00 : f32
    %broadcast_in_dim3A_1219 = vector.broadcast %broadcast_in_dim3A_1218 : f32 to vector<16xf32>
    %swap3A_1220 = arith.constant 3 : i32
    %swap3A_1221 = arith.index_cast %swap3A_1220 : i32 to index
    %swap3A_1222 = arith.constant 0 : index
    %swap3A_1223 = tpu.vector_load %arg23[%swap3A_1221, %swap3A_1222] {strides = array<i32>} : memref<16x16xf32, #tpu.memory_space<vmem>>, vector<16xf32>,
    tpu.vector_store %arg23[%swap3A_1221, %swap3A_1222], %broadcast_in_dim3A_1219 {strides = array<i32>} : memref<16x16xf32, #tpu.memory_space<vmem>>, vector<16xf32>,
    %broadcast_in_dim3A_1224 = arith.constant 0.000000e+00 : f32
    %broadcast_in_dim3A_1225 = vector.broadcast %broadcast_in_dim3A_1224 : f32 to vector<16xf32>
    %swap3A_1226 = arith.constant 4 : i32
    %swap3A_1227 = arith.index_cast %swap3A_1226 : i32 to index
    %swap3A_1228 = arith.constant 0 : index
    %swap3A_1229 = tpu.vector_load %arg23[%swap3A_1227, %swap3A_1228] {strides = array<i32>} : memref<16x16xf32, #tpu.memory_space<vmem>>, vector<16xf32>,
    tpu.vector_store %arg23[%swap3A_1227, %swap3A_1228], %broadcast_in_dim3A_1225 {strides = array<i32>} : memref<16x16xf32, #tpu.memory_space<vmem>>, vector<16xf32>,
    %broadcast_in_dim3A_1230 = arith.constant 0.000000e+00 : f32
    %broadcast_in_dim3A_1231 = vector.broadcast %broadcast_in_dim3A_1230 : f32 to vector<16xf32>
    %swap3A_1232 = arith.constant 5 : i32
    %swap3A_1233 = arith.index_cast %swap3A_1232 : i32 to index
    %swap3A_1234 = arith.constant 0 : index
    %swap3A_1235 = tpu.vector_load %arg23[%swap3A_1233, %swap3A_1234] {strides = array<i32>} : memref<16x16xf32, #tpu.memory_space<vmem>>, vector<16xf32>,
    tpu.vector_store %arg23[%swap3A_1233, %swap3A_1234], %broadcast_in_dim3A_1231 {strides = array<i32>} : memref<16x16xf32, #tpu.memory_space<vmem>>, vector<16xf32>,
    %broadcast_in_dim3A_1236 = arith.constant 0.000000e+00 : f32
    %broadcast_in_dim3A_1237 = vector.broadcast %broadcast_in_dim3A_1236 : f32 to vector<16xf32>
    %swap3A_1238 = arith.constant 6 : i32
    %swap3A_1239 = arith.index_cast %swap3A_1238 : i32 to index
    %swap3A_1240 = arith.constant 0 : index
    %swap3A_1241 = tpu.vector_load %arg23[%swap3A_1239, %swap3A_1240] {strides = array<i32>} : memref<16x16xf32, #tpu.memory_space<vmem>>, vector<16xf32>,
    tpu.vector_store %arg23[%swap3A_1239, %swap3A_1240], %broadcast_in_dim3A_1237 {strides = array<i32>} : memref<16x16xf32, #tpu.memory_space<vmem>>, vector<16xf32>,
    %broadcast_in_dim3A_1242 = arith.constant 0.000000e+00 : f32
    %broadcast_in_dim3A_1243 = vector.broadcast %broadcast_in_dim3A_1242 : f32 to vector<16xf32>
    %swap3A_1244 = arith.constant 7 : i32
    %swap3A_1245 = arith.index_cast %swap3A_1244 : i32 to index
    %swap3A_1246 = arith.constant 0 : index
    %swap3A_1247 = tpu.vector_load %arg23[%swap3A_1245, %swap3A_1246] {strides = array<i32>} : memref<16x16xf32, #tpu.memory_space<vmem>>, vector<16xf32>,
    tpu.vector_store %arg23[%swap3A_1245, %swap3A_1246], %broadcast_in_dim3A_1243 {strides = array<i32>} : memref<16x16xf32, #tpu.memory_space<vmem>>, vector<16xf32>,
    %broadcast_in_dim3A_1248 = arith.constant 0.000000e+00 : f32
    %broadcast_in_dim3A_1249 = vector.broadcast %broadcast_in_dim3A_1248 : f32 to vector<16xf32>
    %swap3A_1250 = arith.constant 8 : i32
    %swap3A_1251 = arith.index_cast %swap3A_1250 : i32 to index
    %swap3A_1252 = arith.constant 0 : index
    %swap3A_1253 = tpu.vector_load %arg23[%swap3A_1251, %swap3A_1252] {strides = array<i32>} : memref<16x16xf32, #tpu.memory_space<vmem>>, vector<16xf32>,
    tpu.vector_store %arg23[%swap3A_1251, %swap3A_1252], %broadcast_in_dim3A_1249 {strides = array<i32>} : memref<16x16xf32, #tpu.memory_space<vmem>>, vector<16xf32>,
    %broadcast_in_dim3A_1254 = arith.constant 0.000000e+00 : f32
    %broadcast_in_dim3A_1255 = vector.broadcast %broadcast_in_dim3A_1254 : f32 to vector<16xf32>
    %swap3A_1256 = arith.constant 9 : i32
    %swap3A_1257 = arith.index_cast %swap3A_1256 : i32 to index
    %swap3A_1258 = arith.constant 0 : index
    %swap3A_1259 = tpu.vector_load %arg23[%swap3A_1257, %swap3A_1258] {strides = array<i32>} : memref<16x16xf32, #tpu.memory_space<vmem>>, vector<16xf32>,
    tpu.vector_store %arg23[%swap3A_1257, %swap3A_1258], %broadcast_in_dim3A_1255 {strides = array<i32>} : memref<16x16xf32, #tpu.memory_space<vmem>>, vector<16xf32>,
    %broadcast_in_dim3A_1260 = arith.constant 0.000000e+00 : f32
    %broadcast_in_dim3A_1261 = vector.broadcast %broadcast_in_dim3A_1260 : f32 to vector<16xf32>
    %swap3A_1262 = arith.constant 10 : i32
    %swap3A_1263 = arith.index_cast %swap3A_1262 : i32 to index
    %swap3A_1264 = arith.constant 0 : index
    %swap3A_1265 = tpu.vector_load %arg23[%swap3A_1263, %swap3A_1264] {strides = array<i32>} : memref<16x16xf32, #tpu.memory_space<vmem>>, vector<16xf32>,
    tpu.vector_store %arg23[%swap3A_1263, %swap3A_1264], %broadcast_in_dim3A_1261 {strides = array<i32>} : memref<16x16xf32, #tpu.memory_space<vmem>>, vector<16xf32>,
    %broadcast_in_dim3A_1266 = arith.constant 0.000000e+00 : f32
    %broadcast_in_dim3A_1267 = vector.broadcast %broadcast_in_dim3A_1266 : f32 to vector<16xf32>
    %swap3A_1268 = arith.constant 11 : i32
    %swap3A_1269 = arith.index_cast %swap3A_1268 : i32 to index
    %swap3A_1270 = arith.constant 0 : index
    %swap3A_1271 = tpu.vector_load %arg23[%swap3A_1269, %swap3A_1270] {strides = array<i32>} : memref<16x16xf32, #tpu.memory_space<vmem>>, vector<16xf32>,
    tpu.vector_store %arg23[%swap3A_1269, %swap3A_1270], %broadcast_in_dim3A_1267 {strides = array<i32>} : memref<16x16xf32, #tpu.memory_space<vmem>>, vector<16xf32>,
    %broadcast_in_dim3A_1272 = arith.constant 0.000000e+00 : f32
    %broadcast_in_dim3A_1273 = vector.broadcast %broadcast_in_dim3A_1272 : f32 to vector<16xf32>
    %swap3A_1274 = arith.constant 12 : i32
    %swap3A_1275 = arith.index_cast %swap3A_1274 : i32 to index
    %swap3A_1276 = arith.constant 0 : index
    %swap3A_1277 = tpu.vector_load %arg23[%swap3A_1275, %swap3A_1276] {strides = array<i32>} : memref<16x16xf32, #tpu.memory_space<vmem>>, vector<16xf32>,
    tpu.vector_store %arg23[%swap3A_1275, %swap3A_1276], %broadcast_in_dim3A_1273 {strides = array<i32>} : memref<16x16xf32, #tpu.memory_space<vmem>>, vector<16xf32>,
    %broadcast_in_dim3A_1278 = arith.constant 0.000000e+00 : f32
    %broadcast_in_dim3A_1279 = vector.broadcast %broadcast_in_dim3A_1278 : f32 to vector<16xf32>
    %swap3A_1280 = arith.constant 13 : i32
    %swap3A_1281 = arith.index_cast %swap3A_1280 : i32 to index
    %swap3A_1282 = arith.constant 0 : index
    %swap3A_1283 = tpu.vector_load %arg23[%swap3A_1281, %swap3A_1282] {strides = array<i32>} : memref<16x16xf32, #tpu.memory_space<vmem>>, vector<16xf32>,
    tpu.vector_store %arg23[%swap3A_1281, %swap3A_1282], %broadcast_in_dim3A_1279 {strides = array<i32>} : memref<16x16xf32, #tpu.memory_space<vmem>>, vector<16xf32>,
    %broadcast_in_dim3A_1284 = arith.constant 0.000000e+00 : f32
    %broadcast_in_dim3A_1285 = vector.broadcast %broadcast_in_dim3A_1284 : f32 to vector<16xf32>
    %swap3A_1286 = arith.constant 14 : i32
    %swap3A_1287 = arith.index_cast %swap3A_1286 : i32 to index
    %swap3A_1288 = arith.constant 0 : index
    %swap3A_1289 = tpu.vector_load %arg23[%swap3A_1287, %swap3A_1288] {strides = array<i32>} : memref<16x16xf32, #tpu.memory_space<vmem>>, vector<16xf32>,
    tpu.vector_store %arg23[%swap3A_1287, %swap3A_1288], %broadcast_in_dim3A_1285 {strides = array<i32>} : memref<16x16xf32, #tpu.memory_space<vmem>>, vector<16xf32>,
    %broadcast_in_dim3A_1290 = arith.constant 0.000000e+00 : f32
    %broadcast_in_dim3A_1291 = vector.broadcast %broadcast_in_dim3A_1290 : f32 to vector<16xf32>
    %swap3A_1292 = arith.constant 15 : i32
    %swap3A_1293 = arith.index_cast %swap3A_1292 : i32 to index
    %swap3A_1294 = arith.constant 0 : index
    %swap3A_1295 = tpu.vector_load %arg23[%swap3A_1293, %swap3A_1294] {strides = array<i32>} : memref<16x16xf32, #tpu.memory_space<vmem>>, vector<16xf32>,
    tpu.vector_store %arg23[%swap3A_1293, %swap3A_1294], %broadcast_in_dim3A_1291 {strides = array<i32>} : memref<16x16xf32, #tpu.memory_space<vmem>>, vector<16xf32>,
    %broadcast_in_dim3A_1296 = arith.constant 0.000000e+00 : f32
    %broadcast_in_dim3A_1297 = vector.broadcast %broadcast_in_dim3A_1296 : f32 to vector<16xf32>
    %swap3A_1298 = arith.constant 0 : i32
    %swap3A_1299 = arith.index_cast %swap3A_1298 : i32 to index
    %swap3A_1300 = arith.constant 0 : index
    %swap3A_1301 = tpu.vector_load %arg24[%swap3A_1299, %swap3A_1300] {strides = array<i32>} : memref<16x16xf32, #tpu.memory_space<vmem>>, vector<16xf32>,
    tpu.vector_store %arg24[%swap3A_1299, %swap3A_1300], %broadcast_in_dim3A_1297 {strides = array<i32>} : memref<16x16xf32, #tpu.memory_space<vmem>>, vector<16xf32>,
    %broadcast_in_dim3A_1302 = arith.constant 0.000000e+00 : f32
    %broadcast_in_dim3A_1303 = vector.broadcast %broadcast_in_dim3A_1302 : f32 to vector<16xf32>
    %swap3A_1304 = arith.constant 1 : i32
    %swap3A_1305 = arith.index_cast %swap3A_1304 : i32 to index
    %swap3A_1306 = arith.constant 0 : index
    %swap3A_1307 = tpu.vector_load %arg24[%swap3A_1305, %swap3A_1306] {strides = array<i32>} : memref<16x16xf32, #tpu.memory_space<vmem>>, vector<16xf32>,
    tpu.vector_store %arg24[%swap3A_1305, %swap3A_1306], %broadcast_in_dim3A_1303 {strides = array<i32>} : memref<16x16xf32, #tpu.memory_space<vmem>>, vector<16xf32>,
    %broadcast_in_dim3A_1308 = arith.constant 0.000000e+00 : f32
    %broadcast_in_dim3A_1309 = vector.broadcast %broadcast_in_dim3A_1308 : f32 to vector<16xf32>
    %swap3A_1310 = arith.constant 2 : i32
    %swap3A_1311 = arith.index_cast %swap3A_1310 : i32 to index
    %swap3A_1312 = arith.constant 0 : index
    %swap3A_1313 = tpu.vector_load %arg24[%swap3A_1311, %swap3A_1312] {strides = array<i32>} : memref<16x16xf32, #tpu.memory_space<vmem>>, vector<16xf32>,
    tpu.vector_store %arg24[%swap3A_1311, %swap3A_1312], %broadcast_in_dim3A_1309 {strides = array<i32>} : memref<16x16xf32, #tpu.memory_space<vmem>>, vector<16xf32>,
    %broadcast_in_dim3A_1314 = arith.constant 0.000000e+00 : f32
    %broadcast_in_dim3A_1315 = vector.broadcast %broadcast_in_dim3A_1314 : f32 to vector<16xf32>
    %swap3A_1316 = arith.constant 3 : i32
    %swap3A_1317 = arith.index_cast %swap3A_1316 : i32 to index
    %swap3A_1318 = arith.constant 0 : index
    %swap3A_1319 = tpu.vector_load %arg24[%swap3A_1317, %swap3A_1318] {strides = array<i32>} : memref<16x16xf32, #tpu.memory_space<vmem>>, vector<16xf32>,
    tpu.vector_store %arg24[%swap3A_1317, %swap3A_1318], %broadcast_in_dim3A_1315 {strides = array<i32>} : memref<16x16xf32, #tpu.memory_space<vmem>>, vector<16xf32>,
    %broadcast_in_dim3A_1320 = arith.constant 0.000000e+00 : f32
    %broadcast_in_dim3A_1321 = vector.broadcast %broadcast_in_dim3A_1320 : f32 to vector<16xf32>
    %swap3A_1322 = arith.constant 4 : i32
    %swap3A_1323 = arith.index_cast %swap3A_1322 : i32 to index
    %swap3A_1324 = arith.constant 0 : index
    %swap3A_1325 = tpu.vector_load %arg24[%swap3A_1323, %swap3A_1324] {strides = array<i32>} : memref<16x16xf32, #tpu.memory_space<vmem>>, vector<16xf32>,
    tpu.vector_store %arg24[%swap3A_1323, %swap3A_1324], %broadcast_in_dim3A_1321 {strides = array<i32>} : memref<16x16xf32, #tpu.memory_space<vmem>>, vector<16xf32>,
    %broadcast_in_dim3A_1326 = arith.constant 0.000000e+00 : f32
    %broadcast_in_dim3A_1327 = vector.broadcast %broadcast_in_dim3A_1326 : f32 to vector<16xf32>
    %swap3A_1328 = arith.constant 5 : i32
    %swap3A_1329 = arith.index_cast %swap3A_1328 : i32 to index
    %swap3A_1330 = arith.constant 0 : index
    %swap3A_1331 = tpu.vector_load %arg24[%swap3A_1329, %swap3A_1330] {strides = array<i32>} : memref<16x16xf32, #tpu.memory_space<vmem>>, vector<16xf32>,
    tpu.vector_store %arg24[%swap3A_1329, %swap3A_1330], %broadcast_in_dim3A_1327 {strides = array<i32>} : memref<16x16xf32, #tpu.memory_space<vmem>>, vector<16xf32>,
    %broadcast_in_dim3A_1332 = arith.constant 0.000000e+00 : f32
    %broadcast_in_dim3A_1333 = vector.broadcast %broadcast_in_dim3A_1332 : f32 to vector<16xf32>
    %swap3A_1334 = arith.constant 6 : i32
    %swap3A_1335 = arith.index_cast %swap3A_1334 : i32 to index
    %swap3A_1336 = arith.constant 0 : index
    %swap3A_1337 = tpu.vector_load %arg24[%swap3A_1335, %swap3A_1336] {strides = array<i32>} : memref<16x16xf32, #tpu.memory_space<vmem>>, vector<16xf32>,
    tpu.vector_store %arg24[%swap3A_1335, %swap3A_1336], %broadcast_in_dim3A_1333 {strides = array<i32>} : memref<16x16xf32, #tpu.memory_space<vmem>>, vector<16xf32>,
    %broadcast_in_dim3A_1338 = arith.constant 0.000000e+00 : f32
    %broadcast_in_dim3A_1339 = vector.broadcast %broadcast_in_dim3A_1338 : f32 to vector<16xf32>
    %swap3A_1340 = arith.constant 7 : i32
    %swap3A_1341 = arith.index_cast %swap3A_1340 : i32 to index
    %swap3A_1342 = arith.constant 0 : index
    %swap3A_1343 = tpu.vector_load %arg24[%swap3A_1341, %swap3A_1342] {strides = array<i32>} : memref<16x16xf32, #tpu.memory_space<vmem>>, vector<16xf32>,
    tpu.vector_store %arg24[%swap3A_1341, %swap3A_1342], %broadcast_in_dim3A_1339 {strides = array<i32>} : memref<16x16xf32, #tpu.memory_space<vmem>>, vector<16xf32>,
    %broadcast_in_dim3A_1344 = arith.constant 0.000000e+00 : f32
    %broadcast_in_dim3A_1345 = vector.broadcast %broadcast_in_dim3A_1344 : f32 to vector<16xf32>
    %swap3A_1346 = arith.constant 8 : i32
    %swap3A_1347 = arith.index_cast %swap3A_1346 : i32 to index
    %swap3A_1348 = arith.constant 0 : index
    %swap3A_1349 = tpu.vector_load %arg24[%swap3A_1347, %swap3A_1348] {strides = array<i32>} : memref<16x16xf32, #tpu.memory_space<vmem>>, vector<16xf32>,
    tpu.vector_store %arg24[%swap3A_1347, %swap3A_1348], %broadcast_in_dim3A_1345 {strides = array<i32>} : memref<16x16xf32, #tpu.memory_space<vmem>>, vector<16xf32>,
    %broadcast_in_dim3A_1350 = arith.constant 0.000000e+00 : f32
    %broadcast_in_dim3A_1351 = vector.broadcast %broadcast_in_dim3A_1350 : f32 to vector<16xf32>
    %swap3A_1352 = arith.constant 9 : i32
    %swap3A_1353 = arith.index_cast %swap3A_1352 : i32 to index
    %swap3A_1354 = arith.constant 0 : index
    %swap3A_1355 = tpu.vector_load %arg24[%swap3A_1353, %swap3A_1354] {strides = array<i32>} : memref<16x16xf32, #tpu.memory_space<vmem>>, vector<16xf32>,
    tpu.vector_store %arg24[%swap3A_1353, %swap3A_1354], %broadcast_in_dim3A_1351 {strides = array<i32>} : memref<16x16xf32, #tpu.memory_space<vmem>>, vector<16xf32>,
    %broadcast_in_dim3A_1356 = arith.constant 0.000000e+00 : f32
    %broadcast_in_dim3A_1357 = vector.broadcast %broadcast_in_dim3A_1356 : f32 to vector<16xf32>
    %swap3A_1358 = arith.constant 10 : i32
    %swap3A_1359 = arith.index_cast %swap3A_1358 : i32 to index
    %swap3A_1360 = arith.constant 0 : index
    %swap3A_1361 = tpu.vector_load %arg24[%swap3A_1359, %swap3A_1360] {strides = array<i32>} : memref<16x16xf32, #tpu.memory_space<vmem>>, vector<16xf32>,
    tpu.vector_store %arg24[%swap3A_1359, %swap3A_1360], %broadcast_in_dim3A_1357 {strides = array<i32>} : memref<16x16xf32, #tpu.memory_space<vmem>>, vector<16xf32>,
    %broadcast_in_dim3A_1362 = arith.constant 0.000000e+00 : f32
    %broadcast_in_dim3A_1363 = vector.broadcast %broadcast_in_dim3A_1362 : f32 to vector<16xf32>
    %swap3A_1364 = arith.constant 11 : i32
    %swap3A_1365 = arith.index_cast %swap3A_1364 : i32 to index
    %swap3A_1366 = arith.constant 0 : index
    %swap3A_1367 = tpu.vector_load %arg24[%swap3A_1365, %swap3A_1366] {strides = array<i32>} : memref<16x16xf32, #tpu.memory_space<vmem>>, vector<16xf32>,
    tpu.vector_store %arg24[%swap3A_1365, %swap3A_1366], %broadcast_in_dim3A_1363 {strides = array<i32>} : memref<16x16xf32, #tpu.memory_space<vmem>>, vector<16xf32>,
    %broadcast_in_dim3A_1368 = arith.constant 0.000000e+00 : f32
    %broadcast_in_dim3A_1369 = vector.broadcast %broadcast_in_dim3A_1368 : f32 to vector<16xf32>
    %swap3A_1370 = arith.constant 12 : i32
    %swap3A_1371 = arith.index_cast %swap3A_1370 : i32 to index
    %swap3A_1372 = arith.constant 0 : index
    %swap3A_1373 = tpu.vector_load %arg24[%swap3A_1371, %swap3A_1372] {strides = array<i32>} : memref<16x16xf32, #tpu.memory_space<vmem>>, vector<16xf32>,
    tpu.vector_store %arg24[%swap3A_1371, %swap3A_1372], %broadcast_in_dim3A_1369 {strides = array<i32>} : memref<16x16xf32, #tpu.memory_space<vmem>>, vector<16xf32>,
    %broadcast_in_dim3A_1374 = arith.constant 0.000000e+00 : f32
    %broadcast_in_dim3A_1375 = vector.broadcast %broadcast_in_dim3A_1374 : f32 to vector<16xf32>
    %swap3A_1376 = arith.constant 13 : i32
    %swap3A_1377 = arith.index_cast %swap3A_1376 : i32 to index
    %swap3A_1378 = arith.constant 0 : index
    %swap3A_1379 = tpu.vector_load %arg24[%swap3A_1377, %swap3A_1378] {strides = array<i32>} : memref<16x16xf32, #tpu.memory_space<vmem>>, vector<16xf32>,
    tpu.vector_store %arg24[%swap3A_1377, %swap3A_1378], %broadcast_in_dim3A_1375 {strides = array<i32>} : memref<16x16xf32, #tpu.memory_space<vmem>>, vector<16xf32>,
    %broadcast_in_dim3A_1380 = arith.constant 0.000000e+00 : f32
    %broadcast_in_dim3A_1381 = vector.broadcast %broadcast_in_dim3A_1380 : f32 to vector<16xf32>
    %swap3A_1382 = arith.constant 14 : i32
    %swap3A_1383 = arith.index_cast %swap3A_1382 : i32 to index
    %swap3A_1384 = arith.constant 0 : index
    %swap3A_1385 = tpu.vector_load %arg24[%swap3A_1383, %swap3A_1384] {strides = array<i32>} : memref<16x16xf32, #tpu.memory_space<vmem>>, vector<16xf32>,
    tpu.vector_store %arg24[%swap3A_1383, %swap3A_1384], %broadcast_in_dim3A_1381 {strides = array<i32>} : memref<16x16xf32, #tpu.memory_space<vmem>>, vector<16xf32>,
    %broadcast_in_dim3A_1386 = arith.constant 0.000000e+00 : f32
    %broadcast_in_dim3A_1387 = vector.broadcast %broadcast_in_dim3A_1386 : f32 to vector<16xf32>
    %swap3A_1388 = arith.constant 15 : i32
    %swap3A_1389 = arith.index_cast %swap3A_1388 : i32 to index
    %swap3A_1390 = arith.constant 0 : index
    %swap3A_1391 = tpu.vector_load %arg24[%swap3A_1389, %swap3A_1390] {strides = array<i32>} : memref<16x16xf32, #tpu.memory_space<vmem>>, vector<16xf32>,
    tpu.vector_store %arg24[%swap3A_1389, %swap3A_1390], %broadcast_in_dim3A_1387 {strides = array<i32>} : memref<16x16xf32, #tpu.memory_space<vmem>>, vector<16xf32>,
    %broadcast_in_dim3A_1392 = arith.constant 0.000000e+00 : f32
    %broadcast_in_dim3A_1393 = vector.broadcast %broadcast_in_dim3A_1392 : f32 to vector<16xf32>
    %swap3A_1394 = arith.constant 0 : i32
    %swap3A_1395 = arith.index_cast %swap3A_1394 : i32 to index
    %swap3A_1396 = arith.constant 0 : index
    %swap3A_1397 = tpu.vector_load %arg25[%swap3A_1395, %swap3A_1396] {strides = array<i32>} : memref<16x16xf32, #tpu.memory_space<vmem>>, vector<16xf32>,
    tpu.vector_store %arg25[%swap3A_1395, %swap3A_1396], %broadcast_in_dim3A_1393 {strides = array<i32>} : memref<16x16xf32, #tpu.memory_space<vmem>>, vector<16xf32>,
    %broadcast_in_dim3A_1398 = arith.constant 0.000000e+00 : f32
    %broadcast_in_dim3A_1399 = vector.broadcast %broadcast_in_dim3A_1398 : f32 to vector<16xf32>
    %swap3A_1400 = arith.constant 1 : i32
    %swap3A_1401 = arith.index_cast %swap3A_1400 : i32 to index
    %swap3A_1402 = arith.constant 0 : index
    %swap3A_1403 = tpu.vector_load %arg25[%swap3A_1401, %swap3A_1402] {strides = array<i32>} : memref<16x16xf32, #tpu.memory_space<vmem>>, vector<16xf32>,
    tpu.vector_store %arg25[%swap3A_1401, %swap3A_1402], %broadcast_in_dim3A_1399 {strides = array<i32>} : memref<16x16xf32, #tpu.memory_space<vmem>>, vector<16xf32>,
    %broadcast_in_dim3A_1404 = arith.constant 0.000000e+00 : f32
    %broadcast_in_dim3A_1405 = vector.broadcast %broadcast_in_dim3A_1404 : f32 to vector<16xf32>
    %swap3A_1406 = arith.constant 2 : i32
    %swap3A_1407 = arith.index_cast %swap3A_1406 : i32 to index
    %swap3A_1408 = arith.constant 0 : index
    %swap3A_1409 = tpu.vector_load %arg25[%swap3A_1407, %swap3A_1408] {strides = array<i32>} : memref<16x16xf32, #tpu.memory_space<vmem>>, vector<16xf32>,
    tpu.vector_store %arg25[%swap3A_1407, %swap3A_1408], %broadcast_in_dim3A_1405 {strides = array<i32>} : memref<16x16xf32, #tpu.memory_space<vmem>>, vector<16xf32>,
    %broadcast_in_dim3A_1410 = arith.constant 0.000000e+00 : f32
    %broadcast_in_dim3A_1411 = vector.broadcast %broadcast_in_dim3A_1410 : f32 to vector<16xf32>
    %swap3A_1412 = arith.constant 3 : i32
    %swap3A_1413 = arith.index_cast %swap3A_1412 : i32 to index
    %swap3A_1414 = arith.constant 0 : index
    %swap3A_1415 = tpu.vector_load %arg25[%swap3A_1413, %swap3A_1414] {strides = array<i32>} : memref<16x16xf32, #tpu.memory_space<vmem>>, vector<16xf32>,
    tpu.vector_store %arg25[%swap3A_1413, %swap3A_1414], %broadcast_in_dim3A_1411 {strides = array<i32>} : memref<16x16xf32, #tpu.memory_space<vmem>>, vector<16xf32>,
    %broadcast_in_dim3A_1416 = arith.constant 0.000000e+00 : f32
    %broadcast_in_dim3A_1417 = vector.broadcast %broadcast_in_dim3A_1416 : f32 to vector<16xf32>
    %swap3A_1418 = arith.constant 4 : i32
    %swap3A_1419 = arith.index_cast %swap3A_1418 : i32 to index
    %swap3A_1420 = arith.constant 0 : index
    %swap3A_1421 = tpu.vector_load %arg25[%swap3A_1419, %swap3A_1420] {strides = array<i32>} : memref<16x16xf32, #tpu.memory_space<vmem>>, vector<16xf32>,
    tpu.vector_store %arg25[%swap3A_1419, %swap3A_1420], %broadcast_in_dim3A_1417 {strides = array<i32>} : memref<16x16xf32, #tpu.memory_space<vmem>>, vector<16xf32>,
    %broadcast_in_dim3A_1422 = arith.constant 0.000000e+00 : f32
    %broadcast_in_dim3A_1423 = vector.broadcast %broadcast_in_dim3A_1422 : f32 to vector<16xf32>
    %swap3A_1424 = arith.constant 5 : i32
    %swap3A_1425 = arith.index_cast %swap3A_1424 : i32 to index
    %swap3A_1426 = arith.constant 0 : index
    %swap3A_1427 = tpu.vector_load %arg25[%swap3A_1425, %swap3A_1426] {strides = array<i32>} : memref<16x16xf32, #tpu.memory_space<vmem>>, vector<16xf32>,
    tpu.vector_store %arg25[%swap3A_1425, %swap3A_1426], %broadcast_in_dim3A_1423 {strides = array<i32>} : memref<16x16xf32, #tpu.memory_space<vmem>>, vector<16xf32>,
    %broadcast_in_dim3A_1428 = arith.constant 0.000000e+00 : f32
    %broadcast_in_dim3A_1429 = vector.broadcast %broadcast_in_dim3A_1428 : f32 to vector<16xf32>
    %swap3A_1430 = arith.constant 6 : i32
    %swap3A_1431 = arith.index_cast %swap3A_1430 : i32 to index
    %swap3A_1432 = arith.constant 0 : index
    %swap3A_1433 = tpu.vector_load %arg25[%swap3A_1431, %swap3A_1432] {strides = array<i32>} : memref<16x16xf32, #tpu.memory_space<vmem>>, vector<16xf32>,
    tpu.vector_store %arg25[%swap3A_1431, %swap3A_1432], %broadcast_in_dim3A_1429 {strides = array<i32>} : memref<16x16xf32, #tpu.memory_space<vmem>>, vector<16xf32>,
    %broadcast_in_dim3A_1434 = arith.constant 0.000000e+00 : f32
    %broadcast_in_dim3A_1435 = vector.broadcast %broadcast_in_dim3A_1434 : f32 to vector<16xf32>
    %swap3A_1436 = arith.constant 7 : i32
    %swap3A_1437 = arith.index_cast %swap3A_1436 : i32 to index
    %swap3A_1438 = arith.constant 0 : index
    %swap3A_1439 = tpu.vector_load %arg25[%swap3A_1437, %swap3A_1438] {strides = array<i32>} : memref<16x16xf32, #tpu.memory_space<vmem>>, vector<16xf32>,
    tpu.vector_store %arg25[%swap3A_1437, %swap3A_1438], %broadcast_in_dim3A_1435 {strides = array<i32>} : memref<16x16xf32, #tpu.memory_space<vmem>>, vector<16xf32>,
    %broadcast_in_dim3A_1440 = arith.constant 0.000000e+00 : f32
    %broadcast_in_dim3A_1441 = vector.broadcast %broadcast_in_dim3A_1440 : f32 to vector<16xf32>
    %swap3A_1442 = arith.constant 8 : i32
    %swap3A_1443 = arith.index_cast %swap3A_1442 : i32 to index
    %swap3A_1444 = arith.constant 0 : index
    %swap3A_1445 = tpu.vector_load %arg25[%swap3A_1443, %swap3A_1444] {strides = array<i32>} : memref<16x16xf32, #tpu.memory_space<vmem>>, vector<16xf32>,
    tpu.vector_store %arg25[%swap3A_1443, %swap3A_1444], %broadcast_in_dim3A_1441 {strides = array<i32>} : memref<16x16xf32, #tpu.memory_space<vmem>>, vector<16xf32>,
    %broadcast_in_dim3A_1446 = arith.constant 0.000000e+00 : f32
    %broadcast_in_dim3A_1447 = vector.broadcast %broadcast_in_dim3A_1446 : f32 to vector<16xf32>
    %swap3A_1448 = arith.constant 9 : i32
    %swap3A_1449 = arith.index_cast %swap3A_1448 : i32 to index
    %swap3A_1450 = arith.constant 0 : index
    %swap3A_1451 = tpu.vector_load %arg25[%swap3A_1449, %swap3A_1450] {strides = array<i32>} : memref<16x16xf32, #tpu.memory_space<vmem>>, vector<16xf32>,
    tpu.vector_store %arg25[%swap3A_1449, %swap3A_1450], %broadcast_in_dim3A_1447 {strides = array<i32>} : memref<16x16xf32, #tpu.memory_space<vmem>>, vector<16xf32>,
    %broadcast_in_dim3A_1452 = arith.constant 0.000000e+00 : f32
    %broadcast_in_dim3A_1453 = vector.broadcast %broadcast_in_dim3A_1452 : f32 to vector<16xf32>
    %swap3A_1454 = arith.constant 10 : i32
    %swap3A_1455 = arith.index_cast %swap3A_1454 : i32 to index
    %swap3A_1456 = arith.constant 0 : index
    %swap3A_1457 = tpu.vector_load %arg25[%swap3A_1455, %swap3A_1456] {strides = array<i32>} : memref<16x16xf32, #tpu.memory_space<vmem>>, vector<16xf32>,
    tpu.vector_store %arg25[%swap3A_1455, %swap3A_1456], %broadcast_in_dim3A_1453 {strides = array<i32>} : memref<16x16xf32, #tpu.memory_space<vmem>>, vector<16xf32>,
    %broadcast_in_dim3A_1458 = arith.constant 0.000000e+00 : f32
    %broadcast_in_dim3A_1459 = vector.broadcast %broadcast_in_dim3A_1458 : f32 to vector<16xf32>
    %swap3A_1460 = arith.constant 11 : i32
    %swap3A_1461 = arith.index_cast %swap3A_1460 : i32 to index
    %swap3A_1462 = arith.constant 0 : index
    %swap3A_1463 = tpu.vector_load %arg25[%swap3A_1461, %swap3A_1462] {strides = array<i32>} : memref<16x16xf32, #tpu.memory_space<vmem>>, vector<16xf32>,
    tpu.vector_store %arg25[%swap3A_1461, %swap3A_1462], %broadcast_in_dim3A_1459 {strides = array<i32>} : memref<16x16xf32, #tpu.memory_space<vmem>>, vector<16xf32>,
    %broadcast_in_dim3A_1464 = arith.constant 0.000000e+00 : f32
    %broadcast_in_dim3A_1465 = vector.broadcast %broadcast_in_dim3A_1464 : f32 to vector<16xf32>
    %swap3A_1466 = arith.constant 12 : i32
    %swap3A_1467 = arith.index_cast %swap3A_1466 : i32 to index
    %swap3A_1468 = arith.constant 0 : index
    %swap3A_1469 = tpu.vector_load %arg25[%swap3A_1467, %swap3A_1468] {strides = array<i32>} : memref<16x16xf32, #tpu.memory_space<vmem>>, vector<16xf32>,
    tpu.vector_store %arg25[%swap3A_1467, %swap3A_1468], %broadcast_in_dim3A_1465 {strides = array<i32>} : memref<16x16xf32, #tpu.memory_space<vmem>>, vector<16xf32>,
    %broadcast_in_dim3A_1470 = arith.constant 0.000000e+00 : f32
    %broadcast_in_dim3A_1471 = vector.broadcast %broadcast_in_dim3A_1470 : f32 to vector<16xf32>
    %swap3A_1472 = arith.constant 13 : i32
    %swap3A_1473 = arith.index_cast %swap3A_1472 : i32 to index
    %swap3A_1474 = arith.constant 0 : index
    %swap3A_1475 = tpu.vector_load %arg25[%swap3A_1473, %swap3A_1474] {strides = array<i32>} : memref<16x16xf32, #tpu.memory_space<vmem>>, vector<16xf32>,
    tpu.vector_store %arg25[%swap3A_1473, %swap3A_1474], %broadcast_in_dim3A_1471 {strides = array<i32>} : memref<16x16xf32, #tpu.memory_space<vmem>>, vector<16xf32>,
    %broadcast_in_dim3A_1476 = arith.constant 0.000000e+00 : f32
    %broadcast_in_dim3A_1477 = vector.broadcast %broadcast_in_dim3A_1476 : f32 to vector<16xf32>
    %swap3A_1478 = arith.constant 14 : i32
    %swap3A_1479 = arith.index_cast %swap3A_1478 : i32 to index
    %swap3A_1480 = arith.constant 0 : index
    %swap3A_1481 = tpu.vector_load %arg25[%swap3A_1479, %swap3A_1480] {strides = array<i32>} : memref<16x16xf32, #tpu.memory_space<vmem>>, vector<16xf32>,
    tpu.vector_store %arg25[%swap3A_1479, %swap3A_1480], %broadcast_in_dim3A_1477 {strides = array<i32>} : memref<16x16xf32, #tpu.memory_space<vmem>>, vector<16xf32>,
    %broadcast_in_dim3A_1482 = arith.constant 0.000000e+00 : f32
    %broadcast_in_dim3A_1483 = vector.broadcast %broadcast_in_dim3A_1482 : f32 to vector<16xf32>
    %swap3A_1484 = arith.constant 15 : i32
    %swap3A_1485 = arith.index_cast %swap3A_1484 : i32 to index
    %swap3A_1486 = arith.constant 0 : index
    %swap3A_1487 = tpu.vector_load %arg25[%swap3A_1485, %swap3A_1486] {strides = array<i32>} : memref<16x16xf32, #tpu.memory_space<vmem>>, vector<16xf32>,
    tpu.vector_store %arg25[%swap3A_1485, %swap3A_1486], %broadcast_in_dim3A_1483 {strides = array<i32>} : memref<16x16xf32, #tpu.memory_space<vmem>>, vector<16xf32>,
    %broadcast_in_dim3A_1488 = arith.constant 0.000000e+00 : f32
    %broadcast_in_dim3A_1489 = vector.broadcast %broadcast_in_dim3A_1488 : f32 to vector<16xf32>
    %swap3A_1490 = arith.constant 0 : i32
    %swap3A_1491 = arith.index_cast %swap3A_1490 : i32 to index
    %swap3A_1492 = arith.constant 0 : index
    %swap3A_1493 = tpu.vector_load %arg26[%swap3A_1491, %swap3A_1492] {strides = array<i32>} : memref<16x16xf32, #tpu.memory_space<vmem>>, vector<16xf32>,
    tpu.vector_store %arg26[%swap3A_1491, %swap3A_1492], %broadcast_in_dim3A_1489 {strides = array<i32>} : memref<16x16xf32, #tpu.memory_space<vmem>>, vector<16xf32>,
    %broadcast_in_dim3A_1494 = arith.constant 0.000000e+00 : f32
    %broadcast_in_dim3A_1495 = vector.broadcast %broadcast_in_dim3A_1494 : f32 to vector<16xf32>
    %swap3A_1496 = arith.constant 1 : i32
    %swap3A_1497 = arith.index_cast %swap3A_1496 : i32 to index
    %swap3A_1498 = arith.constant 0 : index
    %swap3A_1499 = tpu.vector_load %arg26[%swap3A_1497, %swap3A_1498] {strides = array<i32>} : memref<16x16xf32, #tpu.memory_space<vmem>>, vector<16xf32>,
    tpu.vector_store %arg26[%swap3A_1497, %swap3A_1498], %broadcast_in_dim3A_1495 {strides = array<i32>} : memref<16x16xf32, #tpu.memory_space<vmem>>, vector<16xf32>,
    %broadcast_in_dim3A_1500 = arith.constant 0.000000e+00 : f32
    %broadcast_in_dim3A_1501 = vector.broadcast %broadcast_in_dim3A_1500 : f32 to vector<16xf32>
    %swap3A_1502 = arith.constant 2 : i32
    %swap3A_1503 = arith.index_cast %swap3A_1502 : i32 to index
    %swap3A_1504 = arith.constant 0 : index
    %swap3A_1505 = tpu.vector_load %arg26[%swap3A_1503, %swap3A_1504] {strides = array<i32>} : memref<16x16xf32, #tpu.memory_space<vmem>>, vector<16xf32>,
    tpu.vector_store %arg26[%swap3A_1503, %swap3A_1504], %broadcast_in_dim3A_1501 {strides = array<i32>} : memref<16x16xf32, #tpu.memory_space<vmem>>, vector<16xf32>,
    %broadcast_in_dim3A_1506 = arith.constant 0.000000e+00 : f32
    %broadcast_in_dim3A_1507 = vector.broadcast %broadcast_in_dim3A_1506 : f32 to vector<16xf32>
    %swap3A_1508 = arith.constant 3 : i32
    %swap3A_1509 = arith.index_cast %swap3A_1508 : i32 to index
    %swap3A_1510 = arith.constant 0 : index
    %swap3A_1511 = tpu.vector_load %arg26[%swap3A_1509, %swap3A_1510] {strides = array<i32>} : memref<16x16xf32, #tpu.memory_space<vmem>>, vector<16xf32>,
    tpu.vector_store %arg26[%swap3A_1509, %swap3A_1510], %broadcast_in_dim3A_1507 {strides = array<i32>} : memref<16x16xf32, #tpu.memory_space<vmem>>, vector<16xf32>,
    %broadcast_in_dim3A_1512 = arith.constant 0.000000e+00 : f32
    %broadcast_in_dim3A_1513 = vector.broadcast %broadcast_in_dim3A_1512 : f32 to vector<16xf32>
    %swap3A_1514 = arith.constant 4 : i32
    %swap3A_1515 = arith.index_cast %swap3A_1514 : i32 to index
    %swap3A_1516 = arith.constant 0 : index
    %swap3A_1517 = tpu.vector_load %arg26[%swap3A_1515, %swap3A_1516] {strides = array<i32>} : memref<16x16xf32, #tpu.memory_space<vmem>>, vector<16xf32>,
    tpu.vector_store %arg26[%swap3A_1515, %swap3A_1516], %broadcast_in_dim3A_1513 {strides = array<i32>} : memref<16x16xf32, #tpu.memory_space<vmem>>, vector<16xf32>,
    %broadcast_in_dim3A_1518 = arith.constant 0.000000e+00 : f32
    %broadcast_in_dim3A_1519 = vector.broadcast %broadcast_in_dim3A_1518 : f32 to vector<16xf32>
    %swap3A_1520 = arith.constant 5 : i32
    %swap3A_1521 = arith.index_cast %swap3A_1520 : i32 to index
    %swap3A_1522 = arith.constant 0 : index
    %swap3A_1523 = tpu.vector_load %arg26[%swap3A_1521, %swap3A_1522] {strides = array<i32>} : memref<16x16xf32, #tpu.memory_space<vmem>>, vector<16xf32>,
    tpu.vector_store %arg26[%swap3A_1521, %swap3A_1522], %broadcast_in_dim3A_1519 {strides = array<i32>} : memref<16x16xf32, #tpu.memory_space<vmem>>, vector<16xf32>,
    %broadcast_in_dim3A_1524 = arith.constant 0.000000e+00 : f32
    %broadcast_in_dim3A_1525 = vector.broadcast %broadcast_in_dim3A_1524 : f32 to vector<16xf32>
    %swap3A_1526 = arith.constant 6 : i32
    %swap3A_1527 = arith.index_cast %swap3A_1526 : i32 to index
    %swap3A_1528 = arith.constant 0 : index
    %swap3A_1529 = tpu.vector_load %arg26[%swap3A_1527, %swap3A_1528] {strides = array<i32>} : memref<16x16xf32, #tpu.memory_space<vmem>>, vector<16xf32>,
    tpu.vector_store %arg26[%swap3A_1527, %swap3A_1528], %broadcast_in_dim3A_1525 {strides = array<i32>} : memref<16x16xf32, #tpu.memory_space<vmem>>, vector<16xf32>,
    %broadcast_in_dim3A_1530 = arith.constant 0.000000e+00 : f32
    %broadcast_in_dim3A_1531 = vector.broadcast %broadcast_in_dim3A_1530 : f32 to vector<16xf32>
    %swap3A_1532 = arith.constant 7 : i32
    %swap3A_1533 = arith.index_cast %swap3A_1532 : i32 to index
    %swap3A_1534 = arith.constant 0 : index
    %swap3A_1535 = tpu.vector_load %arg26[%swap3A_1533, %swap3A_1534] {strides = array<i32>} : memref<16x16xf32, #tpu.memory_space<vmem>>, vector<16xf32>,
    tpu.vector_store %arg26[%swap3A_1533, %swap3A_1534], %broadcast_in_dim3A_1531 {strides = array<i32>} : memref<16x16xf32, #tpu.memory_space<vmem>>, vector<16xf32>,
    %broadcast_in_dim3A_1536 = arith.constant 0.000000e+00 : f32
    %broadcast_in_dim3A_1537 = vector.broadcast %broadcast_in_dim3A_1536 : f32 to vector<16xf32>
    %swap3A_1538 = arith.constant 8 : i32
    %swap3A_1539 = arith.index_cast %swap3A_1538 : i32 to index
    %swap3A_1540 = arith.constant 0 : index
    %swap3A_1541 = tpu.vector_load %arg26[%swap3A_1539, %swap3A_1540] {strides = array<i32>} : memref<16x16xf32, #tpu.memory_space<vmem>>, vector<16xf32>,
    tpu.vector_store %arg26[%swap3A_1539, %swap3A_1540], %broadcast_in_dim3A_1537 {strides = array<i32>} : memref<16x16xf32, #tpu.memory_space<vmem>>, vector<16xf32>,
    %broadcast_in_dim3A_1542 = arith.constant 0.000000e+00 : f32
    %broadcast_in_dim3A_1543 = vector.broadcast %broadcast_in_dim3A_1542 : f32 to vector<16xf32>
    %swap3A_1544 = arith.constant 9 : i32
    %swap3A_1545 = arith.index_cast %swap3A_1544 : i32 to index
    %swap3A_1546 = arith.constant 0 : index
    %swap3A_1547 = tpu.vector_load %arg26[%swap3A_1545, %swap3A_1546] {strides = array<i32>} : memref<16x16xf32, #tpu.memory_space<vmem>>, vector<16xf32>,
    tpu.vector_store %arg26[%swap3A_1545, %swap3A_1546], %broadcast_in_dim3A_1543 {strides = array<i32>} : memref<16x16xf32, #tpu.memory_space<vmem>>, vector<16xf32>,
    %broadcast_in_dim3A_1548 = arith.constant 0.000000e+00 : f32
    %broadcast_in_dim3A_1549 = vector.broadcast %broadcast_in_dim3A_1548 : f32 to vector<16xf32>
    %swap3A_1550 = arith.constant 10 : i32
    %swap3A_1551 = arith.index_cast %swap3A_1550 : i32 to index
    %swap3A_1552 = arith.constant 0 : index
    %swap3A_1553 = tpu.vector_load %arg26[%swap3A_1551, %swap3A_1552] {strides = array<i32>} : memref<16x16xf32, #tpu.memory_space<vmem>>, vector<16xf32>,
    tpu.vector_store %arg26[%swap3A_1551, %swap3A_1552], %broadcast_in_dim3A_1549 {strides = array<i32>} : memref<16x16xf32, #tpu.memory_space<vmem>>, vector<16xf32>,
    %broadcast_in_dim3A_1554 = arith.constant 0.000000e+00 : f32
    %broadcast_in_dim3A_1555 = vector.broadcast %broadcast_in_dim3A_1554 : f32 to vector<16xf32>
    %swap3A_1556 = arith.constant 11 : i32
    %swap3A_1557 = arith.index_cast %swap3A_1556 : i32 to index
    %swap3A_1558 = arith.constant 0 : index
    %swap3A_1559 = tpu.vector_load %arg26[%swap3A_1557, %swap3A_1558] {strides = array<i32>} : memref<16x16xf32, #tpu.memory_space<vmem>>, vector<16xf32>,
    tpu.vector_store %arg26[%swap3A_1557, %swap3A_1558], %broadcast_in_dim3A_1555 {strides = array<i32>} : memref<16x16xf32, #tpu.memory_space<vmem>>, vector<16xf32>,
    %broadcast_in_dim3A_1560 = arith.constant 0.000000e+00 : f32
    %broadcast_in_dim3A_1561 = vector.broadcast %broadcast_in_dim3A_1560 : f32 to vector<16xf32>
    %swap3A_1562 = arith.constant 12 : i32
    %swap3A_1563 = arith.index_cast %swap3A_1562 : i32 to index
    %swap3A_1564 = arith.constant 0 : index
    %swap3A_1565 = tpu.vector_load %arg26[%swap3A_1563, %swap3A_1564] {strides = array<i32>} : memref<16x16xf32, #tpu.memory_space<vmem>>, vector<16xf32>,
    tpu.vector_store %arg26[%swap3A_1563, %swap3A_1564], %broadcast_in_dim3A_1561 {strides = array<i32>} : memref<16x16xf32, #tpu.memory_space<vmem>>, vector<16xf32>,
    %broadcast_in_dim3A_1566 = arith.constant 0.000000e+00 : f32
    %broadcast_in_dim3A_1567 = vector.broadcast %broadcast_in_dim3A_1566 : f32 to vector<16xf32>
    %swap3A_1568 = arith.constant 13 : i32
    %swap3A_1569 = arith.index_cast %swap3A_1568 : i32 to index
    %swap3A_1570 = arith.constant 0 : index
    %swap3A_1571 = tpu.vector_load %arg26[%swap3A_1569, %swap3A_1570] {strides = array<i32>} : memref<16x16xf32, #tpu.memory_space<vmem>>, vector<16xf32>,
    tpu.vector_store %arg26[%swap3A_1569, %swap3A_1570], %broadcast_in_dim3A_1567 {strides = array<i32>} : memref<16x16xf32, #tpu.memory_space<vmem>>, vector<16xf32>,
    %broadcast_in_dim3A_1572 = arith.constant 0.000000e+00 : f32
    %broadcast_in_dim3A_1573 = vector.broadcast %broadcast_in_dim3A_1572 : f32 to vector<16xf32>
    %swap3A_1574 = arith.constant 14 : i32
    %swap3A_1575 = arith.index_cast %swap3A_1574 : i32 to index
    %swap3A_1576 = arith.constant 0 : index
    %swap3A_1577 = tpu.vector_load %arg26[%swap3A_1575, %swap3A_1576] {strides = array<i32>} : memref<16x16xf32, #tpu.memory_space<vmem>>, vector<16xf32>,
    tpu.vector_store %arg26[%swap3A_1575, %swap3A_1576], %broadcast_in_dim3A_1573 {strides = array<i32>} : memref<16x16xf32, #tpu.memory_space<vmem>>, vector<16xf32>,
    %broadcast_in_dim3A_1578 = arith.constant 0.000000e+00 : f32
    %broadcast_in_dim3A_1579 = vector.broadcast %broadcast_in_dim3A_1578 : f32 to vector<16xf32>
    %swap3A_1580 = arith.constant 15 : i32
    %swap3A_1581 = arith.index_cast %swap3A_1580 : i32 to index
    %swap3A_1582 = arith.constant 0 : index
    %swap3A_1583 = tpu.vector_load %arg26[%swap3A_1581, %swap3A_1582] {strides = array<i32>} : memref<16x16xf32, #tpu.memory_space<vmem>>, vector<16xf32>,
    tpu.vector_store %arg26[%swap3A_1581, %swap3A_1582], %broadcast_in_dim3A_1579 {strides = array<i32>} : memref<16x16xf32, #tpu.memory_space<vmem>>, vector<16xf32>,
    %broadcast_in_dim3A_1584 = arith.constant 0.000000e+00 : f32
    %broadcast_in_dim3A_1585 = vector.broadcast %broadcast_in_dim3A_1584 : f32 to vector<16xf32>
    %swap3A_1586 = arith.constant 0 : i32
    %swap3A_1587 = arith.index_cast %swap3A_1586 : i32 to index
    %swap3A_1588 = arith.constant 0 : index
    %swap3A_1589 = tpu.vector_load %arg27[%swap3A_1587, %swap3A_1588] {strides = array<i32>} : memref<16x16xf32, #tpu.memory_space<vmem>>, vector<16xf32>,
    tpu.vector_store %arg27[%swap3A_1587, %swap3A_1588], %broadcast_in_dim3A_1585 {strides = array<i32>} : memref<16x16xf32, #tpu.memory_space<vmem>>, vector<16xf32>,
    %broadcast_in_dim3A_1590 = arith.constant 0.000000e+00 : f32
    %broadcast_in_dim3A_1591 = vector.broadcast %broadcast_in_dim3A_1590 : f32 to vector<16xf32>
    %swap3A_1592 = arith.constant 1 : i32
    %swap3A_1593 = arith.index_cast %swap3A_1592 : i32 to index
    %swap3A_1594 = arith.constant 0 : index
    %swap3A_1595 = tpu.vector_load %arg27[%swap3A_1593, %swap3A_1594] {strides = array<i32>} : memref<16x16xf32, #tpu.memory_space<vmem>>, vector<16xf32>,
    tpu.vector_store %arg27[%swap3A_1593, %swap3A_1594], %broadcast_in_dim3A_1591 {strides = array<i32>} : memref<16x16xf32, #tpu.memory_space<vmem>>, vector<16xf32>,
    %broadcast_in_dim3A_1596 = arith.constant 0.000000e+00 : f32
    %broadcast_in_dim3A_1597 = vector.broadcast %broadcast_in_dim3A_1596 : f32 to vector<16xf32>
    %swap3A_1598 = arith.constant 2 : i32
    %swap3A_1599 = arith.index_cast %swap3A_1598 : i32 to index
    %swap3A_1600 = arith.constant 0 : index
    %swap3A_1601 = tpu.vector_load %arg27[%swap3A_1599, %swap3A_1600] {strides = array<i32>} : memref<16x16xf32, #tpu.memory_space<vmem>>, vector<16xf32>,
    tpu.vector_store %arg27[%swap3A_1599, %swap3A_1600], %broadcast_in_dim3A_1597 {strides = array<i32>} : memref<16x16xf32, #tpu.memory_space<vmem>>, vector<16xf32>,
    %broadcast_in_dim3A_1602 = arith.constant 0.000000e+00 : f32
    %broadcast_in_dim3A_1603 = vector.broadcast %broadcast_in_dim3A_1602 : f32 to vector<16xf32>
    %swap3A_1604 = arith.constant 3 : i32
    %swap3A_1605 = arith.index_cast %swap3A_1604 : i32 to index
    %swap3A_1606 = arith.constant 0 : index
    %swap3A_1607 = tpu.vector_load %arg27[%swap3A_1605, %swap3A_1606] {strides = array<i32>} : memref<16x16xf32, #tpu.memory_space<vmem>>, vector<16xf32>,
    tpu.vector_store %arg27[%swap3A_1605, %swap3A_1606], %broadcast_in_dim3A_1603 {strides = array<i32>} : memref<16x16xf32, #tpu.memory_space<vmem>>, vector<16xf32>,
    %broadcast_in_dim3A_1608 = arith.constant 0.000000e+00 : f32
    %broadcast_in_dim3A_1609 = vector.broadcast %broadcast_in_dim3A_1608 : f32 to vector<16xf32>
    %swap3A_1610 = arith.constant 4 : i32
    %swap3A_1611 = arith.index_cast %swap3A_1610 : i32 to index
    %swap3A_1612 = arith.constant 0 : index
    %swap3A_1613 = tpu.vector_load %arg27[%swap3A_1611, %swap3A_1612] {strides = array<i32>} : memref<16x16xf32, #tpu.memory_space<vmem>>, vector<16xf32>,
    tpu.vector_store %arg27[%swap3A_1611, %swap3A_1612], %broadcast_in_dim3A_1609 {strides = array<i32>} : memref<16x16xf32, #tpu.memory_space<vmem>>, vector<16xf32>,
    %broadcast_in_dim3A_1614 = arith.constant 0.000000e+00 : f32
    %broadcast_in_dim3A_1615 = vector.broadcast %broadcast_in_dim3A_1614 : f32 to vector<16xf32>
    %swap3A_1616 = arith.constant 5 : i32
    %swap3A_1617 = arith.index_cast %swap3A_1616 : i32 to index
    %swap3A_1618 = arith.constant 0 : index
    %swap3A_1619 = tpu.vector_load %arg27[%swap3A_1617, %swap3A_1618] {strides = array<i32>} : memref<16x16xf32, #tpu.memory_space<vmem>>, vector<16xf32>,
    tpu.vector_store %arg27[%swap3A_1617, %swap3A_1618], %broadcast_in_dim3A_1615 {strides = array<i32>} : memref<16x16xf32, #tpu.memory_space<vmem>>, vector<16xf32>,
    %broadcast_in_dim3A_1620 = arith.constant 0.000000e+00 : f32
    %broadcast_in_dim3A_1621 = vector.broadcast %broadcast_in_dim3A_1620 : f32 to vector<16xf32>
    %swap3A_1622 = arith.constant 6 : i32
    %swap3A_1623 = arith.index_cast %swap3A_1622 : i32 to index
    %swap3A_1624 = arith.constant 0 : index
    %swap3A_1625 = tpu.vector_load %arg27[%swap3A_1623, %swap3A_1624] {strides = array<i32>} : memref<16x16xf32, #tpu.memory_space<vmem>>, vector<16xf32>,
    tpu.vector_store %arg27[%swap3A_1623, %swap3A_1624], %broadcast_in_dim3A_1621 {strides = array<i32>} : memref<16x16xf32, #tpu.memory_space<vmem>>, vector<16xf32>,
    %broadcast_in_dim3A_1626 = arith.constant 0.000000e+00 : f32
    %broadcast_in_dim3A_1627 = vector.broadcast %broadcast_in_dim3A_1626 : f32 to vector<16xf32>
    %swap3A_1628 = arith.constant 7 : i32
    %swap3A_1629 = arith.index_cast %swap3A_1628 : i32 to index
    %swap3A_1630 = arith.constant 0 : index
    %swap3A_1631 = tpu.vector_load %arg27[%swap3A_1629, %swap3A_1630] {strides = array<i32>} : memref<16x16xf32, #tpu.memory_space<vmem>>, vector<16xf32>,
    tpu.vector_store %arg27[%swap3A_1629, %swap3A_1630], %broadcast_in_dim3A_1627 {strides = array<i32>} : memref<16x16xf32, #tpu.memory_space<vmem>>, vector<16xf32>,
    %broadcast_in_dim3A_1632 = arith.constant 0.000000e+00 : f32
    %broadcast_in_dim3A_1633 = vector.broadcast %broadcast_in_dim3A_1632 : f32 to vector<16xf32>
    %swap3A_1634 = arith.constant 8 : i32
    %swap3A_1635 = arith.index_cast %swap3A_1634 : i32 to index
    %swap3A_1636 = arith.constant 0 : index
    %swap3A_1637 = tpu.vector_load %arg27[%swap3A_1635, %swap3A_1636] {strides = array<i32>} : memref<16x16xf32, #tpu.memory_space<vmem>>, vector<16xf32>,
    tpu.vector_store %arg27[%swap3A_1635, %swap3A_1636], %broadcast_in_dim3A_1633 {strides = array<i32>} : memref<16x16xf32, #tpu.memory_space<vmem>>, vector<16xf32>,
    %broadcast_in_dim3A_1638 = arith.constant 0.000000e+00 : f32
    %broadcast_in_dim3A_1639 = vector.broadcast %broadcast_in_dim3A_1638 : f32 to vector<16xf32>
    %swap3A_1640 = arith.constant 9 : i32
    %swap3A_1641 = arith.index_cast %swap3A_1640 : i32 to index
    %swap3A_1642 = arith.constant 0 : index
    %swap3A_1643 = tpu.vector_load %arg27[%swap3A_1641, %swap3A_1642] {strides = array<i32>} : memref<16x16xf32, #tpu.memory_space<vmem>>, vector<16xf32>,
    tpu.vector_store %arg27[%swap3A_1641, %swap3A_1642], %broadcast_in_dim3A_1639 {strides = array<i32>} : memref<16x16xf32, #tpu.memory_space<vmem>>, vector<16xf32>,
    %broadcast_in_dim3A_1644 = arith.constant 0.000000e+00 : f32
    %broadcast_in_dim3A_1645 = vector.broadcast %broadcast_in_dim3A_1644 : f32 to vector<16xf32>
    %swap3A_1646 = arith.constant 10 : i32
    %swap3A_1647 = arith.index_cast %swap3A_1646 : i32 to index
    %swap3A_1648 = arith.constant 0 : index
    %swap3A_1649 = tpu.vector_load %arg27[%swap3A_1647, %swap3A_1648] {strides = array<i32>} : memref<16x16xf32, #tpu.memory_space<vmem>>, vector<16xf32>,
    tpu.vector_store %arg27[%swap3A_1647, %swap3A_1648], %broadcast_in_dim3A_1645 {strides = array<i32>} : memref<16x16xf32, #tpu.memory_space<vmem>>, vector<16xf32>,
    %broadcast_in_dim3A_1650 = arith.constant 0.000000e+00 : f32
    %broadcast_in_dim3A_1651 = vector.broadcast %broadcast_in_dim3A_1650 : f32 to vector<16xf32>
    %swap3A_1652 = arith.constant 11 : i32
    %swap3A_1653 = arith.index_cast %swap3A_1652 : i32 to index
    %swap3A_1654 = arith.constant 0 : index
    %swap3A_1655 = tpu.vector_load %arg27[%swap3A_1653, %swap3A_1654] {strides = array<i32>} : memref<16x16xf32, #tpu.memory_space<vmem>>, vector<16xf32>,
    tpu.vector_store %arg27[%swap3A_1653, %swap3A_1654], %broadcast_in_dim3A_1651 {strides = array<i32>} : memref<16x16xf32, #tpu.memory_space<vmem>>, vector<16xf32>,
    %broadcast_in_dim3A_1656 = arith.constant 0.000000e+00 : f32
    %broadcast_in_dim3A_1657 = vector.broadcast %broadcast_in_dim3A_1656 : f32 to vector<16xf32>
    %swap3A_1658 = arith.constant 12 : i32
    %swap3A_1659 = arith.index_cast %swap3A_1658 : i32 to index
    %swap3A_1660 = arith.constant 0 : index
    %swap3A_1661 = tpu.vector_load %arg27[%swap3A_1659, %swap3A_1660] {strides = array<i32>} : memref<16x16xf32, #tpu.memory_space<vmem>>, vector<16xf32>,
    tpu.vector_store %arg27[%swap3A_1659, %swap3A_1660], %broadcast_in_dim3A_1657 {strides = array<i32>} : memref<16x16xf32, #tpu.memory_space<vmem>>, vector<16xf32>,
    %broadcast_in_dim3A_1662 = arith.constant 0.000000e+00 : f32
    %broadcast_in_dim3A_1663 = vector.broadcast %broadcast_in_dim3A_1662 : f32 to vector<16xf32>
    %swap3A_1664 = arith.constant 13 : i32
    %swap3A_1665 = arith.index_cast %swap3A_1664 : i32 to index
    %swap3A_1666 = arith.constant 0 : index
    %swap3A_1667 = tpu.vector_load %arg27[%swap3A_1665, %swap3A_1666] {strides = array<i32>} : memref<16x16xf32, #tpu.memory_space<vmem>>, vector<16xf32>,
    tpu.vector_store %arg27[%swap3A_1665, %swap3A_1666], %broadcast_in_dim3A_1663 {strides = array<i32>} : memref<16x16xf32, #tpu.memory_space<vmem>>, vector<16xf32>,
    %broadcast_in_dim3A_1668 = arith.constant 0.000000e+00 : f32
    %broadcast_in_dim3A_1669 = vector.broadcast %broadcast_in_dim3A_1668 : f32 to vector<16xf32>
    %swap3A_1670 = arith.constant 14 : i32
    %swap3A_1671 = arith.index_cast %swap3A_1670 : i32 to index
    %swap3A_1672 = arith.constant 0 : index
    %swap3A_1673 = tpu.vector_load %arg27[%swap3A_1671, %swap3A_1672] {strides = array<i32>} : memref<16x16xf32, #tpu.memory_space<vmem>>, vector<16xf32>,
    tpu.vector_store %arg27[%swap3A_1671, %swap3A_1672], %broadcast_in_dim3A_1669 {strides = array<i32>} : memref<16x16xf32, #tpu.memory_space<vmem>>, vector<16xf32>,
    %broadcast_in_dim3A_1674 = arith.constant 0.000000e+00 : f32
    %broadcast_in_dim3A_1675 = vector.broadcast %broadcast_in_dim3A_1674 : f32 to vector<16xf32>
    %swap3A_1676 = arith.constant 15 : i32
    %swap3A_1677 = arith.index_cast %swap3A_1676 : i32 to index
    %swap3A_1678 = arith.constant 0 : index
    %swap3A_1679 = tpu.vector_load %arg27[%swap3A_1677, %swap3A_1678] {strides = array<i32>} : memref<16x16xf32, #tpu.memory_space<vmem>>, vector<16xf32>,
    tpu.vector_store %arg27[%swap3A_1677, %swap3A_1678], %broadcast_in_dim3A_1675 {strides = array<i32>} : memref<16x16xf32, #tpu.memory_space<vmem>>, vector<16xf32>,
    %broadcast_in_dim3A_1680 = arith.constant 0.000000e+00 : f32
    %broadcast_in_dim3A_1681 = vector.broadcast %broadcast_in_dim3A_1680 : f32 to vector<16xf32>
    %swap3A_1682 = arith.constant 0 : i32
    %swap3A_1683 = arith.index_cast %swap3A_1682 : i32 to index
    %swap3A_1684 = arith.constant 0 : index
    %swap3A_1685 = tpu.vector_load %arg28[%swap3A_1683, %swap3A_1684] {strides = array<i32>} : memref<16x16xf32, #tpu.memory_space<vmem>>, vector<16xf32>,
    tpu.vector_store %arg28[%swap3A_1683, %swap3A_1684], %broadcast_in_dim3A_1681 {strides = array<i32>} : memref<16x16xf32, #tpu.memory_space<vmem>>, vector<16xf32>,
    %broadcast_in_dim3A_1686 = arith.constant 0.000000e+00 : f32
    %broadcast_in_dim3A_1687 = vector.broadcast %broadcast_in_dim3A_1686 : f32 to vector<16xf32>
    %swap3A_1688 = arith.constant 1 : i32
    %swap3A_1689 = arith.index_cast %swap3A_1688 : i32 to index
    %swap3A_1690 = arith.constant 0 : index
    %swap3A_1691 = tpu.vector_load %arg28[%swap3A_1689, %swap3A_1690] {strides = array<i32>} : memref<16x16xf32, #tpu.memory_space<vmem>>, vector<16xf32>,
    tpu.vector_store %arg28[%swap3A_1689, %swap3A_1690], %broadcast_in_dim3A_1687 {strides = array<i32>} : memref<16x16xf32, #tpu.memory_space<vmem>>, vector<16xf32>,
    %broadcast_in_dim3A_1692 = arith.constant 0.000000e+00 : f32
    %broadcast_in_dim3A_1693 = vector.broadcast %broadcast_in_dim3A_1692 : f32 to vector<16xf32>
    %swap3A_1694 = arith.constant 2 : i32
    %swap3A_1695 = arith.index_cast %swap3A_1694 : i32 to index
    %swap3A_1696 = arith.constant 0 : index
    %swap3A_1697 = tpu.vector_load %arg28[%swap3A_1695, %swap3A_1696] {strides = array<i32>} : memref<16x16xf32, #tpu.memory_space<vmem>>, vector<16xf32>,
    tpu.vector_store %arg28[%swap3A_1695, %swap3A_1696], %broadcast_in_dim3A_1693 {strides = array<i32>} : memref<16x16xf32, #tpu.memory_space<vmem>>, vector<16xf32>,
    %broadcast_in_dim3A_1698 = arith.constant 0.000000e+00 : f32
    %broadcast_in_dim3A_1699 = vector.broadcast %broadcast_in_dim3A_1698 : f32 to vector<16xf32>
    %swap3A_1700 = arith.constant 3 : i32
    %swap3A_1701 = arith.index_cast %swap3A_1700 : i32 to index
    %swap3A_1702 = arith.constant 0 : index
    %swap3A_1703 = tpu.vector_load %arg28[%swap3A_1701, %swap3A_1702] {strides = array<i32>} : memref<16x16xf32, #tpu.memory_space<vmem>>, vector<16xf32>,
    tpu.vector_store %arg28[%swap3A_1701, %swap3A_1702], %broadcast_in_dim3A_1699 {strides = array<i32>} : memref<16x16xf32, #tpu.memory_space<vmem>>, vector<16xf32>,
    %broadcast_in_dim3A_1704 = arith.constant 0.000000e+00 : f32
    %broadcast_in_dim3A_1705 = vector.broadcast %broadcast_in_dim3A_1704 : f32 to vector<16xf32>
    %swap3A_1706 = arith.constant 4 : i32
    %swap3A_1707 = arith.index_cast %swap3A_1706 : i32 to index
    %swap3A_1708 = arith.constant 0 : index
    %swap3A_1709 = tpu.vector_load %arg28[%swap3A_1707, %swap3A_1708] {strides = array<i32>} : memref<16x16xf32, #tpu.memory_space<vmem>>, vector<16xf32>,
    tpu.vector_store %arg28[%swap3A_1707, %swap3A_1708], %broadcast_in_dim3A_1705 {strides = array<i32>} : memref<16x16xf32, #tpu.memory_space<vmem>>, vector<16xf32>,
    %broadcast_in_dim3A_1710 = arith.constant 0.000000e+00 : f32
    %broadcast_in_dim3A_1711 = vector.broadcast %broadcast_in_dim3A_1710 : f32 to vector<16xf32>
    %swap3A_1712 = arith.constant 5 : i32
    %swap3A_1713 = arith.index_cast %swap3A_1712 : i32 to index
    %swap3A_1714 = arith.constant 0 : index
    %swap3A_1715 = tpu.vector_load %arg28[%swap3A_1713, %swap3A_1714] {strides = array<i32>} : memref<16x16xf32, #tpu.memory_space<vmem>>, vector<16xf32>,
    tpu.vector_store %arg28[%swap3A_1713, %swap3A_1714], %broadcast_in_dim3A_1711 {strides = array<i32>} : memref<16x16xf32, #tpu.memory_space<vmem>>, vector<16xf32>,
    %broadcast_in_dim3A_1716 = arith.constant 0.000000e+00 : f32
    %broadcast_in_dim3A_1717 = vector.broadcast %broadcast_in_dim3A_1716 : f32 to vector<16xf32>
    %swap3A_1718 = arith.constant 6 : i32
    %swap3A_1719 = arith.index_cast %swap3A_1718 : i32 to index
    %swap3A_1720 = arith.constant 0 : index
    %swap3A_1721 = tpu.vector_load %arg28[%swap3A_1719, %swap3A_1720] {strides = array<i32>} : memref<16x16xf32, #tpu.memory_space<vmem>>, vector<16xf32>,
    tpu.vector_store %arg28[%swap3A_1719, %swap3A_1720], %broadcast_in_dim3A_1717 {strides = array<i32>} : memref<16x16xf32, #tpu.memory_space<vmem>>, vector<16xf32>,
    %broadcast_in_dim3A_1722 = arith.constant 0.000000e+00 : f32
    %broadcast_in_dim3A_1723 = vector.broadcast %broadcast_in_dim3A_1722 : f32 to vector<16xf32>
    %swap3A_1724 = arith.constant 7 : i32
    %swap3A_1725 = arith.index_cast %swap3A_1724 : i32 to index
    %swap3A_1726 = arith.constant 0 : index
    %swap3A_1727 = tpu.vector_load %arg28[%swap3A_1725, %swap3A_1726] {strides = array<i32>} : memref<16x16xf32, #tpu.memory_space<vmem>>, vector<16xf32>,
    tpu.vector_store %arg28[%swap3A_1725, %swap3A_1726], %broadcast_in_dim3A_1723 {strides = array<i32>} : memref<16x16xf32, #tpu.memory_space<vmem>>, vector<16xf32>,
    %broadcast_in_dim3A_1728 = arith.constant 0.000000e+00 : f32
    %broadcast_in_dim3A_1729 = vector.broadcast %broadcast_in_dim3A_1728 : f32 to vector<16xf32>
    %swap3A_1730 = arith.constant 8 : i32
    %swap3A_1731 = arith.index_cast %swap3A_1730 : i32 to index
    %swap3A_1732 = arith.constant 0 : index
    %swap3A_1733 = tpu.vector_load %arg28[%swap3A_1731, %swap3A_1732] {strides = array<i32>} : memref<16x16xf32, #tpu.memory_space<vmem>>, vector<16xf32>,
    tpu.vector_store %arg28[%swap3A_1731, %swap3A_1732], %broadcast_in_dim3A_1729 {strides = array<i32>} : memref<16x16xf32, #tpu.memory_space<vmem>>, vector<16xf32>,
    %broadcast_in_dim3A_1734 = arith.constant 0.000000e+00 : f32
    %broadcast_in_dim3A_1735 = vector.broadcast %broadcast_in_dim3A_1734 : f32 to vector<16xf32>
    %swap3A_1736 = arith.constant 9 : i32
    %swap3A_1737 = arith.index_cast %swap3A_1736 : i32 to index
    %swap3A_1738 = arith.constant 0 : index
    %swap3A_1739 = tpu.vector_load %arg28[%swap3A_1737, %swap3A_1738] {strides = array<i32>} : memref<16x16xf32, #tpu.memory_space<vmem>>, vector<16xf32>,
    tpu.vector_store %arg28[%swap3A_1737, %swap3A_1738], %broadcast_in_dim3A_1735 {strides = array<i32>} : memref<16x16xf32, #tpu.memory_space<vmem>>, vector<16xf32>,
    %broadcast_in_dim3A_1740 = arith.constant 0.000000e+00 : f32
    %broadcast_in_dim3A_1741 = vector.broadcast %broadcast_in_dim3A_1740 : f32 to vector<16xf32>
    %swap3A_1742 = arith.constant 10 : i32
    %swap3A_1743 = arith.index_cast %swap3A_1742 : i32 to index
    %swap3A_1744 = arith.constant 0 : index
    %swap3A_1745 = tpu.vector_load %arg28[%swap3A_1743, %swap3A_1744] {strides = array<i32>} : memref<16x16xf32, #tpu.memory_space<vmem>>, vector<16xf32>,
    tpu.vector_store %arg28[%swap3A_1743, %swap3A_1744], %broadcast_in_dim3A_1741 {strides = array<i32>} : memref<16x16xf32, #tpu.memory_space<vmem>>, vector<16xf32>,
    %broadcast_in_dim3A_1746 = arith.constant 0.000000e+00 : f32
    %broadcast_in_dim3A_1747 = vector.broadcast %broadcast_in_dim3A_1746 : f32 to vector<16xf32>
    %swap3A_1748 = arith.constant 11 : i32
    %swap3A_1749 = arith.index_cast %swap3A_1748 : i32 to index
    %swap3A_1750 = arith.constant 0 : index
    %swap3A_1751 = tpu.vector_load %arg28[%swap3A_1749, %swap3A_1750] {strides = array<i32>} : memref<16x16xf32, #tpu.memory_space<vmem>>, vector<16xf32>,
    tpu.vector_store %arg28[%swap3A_1749, %swap3A_1750], %broadcast_in_dim3A_1747 {strides = array<i32>} : memref<16x16xf32, #tpu.memory_space<vmem>>, vector<16xf32>,
    %broadcast_in_dim3A_1752 = arith.constant 0.000000e+00 : f32
    %broadcast_in_dim3A_1753 = vector.broadcast %broadcast_in_dim3A_1752 : f32 to vector<16xf32>
    %swap3A_1754 = arith.constant 12 : i32
    %swap3A_1755 = arith.index_cast %swap3A_1754 : i32 to index
    %swap3A_1756 = arith.constant 0 : index
    %swap3A_1757 = tpu.vector_load %arg28[%swap3A_1755, %swap3A_1756] {strides = array<i32>} : memref<16x16xf32, #tpu.memory_space<vmem>>, vector<16xf32>,
    tpu.vector_store %arg28[%swap3A_1755, %swap3A_1756], %broadcast_in_dim3A_1753 {strides = array<i32>} : memref<16x16xf32, #tpu.memory_space<vmem>>, vector<16xf32>,
    %broadcast_in_dim3A_1758 = arith.constant 0.000000e+00 : f32
    %broadcast_in_dim3A_1759 = vector.broadcast %broadcast_in_dim3A_1758 : f32 to vector<16xf32>
    %swap3A_1760 = arith.constant 13 : i32
    %swap3A_1761 = arith.index_cast %swap3A_1760 : i32 to index
    %swap3A_1762 = arith.constant 0 : index
    %swap3A_1763 = tpu.vector_load %arg28[%swap3A_1761, %swap3A_1762] {strides = array<i32>} : memref<16x16xf32, #tpu.memory_space<vmem>>, vector<16xf32>,
    tpu.vector_store %arg28[%swap3A_1761, %swap3A_1762], %broadcast_in_dim3A_1759 {strides = array<i32>} : memref<16x16xf32, #tpu.memory_space<vmem>>, vector<16xf32>,
    %broadcast_in_dim3A_1764 = arith.constant 0.000000e+00 : f32
    %broadcast_in_dim3A_1765 = vector.broadcast %broadcast_in_dim3A_1764 : f32 to vector<16xf32>
    %swap3A_1766 = arith.constant 14 : i32
    %swap3A_1767 = arith.index_cast %swap3A_1766 : i32 to index
    %swap3A_1768 = arith.constant 0 : index
    %swap3A_1769 = tpu.vector_load %arg28[%swap3A_1767, %swap3A_1768] {strides = array<i32>} : memref<16x16xf32, #tpu.memory_space<vmem>>, vector<16xf32>,
    tpu.vector_store %arg28[%swap3A_1767, %swap3A_1768], %broadcast_in_dim3A_1765 {strides = array<i32>} : memref<16x16xf32, #tpu.memory_space<vmem>>, vector<16xf32>,
    %broadcast_in_dim3A_1770 = arith.constant 0.000000e+00 : f32
    %broadcast_in_dim3A_1771 = vector.broadcast %broadcast_in_dim3A_1770 : f32 to vector<16xf32>
    %swap3A_1772 = arith.constant 15 : i32
    %swap3A_1773 = arith.index_cast %swap3A_1772 : i32 to index
    %swap3A_1774 = arith.constant 0 : index
    %swap3A_1775 = tpu.vector_load %arg28[%swap3A_1773, %swap3A_1774] {strides = array<i32>} : memref<16x16xf32, #tpu.memory_space<vmem>>, vector<16xf32>,
    tpu.vector_store %arg28[%swap3A_1773, %swap3A_1774], %broadcast_in_dim3A_1771 {strides = array<i32>} : memref<16x16xf32, #tpu.memory_space<vmem>>, vector<16xf32>,
    %broadcast_in_dim3A_1776 = arith.constant 0.000000e+00 : f32
    %broadcast_in_dim3A_1777 = vector.broadcast %broadcast_in_dim3A_1776 : f32 to vector<16xf32>
    %swap3A_1778 = arith.constant 0 : i32
    %swap3A_1779 = arith.index_cast %swap3A_1778 : i32 to index
    %swap3A_1780 = arith.constant 0 : index
    %swap3A_1781 = tpu.vector_load %arg29[%swap3A_1779, %swap3A_1780] {strides = array<i32>} : memref<16x16xf32, #tpu.memory_space<vmem>>, vector<16xf32>,
    tpu.vector_store %arg29[%swap3A_1779, %swap3A_1780], %broadcast_in_dim3A_1777 {strides = array<i32>} : memref<16x16xf32, #tpu.memory_space<vmem>>, vector<16xf32>,
    %broadcast_in_dim3A_1782 = arith.constant 0.000000e+00 : f32
    %broadcast_in_dim3A_1783 = vector.broadcast %broadcast_in_dim3A_1782 : f32 to vector<16xf32>
    %swap3A_1784 = arith.constant 1 : i32
    %swap3A_1785 = arith.index_cast %swap3A_1784 : i32 to index
    %swap3A_1786 = arith.constant 0 : index
    %swap3A_1787 = tpu.vector_load %arg29[%swap3A_1785, %swap3A_1786] {strides = array<i32>} : memref<16x16xf32, #tpu.memory_space<vmem>>, vector<16xf32>,
    tpu.vector_store %arg29[%swap3A_1785, %swap3A_1786], %broadcast_in_dim3A_1783 {strides = array<i32>} : memref<16x16xf32, #tpu.memory_space<vmem>>, vector<16xf32>,
    %broadcast_in_dim3A_1788 = arith.constant 0.000000e+00 : f32
    %broadcast_in_dim3A_1789 = vector.broadcast %broadcast_in_dim3A_1788 : f32 to vector<16xf32>
    %swap3A_1790 = arith.constant 2 : i32
    %swap3A_1791 = arith.index_cast %swap3A_1790 : i32 to index
    %swap3A_1792 = arith.constant 0 : index
    %swap3A_1793 = tpu.vector_load %arg29[%swap3A_1791, %swap3A_1792] {strides = array<i32>} : memref<16x16xf32, #tpu.memory_space<vmem>>, vector<16xf32>,
    tpu.vector_store %arg29[%swap3A_1791, %swap3A_1792], %broadcast_in_dim3A_1789 {strides = array<i32>} : memref<16x16xf32, #tpu.memory_space<vmem>>, vector<16xf32>,
    %broadcast_in_dim3A_1794 = arith.constant 0.000000e+00 : f32
    %broadcast_in_dim3A_1795 = vector.broadcast %broadcast_in_dim3A_1794 : f32 to vector<16xf32>
    %swap3A_1796 = arith.constant 3 : i32
    %swap3A_1797 = arith.index_cast %swap3A_1796 : i32 to index
    %swap3A_1798 = arith.constant 0 : index
    %swap3A_1799 = tpu.vector_load %arg29[%swap3A_1797, %swap3A_1798] {strides = array<i32>} : memref<16x16xf32, #tpu.memory_space<vmem>>, vector<16xf32>,
    tpu.vector_store %arg29[%swap3A_1797, %swap3A_1798], %broadcast_in_dim3A_1795 {strides = array<i32>} : memref<16x16xf32, #tpu.memory_space<vmem>>, vector<16xf32>,
    %broadcast_in_dim3A_1800 = arith.constant 0.000000e+00 : f32
    %broadcast_in_dim3A_1801 = vector.broadcast %broadcast_in_dim3A_1800 : f32 to vector<16xf32>
    %swap3A_1802 = arith.constant 4 : i32
    %swap3A_1803 = arith.index_cast %swap3A_1802 : i32 to index
    %swap3A_1804 = arith.constant 0 : index
    %swap3A_1805 = tpu.vector_load %arg29[%swap3A_1803, %swap3A_1804] {strides = array<i32>} : memref<16x16xf32, #tpu.memory_space<vmem>>, vector<16xf32>,
    tpu.vector_store %arg29[%swap3A_1803, %swap3A_1804], %broadcast_in_dim3A_1801 {strides = array<i32>} : memref<16x16xf32, #tpu.memory_space<vmem>>, vector<16xf32>,
    %broadcast_in_dim3A_1806 = arith.constant 0.000000e+00 : f32
    %broadcast_in_dim3A_1807 = vector.broadcast %broadcast_in_dim3A_1806 : f32 to vector<16xf32>
    %swap3A_1808 = arith.constant 5 : i32
    %swap3A_1809 = arith.index_cast %swap3A_1808 : i32 to index
    %swap3A_1810 = arith.constant 0 : index
    %swap3A_1811 = tpu.vector_load %arg29[%swap3A_1809, %swap3A_1810] {strides = array<i32>} : memref<16x16xf32, #tpu.memory_space<vmem>>, vector<16xf32>,
    tpu.vector_store %arg29[%swap3A_1809, %swap3A_1810], %broadcast_in_dim3A_1807 {strides = array<i32>} : memref<16x16xf32, #tpu.memory_space<vmem>>, vector<16xf32>,
    %broadcast_in_dim3A_1812 = arith.constant 0.000000e+00 : f32
    %broadcast_in_dim3A_1813 = vector.broadcast %broadcast_in_dim3A_1812 : f32 to vector<16xf32>
    %swap3A_1814 = arith.constant 6 : i32
    %swap3A_1815 = arith.index_cast %swap3A_1814 : i32 to index
    %swap3A_1816 = arith.constant 0 : index
    %swap3A_1817 = tpu.vector_load %arg29[%swap3A_1815, %swap3A_1816] {strides = array<i32>} : memref<16x16xf32, #tpu.memory_space<vmem>>, vector<16xf32>,
    tpu.vector_store %arg29[%swap3A_1815, %swap3A_1816], %broadcast_in_dim3A_1813 {strides = array<i32>} : memref<16x16xf32, #tpu.memory_space<vmem>>, vector<16xf32>,
    %broadcast_in_dim3A_1818 = arith.constant 0.000000e+00 : f32
    %broadcast_in_dim3A_1819 = vector.broadcast %broadcast_in_dim3A_1818 : f32 to vector<16xf32>
    %swap3A_1820 = arith.constant 7 : i32
    %swap3A_1821 = arith.index_cast %swap3A_1820 : i32 to index
    %swap3A_1822 = arith.constant 0 : index
    %swap3A_1823 = tpu.vector_load %arg29[%swap3A_1821, %swap3A_1822] {strides = array<i32>} : memref<16x16xf32, #tpu.memory_space<vmem>>, vector<16xf32>,
    tpu.vector_store %arg29[%swap3A_1821, %swap3A_1822], %broadcast_in_dim3A_1819 {strides = array<i32>} : memref<16x16xf32, #tpu.memory_space<vmem>>, vector<16xf32>,
    %broadcast_in_dim3A_1824 = arith.constant 0.000000e+00 : f32
    %broadcast_in_dim3A_1825 = vector.broadcast %broadcast_in_dim3A_1824 : f32 to vector<16xf32>
    %swap3A_1826 = arith.constant 8 : i32
    %swap3A_1827 = arith.index_cast %swap3A_1826 : i32 to index
    %swap3A_1828 = arith.constant 0 : index
    %swap3A_1829 = tpu.vector_load %arg29[%swap3A_1827, %swap3A_1828] {strides = array<i32>} : memref<16x16xf32, #tpu.memory_space<vmem>>, vector<16xf32>,
    tpu.vector_store %arg29[%swap3A_1827, %swap3A_1828], %broadcast_in_dim3A_1825 {strides = array<i32>} : memref<16x16xf32, #tpu.memory_space<vmem>>, vector<16xf32>,
    %broadcast_in_dim3A_1830 = arith.constant 0.000000e+00 : f32
    %broadcast_in_dim3A_1831 = vector.broadcast %broadcast_in_dim3A_1830 : f32 to vector<16xf32>
    %swap3A_1832 = arith.constant 9 : i32
    %swap3A_1833 = arith.index_cast %swap3A_1832 : i32 to index
    %swap3A_1834 = arith.constant 0 : index
    %swap3A_1835 = tpu.vector_load %arg29[%swap3A_1833, %swap3A_1834] {strides = array<i32>} : memref<16x16xf32, #tpu.memory_space<vmem>>, vector<16xf32>,
    tpu.vector_store %arg29[%swap3A_1833, %swap3A_1834], %broadcast_in_dim3A_1831 {strides = array<i32>} : memref<16x16xf32, #tpu.memory_space<vmem>>, vector<16xf32>,
    %broadcast_in_dim3A_1836 = arith.constant 0.000000e+00 : f32
    %broadcast_in_dim3A_1837 = vector.broadcast %broadcast_in_dim3A_1836 : f32 to vector<16xf32>
    %swap3A_1838 = arith.constant 10 : i32
    %swap3A_1839 = arith.index_cast %swap3A_1838 : i32 to index
    %swap3A_1840 = arith.constant 0 : index
    %swap3A_1841 = tpu.vector_load %arg29[%swap3A_1839, %swap3A_1840] {strides = array<i32>} : memref<16x16xf32, #tpu.memory_space<vmem>>, vector<16xf32>,
    tpu.vector_store %arg29[%swap3A_1839, %swap3A_1840], %broadcast_in_dim3A_1837 {strides = array<i32>} : memref<16x16xf32, #tpu.memory_space<vmem>>, vector<16xf32>,
    %broadcast_in_dim3A_1842 = arith.constant 0.000000e+00 : f32
    %broadcast_in_dim3A_1843 = vector.broadcast %broadcast_in_dim3A_1842 : f32 to vector<16xf32>
    %swap3A_1844 = arith.constant 11 : i32
    %swap3A_1845 = arith.index_cast %swap3A_1844 : i32 to index
    %swap3A_1846 = arith.constant 0 : index
    %swap3A_1847 = tpu.vector_load %arg29[%swap3A_1845, %swap3A_1846] {strides = array<i32>} : memref<16x16xf32, #tpu.memory_space<vmem>>, vector<16xf32>,
    tpu.vector_store %arg29[%swap3A_1845, %swap3A_1846], %broadcast_in_dim3A_1843 {strides = array<i32>} : memref<16x16xf32, #tpu.memory_space<vmem>>, vector<16xf32>,
    %broadcast_in_dim3A_1848 = arith.constant 0.000000e+00 : f32
    %broadcast_in_dim3A_1849 = vector.broadcast %broadcast_in_dim3A_1848 : f32 to vector<16xf32>
    %swap3A_1850 = arith.constant 12 : i32
    %swap3A_1851 = arith.index_cast %swap3A_1850 : i32 to index
    %swap3A_1852 = arith.constant 0 : index
    %swap3A_1853 = tpu.vector_load %arg29[%swap3A_1851, %swap3A_1852] {strides = array<i32>} : memref<16x16xf32, #tpu.memory_space<vmem>>, vector<16xf32>,
    tpu.vector_store %arg29[%swap3A_1851, %swap3A_1852], %broadcast_in_dim3A_1849 {strides = array<i32>} : memref<16x16xf32, #tpu.memory_space<vmem>>, vector<16xf32>,
    %broadcast_in_dim3A_1854 = arith.constant 0.000000e+00 : f32
    %broadcast_in_dim3A_1855 = vector.broadcast %broadcast_in_dim3A_1854 : f32 to vector<16xf32>
    %swap3A_1856 = arith.constant 13 : i32
    %swap3A_1857 = arith.index_cast %swap3A_1856 : i32 to index
    %swap3A_1858 = arith.constant 0 : index
    %swap3A_1859 = tpu.vector_load %arg29[%swap3A_1857, %swap3A_1858] {strides = array<i32>} : memref<16x16xf32, #tpu.memory_space<vmem>>, vector<16xf32>,
    tpu.vector_store %arg29[%swap3A_1857, %swap3A_1858], %broadcast_in_dim3A_1855 {strides = array<i32>} : memref<16x16xf32, #tpu.memory_space<vmem>>, vector<16xf32>,
    %broadcast_in_dim3A_1860 = arith.constant 0.000000e+00 : f32
    %broadcast_in_dim3A_1861 = vector.broadcast %broadcast_in_dim3A_1860 : f32 to vector<16xf32>
    %swap3A_1862 = arith.constant 14 : i32
    %swap3A_1863 = arith.index_cast %swap3A_1862 : i32 to index
    %swap3A_1864 = arith.constant 0 : index
    %swap3A_1865 = tpu.vector_load %arg29[%swap3A_1863, %swap3A_1864] {strides = array<i32>} : memref<16x16xf32, #tpu.memory_space<vmem>>, vector<16xf32>,
    tpu.vector_store %arg29[%swap3A_1863, %swap3A_1864], %broadcast_in_dim3A_1861 {strides = array<i32>} : memref<16x16xf32, #tpu.memory_space<vmem>>, vector<16xf32>,
    %broadcast_in_dim3A_1866 = arith.constant 0.000000e+00 : f32
    %broadcast_in_dim3A_1867 = vector.broadcast %broadcast_in_dim3A_1866 : f32 to vector<16xf32>
    %swap3A_1868 = arith.constant 15 : i32
    %swap3A_1869 = arith.index_cast %swap3A_1868 : i32 to index
    %swap3A_1870 = arith.constant 0 : index
    %swap3A_1871 = tpu.vector_load %arg29[%swap3A_1869, %swap3A_1870] {strides = array<i32>} : memref<16x16xf32, #tpu.memory_space<vmem>>, vector<16xf32>,
    tpu.vector_store %arg29[%swap3A_1869, %swap3A_1870], %broadcast_in_dim3A_1867 {strides = array<i32>} : memref<16x16xf32, #tpu.memory_space<vmem>>, vector<16xf32>,
    %broadcast_in_dim3A_1872 = arith.constant 0.000000e+00 : f32
    %broadcast_in_dim3A_1873 = vector.broadcast %broadcast_in_dim3A_1872 : f32 to vector<16xf32>
    %swap3A_1874 = arith.constant 0 : i32
    %swap3A_1875 = arith.index_cast %swap3A_1874 : i32 to index
    %swap3A_1876 = arith.constant 0 : index
    %swap3A_1877 = tpu.vector_load %arg30[%swap3A_1875, %swap3A_1876] {strides = array<i32>} : memref<16x16xf32, #tpu.memory_space<vmem>>, vector<16xf32>,
    tpu.vector_store %arg30[%swap3A_1875, %swap3A_1876], %broadcast_in_dim3A_1873 {strides = array<i32>} : memref<16x16xf32, #tpu.memory_space<vmem>>, vector<16xf32>,
    %broadcast_in_dim3A_1878 = arith.constant 0.000000e+00 : f32
    %broadcast_in_dim3A_1879 = vector.broadcast %broadcast_in_dim3A_1878 : f32 to vector<16xf32>
    %swap3A_1880 = arith.constant 1 : i32
    %swap3A_1881 = arith.index_cast %swap3A_1880 : i32 to index
    %swap3A_1882 = arith.constant 0 : index
    %swap3A_1883 = tpu.vector_load %arg30[%swap3A_1881, %swap3A_1882] {strides = array<i32>} : memref<16x16xf32, #tpu.memory_space<vmem>>, vector<16xf32>,
    tpu.vector_store %arg30[%swap3A_1881, %swap3A_1882], %broadcast_in_dim3A_1879 {strides = array<i32>} : memref<16x16xf32, #tpu.memory_space<vmem>>, vector<16xf32>,
    %broadcast_in_dim3A_1884 = arith.constant 0.000000e+00 : f32
    %broadcast_in_dim3A_1885 = vector.broadcast %broadcast_in_dim3A_1884 : f32 to vector<16xf32>
    %swap3A_1886 = arith.constant 2 : i32
    %swap3A_1887 = arith.index_cast %swap3A_1886 : i32 to index
    %swap3A_1888 = arith.constant 0 : index
    %swap3A_1889 = tpu.vector_load %arg30[%swap3A_1887, %swap3A_1888] {strides = array<i32>} : memref<16x16xf32, #tpu.memory_space<vmem>>, vector<16xf32>,
    tpu.vector_store %arg30[%swap3A_1887, %swap3A_1888], %broadcast_in_dim3A_1885 {strides = array<i32>} : memref<16x16xf32, #tpu.memory_space<vmem>>, vector<16xf32>,
    %broadcast_in_dim3A_1890 = arith.constant 0.000000e+00 : f32
    %broadcast_in_dim3A_1891 = vector.broadcast %broadcast_in_dim3A_1890 : f32 to vector<16xf32>
    %swap3A_1892 = arith.constant 3 : i32
    %swap3A_1893 = arith.index_cast %swap3A_1892 : i32 to index
    %swap3A_1894 = arith.constant 0 : index
    %swap3A_1895 = tpu.vector_load %arg30[%swap3A_1893, %swap3A_1894] {strides = array<i32>} : memref<16x16xf32, #tpu.memory_space<vmem>>, vector<16xf32>,
    tpu.vector_store %arg30[%swap3A_1893, %swap3A_1894], %broadcast_in_dim3A_1891 {strides = array<i32>} : memref<16x16xf32, #tpu.memory_space<vmem>>, vector<16xf32>,
    %broadcast_in_dim3A_1896 = arith.constant 0.000000e+00 : f32
    %broadcast_in_dim3A_1897 = vector.broadcast %broadcast_in_dim3A_1896 : f32 to vector<16xf32>
    %swap3A_1898 = arith.constant 4 : i32
    %swap3A_1899 = arith.index_cast %swap3A_1898 : i32 to index
    %swap3A_1900 = arith.constant 0 : index
    %swap3A_1901 = tpu.vector_load %arg30[%swap3A_1899, %swap3A_1900] {strides = array<i32>} : memref<16x16xf32, #tpu.memory_space<vmem>>, vector<16xf32>,
    tpu.vector_store %arg30[%swap3A_1899, %swap3A_1900], %broadcast_in_dim3A_1897 {strides = array<i32>} : memref<16x16xf32, #tpu.memory_space<vmem>>, vector<16xf32>,
    %broadcast_in_dim3A_1902 = arith.constant 0.000000e+00 : f32
    %broadcast_in_dim3A_1903 = vector.broadcast %broadcast_in_dim3A_1902 : f32 to vector<16xf32>
    %swap3A_1904 = arith.constant 5 : i32
    %swap3A_1905 = arith.index_cast %swap3A_1904 : i32 to index
    %swap3A_1906 = arith.constant 0 : index
    %swap3A_1907 = tpu.vector_load %arg30[%swap3A_1905, %swap3A_1906] {strides = array<i32>} : memref<16x16xf32, #tpu.memory_space<vmem>>, vector<16xf32>,
    tpu.vector_store %arg30[%swap3A_1905, %swap3A_1906], %broadcast_in_dim3A_1903 {strides = array<i32>} : memref<16x16xf32, #tpu.memory_space<vmem>>, vector<16xf32>,
    %broadcast_in_dim3A_1908 = arith.constant 0.000000e+00 : f32
    %broadcast_in_dim3A_1909 = vector.broadcast %broadcast_in_dim3A_1908 : f32 to vector<16xf32>
    %swap3A_1910 = arith.constant 6 : i32
    %swap3A_1911 = arith.index_cast %swap3A_1910 : i32 to index
    %swap3A_1912 = arith.constant 0 : index
    %swap3A_1913 = tpu.vector_load %arg30[%swap3A_1911, %swap3A_1912] {strides = array<i32>} : memref<16x16xf32, #tpu.memory_space<vmem>>, vector<16xf32>,
    tpu.vector_store %arg30[%swap3A_1911, %swap3A_1912], %broadcast_in_dim3A_1909 {strides = array<i32>} : memref<16x16xf32, #tpu.memory_space<vmem>>, vector<16xf32>,
    %broadcast_in_dim3A_1914 = arith.constant 0.000000e+00 : f32
    %broadcast_in_dim3A_1915 = vector.broadcast %broadcast_in_dim3A_1914 : f32 to vector<16xf32>
    %swap3A_1916 = arith.constant 7 : i32
    %swap3A_1917 = arith.index_cast %swap3A_1916 : i32 to index
    %swap3A_1918 = arith.constant 0 : index
    %swap3A_1919 = tpu.vector_load %arg30[%swap3A_1917, %swap3A_1918] {strides = array<i32>} : memref<16x16xf32, #tpu.memory_space<vmem>>, vector<16xf32>,
    tpu.vector_store %arg30[%swap3A_1917, %swap3A_1918], %broadcast_in_dim3A_1915 {strides = array<i32>} : memref<16x16xf32, #tpu.memory_space<vmem>>, vector<16xf32>,
    %broadcast_in_dim3A_1920 = arith.constant 0.000000e+00 : f32
    %broadcast_in_dim3A_1921 = vector.broadcast %broadcast_in_dim3A_1920 : f32 to vector<16xf32>
    %swap3A_1922 = arith.constant 8 : i32
    %swap3A_1923 = arith.index_cast %swap3A_1922 : i32 to index
    %swap3A_1924 = arith.constant 0 : index
    %swap3A_1925 = tpu.vector_load %arg30[%swap3A_1923, %swap3A_1924] {strides = array<i32>} : memref<16x16xf32, #tpu.memory_space<vmem>>, vector<16xf32>,
    tpu.vector_store %arg30[%swap3A_1923, %swap3A_1924], %broadcast_in_dim3A_1921 {strides = array<i32>} : memref<16x16xf32, #tpu.memory_space<vmem>>, vector<16xf32>,
    %broadcast_in_dim3A_1926 = arith.constant 0.000000e+00 : f32
    %broadcast_in_dim3A_1927 = vector.broadcast %broadcast_in_dim3A_1926 : f32 to vector<16xf32>
    %swap3A_1928 = arith.constant 9 : i32
    %swap3A_1929 = arith.index_cast %swap3A_1928 : i32 to index
    %swap3A_1930 = arith.constant 0 : index
    %swap3A_1931 = tpu.vector_load %arg30[%swap3A_1929, %swap3A_1930] {strides = array<i32>} : memref<16x16xf32, #tpu.memory_space<vmem>>, vector<16xf32>,
    tpu.vector_store %arg30[%swap3A_1929, %swap3A_1930], %broadcast_in_dim3A_1927 {strides = array<i32>} : memref<16x16xf32, #tpu.memory_space<vmem>>, vector<16xf32>,
    %broadcast_in_dim3A_1932 = arith.constant 0.000000e+00 : f32
    %broadcast_in_dim3A_1933 = vector.broadcast %broadcast_in_dim3A_1932 : f32 to vector<16xf32>
    %swap3A_1934 = arith.constant 10 : i32
    %swap3A_1935 = arith.index_cast %swap3A_1934 : i32 to index
    %swap3A_1936 = arith.constant 0 : index
    %swap3A_1937 = tpu.vector_load %arg30[%swap3A_1935, %swap3A_1936] {strides = array<i32>} : memref<16x16xf32, #tpu.memory_space<vmem>>, vector<16xf32>,
    tpu.vector_store %arg30[%swap3A_1935, %swap3A_1936], %broadcast_in_dim3A_1933 {strides = array<i32>} : memref<16x16xf32, #tpu.memory_space<vmem>>, vector<16xf32>,
    %broadcast_in_dim3A_1938 = arith.constant 0.000000e+00 : f32
    %broadcast_in_dim3A_1939 = vector.broadcast %broadcast_in_dim3A_1938 : f32 to vector<16xf32>
    %swap3A_1940 = arith.constant 11 : i32
    %swap3A_1941 = arith.index_cast %swap3A_1940 : i32 to index
    %swap3A_1942 = arith.constant 0 : index
    %swap3A_1943 = tpu.vector_load %arg30[%swap3A_1941, %swap3A_1942] {strides = array<i32>} : memref<16x16xf32, #tpu.memory_space<vmem>>, vector<16xf32>,
    tpu.vector_store %arg30[%swap3A_1941, %swap3A_1942], %broadcast_in_dim3A_1939 {strides = array<i32>} : memref<16x16xf32, #tpu.memory_space<vmem>>, vector<16xf32>,
    %broadcast_in_dim3A_1944 = arith.constant 0.000000e+00 : f32
    %broadcast_in_dim3A_1945 = vector.broadcast %broadcast_in_dim3A_1944 : f32 to vector<16xf32>
    %swap3A_1946 = arith.constant 12 : i32
    %swap3A_1947 = arith.index_cast %swap3A_1946 : i32 to index
    %swap3A_1948 = arith.constant 0 : index
    %swap3A_1949 = tpu.vector_load %arg30[%swap3A_1947, %swap3A_1948] {strides = array<i32>} : memref<16x16xf32, #tpu.memory_space<vmem>>, vector<16xf32>,
    tpu.vector_store %arg30[%swap3A_1947, %swap3A_1948], %broadcast_in_dim3A_1945 {strides = array<i32>} : memref<16x16xf32, #tpu.memory_space<vmem>>, vector<16xf32>,
    %broadcast_in_dim3A_1950 = arith.constant 0.000000e+00 : f32
    %broadcast_in_dim3A_1951 = vector.broadcast %broadcast_in_dim3A_1950 : f32 to vector<16xf32>
    %swap3A_1952 = arith.constant 13 : i32
    %swap3A_1953 = arith.index_cast %swap3A_1952 : i32 to index
    %swap3A_1954 = arith.constant 0 : index
    %swap3A_1955 = tpu.vector_load %arg30[%swap3A_1953, %swap3A_1954] {strides = array<i32>} : memref<16x16xf32, #tpu.memory_space<vmem>>, vector<16xf32>,
    tpu.vector_store %arg30[%swap3A_1953, %swap3A_1954], %broadcast_in_dim3A_1951 {strides = array<i32>} : memref<16x16xf32, #tpu.memory_space<vmem>>, vector<16xf32>,
    %broadcast_in_dim3A_1956 = arith.constant 0.000000e+00 : f32
    %broadcast_in_dim3A_1957 = vector.broadcast %broadcast_in_dim3A_1956 : f32 to vector<16xf32>
    %swap3A_1958 = arith.constant 14 : i32
    %swap3A_1959 = arith.index_cast %swap3A_1958 : i32 to index
    %swap3A_1960 = arith.constant 0 : index
    %swap3A_1961 = tpu.vector_load %arg30[%swap3A_1959, %swap3A_1960] {strides = array<i32>} : memref<16x16xf32, #tpu.memory_space<vmem>>, vector<16xf32>,
    tpu.vector_store %arg30[%swap3A_1959, %swap3A_1960], %broadcast_in_dim3A_1957 {strides = array<i32>} : memref<16x16xf32, #tpu.memory_space<vmem>>, vector<16xf32>,
    %broadcast_in_dim3A_1962 = arith.constant 0.000000e+00 : f32
    %broadcast_in_dim3A_1963 = vector.broadcast %broadcast_in_dim3A_1962 : f32 to vector<16xf32>
    %swap3A_1964 = arith.constant 15 : i32
    %swap3A_1965 = arith.index_cast %swap3A_1964 : i32 to index
    %swap3A_1966 = arith.constant 0 : index
    %swap3A_1967 = tpu.vector_load %arg30[%swap3A_1965, %swap3A_1966] {strides = array<i32>} : memref<16x16xf32, #tpu.memory_space<vmem>>, vector<16xf32>,
    tpu.vector_store %arg30[%swap3A_1965, %swap3A_1966], %broadcast_in_dim3A_1963 {strides = array<i32>} : memref<16x16xf32, #tpu.memory_space<vmem>>, vector<16xf32>,
    %broadcast_in_dim3A_1968 = arith.constant 0.000000e+00 : f32
    %broadcast_in_dim3A_1969 = vector.broadcast %broadcast_in_dim3A_1968 : f32 to vector<16xf32>
    %swap3A_1970 = arith.constant 0 : i32
    %swap3A_1971 = arith.index_cast %swap3A_1970 : i32 to index
    %swap3A_1972 = arith.constant 0 : index
    %swap3A_1973 = tpu.vector_load %arg31[%swap3A_1971, %swap3A_1972] {strides = array<i32>} : memref<16x16xf32, #tpu.memory_space<vmem>>, vector<16xf32>,
    tpu.vector_store %arg31[%swap3A_1971, %swap3A_1972], %broadcast_in_dim3A_1969 {strides = array<i32>} : memref<16x16xf32, #tpu.memory_space<vmem>>, vector<16xf32>,
    %broadcast_in_dim3A_1974 = arith.constant 0.000000e+00 : f32
    %broadcast_in_dim3A_1975 = vector.broadcast %broadcast_in_dim3A_1974 : f32 to vector<16xf32>
    %swap3A_1976 = arith.constant 1 : i32
    %swap3A_1977 = arith.index_cast %swap3A_1976 : i32 to index
    %swap3A_1978 = arith.constant 0 : index
    %swap3A_1979 = tpu.vector_load %arg31[%swap3A_1977, %swap3A_1978] {strides = array<i32>} : memref<16x16xf32, #tpu.memory_space<vmem>>, vector<16xf32>,
    tpu.vector_store %arg31[%swap3A_1977, %swap3A_1978], %broadcast_in_dim3A_1975 {strides = array<i32>} : memref<16x16xf32, #tpu.memory_space<vmem>>, vector<16xf32>,
    %broadcast_in_dim3A_1980 = arith.constant 0.000000e+00 : f32
    %broadcast_in_dim3A_1981 = vector.broadcast %broadcast_in_dim3A_1980 : f32 to vector<16xf32>
    %swap3A_1982 = arith.constant 2 : i32
    %swap3A_1983 = arith.index_cast %swap3A_1982 : i32 to index
    %swap3A_1984 = arith.constant 0 : index
    %swap3A_1985 = tpu.vector_load %arg31[%swap3A_1983, %swap3A_1984] {strides = array<i32>} : memref<16x16xf32, #tpu.memory_space<vmem>>, vector<16xf32>,
    tpu.vector_store %arg31[%swap3A_1983, %swap3A_1984], %broadcast_in_dim3A_1981 {strides = array<i32>} : memref<16x16xf32, #tpu.memory_space<vmem>>, vector<16xf32>,
    %broadcast_in_dim3A_1986 = arith.constant 0.000000e+00 : f32
    %broadcast_in_dim3A_1987 = vector.broadcast %broadcast_in_dim3A_1986 : f32 to vector<16xf32>
    %swap3A_1988 = arith.constant 3 : i32
    %swap3A_1989 = arith.index_cast %swap3A_1988 : i32 to index
    %swap3A_1990 = arith.constant 0 : index
    %swap3A_1991 = tpu.vector_load %arg31[%swap3A_1989, %swap3A_1990] {strides = array<i32>} : memref<16x16xf32, #tpu.memory_space<vmem>>, vector<16xf32>,
    tpu.vector_store %arg31[%swap3A_1989, %swap3A_1990], %broadcast_in_dim3A_1987 {strides = array<i32>} : memref<16x16xf32, #tpu.memory_space<vmem>>, vector<16xf32>,
    %broadcast_in_dim3A_1992 = arith.constant 0.000000e+00 : f32
    %broadcast_in_dim3A_1993 = vector.broadcast %broadcast_in_dim3A_1992 : f32 to vector<16xf32>
    %swap3A_1994 = arith.constant 4 : i32
    %swap3A_1995 = arith.index_cast %swap3A_1994 : i32 to index
    %swap3A_1996 = arith.constant 0 : index
    %swap3A_1997 = tpu.vector_load %arg31[%swap3A_1995, %swap3A_1996] {strides = array<i32>} : memref<16x16xf32, #tpu.memory_space<vmem>>, vector<16xf32>,
    tpu.vector_store %arg31[%swap3A_1995, %swap3A_1996], %broadcast_in_dim3A_1993 {strides = array<i32>} : memref<16x16xf32, #tpu.memory_space<vmem>>, vector<16xf32>,
    %broadcast_in_dim3A_1998 = arith.constant 0.000000e+00 : f32
    %broadcast_in_dim3A_1999 = vector.broadcast %broadcast_in_dim3A_1998 : f32 to vector<16xf32>
    %swap3A_2000 = arith.constant 5 : i32
    %swap3A_2001 = arith.index_cast %swap3A_2000 : i32 to index
    %swap3A_2002 = arith.constant 0 : index
    %swap3A_2003 = tpu.vector_load %arg31[%swap3A_2001, %swap3A_2002] {strides = array<i32>} : memref<16x16xf32, #tpu.memory_space<vmem>>, vector<16xf32>,
    tpu.vector_store %arg31[%swap3A_2001, %swap3A_2002], %broadcast_in_dim3A_1999 {strides = array<i32>} : memref<16x16xf32, #tpu.memory_space<vmem>>, vector<16xf32>,
    %broadcast_in_dim3A_2004 = arith.constant 0.000000e+00 : f32
    %broadcast_in_dim3A_2005 = vector.broadcast %broadcast_in_dim3A_2004 : f32 to vector<16xf32>
    %swap3A_2006 = arith.constant 6 : i32
    %swap3A_2007 = arith.index_cast %swap3A_2006 : i32 to index
    %swap3A_2008 = arith.constant 0 : index
    %swap3A_2009 = tpu.vector_load %arg31[%swap3A_2007, %swap3A_2008] {strides = array<i32>} : memref<16x16xf32, #tpu.memory_space<vmem>>, vector<16xf32>,
    tpu.vector_store %arg31[%swap3A_2007, %swap3A_2008], %broadcast_in_dim3A_2005 {strides = array<i32>} : memref<16x16xf32, #tpu.memory_space<vmem>>, vector<16xf32>,
    %broadcast_in_dim3A_2010 = arith.constant 0.000000e+00 : f32
    %broadcast_in_dim3A_2011 = vector.broadcast %broadcast_in_dim3A_2010 : f32 to vector<16xf32>
    %swap3A_2012 = arith.constant 7 : i32
    %swap3A_2013 = arith.index_cast %swap3A_2012 : i32 to index
    %swap3A_2014 = arith.constant 0 : index
    %swap3A_2015 = tpu.vector_load %arg31[%swap3A_2013, %swap3A_2014] {strides = array<i32>} : memref<16x16xf32, #tpu.memory_space<vmem>>, vector<16xf32>,
    tpu.vector_store %arg31[%swap3A_2013, %swap3A_2014], %broadcast_in_dim3A_2011 {strides = array<i32>} : memref<16x16xf32, #tpu.memory_space<vmem>>, vector<16xf32>,
    %broadcast_in_dim3A_2016 = arith.constant 0.000000e+00 : f32
    %broadcast_in_dim3A_2017 = vector.broadcast %broadcast_in_dim3A_2016 : f32 to vector<16xf32>
    %swap3A_2018 = arith.constant 8 : i32
    %swap3A_2019 = arith.index_cast %swap3A_2018 : i32 to index
    %swap3A_2020 = arith.constant 0 : index
    %swap3A_2021 = tpu.vector_load %arg31[%swap3A_2019, %swap3A_2020] {strides = array<i32>} : memref<16x16xf32, #tpu.memory_space<vmem>>, vector<16xf32>,
    tpu.vector_store %arg31[%swap3A_2019, %swap3A_2020], %broadcast_in_dim3A_2017 {strides = array<i32>} : memref<16x16xf32, #tpu.memory_space<vmem>>, vector<16xf32>,
    %broadcast_in_dim3A_2022 = arith.constant 0.000000e+00 : f32
    %broadcast_in_dim3A_2023 = vector.broadcast %broadcast_in_dim3A_2022 : f32 to vector<16xf32>
    %swap3A_2024 = arith.constant 9 : i32
    %swap3A_2025 = arith.index_cast %swap3A_2024 : i32 to index
    %swap3A_2026 = arith.constant 0 : index
    %swap3A_2027 = tpu.vector_load %arg31[%swap3A_2025, %swap3A_2026] {strides = array<i32>} : memref<16x16xf32, #tpu.memory_space<vmem>>, vector<16xf32>,
    tpu.vector_store %arg31[%swap3A_2025, %swap3A_2026], %broadcast_in_dim3A_2023 {strides = array<i32>} : memref<16x16xf32, #tpu.memory_space<vmem>>, vector<16xf32>,
    %broadcast_in_dim3A_2028 = arith.constant 0.000000e+00 : f32
    %broadcast_in_dim3A_2029 = vector.broadcast %broadcast_in_dim3A_2028 : f32 to vector<16xf32>
    %swap3A_2030 = arith.constant 10 : i32
    %swap3A_2031 = arith.index_cast %swap3A_2030 : i32 to index
    %swap3A_2032 = arith.constant 0 : index
    %swap3A_2033 = tpu.vector_load %arg31[%swap3A_2031, %swap3A_2032] {strides = array<i32>} : memref<16x16xf32, #tpu.memory_space<vmem>>, vector<16xf32>,
    tpu.vector_store %arg31[%swap3A_2031, %swap3A_2032], %broadcast_in_dim3A_2029 {strides = array<i32>} : memref<16x16xf32, #tpu.memory_space<vmem>>, vector<16xf32>,
    %broadcast_in_dim3A_2034 = arith.constant 0.000000e+00 : f32
    %broadcast_in_dim3A_2035 = vector.broadcast %broadcast_in_dim3A_2034 : f32 to vector<16xf32>
    %swap3A_2036 = arith.constant 11 : i32
    %swap3A_2037 = arith.index_cast %swap3A_2036 : i32 to index
    %swap3A_2038 = arith.constant 0 : index
    %swap3A_2039 = tpu.vector_load %arg31[%swap3A_2037, %swap3A_2038] {strides = array<i32>} : memref<16x16xf32, #tpu.memory_space<vmem>>, vector<16xf32>,
    tpu.vector_store %arg31[%swap3A_2037, %swap3A_2038], %broadcast_in_dim3A_2035 {strides = array<i32>} : memref<16x16xf32, #tpu.memory_space<vmem>>, vector<16xf32>,
    %broadcast_in_dim3A_2040 = arith.constant 0.000000e+00 : f32
    %broadcast_in_dim3A_2041 = vector.broadcast %broadcast_in_dim3A_2040 : f32 to vector<16xf32>
    %swap3A_2042 = arith.constant 12 : i32
    %swap3A_2043 = arith.index_cast %swap3A_2042 : i32 to index
    %swap3A_2044 = arith.constant 0 : index
    %swap3A_2045 = tpu.vector_load %arg31[%swap3A_2043, %swap3A_2044] {strides = array<i32>} : memref<16x16xf32, #tpu.memory_space<vmem>>, vector<16xf32>,
    tpu.vector_store %arg31[%swap3A_2043, %swap3A_2044], %broadcast_in_dim3A_2041 {strides = array<i32>} : memref<16x16xf32, #tpu.memory_space<vmem>>, vector<16xf32>,
    %broadcast_in_dim3A_2046 = arith.constant 0.000000e+00 : f32
    %broadcast_in_dim3A_2047 = vector.broadcast %broadcast_in_dim3A_2046 : f32 to vector<16xf32>
    %swap3A_2048 = arith.constant 13 : i32
    %swap3A_2049 = arith.index_cast %swap3A_2048 : i32 to index
    %swap3A_2050 = arith.constant 0 : index
    %swap3A_2051 = tpu.vector_load %arg31[%swap3A_2049, %swap3A_2050] {strides = array<i32>} : memref<16x16xf32, #tpu.memory_space<vmem>>, vector<16xf32>,
    tpu.vector_store %arg31[%swap3A_2049, %swap3A_2050], %broadcast_in_dim3A_2047 {strides = array<i32>} : memref<16x16xf32, #tpu.memory_space<vmem>>, vector<16xf32>,
    %broadcast_in_dim3A_2052 = arith.constant 0.000000e+00 : f32
    %broadcast_in_dim3A_2053 = vector.broadcast %broadcast_in_dim3A_2052 : f32 to vector<16xf32>
    %swap3A_2054 = arith.constant 14 : i32
    %swap3A_2055 = arith.index_cast %swap3A_2054 : i32 to index
    %swap3A_2056 = arith.constant 0 : index
    %swap3A_2057 = tpu.vector_load %arg31[%swap3A_2055, %swap3A_2056] {strides = array<i32>} : memref<16x16xf32, #tpu.memory_space<vmem>>, vector<16xf32>,
    tpu.vector_store %arg31[%swap3A_2055, %swap3A_2056], %broadcast_in_dim3A_2053 {strides = array<i32>} : memref<16x16xf32, #tpu.memory_space<vmem>>, vector<16xf32>,
    %broadcast_in_dim3A_2058 = arith.constant 0.000000e+00 : f32
    %broadcast_in_dim3A_2059 = vector.broadcast %broadcast_in_dim3A_2058 : f32 to vector<16xf32>
    %swap3A_2060 = arith.constant 15 : i32
    %swap3A_2061 = arith.index_cast %swap3A_2060 : i32 to index
    %swap3A_2062 = arith.constant 0 : index
    %swap3A_2063 = tpu.vector_load %arg31[%swap3A_2061, %swap3A_2062] {strides = array<i32>} : memref<16x16xf32, #tpu.memory_space<vmem>>, vector<16xf32>,
    tpu.vector_store %arg31[%swap3A_2061, %swap3A_2062], %broadcast_in_dim3A_2059 {strides = array<i32>} : memref<16x16xf32, #tpu.memory_space<vmem>>, vector<16xf32>,
    %broadcast_in_dim3A_2064 = arith.constant 0.000000e+00 : f32
    %broadcast_in_dim3A_2065 = vector.broadcast %broadcast_in_dim3A_2064 : f32 to vector<16xf32>
    %swap3A_2066 = arith.constant 0 : i32
    %swap3A_2067 = arith.index_cast %swap3A_2066 : i32 to index
    %swap3A_2068 = arith.constant 0 : index
    %swap3A_2069 = tpu.vector_load %arg32[%swap3A_2067, %swap3A_2068] {strides = array<i32>} : memref<16x16xf32, #tpu.memory_space<vmem>>, vector<16xf32>,
    tpu.vector_store %arg32[%swap3A_2067, %swap3A_2068], %broadcast_in_dim3A_2065 {strides = array<i32>} : memref<16x16xf32, #tpu.memory_space<vmem>>, vector<16xf32>,
    %broadcast_in_dim3A_2070 = arith.constant 0.000000e+00 : f32
    %broadcast_in_dim3A_2071 = vector.broadcast %broadcast_in_dim3A_2070 : f32 to vector<16xf32>
    %swap3A_2072 = arith.constant 1 : i32
    %swap3A_2073 = arith.index_cast %swap3A_2072 : i32 to index
    %swap3A_2074 = arith.constant 0 : index
    %swap3A_2075 = tpu.vector_load %arg32[%swap3A_2073, %swap3A_2074] {strides = array<i32>} : memref<16x16xf32, #tpu.memory_space<vmem>>, vector<16xf32>,
    tpu.vector_store %arg32[%swap3A_2073, %swap3A_2074], %broadcast_in_dim3A_2071 {strides = array<i32>} : memref<16x16xf32, #tpu.memory_space<vmem>>, vector<16xf32>,
    %broadcast_in_dim3A_2076 = arith.constant 0.000000e+00 : f32
    %broadcast_in_dim3A_2077 = vector.broadcast %broadcast_in_dim3A_2076 : f32 to vector<16xf32>
    %swap3A_2078 = arith.constant 2 : i32
    %swap3A_2079 = arith.index_cast %swap3A_2078 : i32 to index
    %swap3A_2080 = arith.constant 0 : index
    %swap3A_2081 = tpu.vector_load %arg32[%swap3A_2079, %swap3A_2080] {strides = array<i32>} : memref<16x16xf32, #tpu.memory_space<vmem>>, vector<16xf32>,
    tpu.vector_store %arg32[%swap3A_2079, %swap3A_2080], %broadcast_in_dim3A_2077 {strides = array<i32>} : memref<16x16xf32, #tpu.memory_space<vmem>>, vector<16xf32>,
    %broadcast_in_dim3A_2082 = arith.constant 0.000000e+00 : f32
    %broadcast_in_dim3A_2083 = vector.broadcast %broadcast_in_dim3A_2082 : f32 to vector<16xf32>
    %swap3A_2084 = arith.constant 3 : i32
    %swap3A_2085 = arith.index_cast %swap3A_2084 : i32 to index
    %swap3A_2086 = arith.constant 0 : index
    %swap3A_2087 = tpu.vector_load %arg32[%swap3A_2085, %swap3A_2086] {strides = array<i32>} : memref<16x16xf32, #tpu.memory_space<vmem>>, vector<16xf32>,
    tpu.vector_store %arg32[%swap3A_2085, %swap3A_2086], %broadcast_in_dim3A_2083 {strides = array<i32>} : memref<16x16xf32, #tpu.memory_space<vmem>>, vector<16xf32>,
    %broadcast_in_dim3A_2088 = arith.constant 0.000000e+00 : f32
    %broadcast_in_dim3A_2089 = vector.broadcast %broadcast_in_dim3A_2088 : f32 to vector<16xf32>
    %swap3A_2090 = arith.constant 4 : i32
    %swap3A_2091 = arith.index_cast %swap3A_2090 : i32 to index
    %swap3A_2092 = arith.constant 0 : index
    %swap3A_2093 = tpu.vector_load %arg32[%swap3A_2091, %swap3A_2092] {strides = array<i32>} : memref<16x16xf32, #tpu.memory_space<vmem>>, vector<16xf32>,
    tpu.vector_store %arg32[%swap3A_2091, %swap3A_2092], %broadcast_in_dim3A_2089 {strides = array<i32>} : memref<16x16xf32, #tpu.memory_space<vmem>>, vector<16xf32>,
    %broadcast_in_dim3A_2094 = arith.constant 0.000000e+00 : f32
    %broadcast_in_dim3A_2095 = vector.broadcast %broadcast_in_dim3A_2094 : f32 to vector<16xf32>
    %swap3A_2096 = arith.constant 5 : i32
    %swap3A_2097 = arith.index_cast %swap3A_2096 : i32 to index
    %swap3A_2098 = arith.constant 0 : index
    %swap3A_2099 = tpu.vector_load %arg32[%swap3A_2097, %swap3A_2098] {strides = array<i32>} : memref<16x16xf32, #tpu.memory_space<vmem>>, vector<16xf32>,
    tpu.vector_store %arg32[%swap3A_2097, %swap3A_2098], %broadcast_in_dim3A_2095 {strides = array<i32>} : memref<16x16xf32, #tpu.memory_space<vmem>>, vector<16xf32>,
    %broadcast_in_dim3A_2100 = arith.constant 0.000000e+00 : f32
    %broadcast_in_dim3A_2101 = vector.broadcast %broadcast_in_dim3A_2100 : f32 to vector<16xf32>
    %swap3A_2102 = arith.constant 6 : i32
    %swap3A_2103 = arith.index_cast %swap3A_2102 : i32 to index
    %swap3A_2104 = arith.constant 0 : index
    %swap3A_2105 = tpu.vector_load %arg32[%swap3A_2103, %swap3A_2104] {strides = array<i32>} : memref<16x16xf32, #tpu.memory_space<vmem>>, vector<16xf32>,
    tpu.vector_store %arg32[%swap3A_2103, %swap3A_2104], %broadcast_in_dim3A_2101 {strides = array<i32>} : memref<16x16xf32, #tpu.memory_space<vmem>>, vector<16xf32>,
    %broadcast_in_dim3A_2106 = arith.constant 0.000000e+00 : f32
    %broadcast_in_dim3A_2107 = vector.broadcast %broadcast_in_dim3A_2106 : f32 to vector<16xf32>
    %swap3A_2108 = arith.constant 7 : i32
    %swap3A_2109 = arith.index_cast %swap3A_2108 : i32 to index
    %swap3A_2110 = arith.constant 0 : index
    %swap3A_2111 = tpu.vector_load %arg32[%swap3A_2109, %swap3A_2110] {strides = array<i32>} : memref<16x16xf32, #tpu.memory_space<vmem>>, vector<16xf32>,
    tpu.vector_store %arg32[%swap3A_2109, %swap3A_2110], %broadcast_in_dim3A_2107 {strides = array<i32>} : memref<16x16xf32, #tpu.memory_space<vmem>>, vector<16xf32>,
    %broadcast_in_dim3A_2112 = arith.constant 0.000000e+00 : f32
    %broadcast_in_dim3A_2113 = vector.broadcast %broadcast_in_dim3A_2112 : f32 to vector<16xf32>
    %swap3A_2114 = arith.constant 8 : i32
    %swap3A_2115 = arith.index_cast %swap3A_2114 : i32 to index
    %swap3A_2116 = arith.constant 0 : index
    %swap3A_2117 = tpu.vector_load %arg32[%swap3A_2115, %swap3A_2116] {strides = array<i32>} : memref<16x16xf32, #tpu.memory_space<vmem>>, vector<16xf32>,
    tpu.vector_store %arg32[%swap3A_2115, %swap3A_2116], %broadcast_in_dim3A_2113 {strides = array<i32>} : memref<16x16xf32, #tpu.memory_space<vmem>>, vector<16xf32>,
    %broadcast_in_dim3A_2118 = arith.constant 0.000000e+00 : f32
    %broadcast_in_dim3A_2119 = vector.broadcast %broadcast_in_dim3A_2118 : f32 to vector<16xf32>
    %swap3A_2120 = arith.constant 9 : i32
    %swap3A_2121 = arith.index_cast %swap3A_2120 : i32 to index
    %swap3A_2122 = arith.constant 0 : index
    %swap3A_2123 = tpu.vector_load %arg32[%swap3A_2121, %swap3A_2122] {strides = array<i32>} : memref<16x16xf32, #tpu.memory_space<vmem>>, vector<16xf32>,
    tpu.vector_store %arg32[%swap3A_2121, %swap3A_2122], %broadcast_in_dim3A_2119 {strides = array<i32>} : memref<16x16xf32, #tpu.memory_space<vmem>>, vector<16xf32>,
    %broadcast_in_dim3A_2124 = arith.constant 0.000000e+00 : f32
    %broadcast_in_dim3A_2125 = vector.broadcast %broadcast_in_dim3A_2124 : f32 to vector<16xf32>
    %swap3A_2126 = arith.constant 10 : i32
    %swap3A_2127 = arith.index_cast %swap3A_2126 : i32 to index
    %swap3A_2128 = arith.constant 0 : index
    %swap3A_2129 = tpu.vector_load %arg32[%swap3A_2127, %swap3A_2128] {strides = array<i32>} : memref<16x16xf32, #tpu.memory_space<vmem>>, vector<16xf32>,
    tpu.vector_store %arg32[%swap3A_2127, %swap3A_2128], %broadcast_in_dim3A_2125 {strides = array<i32>} : memref<16x16xf32, #tpu.memory_space<vmem>>, vector<16xf32>,
    %broadcast_in_dim3A_2130 = arith.constant 0.000000e+00 : f32
    %broadcast_in_dim3A_2131 = vector.broadcast %broadcast_in_dim3A_2130 : f32 to vector<16xf32>
    %swap3A_2132 = arith.constant 11 : i32
    %swap3A_2133 = arith.index_cast %swap3A_2132 : i32 to index
    %swap3A_2134 = arith.constant 0 : index
    %swap3A_2135 = tpu.vector_load %arg32[%swap3A_2133, %swap3A_2134] {strides = array<i32>} : memref<16x16xf32, #tpu.memory_space<vmem>>, vector<16xf32>,
    tpu.vector_store %arg32[%swap3A_2133, %swap3A_2134], %broadcast_in_dim3A_2131 {strides = array<i32>} : memref<16x16xf32, #tpu.memory_space<vmem>>, vector<16xf32>,
    %broadcast_in_dim3A_2136 = arith.constant 0.000000e+00 : f32
    %broadcast_in_dim3A_2137 = vector.broadcast %broadcast_in_dim3A_2136 : f32 to vector<16xf32>
    %swap3A_2138 = arith.constant 12 : i32
    %swap3A_2139 = arith.index_cast %swap3A_2138 : i32 to index
    %swap3A_2140 = arith.constant 0 : index
    %swap3A_2141 = tpu.vector_load %arg32[%swap3A_2139, %swap3A_2140] {strides = array<i32>} : memref<16x16xf32, #tpu.memory_space<vmem>>, vector<16xf32>,
    tpu.vector_store %arg32[%swap3A_2139, %swap3A_2140], %broadcast_in_dim3A_2137 {strides = array<i32>} : memref<16x16xf32, #tpu.memory_space<vmem>>, vector<16xf32>,
    %broadcast_in_dim3A_2142 = arith.constant 0.000000e+00 : f32
    %broadcast_in_dim3A_2143 = vector.broadcast %broadcast_in_dim3A_2142 : f32 to vector<16xf32>
    %swap3A_2144 = arith.constant 13 : i32
    %swap3A_2145 = arith.index_cast %swap3A_2144 : i32 to index
    %swap3A_2146 = arith.constant 0 : index
    %swap3A_2147 = tpu.vector_load %arg32[%swap3A_2145, %swap3A_2146] {strides = array<i32>} : memref<16x16xf32, #tpu.memory_space<vmem>>, vector<16xf32>,
    tpu.vector_store %arg32[%swap3A_2145, %swap3A_2146], %broadcast_in_dim3A_2143 {strides = array<i32>} : memref<16x16xf32, #tpu.memory_space<vmem>>, vector<16xf32>,
    %broadcast_in_dim3A_2148 = arith.constant 0.000000e+00 : f32
    %broadcast_in_dim3A_2149 = vector.broadcast %broadcast_in_dim3A_2148 : f32 to vector<16xf32>
    %swap3A_2150 = arith.constant 14 : i32
    %swap3A_2151 = arith.index_cast %swap3A_2150 : i32 to index
    %swap3A_2152 = arith.constant 0 : index
    %swap3A_2153 = tpu.vector_load %arg32[%swap3A_2151, %swap3A_2152] {strides = array<i32>} : memref<16x16xf32, #tpu.memory_space<vmem>>, vector<16xf32>,
    tpu.vector_store %arg32[%swap3A_2151, %swap3A_2152], %broadcast_in_dim3A_2149 {strides = array<i32>} : memref<16x16xf32, #tpu.memory_space<vmem>>, vector<16xf32>,
    %broadcast_in_dim3A_2154 = arith.constant 0.000000e+00 : f32
    %broadcast_in_dim3A_2155 = vector.broadcast %broadcast_in_dim3A_2154 : f32 to vector<16xf32>
    %swap3A_2156 = arith.constant 15 : i32
    %swap3A_2157 = arith.index_cast %swap3A_2156 : i32 to index
    %swap3A_2158 = arith.constant 0 : index
    %swap3A_2159 = tpu.vector_load %arg32[%swap3A_2157, %swap3A_2158] {strides = array<i32>} : memref<16x16xf32, #tpu.memory_space<vmem>>, vector<16xf32>,
    tpu.vector_store %arg32[%swap3A_2157, %swap3A_2158], %broadcast_in_dim3A_2155 {strides = array<i32>} : memref<16x16xf32, #tpu.memory_space<vmem>>, vector<16xf32>,
    %iota3A = tpu.iota {dimensions = array<i32: 0>} : vector<16xi32>
    %broadcast_in_dim3A_2160 = arith.constant 1.000000e+00 : f32
    %broadcast_in_dim3A_2161 = vector.broadcast %broadcast_in_dim3A_2160 : f32 to vector<16xf32>
    %dma_wait3A = arith.constant 0 : i32
    %dma_wait3A_2162 = arith.constant 0 : i32
    %dma_wait3A_2163 = arith.constant 0 : i32
    %dma_wait3A_2164 = tpu.memref_slice %arg6[%dma_wait3A_2162, %dma_wait3A_2163] : memref<24x512xi32, #tpu.memory_space<vmem>> -> memref<8x512xi32, #tpu.memory_space<vmem>>
    %dma_wait3A_2165 = arith.constant 0 : i32
    %dma_wait3A_2166 = arith.constant 0 : i32
    %dma_wait3A_2167 = tpu.memref_slice %arg2[%select_n3A, %dma_wait3A, %dma_wait3A_2165, %dma_wait3A_2166] : memref<2x2x384x512xi32, #tpu.memory_space<hbm>> -> memref<1x1x384x512xi32, #tpu.memory_space<hbm>>
    %dma_wait3A_2168 = tpu.memref_squeeze %dma_wait3A_2167 : memref<1x1x384x512xi32, #tpu.memory_space<hbm>> -> memref<384x512xi32, #tpu.memory_space<hbm>>
    %dma_wait3A_2169 = arith.constant 0 : i32
    %dma_wait3A_2170 = tpu.memref_slice %dma_wait3A_2168[%add3A_34, %dma_wait3A_2169] : memref<384x512xi32, #tpu.memory_space<hbm>> -> memref<8x512xi32, #tpu.memory_space<hbm>>
    %dma_wait3A_2171 = arith.constant 0 : i32
    %dma_wait3A_2172 = arith.constant 0 : i32
    %dma_wait3A_2173 = tpu.memref_slice %arg6[%dma_wait3A_2171, %dma_wait3A_2172] : memref<24x512xi32, #tpu.memory_space<vmem>> -> memref<8x512xi32, #tpu.memory_space<vmem>>
    %dma_wait3A_2174 = arith.constant 0 : i32
    %dma_wait3A_2175 = arith.constant 0 : i32
    %dma_wait3A_2176 = tpu.memref_slice %arg2[%select_n3A, %dma_wait3A, %dma_wait3A_2174, %dma_wait3A_2175] : memref<2x2x384x512xi32, #tpu.memory_space<hbm>> -> memref<1x1x384x512xi32, #tpu.memory_space<hbm>>
    %dma_wait3A_2177 = tpu.memref_squeeze %dma_wait3A_2176 : memref<1x1x384x512xi32, #tpu.memory_space<hbm>> -> memref<384x512xi32, #tpu.memory_space<hbm>>
    %dma_wait3A_2178 = arith.constant 0 : i32
    %dma_wait3A_2179 = tpu.memref_slice %dma_wait3A_2177[%add3A_34, %dma_wait3A_2178] : memref<384x512xi32, #tpu.memory_space<hbm>> -> memref<8x512xi32, #tpu.memory_space<hbm>>
    tpu.wait_dma2 semaphore(%arg11 : memref<!tpu.dma_semaphore, #tpu.memory_space<semaphore_mem>>) src(%dma_wait3A_2179 : memref<8x512xi32, #tpu.memory_space<hbm>>) dst(%dma_wait3A_2173 : memref<8x512xi32, #tpu.memory_space<vmem>>)
    %dma_wait3A_2180 = arith.constant 1 : i32
    %dma_wait3A_2181 = arith.constant 0 : i32
    %dma_wait3A_2182 = arith.constant 0 : i32
    %dma_wait3A_2183 = tpu.memref_slice %arg7[%dma_wait3A_2181, %dma_wait3A_2182] : memref<24x512xi32, #tpu.memory_space<vmem>> -> memref<8x512xi32, #tpu.memory_space<vmem>>
    %dma_wait3A_2184 = arith.constant 0 : i32
    %dma_wait3A_2185 = arith.constant 0 : i32
    %dma_wait3A_2186 = tpu.memref_slice %arg2[%select_n3A, %dma_wait3A_2180, %dma_wait3A_2184, %dma_wait3A_2185] : memref<2x2x384x512xi32, #tpu.memory_space<hbm>> -> memref<1x1x384x512xi32, #tpu.memory_space<hbm>>
    %dma_wait3A_2187 = tpu.memref_squeeze %dma_wait3A_2186 : memref<1x1x384x512xi32, #tpu.memory_space<hbm>> -> memref<384x512xi32, #tpu.memory_space<hbm>>
    %dma_wait3A_2188 = arith.constant 0 : i32
    %dma_wait3A_2189 = tpu.memref_slice %dma_wait3A_2187[%add3A_54, %dma_wait3A_2188] : memref<384x512xi32, #tpu.memory_space<hbm>> -> memref<8x512xi32, #tpu.memory_space<hbm>>
    %dma_wait3A_2190 = arith.constant 0 : i32
    %dma_wait3A_2191 = arith.constant 0 : i32
    %dma_wait3A_2192 = tpu.memref_slice %arg7[%dma_wait3A_2190, %dma_wait3A_2191] : memref<24x512xi32, #tpu.memory_space<vmem>> -> memref<8x512xi32, #tpu.memory_space<vmem>>
    %dma_wait3A_2193 = arith.constant 0 : i32
    %dma_wait3A_2194 = arith.constant 0 : i32
    %dma_wait3A_2195 = tpu.memref_slice %arg2[%select_n3A, %dma_wait3A_2180, %dma_wait3A_2193, %dma_wait3A_2194] : memref<2x2x384x512xi32, #tpu.memory_space<hbm>> -> memref<1x1x384x512xi32, #tpu.memory_space<hbm>>
    %dma_wait3A_2196 = tpu.memref_squeeze %dma_wait3A_2195 : memref<1x1x384x512xi32, #tpu.memory_space<hbm>> -> memref<384x512xi32, #tpu.memory_space<hbm>>
    %dma_wait3A_2197 = arith.constant 0 : i32
    %dma_wait3A_2198 = tpu.memref_slice %dma_wait3A_2196[%add3A_54, %dma_wait3A_2197] : memref<384x512xi32, #tpu.memory_space<hbm>> -> memref<8x512xi32, #tpu.memory_space<hbm>>
    tpu.wait_dma2 semaphore(%arg11 : memref<!tpu.dma_semaphore, #tpu.memory_space<semaphore_mem>>) src(%dma_wait3A_2198 : memref<8x512xi32, #tpu.memory_space<hbm>>) dst(%dma_wait3A_2192 : memref<8x512xi32, #tpu.memory_space<vmem>>)
    %dma_wait3A_2199 = arith.constant 0 : i32
    %dma_wait3A_2200 = arith.constant 0 : i32
    %dma_wait3A_2201 = arith.constant 0 : i32
    %dma_wait3A_2202 = tpu.memref_slice %arg8[%dma_wait3A_2200, %dma_wait3A_2201] : memref<24x512xf32, #tpu.memory_space<vmem>> -> memref<8x512xf32, #tpu.memory_space<vmem>>
    %dma_wait3A_2203 = arith.constant 0 : i32
    %dma_wait3A_2204 = arith.constant 0 : i32
    %dma_wait3A_2205 = tpu.memref_slice %arg3[%select_n3A, %dma_wait3A_2199, %dma_wait3A_2203, %dma_wait3A_2204] : memref<2x1x384x512xf32, #tpu.memory_space<hbm>> -> memref<1x1x384x512xf32, #tpu.memory_space<hbm>>
    %dma_wait3A_2206 = tpu.memref_squeeze %dma_wait3A_2205 : memref<1x1x384x512xf32, #tpu.memory_space<hbm>> -> memref<384x512xf32, #tpu.memory_space<hbm>>
    %dma_wait3A_2207 = arith.constant 0 : i32
    %dma_wait3A_2208 = tpu.memref_slice %dma_wait3A_2206[%add3A_75, %dma_wait3A_2207] : memref<384x512xf32, #tpu.memory_space<hbm>> -> memref<8x512xf32, #tpu.memory_space<hbm>>
    %dma_wait3A_2209 = arith.constant 0 : i32
    %dma_wait3A_2210 = arith.constant 0 : i32
    %dma_wait3A_2211 = tpu.memref_slice %arg8[%dma_wait3A_2209, %dma_wait3A_2210] : memref<24x512xf32, #tpu.memory_space<vmem>> -> memref<8x512xf32, #tpu.memory_space<vmem>>
    %dma_wait3A_2212 = arith.constant 0 : i32
    %dma_wait3A_2213 = arith.constant 0 : i32
    %dma_wait3A_2214 = tpu.memref_slice %arg3[%select_n3A, %dma_wait3A_2199, %dma_wait3A_2212, %dma_wait3A_2213] : memref<2x1x384x512xf32, #tpu.memory_space<hbm>> -> memref<1x1x384x512xf32, #tpu.memory_space<hbm>>
    %dma_wait3A_2215 = tpu.memref_squeeze %dma_wait3A_2214 : memref<1x1x384x512xf32, #tpu.memory_space<hbm>> -> memref<384x512xf32, #tpu.memory_space<hbm>>
    %dma_wait3A_2216 = arith.constant 0 : i32
    %dma_wait3A_2217 = tpu.memref_slice %dma_wait3A_2215[%add3A_75, %dma_wait3A_2216] : memref<384x512xf32, #tpu.memory_space<hbm>> -> memref<8x512xf32, #tpu.memory_space<hbm>>
    tpu.wait_dma2 semaphore(%arg11 : memref<!tpu.dma_semaphore, #tpu.memory_space<semaphore_mem>>) src(%dma_wait3A_2217 : memref<8x512xf32, #tpu.memory_space<hbm>>) dst(%dma_wait3A_2211 : memref<8x512xf32, #tpu.memory_space<vmem>>)
    %dma_wait3A_2218 = arith.constant 0 : i32
    %dma_wait3A_2219 = arith.constant 0 : i32
    %dma_wait3A_2220 = arith.constant 0 : i32
    %dma_wait3A_2221 = tpu.memref_slice %arg9[%dma_wait3A_2219, %dma_wait3A_2220] : memref<24x512xf32, #tpu.memory_space<vmem>> -> memref<8x512xf32, #tpu.memory_space<vmem>>
    %dma_wait3A_2222 = arith.constant 0 : i32
    %dma_wait3A_2223 = arith.constant 0 : i32
    %dma_wait3A_2224 = tpu.memref_slice %arg4[%select_n3A, %dma_wait3A_2218, %dma_wait3A_2222, %dma_wait3A_2223] : memref<2x2x384x512xf32, #tpu.memory_space<hbm>> -> memref<1x1x384x512xf32, #tpu.memory_space<hbm>>
    %dma_wait3A_2225 = tpu.memref_squeeze %dma_wait3A_2224 : memref<1x1x384x512xf32, #tpu.memory_space<hbm>> -> memref<384x512xf32, #tpu.memory_space<hbm>>
    %dma_wait3A_2226 = arith.constant 0 : i32
    %dma_wait3A_2227 = tpu.memref_slice %dma_wait3A_2225[%add3A_96, %dma_wait3A_2226] : memref<384x512xf32, #tpu.memory_space<hbm>> -> memref<8x512xf32, #tpu.memory_space<hbm>>
    %dma_wait3A_2228 = arith.constant 0 : i32
    %dma_wait3A_2229 = arith.constant 0 : i32
    %dma_wait3A_2230 = tpu.memref_slice %arg9[%dma_wait3A_2228, %dma_wait3A_2229] : memref<24x512xf32, #tpu.memory_space<vmem>> -> memref<8x512xf32, #tpu.memory_space<vmem>>
    %dma_wait3A_2231 = arith.constant 0 : i32
    %dma_wait3A_2232 = arith.constant 0 : i32
    %dma_wait3A_2233 = tpu.memref_slice %arg4[%select_n3A, %dma_wait3A_2218, %dma_wait3A_2231, %dma_wait3A_2232] : memref<2x2x384x512xf32, #tpu.memory_space<hbm>> -> memref<1x1x384x512xf32, #tpu.memory_space<hbm>>
    %dma_wait3A_2234 = tpu.memref_squeeze %dma_wait3A_2233 : memref<1x1x384x512xf32, #tpu.memory_space<hbm>> -> memref<384x512xf32, #tpu.memory_space<hbm>>
    %dma_wait3A_2235 = arith.constant 0 : i32
    %dma_wait3A_2236 = tpu.memref_slice %dma_wait3A_2234[%add3A_96, %dma_wait3A_2235] : memref<384x512xf32, #tpu.memory_space<hbm>> -> memref<8x512xf32, #tpu.memory_space<hbm>>
    tpu.wait_dma2 semaphore(%arg11 : memref<!tpu.dma_semaphore, #tpu.memory_space<semaphore_mem>>) src(%dma_wait3A_2236 : memref<8x512xf32, #tpu.memory_space<hbm>>) dst(%dma_wait3A_2230 : memref<8x512xf32, #tpu.memory_space<vmem>>)
    %dma_wait3A_2237 = arith.constant 1 : i32
    %dma_wait3A_2238 = arith.constant 0 : i32
    %dma_wait3A_2239 = arith.constant 0 : i32
    %dma_wait3A_2240 = tpu.memref_slice %arg10[%dma_wait3A_2238, %dma_wait3A_2239] : memref<24x512xf32, #tpu.memory_space<vmem>> -> memref<8x512xf32, #tpu.memory_space<vmem>>
    %dma_wait3A_2241 = arith.constant 0 : i32
    %dma_wait3A_2242 = arith.constant 0 : i32
    %dma_wait3A_2243 = tpu.memref_slice %arg4[%select_n3A, %dma_wait3A_2237, %dma_wait3A_2241, %dma_wait3A_2242] : memref<2x2x384x512xf32, #tpu.memory_space<hbm>> -> memref<1x1x384x512xf32, #tpu.memory_space<hbm>>
    %dma_wait3A_2244 = tpu.memref_squeeze %dma_wait3A_2243 : memref<1x1x384x512xf32, #tpu.memory_space<hbm>> -> memref<384x512xf32, #tpu.memory_space<hbm>>
    %dma_wait3A_2245 = arith.constant 0 : i32
    %dma_wait3A_2246 = tpu.memref_slice %dma_wait3A_2244[%add3A_117, %dma_wait3A_2245] : memref<384x512xf32, #tpu.memory_space<hbm>> -> memref<8x512xf32, #tpu.memory_space<hbm>>
    %dma_wait3A_2247 = arith.constant 0 : i32
    %dma_wait3A_2248 = arith.constant 0 : i32
    %dma_wait3A_2249 = tpu.memref_slice %arg10[%dma_wait3A_2247, %dma_wait3A_2248] : memref<24x512xf32, #tpu.memory_space<vmem>> -> memref<8x512xf32, #tpu.memory_space<vmem>>
    %dma_wait3A_2250 = arith.constant 0 : i32
    %dma_wait3A_2251 = arith.constant 0 : i32
    %dma_wait3A_2252 = tpu.memref_slice %arg4[%select_n3A, %dma_wait3A_2237, %dma_wait3A_2250, %dma_wait3A_2251] : memref<2x2x384x512xf32, #tpu.memory_space<hbm>> -> memref<1x1x384x512xf32, #tpu.memory_space<hbm>>
    %dma_wait3A_2253 = tpu.memref_squeeze %dma_wait3A_2252 : memref<1x1x384x512xf32, #tpu.memory_space<hbm>> -> memref<384x512xf32, #tpu.memory_space<hbm>>
    %dma_wait3A_2254 = arith.constant 0 : i32
    %dma_wait3A_2255 = tpu.memref_slice %dma_wait3A_2253[%add3A_117, %dma_wait3A_2254] : memref<384x512xf32, #tpu.memory_space<hbm>> -> memref<8x512xf32, #tpu.memory_space<hbm>>
    tpu.wait_dma2 semaphore(%arg11 : memref<!tpu.dma_semaphore, #tpu.memory_space<semaphore_mem>>) src(%dma_wait3A_2255 : memref<8x512xf32, #tpu.memory_space<hbm>>) dst(%dma_wait3A_2249 : memref<8x512xf32, #tpu.memory_space<vmem>>)
    %parallel_loop3A = arith.constant 0 : i32
    %parallel_loop3A_2256 = arith.constant 128 : i32
    %parallel_loop3A_2257 = arith.constant 1 : i32
    scf.for %parallel_loop3A_2395 = %parallel_loop3A to %parallel_loop3A_2256 step %parallel_loop3A_2257  : i32 {
      %parallel_loop3A_2396 = arith.constant 4 : i32
      %parallel_loop3A_2397 = arith.shrsi %parallel_loop3A_2395, %parallel_loop3A_2396 : i32
      %parallel_loop3A_2398 = arith.addi %mul3A_32, %parallel_loop3A_2397 : i32
      %parallel_loop3A_2399 = arith.sitofp %parallel_loop3A_2398 : i32 to f32
      %parallel_loop3A_2400 = arith.constant 15 : i32
      %parallel_loop3A_2401 = arith.andi %parallel_loop3A_2395, %parallel_loop3A_2400 : i32
      %parallel_loop3A_2402 = arith.constant 32 : i32
      %parallel_loop3A_2403 = arith.muli %parallel_loop3A_2401, %parallel_loop3A_2402 : i32
      %parallel_loop3A_2404 = arith.constant 0 : i32
      %parallel_loop3A_2405 = arith.addi %parallel_loop3A_2403, %parallel_loop3A_2404 : i32
      %parallel_loop3A_2406 = arith.index_cast %parallel_loop3A_2397 : i32 to index
      %parallel_loop3A_2407 = arith.index_cast %parallel_loop3A_2405 : i32 to index
      %parallel_loop3A_2408 = tpu.vector_load %arg8[%parallel_loop3A_2406, %parallel_loop3A_2407] {strides = array<i32>} : memref<24x512xf32, #tpu.memory_space<vmem>>, vector<16xf32>,
      %parallel_loop3A_2409 = arith.constant -7.812500e-03 : f32
      %parallel_loop3A_2410 = vector.broadcast %parallel_loop3A_2409 : f32 to vector<16xf32>
      %parallel_loop3A_2411 = arith.mulf %parallel_loop3A_2408, %parallel_loop3A_2410 : vector<16xf32>
      %parallel_loop3A_2412 = math.exp %parallel_loop3A_2411 : vector<16xf32>
      %parallel_loop3A_2413 = arith.constant 1.000000e+00 : f32
      %parallel_loop3A_2414 = vector.broadcast %parallel_loop3A_2413 : f32 to vector<16xf32>
      %parallel_loop3A_2415 = arith.addf %parallel_loop3A_2414, %parallel_loop3A_2412 : vector<16xf32>
      %parallel_loop3A_2416 = arith.constant 6.400000e+01 : f32
      %parallel_loop3A_2417 = vector.broadcast %parallel_loop3A_2416 : f32 to vector<16xf32>
      %parallel_loop3A_2418 = arith.divf %parallel_loop3A_2417, %parallel_loop3A_2415 : vector<16xf32>
      %parallel_loop3A_2419 = arith.constant 3.200000e+01 : f32
      %parallel_loop3A_2420 = vector.broadcast %parallel_loop3A_2419 : f32 to vector<16xf32>
      %parallel_loop3A_2421 = arith.subf %parallel_loop3A_2418, %parallel_loop3A_2420 : vector<16xf32>
      %parallel_loop3A_2422 = vector.broadcast %parallel_loop3A_2405 : i32 to vector<16xi32>
      %parallel_loop3A_2423 = arith.addi %parallel_loop3A_2422, %iota3A : vector<16xi32>
      %parallel_loop3A_2424 = arith.sitofp %parallel_loop3A_2423 : vector<16xi32> to vector<16xf32>
      %parallel_loop3A_2425 = arith.constant 0.166666672 : f32
      %parallel_loop3A_2426 = arith.mulf %parallel_loop3A_2399, %parallel_loop3A_2425 : f32
      %parallel_loop3A_2427 = arith.index_cast %parallel_loop3A_2397 : i32 to index
      %parallel_loop3A_2428 = arith.index_cast %parallel_loop3A_2405 : i32 to index
      %parallel_loop3A_2429 = tpu.vector_load %arg9[%parallel_loop3A_2427, %parallel_loop3A_2428] {strides = array<i32>} : memref<24x512xf32, #tpu.memory_space<vmem>>, vector<16xf32>,
      %parallel_loop3A_2430 = vector.broadcast %parallel_loop3A_2426 : f32 to vector<16xf32>
      %parallel_loop3A_2431 = arith.addf %parallel_loop3A_2430, %parallel_loop3A_2429 : vector<16xf32>
      %parallel_loop3A_2432 = arith.constant 1.562500e-02 : f32
      %parallel_loop3A_2433 = vector.broadcast %parallel_loop3A_2432 : f32 to vector<16xf32>
      %parallel_loop3A_2434 = arith.mulf %parallel_loop3A_2431, %parallel_loop3A_2433 : vector<16xf32>
      %parallel_loop3A_2435 = arith.constant 1.250000e-01 : f32
      %parallel_loop3A_2436 = vector.broadcast %parallel_loop3A_2435 : f32 to vector<16xf32>
      %parallel_loop3A_2437 = arith.mulf %parallel_loop3A_2424, %parallel_loop3A_2436 : vector<16xf32>
      %parallel_loop3A_2438 = arith.index_cast %parallel_loop3A_2397 : i32 to index
      %parallel_loop3A_2439 = arith.index_cast %parallel_loop3A_2405 : i32 to index
      %parallel_loop3A_2440 = tpu.vector_load %arg10[%parallel_loop3A_2438, %parallel_loop3A_2439] {strides = array<i32>} : memref<24x512xf32, #tpu.memory_space<vmem>>, vector<16xf32>,
      %parallel_loop3A_2441 = arith.addf %parallel_loop3A_2437, %parallel_loop3A_2440 : vector<16xf32>
      %parallel_loop3A_2442 = arith.constant 1.562500e-02 : f32
      %parallel_loop3A_2443 = vector.broadcast %parallel_loop3A_2442 : f32 to vector<16xf32>
      %parallel_loop3A_2444 = arith.mulf %parallel_loop3A_2441, %parallel_loop3A_2443 : vector<16xf32>
      %parallel_loop3A_2445 = arith.mulf %parallel_loop3A_2421, %parallel_loop3A_2421 : vector<16xf32>
      %parallel_loop3A_2446 = arith.index_cast %parallel_loop3A_2397 : i32 to index
      %parallel_loop3A_2447 = arith.index_cast %parallel_loop3A_2405 : i32 to index
      %parallel_loop3A_2448 = tpu.vector_load %arg6[%parallel_loop3A_2446, %parallel_loop3A_2447] {strides = array<i32>} : memref<24x512xi32, #tpu.memory_space<vmem>>, vector<16xi32>,
      tpu.vector_store_idx %arg13[%parallel_loop3A_2448, %iota3A], %broadcast_in_dim3A_2161 {add = true} : memref<16x16xf32, #tpu.memory_space<vmem>>[vector<16xi32>, vector<16xi32>], vector<16xf32>,
      tpu.vector_store_idx %arg14[%parallel_loop3A_2448, %iota3A], %parallel_loop3A_2421 {add = true} : memref<16x16xf32, #tpu.memory_space<vmem>>[vector<16xi32>, vector<16xi32>], vector<16xf32>,
      tpu.vector_store_idx %arg15[%parallel_loop3A_2448, %iota3A], %parallel_loop3A_2445 {add = true} : memref<16x16xf32, #tpu.memory_space<vmem>>[vector<16xi32>, vector<16xi32>], vector<16xf32>,
      tpu.vector_store_idx %arg16[%parallel_loop3A_2448, %iota3A], %parallel_loop3A_2434 {add = true} : memref<16x16xf32, #tpu.memory_space<vmem>>[vector<16xi32>, vector<16xi32>], vector<16xf32>,
      tpu.vector_store_idx %arg17[%parallel_loop3A_2448, %iota3A], %parallel_loop3A_2444 {add = true} : memref<16x16xf32, #tpu.memory_space<vmem>>[vector<16xi32>, vector<16xi32>], vector<16xf32>,
      %parallel_loop3A_2449 = arith.index_cast %parallel_loop3A_2397 : i32 to index
      %parallel_loop3A_2450 = arith.index_cast %parallel_loop3A_2405 : i32 to index
      %parallel_loop3A_2451 = tpu.vector_load %arg7[%parallel_loop3A_2449, %parallel_loop3A_2450] {strides = array<i32>} : memref<24x512xi32, #tpu.memory_space<vmem>>, vector<16xi32>,
      tpu.vector_store_idx %arg23[%parallel_loop3A_2451, %iota3A], %broadcast_in_dim3A_2161 {add = true} : memref<16x16xf32, #tpu.memory_space<vmem>>[vector<16xi32>, vector<16xi32>], vector<16xf32>,
      tpu.vector_store_idx %arg24[%parallel_loop3A_2451, %iota3A], %parallel_loop3A_2421 {add = true} : memref<16x16xf32, #tpu.memory_space<vmem>>[vector<16xi32>, vector<16xi32>], vector<16xf32>,
      tpu.vector_store_idx %arg25[%parallel_loop3A_2451, %iota3A], %parallel_loop3A_2445 {add = true} : memref<16x16xf32, #tpu.memory_space<vmem>>[vector<16xi32>, vector<16xi32>], vector<16xf32>,
      tpu.vector_store_idx %arg26[%parallel_loop3A_2451, %iota3A], %parallel_loop3A_2434 {add = true} : memref<16x16xf32, #tpu.memory_space<vmem>>[vector<16xi32>, vector<16xi32>], vector<16xf32>,
      tpu.vector_store_idx %arg27[%parallel_loop3A_2451, %iota3A], %parallel_loop3A_2444 {add = true} : memref<16x16xf32, #tpu.memory_space<vmem>>[vector<16xi32>, vector<16xi32>], vector<16xf32>,
      %parallel_loop3A_2452 = arith.constant 15 : i32
      %parallel_loop3A_2453 = arith.andi %parallel_loop3A_2395, %parallel_loop3A_2452 : i32
      %parallel_loop3A_2454 = arith.constant 32 : i32
      %parallel_loop3A_2455 = arith.muli %parallel_loop3A_2453, %parallel_loop3A_2454 : i32
      %parallel_loop3A_2456 = arith.constant 16 : i32
      %parallel_loop3A_2457 = arith.addi %parallel_loop3A_2455, %parallel_loop3A_2456 : i32
      %parallel_loop3A_2458 = arith.index_cast %parallel_loop3A_2397 : i32 to index
      %parallel_loop3A_2459 = arith.index_cast %parallel_loop3A_2457 : i32 to index
      %parallel_loop3A_2460 = tpu.vector_load %arg8[%parallel_loop3A_2458, %parallel_loop3A_2459] {strides = array<i32>} : memref<24x512xf32, #tpu.memory_space<vmem>>, vector<16xf32>,
      %parallel_loop3A_2461 = arith.constant -7.812500e-03 : f32
      %parallel_loop3A_2462 = vector.broadcast %parallel_loop3A_2461 : f32 to vector<16xf32>
      %parallel_loop3A_2463 = arith.mulf %parallel_loop3A_2460, %parallel_loop3A_2462 : vector<16xf32>
      %parallel_loop3A_2464 = math.exp %parallel_loop3A_2463 : vector<16xf32>
      %parallel_loop3A_2465 = arith.constant 1.000000e+00 : f32
      %parallel_loop3A_2466 = vector.broadcast %parallel_loop3A_2465 : f32 to vector<16xf32>
      %parallel_loop3A_2467 = arith.addf %parallel_loop3A_2466, %parallel_loop3A_2464 : vector<16xf32>
      %parallel_loop3A_2468 = arith.constant 6.400000e+01 : f32
      %parallel_loop3A_2469 = vector.broadcast %parallel_loop3A_2468 : f32 to vector<16xf32>
      %parallel_loop3A_2470 = arith.divf %parallel_loop3A_2469, %parallel_loop3A_2467 : vector<16xf32>
      %parallel_loop3A_2471 = arith.constant 3.200000e+01 : f32
      %parallel_loop3A_2472 = vector.broadcast %parallel_loop3A_2471 : f32 to vector<16xf32>
      %parallel_loop3A_2473 = arith.subf %parallel_loop3A_2470, %parallel_loop3A_2472 : vector<16xf32>
      %parallel_loop3A_2474 = vector.broadcast %parallel_loop3A_2457 : i32 to vector<16xi32>
      %parallel_loop3A_2475 = arith.addi %parallel_loop3A_2474, %iota3A : vector<16xi32>
      %parallel_loop3A_2476 = arith.sitofp %parallel_loop3A_2475 : vector<16xi32> to vector<16xf32>
      %parallel_loop3A_2477 = arith.constant 0.166666672 : f32
      %parallel_loop3A_2478 = arith.mulf %parallel_loop3A_2399, %parallel_loop3A_2477 : f32
      %parallel_loop3A_2479 = arith.index_cast %parallel_loop3A_2397 : i32 to index
      %parallel_loop3A_2480 = arith.index_cast %parallel_loop3A_2457 : i32 to index
      %parallel_loop3A_2481 = tpu.vector_load %arg9[%parallel_loop3A_2479, %parallel_loop3A_2480] {strides = array<i32>} : memref<24x512xf32, #tpu.memory_space<vmem>>, vector<16xf32>,
      %parallel_loop3A_2482 = vector.broadcast %parallel_loop3A_2478 : f32 to vector<16xf32>
      %parallel_loop3A_2483 = arith.addf %parallel_loop3A_2482, %parallel_loop3A_2481 : vector<16xf32>
      %parallel_loop3A_2484 = arith.constant 1.562500e-02 : f32
      %parallel_loop3A_2485 = vector.broadcast %parallel_loop3A_2484 : f32 to vector<16xf32>
      %parallel_loop3A_2486 = arith.mulf %parallel_loop3A_2483, %parallel_loop3A_2485 : vector<16xf32>
      %parallel_loop3A_2487 = arith.constant 1.250000e-01 : f32
      %parallel_loop3A_2488 = vector.broadcast %parallel_loop3A_2487 : f32 to vector<16xf32>
      %parallel_loop3A_2489 = arith.mulf %parallel_loop3A_2476, %parallel_loop3A_2488 : vector<16xf32>
      %parallel_loop3A_2490 = arith.index_cast %parallel_loop3A_2397 : i32 to index
      %parallel_loop3A_2491 = arith.index_cast %parallel_loop3A_2457 : i32 to index
      %parallel_loop3A_2492 = tpu.vector_load %arg10[%parallel_loop3A_2490, %parallel_loop3A_2491] {strides = array<i32>} : memref<24x512xf32, #tpu.memory_space<vmem>>, vector<16xf32>,
      %parallel_loop3A_2493 = arith.addf %parallel_loop3A_2489, %parallel_loop3A_2492 : vector<16xf32>
      %parallel_loop3A_2494 = arith.constant 1.562500e-02 : f32
      %parallel_loop3A_2495 = vector.broadcast %parallel_loop3A_2494 : f32 to vector<16xf32>
      %parallel_loop3A_2496 = arith.mulf %parallel_loop3A_2493, %parallel_loop3A_2495 : vector<16xf32>
      %parallel_loop3A_2497 = arith.mulf %parallel_loop3A_2473, %parallel_loop3A_2473 : vector<16xf32>
      %parallel_loop3A_2498 = arith.index_cast %parallel_loop3A_2397 : i32 to index
      %parallel_loop3A_2499 = arith.index_cast %parallel_loop3A_2457 : i32 to index
      %parallel_loop3A_2500 = tpu.vector_load %arg6[%parallel_loop3A_2498, %parallel_loop3A_2499] {strides = array<i32>} : memref<24x512xi32, #tpu.memory_space<vmem>>, vector<16xi32>,
      tpu.vector_store_idx %arg18[%parallel_loop3A_2500, %iota3A], %broadcast_in_dim3A_2161 {add = true} : memref<16x16xf32, #tpu.memory_space<vmem>>[vector<16xi32>, vector<16xi32>], vector<16xf32>,
      tpu.vector_store_idx %arg19[%parallel_loop3A_2500, %iota3A], %parallel_loop3A_2473 {add = true} : memref<16x16xf32, #tpu.memory_space<vmem>>[vector<16xi32>, vector<16xi32>], vector<16xf32>,
      tpu.vector_store_idx %arg20[%parallel_loop3A_2500, %iota3A], %parallel_loop3A_2497 {add = true} : memref<16x16xf32, #tpu.memory_space<vmem>>[vector<16xi32>, vector<16xi32>], vector<16xf32>,
      tpu.vector_store_idx %arg21[%parallel_loop3A_2500, %iota3A], %parallel_loop3A_2486 {add = true} : memref<16x16xf32, #tpu.memory_space<vmem>>[vector<16xi32>, vector<16xi32>], vector<16xf32>,
      tpu.vector_store_idx %arg22[%parallel_loop3A_2500, %iota3A], %parallel_loop3A_2496 {add = true} : memref<16x16xf32, #tpu.memory_space<vmem>>[vector<16xi32>, vector<16xi32>], vector<16xf32>,
      %parallel_loop3A_2501 = arith.index_cast %parallel_loop3A_2397 : i32 to index
      %parallel_loop3A_2502 = arith.index_cast %parallel_loop3A_2457 : i32 to index
      %parallel_loop3A_2503 = tpu.vector_load %arg7[%parallel_loop3A_2501, %parallel_loop3A_2502] {strides = array<i32>} : memref<24x512xi32, #tpu.memory_space<vmem>>, vector<16xi32>,
      tpu.vector_store_idx %arg28[%parallel_loop3A_2503, %iota3A], %broadcast_in_dim3A_2161 {add = true} : memref<16x16xf32, #tpu.memory_space<vmem>>[vector<16xi32>, vector<16xi32>], vector<16xf32>,
      tpu.vector_store_idx %arg29[%parallel_loop3A_2503, %iota3A], %parallel_loop3A_2473 {add = true} : memref<16x16xf32, #tpu.memory_space<vmem>>[vector<16xi32>, vector<16xi32>], vector<16xf32>,
      tpu.vector_store_idx %arg30[%parallel_loop3A_2503, %iota3A], %parallel_loop3A_2497 {add = true} : memref<16x16xf32, #tpu.memory_space<vmem>>[vector<16xi32>, vector<16xi32>], vector<16xf32>,
      tpu.vector_store_idx %arg31[%parallel_loop3A_2503, %iota3A], %parallel_loop3A_2486 {add = true} : memref<16x16xf32, #tpu.memory_space<vmem>>[vector<16xi32>, vector<16xi32>], vector<16xf32>,
      tpu.vector_store_idx %arg32[%parallel_loop3A_2503, %iota3A], %parallel_loop3A_2496 {add = true} : memref<16x16xf32, #tpu.memory_space<vmem>>[vector<16xi32>, vector<16xi32>], vector<16xf32>,
    } {sc.loop_unroll_factor = 4 : i64, sc.parallel_access}
    %dma_wait3A_2258 = arith.constant 0 : i32
    %dma_wait3A_2259 = arith.constant 8 : i32
    %dma_wait3A_2260 = arith.constant 0 : i32
    %dma_wait3A_2261 = tpu.memref_slice %arg6[%dma_wait3A_2259, %dma_wait3A_2260] : memref<24x512xi32, #tpu.memory_space<vmem>> -> memref<16x512xi32, #tpu.memory_space<vmem>>
    %dma_wait3A_2262 = arith.constant 0 : i32
    %dma_wait3A_2263 = arith.constant 0 : i32
    %dma_wait3A_2264 = tpu.memref_slice %arg2[%select_n3A, %dma_wait3A_2258, %dma_wait3A_2262, %dma_wait3A_2263] : memref<2x2x384x512xi32, #tpu.memory_space<hbm>> -> memref<1x1x384x512xi32, #tpu.memory_space<hbm>>
    %dma_wait3A_2265 = tpu.memref_squeeze %dma_wait3A_2264 : memref<1x1x384x512xi32, #tpu.memory_space<hbm>> -> memref<384x512xi32, #tpu.memory_space<hbm>>
    %dma_wait3A_2266 = arith.constant 0 : i32
    %dma_wait3A_2267 = tpu.memref_slice %dma_wait3A_2265[%add3A_138, %dma_wait3A_2266] : memref<384x512xi32, #tpu.memory_space<hbm>> -> memref<16x512xi32, #tpu.memory_space<hbm>>
    %dma_wait3A_2268 = arith.constant 8 : i32
    %dma_wait3A_2269 = arith.constant 0 : i32
    %dma_wait3A_2270 = tpu.memref_slice %arg6[%dma_wait3A_2268, %dma_wait3A_2269] : memref<24x512xi32, #tpu.memory_space<vmem>> -> memref<16x512xi32, #tpu.memory_space<vmem>>
    %dma_wait3A_2271 = arith.constant 0 : i32
    %dma_wait3A_2272 = arith.constant 0 : i32
    %dma_wait3A_2273 = tpu.memref_slice %arg2[%select_n3A, %dma_wait3A_2258, %dma_wait3A_2271, %dma_wait3A_2272] : memref<2x2x384x512xi32, #tpu.memory_space<hbm>> -> memref<1x1x384x512xi32, #tpu.memory_space<hbm>>
    %dma_wait3A_2274 = tpu.memref_squeeze %dma_wait3A_2273 : memref<1x1x384x512xi32, #tpu.memory_space<hbm>> -> memref<384x512xi32, #tpu.memory_space<hbm>>
    %dma_wait3A_2275 = arith.constant 0 : i32
    %dma_wait3A_2276 = tpu.memref_slice %dma_wait3A_2274[%add3A_138, %dma_wait3A_2275] : memref<384x512xi32, #tpu.memory_space<hbm>> -> memref<16x512xi32, #tpu.memory_space<hbm>>
    tpu.wait_dma2 semaphore(%arg12 : memref<!tpu.dma_semaphore, #tpu.memory_space<semaphore_mem>>) src(%dma_wait3A_2276 : memref<16x512xi32, #tpu.memory_space<hbm>>) dst(%dma_wait3A_2270 : memref<16x512xi32, #tpu.memory_space<vmem>>)
    %dma_wait3A_2277 = arith.constant 1 : i32
    %dma_wait3A_2278 = arith.constant 8 : i32
    %dma_wait3A_2279 = arith.constant 0 : i32
    %dma_wait3A_2280 = tpu.memref_slice %arg7[%dma_wait3A_2278, %dma_wait3A_2279] : memref<24x512xi32, #tpu.memory_space<vmem>> -> memref<16x512xi32, #tpu.memory_space<vmem>>
    %dma_wait3A_2281 = arith.constant 0 : i32
    %dma_wait3A_2282 = arith.constant 0 : i32
    %dma_wait3A_2283 = tpu.memref_slice %arg2[%select_n3A, %dma_wait3A_2277, %dma_wait3A_2281, %dma_wait3A_2282] : memref<2x2x384x512xi32, #tpu.memory_space<hbm>> -> memref<1x1x384x512xi32, #tpu.memory_space<hbm>>
    %dma_wait3A_2284 = tpu.memref_squeeze %dma_wait3A_2283 : memref<1x1x384x512xi32, #tpu.memory_space<hbm>> -> memref<384x512xi32, #tpu.memory_space<hbm>>
    %dma_wait3A_2285 = arith.constant 0 : i32
    %dma_wait3A_2286 = tpu.memref_slice %dma_wait3A_2284[%add3A_159, %dma_wait3A_2285] : memref<384x512xi32, #tpu.memory_space<hbm>> -> memref<16x512xi32, #tpu.memory_space<hbm>>
    %dma_wait3A_2287 = arith.constant 8 : i32
    %dma_wait3A_2288 = arith.constant 0 : i32
    %dma_wait3A_2289 = tpu.memref_slice %arg7[%dma_wait3A_2287, %dma_wait3A_2288] : memref<24x512xi32, #tpu.memory_space<vmem>> -> memref<16x512xi32, #tpu.memory_space<vmem>>
    %dma_wait3A_2290 = arith.constant 0 : i32
    %dma_wait3A_2291 = arith.constant 0 : i32
    %dma_wait3A_2292 = tpu.memref_slice %arg2[%select_n3A, %dma_wait3A_2277, %dma_wait3A_2290, %dma_wait3A_2291] : memref<2x2x384x512xi32, #tpu.memory_space<hbm>> -> memref<1x1x384x512xi32, #tpu.memory_space<hbm>>
    %dma_wait3A_2293 = tpu.memref_squeeze %dma_wait3A_2292 : memref<1x1x384x512xi32, #tpu.memory_space<hbm>> -> memref<384x512xi32, #tpu.memory_space<hbm>>
    %dma_wait3A_2294 = arith.constant 0 : i32
    %dma_wait3A_2295 = tpu.memref_slice %dma_wait3A_2293[%add3A_159, %dma_wait3A_2294] : memref<384x512xi32, #tpu.memory_space<hbm>> -> memref<16x512xi32, #tpu.memory_space<hbm>>
    tpu.wait_dma2 semaphore(%arg12 : memref<!tpu.dma_semaphore, #tpu.memory_space<semaphore_mem>>) src(%dma_wait3A_2295 : memref<16x512xi32, #tpu.memory_space<hbm>>) dst(%dma_wait3A_2289 : memref<16x512xi32, #tpu.memory_space<vmem>>)
    %dma_wait3A_2296 = arith.constant 0 : i32
    %dma_wait3A_2297 = arith.constant 8 : i32
    %dma_wait3A_2298 = arith.constant 0 : i32
    %dma_wait3A_2299 = tpu.memref_slice %arg8[%dma_wait3A_2297, %dma_wait3A_2298] : memref<24x512xf32, #tpu.memory_space<vmem>> -> memref<16x512xf32, #tpu.memory_space<vmem>>
    %dma_wait3A_2300 = arith.constant 0 : i32
    %dma_wait3A_2301 = arith.constant 0 : i32
    %dma_wait3A_2302 = tpu.memref_slice %arg3[%select_n3A, %dma_wait3A_2296, %dma_wait3A_2300, %dma_wait3A_2301] : memref<2x1x384x512xf32, #tpu.memory_space<hbm>> -> memref<1x1x384x512xf32, #tpu.memory_space<hbm>>
    %dma_wait3A_2303 = tpu.memref_squeeze %dma_wait3A_2302 : memref<1x1x384x512xf32, #tpu.memory_space<hbm>> -> memref<384x512xf32, #tpu.memory_space<hbm>>
    %dma_wait3A_2304 = arith.constant 0 : i32
    %dma_wait3A_2305 = tpu.memref_slice %dma_wait3A_2303[%add3A_180, %dma_wait3A_2304] : memref<384x512xf32, #tpu.memory_space<hbm>> -> memref<16x512xf32, #tpu.memory_space<hbm>>
    %dma_wait3A_2306 = arith.constant 8 : i32
    %dma_wait3A_2307 = arith.constant 0 : i32
    %dma_wait3A_2308 = tpu.memref_slice %arg8[%dma_wait3A_2306, %dma_wait3A_2307] : memref<24x512xf32, #tpu.memory_space<vmem>> -> memref<16x512xf32, #tpu.memory_space<vmem>>
    %dma_wait3A_2309 = arith.constant 0 : i32
    %dma_wait3A_2310 = arith.constant 0 : i32
    %dma_wait3A_2311 = tpu.memref_slice %arg3[%select_n3A, %dma_wait3A_2296, %dma_wait3A_2309, %dma_wait3A_2310] : memref<2x1x384x512xf32, #tpu.memory_space<hbm>> -> memref<1x1x384x512xf32, #tpu.memory_space<hbm>>
    %dma_wait3A_2312 = tpu.memref_squeeze %dma_wait3A_2311 : memref<1x1x384x512xf32, #tpu.memory_space<hbm>> -> memref<384x512xf32, #tpu.memory_space<hbm>>
    %dma_wait3A_2313 = arith.constant 0 : i32
    %dma_wait3A_2314 = tpu.memref_slice %dma_wait3A_2312[%add3A_180, %dma_wait3A_2313] : memref<384x512xf32, #tpu.memory_space<hbm>> -> memref<16x512xf32, #tpu.memory_space<hbm>>
    tpu.wait_dma2 semaphore(%arg12 : memref<!tpu.dma_semaphore, #tpu.memory_space<semaphore_mem>>) src(%dma_wait3A_2314 : memref<16x512xf32, #tpu.memory_space<hbm>>) dst(%dma_wait3A_2308 : memref<16x512xf32, #tpu.memory_space<vmem>>)
    %dma_wait3A_2315 = arith.constant 0 : i32
    %dma_wait3A_2316 = arith.constant 8 : i32
    %dma_wait3A_2317 = arith.constant 0 : i32
    %dma_wait3A_2318 = tpu.memref_slice %arg9[%dma_wait3A_2316, %dma_wait3A_2317] : memref<24x512xf32, #tpu.memory_space<vmem>> -> memref<16x512xf32, #tpu.memory_space<vmem>>
    %dma_wait3A_2319 = arith.constant 0 : i32
    %dma_wait3A_2320 = arith.constant 0 : i32
    %dma_wait3A_2321 = tpu.memref_slice %arg4[%select_n3A, %dma_wait3A_2315, %dma_wait3A_2319, %dma_wait3A_2320] : memref<2x2x384x512xf32, #tpu.memory_space<hbm>> -> memref<1x1x384x512xf32, #tpu.memory_space<hbm>>
    %dma_wait3A_2322 = tpu.memref_squeeze %dma_wait3A_2321 : memref<1x1x384x512xf32, #tpu.memory_space<hbm>> -> memref<384x512xf32, #tpu.memory_space<hbm>>
    %dma_wait3A_2323 = arith.constant 0 : i32
    %dma_wait3A_2324 = tpu.memref_slice %dma_wait3A_2322[%add3A_201, %dma_wait3A_2323] : memref<384x512xf32, #tpu.memory_space<hbm>> -> memref<16x512xf32, #tpu.memory_space<hbm>>
    %dma_wait3A_2325 = arith.constant 8 : i32
    %dma_wait3A_2326 = arith.constant 0 : i32
    %dma_wait3A_2327 = tpu.memref_slice %arg9[%dma_wait3A_2325, %dma_wait3A_2326] : memref<24x512xf32, #tpu.memory_space<vmem>> -> memref<16x512xf32, #tpu.memory_space<vmem>>
    %dma_wait3A_2328 = arith.constant 0 : i32
    %dma_wait3A_2329 = arith.constant 0 : i32
    %dma_wait3A_2330 = tpu.memref_slice %arg4[%select_n3A, %dma_wait3A_2315, %dma_wait3A_2328, %dma_wait3A_2329] : memref<2x2x384x512xf32, #tpu.memory_space<hbm>> -> memref<1x1x384x512xf32, #tpu.memory_space<hbm>>
    %dma_wait3A_2331 = tpu.memref_squeeze %dma_wait3A_2330 : memref<1x1x384x512xf32, #tpu.memory_space<hbm>> -> memref<384x512xf32, #tpu.memory_space<hbm>>
    %dma_wait3A_2332 = arith.constant 0 : i32
    %dma_wait3A_2333 = tpu.memref_slice %dma_wait3A_2331[%add3A_201, %dma_wait3A_2332] : memref<384x512xf32, #tpu.memory_space<hbm>> -> memref<16x512xf32, #tpu.memory_space<hbm>>
    tpu.wait_dma2 semaphore(%arg12 : memref<!tpu.dma_semaphore, #tpu.memory_space<semaphore_mem>>) src(%dma_wait3A_2333 : memref<16x512xf32, #tpu.memory_space<hbm>>) dst(%dma_wait3A_2327 : memref<16x512xf32, #tpu.memory_space<vmem>>)
    %dma_wait3A_2334 = arith.constant 1 : i32
    %dma_wait3A_2335 = arith.constant 8 : i32
    %dma_wait3A_2336 = arith.constant 0 : i32
    %dma_wait3A_2337 = tpu.memref_slice %arg10[%dma_wait3A_2335, %dma_wait3A_2336] : memref<24x512xf32, #tpu.memory_space<vmem>> -> memref<16x512xf32, #tpu.memory_space<vmem>>
    %dma_wait3A_2338 = arith.constant 0 : i32
    %dma_wait3A_2339 = arith.constant 0 : i32
    %dma_wait3A_2340 = tpu.memref_slice %arg4[%select_n3A, %dma_wait3A_2334, %dma_wait3A_2338, %dma_wait3A_2339] : memref<2x2x384x512xf32, #tpu.memory_space<hbm>> -> memref<1x1x384x512xf32, #tpu.memory_space<hbm>>
    %dma_wait3A_2341 = tpu.memref_squeeze %dma_wait3A_2340 : memref<1x1x384x512xf32, #tpu.memory_space<hbm>> -> memref<384x512xf32, #tpu.memory_space<hbm>>
    %dma_wait3A_2342 = arith.constant 0 : i32
    %dma_wait3A_2343 = tpu.memref_slice %dma_wait3A_2341[%add3A_222, %dma_wait3A_2342] : memref<384x512xf32, #tpu.memory_space<hbm>> -> memref<16x512xf32, #tpu.memory_space<hbm>>
    %dma_wait3A_2344 = arith.constant 8 : i32
    %dma_wait3A_2345 = arith.constant 0 : i32
    %dma_wait3A_2346 = tpu.memref_slice %arg10[%dma_wait3A_2344, %dma_wait3A_2345] : memref<24x512xf32, #tpu.memory_space<vmem>> -> memref<16x512xf32, #tpu.memory_space<vmem>>
    %dma_wait3A_2347 = arith.constant 0 : i32
    %dma_wait3A_2348 = arith.constant 0 : i32
    %dma_wait3A_2349 = tpu.memref_slice %arg4[%select_n3A, %dma_wait3A_2334, %dma_wait3A_2347, %dma_wait3A_2348] : memref<2x2x384x512xf32, #tpu.memory_space<hbm>> -> memref<1x1x384x512xf32, #tpu.memory_space<hbm>>
    %dma_wait3A_2350 = tpu.memref_squeeze %dma_wait3A_2349 : memref<1x1x384x512xf32, #tpu.memory_space<hbm>> -> memref<384x512xf32, #tpu.memory_space<hbm>>
    %dma_wait3A_2351 = arith.constant 0 : i32
    %dma_wait3A_2352 = tpu.memref_slice %dma_wait3A_2350[%add3A_222, %dma_wait3A_2351] : memref<384x512xf32, #tpu.memory_space<hbm>> -> memref<16x512xf32, #tpu.memory_space<hbm>>
    tpu.wait_dma2 semaphore(%arg12 : memref<!tpu.dma_semaphore, #tpu.memory_space<semaphore_mem>>) src(%dma_wait3A_2352 : memref<16x512xf32, #tpu.memory_space<hbm>>) dst(%dma_wait3A_2346 : memref<16x512xf32, #tpu.memory_space<vmem>>)
    %parallel_loop3A_2353 = arith.constant 128 : i32
    %parallel_loop3A_2354 = arith.constant 384 : i32
    %parallel_loop3A_2355 = arith.constant 1 : i32
    scf.for %parallel_loop3A_2395 = %parallel_loop3A_2353 to %parallel_loop3A_2354 step %parallel_loop3A_2355  : i32 {
      %parallel_loop3A_2396 = arith.constant 4 : i32
      %parallel_loop3A_2397 = arith.shrsi %parallel_loop3A_2395, %parallel_loop3A_2396 : i32
      %parallel_loop3A_2398 = arith.addi %mul3A_32, %parallel_loop3A_2397 : i32
      %parallel_loop3A_2399 = arith.sitofp %parallel_loop3A_2398 : i32 to f32
      %parallel_loop3A_2400 = arith.constant 15 : i32
      %parallel_loop3A_2401 = arith.andi %parallel_loop3A_2395, %parallel_loop3A_2400 : i32
      %parallel_loop3A_2402 = arith.constant 32 : i32
      %parallel_loop3A_2403 = arith.muli %parallel_loop3A_2401, %parallel_loop3A_2402 : i32
      %parallel_loop3A_2404 = arith.constant 0 : i32
      %parallel_loop3A_2405 = arith.addi %parallel_loop3A_2403, %parallel_loop3A_2404 : i32
      %parallel_loop3A_2406 = arith.index_cast %parallel_loop3A_2397 : i32 to index
      %parallel_loop3A_2407 = arith.index_cast %parallel_loop3A_2405 : i32 to index
      %parallel_loop3A_2408 = tpu.vector_load %arg8[%parallel_loop3A_2406, %parallel_loop3A_2407] {strides = array<i32>} : memref<24x512xf32, #tpu.memory_space<vmem>>, vector<16xf32>,
      %parallel_loop3A_2409 = arith.constant -7.812500e-03 : f32
      %parallel_loop3A_2410 = vector.broadcast %parallel_loop3A_2409 : f32 to vector<16xf32>
      %parallel_loop3A_2411 = arith.mulf %parallel_loop3A_2408, %parallel_loop3A_2410 : vector<16xf32>
      %parallel_loop3A_2412 = math.exp %parallel_loop3A_2411 : vector<16xf32>
      %parallel_loop3A_2413 = arith.constant 1.000000e+00 : f32
      %parallel_loop3A_2414 = vector.broadcast %parallel_loop3A_2413 : f32 to vector<16xf32>
      %parallel_loop3A_2415 = arith.addf %parallel_loop3A_2414, %parallel_loop3A_2412 : vector<16xf32>
      %parallel_loop3A_2416 = arith.constant 6.400000e+01 : f32
      %parallel_loop3A_2417 = vector.broadcast %parallel_loop3A_2416 : f32 to vector<16xf32>
      %parallel_loop3A_2418 = arith.divf %parallel_loop3A_2417, %parallel_loop3A_2415 : vector<16xf32>
      %parallel_loop3A_2419 = arith.constant 3.200000e+01 : f32
      %parallel_loop3A_2420 = vector.broadcast %parallel_loop3A_2419 : f32 to vector<16xf32>
      %parallel_loop3A_2421 = arith.subf %parallel_loop3A_2418, %parallel_loop3A_2420 : vector<16xf32>
      %parallel_loop3A_2422 = vector.broadcast %parallel_loop3A_2405 : i32 to vector<16xi32>
      %parallel_loop3A_2423 = arith.addi %parallel_loop3A_2422, %iota3A : vector<16xi32>
      %parallel_loop3A_2424 = arith.sitofp %parallel_loop3A_2423 : vector<16xi32> to vector<16xf32>
      %parallel_loop3A_2425 = arith.constant 0.166666672 : f32
      %parallel_loop3A_2426 = arith.mulf %parallel_loop3A_2399, %parallel_loop3A_2425 : f32
      %parallel_loop3A_2427 = arith.index_cast %parallel_loop3A_2397 : i32 to index
      %parallel_loop3A_2428 = arith.index_cast %parallel_loop3A_2405 : i32 to index
      %parallel_loop3A_2429 = tpu.vector_load %arg9[%parallel_loop3A_2427, %parallel_loop3A_2428] {strides = array<i32>} : memref<24x512xf32, #tpu.memory_space<vmem>>, vector<16xf32>,
      %parallel_loop3A_2430 = vector.broadcast %parallel_loop3A_2426 : f32 to vector<16xf32>
      %parallel_loop3A_2431 = arith.addf %parallel_loop3A_2430, %parallel_loop3A_2429 : vector<16xf32>
      %parallel_loop3A_2432 = arith.constant 1.562500e-02 : f32
      %parallel_loop3A_2433 = vector.broadcast %parallel_loop3A_2432 : f32 to vector<16xf32>
      %parallel_loop3A_2434 = arith.mulf %parallel_loop3A_2431, %parallel_loop3A_2433 : vector<16xf32>
      %parallel_loop3A_2435 = arith.constant 1.250000e-01 : f32
      %parallel_loop3A_2436 = vector.broadcast %parallel_loop3A_2435 : f32 to vector<16xf32>
      %parallel_loop3A_2437 = arith.mulf %parallel_loop3A_2424, %parallel_loop3A_2436 : vector<16xf32>
      %parallel_loop3A_2438 = arith.index_cast %parallel_loop3A_2397 : i32 to index
      %parallel_loop3A_2439 = arith.index_cast %parallel_loop3A_2405 : i32 to index
      %parallel_loop3A_2440 = tpu.vector_load %arg10[%parallel_loop3A_2438, %parallel_loop3A_2439] {strides = array<i32>} : memref<24x512xf32, #tpu.memory_space<vmem>>, vector<16xf32>,
      %parallel_loop3A_2441 = arith.addf %parallel_loop3A_2437, %parallel_loop3A_2440 : vector<16xf32>
      %parallel_loop3A_2442 = arith.constant 1.562500e-02 : f32
      %parallel_loop3A_2443 = vector.broadcast %parallel_loop3A_2442 : f32 to vector<16xf32>
      %parallel_loop3A_2444 = arith.mulf %parallel_loop3A_2441, %parallel_loop3A_2443 : vector<16xf32>
      %parallel_loop3A_2445 = arith.mulf %parallel_loop3A_2421, %parallel_loop3A_2421 : vector<16xf32>
      %parallel_loop3A_2446 = arith.index_cast %parallel_loop3A_2397 : i32 to index
      %parallel_loop3A_2447 = arith.index_cast %parallel_loop3A_2405 : i32 to index
      %parallel_loop3A_2448 = tpu.vector_load %arg6[%parallel_loop3A_2446, %parallel_loop3A_2447] {strides = array<i32>} : memref<24x512xi32, #tpu.memory_space<vmem>>, vector<16xi32>,
      tpu.vector_store_idx %arg13[%parallel_loop3A_2448, %iota3A], %broadcast_in_dim3A_2161 {add = true} : memref<16x16xf32, #tpu.memory_space<vmem>>[vector<16xi32>, vector<16xi32>], vector<16xf32>,
      tpu.vector_store_idx %arg14[%parallel_loop3A_2448, %iota3A], %parallel_loop3A_2421 {add = true} : memref<16x16xf32, #tpu.memory_space<vmem>>[vector<16xi32>, vector<16xi32>], vector<16xf32>,
      tpu.vector_store_idx %arg15[%parallel_loop3A_2448, %iota3A], %parallel_loop3A_2445 {add = true} : memref<16x16xf32, #tpu.memory_space<vmem>>[vector<16xi32>, vector<16xi32>], vector<16xf32>,
      tpu.vector_store_idx %arg16[%parallel_loop3A_2448, %iota3A], %parallel_loop3A_2434 {add = true} : memref<16x16xf32, #tpu.memory_space<vmem>>[vector<16xi32>, vector<16xi32>], vector<16xf32>,
      tpu.vector_store_idx %arg17[%parallel_loop3A_2448, %iota3A], %parallel_loop3A_2444 {add = true} : memref<16x16xf32, #tpu.memory_space<vmem>>[vector<16xi32>, vector<16xi32>], vector<16xf32>,
      %parallel_loop3A_2449 = arith.index_cast %parallel_loop3A_2397 : i32 to index
      %parallel_loop3A_2450 = arith.index_cast %parallel_loop3A_2405 : i32 to index
      %parallel_loop3A_2451 = tpu.vector_load %arg7[%parallel_loop3A_2449, %parallel_loop3A_2450] {strides = array<i32>} : memref<24x512xi32, #tpu.memory_space<vmem>>, vector<16xi32>,
      tpu.vector_store_idx %arg23[%parallel_loop3A_2451, %iota3A], %broadcast_in_dim3A_2161 {add = true} : memref<16x16xf32, #tpu.memory_space<vmem>>[vector<16xi32>, vector<16xi32>], vector<16xf32>,
      tpu.vector_store_idx %arg24[%parallel_loop3A_2451, %iota3A], %parallel_loop3A_2421 {add = true} : memref<16x16xf32, #tpu.memory_space<vmem>>[vector<16xi32>, vector<16xi32>], vector<16xf32>,
      tpu.vector_store_idx %arg25[%parallel_loop3A_2451, %iota3A], %parallel_loop3A_2445 {add = true} : memref<16x16xf32, #tpu.memory_space<vmem>>[vector<16xi32>, vector<16xi32>], vector<16xf32>,
      tpu.vector_store_idx %arg26[%parallel_loop3A_2451, %iota3A], %parallel_loop3A_2434 {add = true} : memref<16x16xf32, #tpu.memory_space<vmem>>[vector<16xi32>, vector<16xi32>], vector<16xf32>,
      tpu.vector_store_idx %arg27[%parallel_loop3A_2451, %iota3A], %parallel_loop3A_2444 {add = true} : memref<16x16xf32, #tpu.memory_space<vmem>>[vector<16xi32>, vector<16xi32>], vector<16xf32>,
      %parallel_loop3A_2452 = arith.constant 15 : i32
      %parallel_loop3A_2453 = arith.andi %parallel_loop3A_2395, %parallel_loop3A_2452 : i32
      %parallel_loop3A_2454 = arith.constant 32 : i32
      %parallel_loop3A_2455 = arith.muli %parallel_loop3A_2453, %parallel_loop3A_2454 : i32
      %parallel_loop3A_2456 = arith.constant 16 : i32
      %parallel_loop3A_2457 = arith.addi %parallel_loop3A_2455, %parallel_loop3A_2456 : i32
      %parallel_loop3A_2458 = arith.index_cast %parallel_loop3A_2397 : i32 to index
      %parallel_loop3A_2459 = arith.index_cast %parallel_loop3A_2457 : i32 to index
      %parallel_loop3A_2460 = tpu.vector_load %arg8[%parallel_loop3A_2458, %parallel_loop3A_2459] {strides = array<i32>} : memref<24x512xf32, #tpu.memory_space<vmem>>, vector<16xf32>,
      %parallel_loop3A_2461 = arith.constant -7.812500e-03 : f32
      %parallel_loop3A_2462 = vector.broadcast %parallel_loop3A_2461 : f32 to vector<16xf32>
      %parallel_loop3A_2463 = arith.mulf %parallel_loop3A_2460, %parallel_loop3A_2462 : vector<16xf32>
      %parallel_loop3A_2464 = math.exp %parallel_loop3A_2463 : vector<16xf32>
      %parallel_loop3A_2465 = arith.constant 1.000000e+00 : f32
      %parallel_loop3A_2466 = vector.broadcast %parallel_loop3A_2465 : f32 to vector<16xf32>
      %parallel_loop3A_2467 = arith.addf %parallel_loop3A_2466, %parallel_loop3A_2464 : vector<16xf32>
      %parallel_loop3A_2468 = arith.constant 6.400000e+01 : f32
      %parallel_loop3A_2469 = vector.broadcast %parallel_loop3A_2468 : f32 to vector<16xf32>
      %parallel_loop3A_2470 = arith.divf %parallel_loop3A_2469, %parallel_loop3A_2467 : vector<16xf32>
      %parallel_loop3A_2471 = arith.constant 3.200000e+01 : f32
      %parallel_loop3A_2472 = vector.broadcast %parallel_loop3A_2471 : f32 to vector<16xf32>
      %parallel_loop3A_2473 = arith.subf %parallel_loop3A_2470, %parallel_loop3A_2472 : vector<16xf32>
      %parallel_loop3A_2474 = vector.broadcast %parallel_loop3A_2457 : i32 to vector<16xi32>
      %parallel_loop3A_2475 = arith.addi %parallel_loop3A_2474, %iota3A : vector<16xi32>
      %parallel_loop3A_2476 = arith.sitofp %parallel_loop3A_2475 : vector<16xi32> to vector<16xf32>
      %parallel_loop3A_2477 = arith.constant 0.166666672 : f32
      %parallel_loop3A_2478 = arith.mulf %parallel_loop3A_2399, %parallel_loop3A_2477 : f32
      %parallel_loop3A_2479 = arith.index_cast %parallel_loop3A_2397 : i32 to index
      %parallel_loop3A_2480 = arith.index_cast %parallel_loop3A_2457 : i32 to index
      %parallel_loop3A_2481 = tpu.vector_load %arg9[%parallel_loop3A_2479, %parallel_loop3A_2480] {strides = array<i32>} : memref<24x512xf32, #tpu.memory_space<vmem>>, vector<16xf32>,
      %parallel_loop3A_2482 = vector.broadcast %parallel_loop3A_2478 : f32 to vector<16xf32>
      %parallel_loop3A_2483 = arith.addf %parallel_loop3A_2482, %parallel_loop3A_2481 : vector<16xf32>
      %parallel_loop3A_2484 = arith.constant 1.562500e-02 : f32
      %parallel_loop3A_2485 = vector.broadcast %parallel_loop3A_2484 : f32 to vector<16xf32>
      %parallel_loop3A_2486 = arith.mulf %parallel_loop3A_2483, %parallel_loop3A_2485 : vector<16xf32>
      %parallel_loop3A_2487 = arith.constant 1.250000e-01 : f32
      %parallel_loop3A_2488 = vector.broadcast %parallel_loop3A_2487 : f32 to vector<16xf32>
      %parallel_loop3A_2489 = arith.mulf %parallel_loop3A_2476, %parallel_loop3A_2488 : vector<16xf32>
      %parallel_loop3A_2490 = arith.index_cast %parallel_loop3A_2397 : i32 to index
      %parallel_loop3A_2491 = arith.index_cast %parallel_loop3A_2457 : i32 to index
      %parallel_loop3A_2492 = tpu.vector_load %arg10[%parallel_loop3A_2490, %parallel_loop3A_2491] {strides = array<i32>} : memref<24x512xf32, #tpu.memory_space<vmem>>, vector<16xf32>,
      %parallel_loop3A_2493 = arith.addf %parallel_loop3A_2489, %parallel_loop3A_2492 : vector<16xf32>
      %parallel_loop3A_2494 = arith.constant 1.562500e-02 : f32
      %parallel_loop3A_2495 = vector.broadcast %parallel_loop3A_2494 : f32 to vector<16xf32>
      %parallel_loop3A_2496 = arith.mulf %parallel_loop3A_2493, %parallel_loop3A_2495 : vector<16xf32>
      %parallel_loop3A_2497 = arith.mulf %parallel_loop3A_2473, %parallel_loop3A_2473 : vector<16xf32>
      %parallel_loop3A_2498 = arith.index_cast %parallel_loop3A_2397 : i32 to index
      %parallel_loop3A_2499 = arith.index_cast %parallel_loop3A_2457 : i32 to index
      %parallel_loop3A_2500 = tpu.vector_load %arg6[%parallel_loop3A_2498, %parallel_loop3A_2499] {strides = array<i32>} : memref<24x512xi32, #tpu.memory_space<vmem>>, vector<16xi32>,
      tpu.vector_store_idx %arg18[%parallel_loop3A_2500, %iota3A], %broadcast_in_dim3A_2161 {add = true} : memref<16x16xf32, #tpu.memory_space<vmem>>[vector<16xi32>, vector<16xi32>], vector<16xf32>,
      tpu.vector_store_idx %arg19[%parallel_loop3A_2500, %iota3A], %parallel_loop3A_2473 {add = true} : memref<16x16xf32, #tpu.memory_space<vmem>>[vector<16xi32>, vector<16xi32>], vector<16xf32>,
      tpu.vector_store_idx %arg20[%parallel_loop3A_2500, %iota3A], %parallel_loop3A_2497 {add = true} : memref<16x16xf32, #tpu.memory_space<vmem>>[vector<16xi32>, vector<16xi32>], vector<16xf32>,
      tpu.vector_store_idx %arg21[%parallel_loop3A_2500, %iota3A], %parallel_loop3A_2486 {add = true} : memref<16x16xf32, #tpu.memory_space<vmem>>[vector<16xi32>, vector<16xi32>], vector<16xf32>,
      tpu.vector_store_idx %arg22[%parallel_loop3A_2500, %iota3A], %parallel_loop3A_2496 {add = true} : memref<16x16xf32, #tpu.memory_space<vmem>>[vector<16xi32>, vector<16xi32>], vector<16xf32>,
      %parallel_loop3A_2501 = arith.index_cast %parallel_loop3A_2397 : i32 to index
      %parallel_loop3A_2502 = arith.index_cast %parallel_loop3A_2457 : i32 to index
      %parallel_loop3A_2503 = tpu.vector_load %arg7[%parallel_loop3A_2501, %parallel_loop3A_2502] {strides = array<i32>} : memref<24x512xi32, #tpu.memory_space<vmem>>, vector<16xi32>,
      tpu.vector_store_idx %arg28[%parallel_loop3A_2503, %iota3A], %broadcast_in_dim3A_2161 {add = true} : memref<16x16xf32, #tpu.memory_space<vmem>>[vector<16xi32>, vector<16xi32>], vector<16xf32>,
      tpu.vector_store_idx %arg29[%parallel_loop3A_2503, %iota3A], %parallel_loop3A_2473 {add = true} : memref<16x16xf32, #tpu.memory_space<vmem>>[vector<16xi32>, vector<16xi32>], vector<16xf32>,
      tpu.vector_store_idx %arg30[%parallel_loop3A_2503, %iota3A], %parallel_loop3A_2497 {add = true} : memref<16x16xf32, #tpu.memory_space<vmem>>[vector<16xi32>, vector<16xi32>], vector<16xf32>,
      tpu.vector_store_idx %arg31[%parallel_loop3A_2503, %iota3A], %parallel_loop3A_2486 {add = true} : memref<16x16xf32, #tpu.memory_space<vmem>>[vector<16xi32>, vector<16xi32>], vector<16xf32>,
      tpu.vector_store_idx %arg32[%parallel_loop3A_2503, %iota3A], %parallel_loop3A_2496 {add = true} : memref<16x16xf32, #tpu.memory_space<vmem>>[vector<16xi32>, vector<16xi32>], vector<16xf32>,
    } {sc.loop_unroll_factor = 4 : i64, sc.parallel_access}
    %run_scoped3A = arith.constant 0 : i32
    %run_scoped3A_2356 = arith.constant 0 : i32
    "tpu.region"() ({
      %run_scoped3A_2395 = tpu.sem_alloc : memref<!tpu.dma_semaphore, #tpu.memory_space<semaphore_mem>>
      %dma_start3A_2396 = arith.constant 0 : i32
      %dma_start3A_2397 = arith.constant 0 : i32
      %dma_start3A_2398 = tpu.memref_slice %arg5[%select_n3A, %select_n3A_30, %run_scoped3A, %run_scoped3A_2356, %dma_start3A_2396, %dma_start3A_2397] : memref<2x16x2x10x16x16xf32, #tpu.memory_space<hbm>> -> memref<1x1x1x1x16x16xf32, #tpu.memory_space<hbm>>
      %dma_start3A_2399 = tpu.memref_squeeze %dma_start3A_2398 : memref<1x1x1x1x16x16xf32, #tpu.memory_space<hbm>> -> memref<16x16xf32, #tpu.memory_space<hbm>>
      %dma_start3A_2400 = arith.constant 0 : i32
      %dma_start3A_2401 = arith.constant 0 : i32
      %dma_start3A_2402 = tpu.memref_slice %arg5[%select_n3A, %select_n3A_30, %run_scoped3A, %run_scoped3A_2356, %dma_start3A_2400, %dma_start3A_2401] : memref<2x16x2x10x16x16xf32, #tpu.memory_space<hbm>> -> memref<1x1x1x1x16x16xf32, #tpu.memory_space<hbm>>
      %dma_start3A_2403 = tpu.memref_squeeze %dma_start3A_2402 : memref<1x1x1x1x16x16xf32, #tpu.memory_space<hbm>> -> memref<16x16xf32, #tpu.memory_space<hbm>>
      tpu.enqueue_dma source(%arg13 : memref<16x16xf32, #tpu.memory_space<vmem>>) target(%dma_start3A_2403 : memref<16x16xf32, #tpu.memory_space<hbm>>) target_semaphore(%run_scoped3A_2395 : memref<!tpu.dma_semaphore, #tpu.memory_space<semaphore_mem>>)
      %dma_wait3A_2404 = arith.constant 0 : i32
      %dma_wait3A_2405 = arith.constant 0 : i32
      %dma_wait3A_2406 = tpu.memref_slice %arg5[%select_n3A, %select_n3A_30, %run_scoped3A, %run_scoped3A_2356, %dma_wait3A_2404, %dma_wait3A_2405] : memref<2x16x2x10x16x16xf32, #tpu.memory_space<hbm>> -> memref<1x1x1x1x16x16xf32, #tpu.memory_space<hbm>>
      %dma_wait3A_2407 = tpu.memref_squeeze %dma_wait3A_2406 : memref<1x1x1x1x16x16xf32, #tpu.memory_space<hbm>> -> memref<16x16xf32, #tpu.memory_space<hbm>>
      %dma_wait3A_2408 = arith.constant 0 : i32
      %dma_wait3A_2409 = arith.constant 0 : i32
      %dma_wait3A_2410 = tpu.memref_slice %arg5[%select_n3A, %select_n3A_30, %run_scoped3A, %run_scoped3A_2356, %dma_wait3A_2408, %dma_wait3A_2409] : memref<2x16x2x10x16x16xf32, #tpu.memory_space<hbm>> -> memref<1x1x1x1x16x16xf32, #tpu.memory_space<hbm>>
      %dma_wait3A_2411 = tpu.memref_squeeze %dma_wait3A_2410 : memref<1x1x1x1x16x16xf32, #tpu.memory_space<hbm>> -> memref<16x16xf32, #tpu.memory_space<hbm>>
      tpu.wait_dma2 semaphore(%run_scoped3A_2395 : memref<!tpu.dma_semaphore, #tpu.memory_space<semaphore_mem>>) src(%arg13 : memref<16x16xf32, #tpu.memory_space<vmem>>) dst(%dma_wait3A_2411 : memref<16x16xf32, #tpu.memory_space<hbm>>)
      tpu.yield
    }) : () -> ()
    %run_scoped3A_2357 = arith.constant 0 : i32
    %run_scoped3A_2358 = arith.constant 1 : i32
    "tpu.region"() ({
      %run_scoped3A_2395 = tpu.sem_alloc : memref<!tpu.dma_semaphore, #tpu.memory_space<semaphore_mem>>
      %dma_start3A_2396 = arith.constant 0 : i32
      %dma_start3A_2397 = arith.constant 0 : i32
      %dma_start3A_2398 = tpu.memref_slice %arg5[%select_n3A, %select_n3A_30, %run_scoped3A_2357, %run_scoped3A_2358, %dma_start3A_2396, %dma_start3A_2397] : memref<2x16x2x10x16x16xf32, #tpu.memory_space<hbm>> -> memref<1x1x1x1x16x16xf32, #tpu.memory_space<hbm>>
      %dma_start3A_2399 = tpu.memref_squeeze %dma_start3A_2398 : memref<1x1x1x1x16x16xf32, #tpu.memory_space<hbm>> -> memref<16x16xf32, #tpu.memory_space<hbm>>
      %dma_start3A_2400 = arith.constant 0 : i32
      %dma_start3A_2401 = arith.constant 0 : i32
      %dma_start3A_2402 = tpu.memref_slice %arg5[%select_n3A, %select_n3A_30, %run_scoped3A_2357, %run_scoped3A_2358, %dma_start3A_2400, %dma_start3A_2401] : memref<2x16x2x10x16x16xf32, #tpu.memory_space<hbm>> -> memref<1x1x1x1x16x16xf32, #tpu.memory_space<hbm>>
      %dma_start3A_2403 = tpu.memref_squeeze %dma_start3A_2402 : memref<1x1x1x1x16x16xf32, #tpu.memory_space<hbm>> -> memref<16x16xf32, #tpu.memory_space<hbm>>
      tpu.enqueue_dma source(%arg14 : memref<16x16xf32, #tpu.memory_space<vmem>>) target(%dma_start3A_2403 : memref<16x16xf32, #tpu.memory_space<hbm>>) target_semaphore(%run_scoped3A_2395 : memref<!tpu.dma_semaphore, #tpu.memory_space<semaphore_mem>>)
      %dma_wait3A_2404 = arith.constant 0 : i32
      %dma_wait3A_2405 = arith.constant 0 : i32
      %dma_wait3A_2406 = tpu.memref_slice %arg5[%select_n3A, %select_n3A_30, %run_scoped3A_2357, %run_scoped3A_2358, %dma_wait3A_2404, %dma_wait3A_2405] : memref<2x16x2x10x16x16xf32, #tpu.memory_space<hbm>> -> memref<1x1x1x1x16x16xf32, #tpu.memory_space<hbm>>
      %dma_wait3A_2407 = tpu.memref_squeeze %dma_wait3A_2406 : memref<1x1x1x1x16x16xf32, #tpu.memory_space<hbm>> -> memref<16x16xf32, #tpu.memory_space<hbm>>
      %dma_wait3A_2408 = arith.constant 0 : i32
      %dma_wait3A_2409 = arith.constant 0 : i32
      %dma_wait3A_2410 = tpu.memref_slice %arg5[%select_n3A, %select_n3A_30, %run_scoped3A_2357, %run_scoped3A_2358, %dma_wait3A_2408, %dma_wait3A_2409] : memref<2x16x2x10x16x16xf32, #tpu.memory_space<hbm>> -> memref<1x1x1x1x16x16xf32, #tpu.memory_space<hbm>>
      %dma_wait3A_2411 = tpu.memref_squeeze %dma_wait3A_2410 : memref<1x1x1x1x16x16xf32, #tpu.memory_space<hbm>> -> memref<16x16xf32, #tpu.memory_space<hbm>>
      tpu.wait_dma2 semaphore(%run_scoped3A_2395 : memref<!tpu.dma_semaphore, #tpu.memory_space<semaphore_mem>>) src(%arg14 : memref<16x16xf32, #tpu.memory_space<vmem>>) dst(%dma_wait3A_2411 : memref<16x16xf32, #tpu.memory_space<hbm>>)
      tpu.yield
    }) : () -> ()
    %run_scoped3A_2359 = arith.constant 0 : i32
    %run_scoped3A_2360 = arith.constant 2 : i32
    "tpu.region"() ({
      %run_scoped3A_2395 = tpu.sem_alloc : memref<!tpu.dma_semaphore, #tpu.memory_space<semaphore_mem>>
      %dma_start3A_2396 = arith.constant 0 : i32
      %dma_start3A_2397 = arith.constant 0 : i32
      %dma_start3A_2398 = tpu.memref_slice %arg5[%select_n3A, %select_n3A_30, %run_scoped3A_2359, %run_scoped3A_2360, %dma_start3A_2396, %dma_start3A_2397] : memref<2x16x2x10x16x16xf32, #tpu.memory_space<hbm>> -> memref<1x1x1x1x16x16xf32, #tpu.memory_space<hbm>>
      %dma_start3A_2399 = tpu.memref_squeeze %dma_start3A_2398 : memref<1x1x1x1x16x16xf32, #tpu.memory_space<hbm>> -> memref<16x16xf32, #tpu.memory_space<hbm>>
      %dma_start3A_2400 = arith.constant 0 : i32
      %dma_start3A_2401 = arith.constant 0 : i32
      %dma_start3A_2402 = tpu.memref_slice %arg5[%select_n3A, %select_n3A_30, %run_scoped3A_2359, %run_scoped3A_2360, %dma_start3A_2400, %dma_start3A_2401] : memref<2x16x2x10x16x16xf32, #tpu.memory_space<hbm>> -> memref<1x1x1x1x16x16xf32, #tpu.memory_space<hbm>>
      %dma_start3A_2403 = tpu.memref_squeeze %dma_start3A_2402 : memref<1x1x1x1x16x16xf32, #tpu.memory_space<hbm>> -> memref<16x16xf32, #tpu.memory_space<hbm>>
      tpu.enqueue_dma source(%arg15 : memref<16x16xf32, #tpu.memory_space<vmem>>) target(%dma_start3A_2403 : memref<16x16xf32, #tpu.memory_space<hbm>>) target_semaphore(%run_scoped3A_2395 : memref<!tpu.dma_semaphore, #tpu.memory_space<semaphore_mem>>)
      %dma_wait3A_2404 = arith.constant 0 : i32
      %dma_wait3A_2405 = arith.constant 0 : i32
      %dma_wait3A_2406 = tpu.memref_slice %arg5[%select_n3A, %select_n3A_30, %run_scoped3A_2359, %run_scoped3A_2360, %dma_wait3A_2404, %dma_wait3A_2405] : memref<2x16x2x10x16x16xf32, #tpu.memory_space<hbm>> -> memref<1x1x1x1x16x16xf32, #tpu.memory_space<hbm>>
      %dma_wait3A_2407 = tpu.memref_squeeze %dma_wait3A_2406 : memref<1x1x1x1x16x16xf32, #tpu.memory_space<hbm>> -> memref<16x16xf32, #tpu.memory_space<hbm>>
      %dma_wait3A_2408 = arith.constant 0 : i32
      %dma_wait3A_2409 = arith.constant 0 : i32
      %dma_wait3A_2410 = tpu.memref_slice %arg5[%select_n3A, %select_n3A_30, %run_scoped3A_2359, %run_scoped3A_2360, %dma_wait3A_2408, %dma_wait3A_2409] : memref<2x16x2x10x16x16xf32, #tpu.memory_space<hbm>> -> memref<1x1x1x1x16x16xf32, #tpu.memory_space<hbm>>
      %dma_wait3A_2411 = tpu.memref_squeeze %dma_wait3A_2410 : memref<1x1x1x1x16x16xf32, #tpu.memory_space<hbm>> -> memref<16x16xf32, #tpu.memory_space<hbm>>
      tpu.wait_dma2 semaphore(%run_scoped3A_2395 : memref<!tpu.dma_semaphore, #tpu.memory_space<semaphore_mem>>) src(%arg15 : memref<16x16xf32, #tpu.memory_space<vmem>>) dst(%dma_wait3A_2411 : memref<16x16xf32, #tpu.memory_space<hbm>>)
      tpu.yield
    }) : () -> ()
    %run_scoped3A_2361 = arith.constant 0 : i32
    %run_scoped3A_2362 = arith.constant 3 : i32
    "tpu.region"() ({
      %run_scoped3A_2395 = tpu.sem_alloc : memref<!tpu.dma_semaphore, #tpu.memory_space<semaphore_mem>>
      %dma_start3A_2396 = arith.constant 0 : i32
      %dma_start3A_2397 = arith.constant 0 : i32
      %dma_start3A_2398 = tpu.memref_slice %arg5[%select_n3A, %select_n3A_30, %run_scoped3A_2361, %run_scoped3A_2362, %dma_start3A_2396, %dma_start3A_2397] : memref<2x16x2x10x16x16xf32, #tpu.memory_space<hbm>> -> memref<1x1x1x1x16x16xf32, #tpu.memory_space<hbm>>
      %dma_start3A_2399 = tpu.memref_squeeze %dma_start3A_2398 : memref<1x1x1x1x16x16xf32, #tpu.memory_space<hbm>> -> memref<16x16xf32, #tpu.memory_space<hbm>>
      %dma_start3A_2400 = arith.constant 0 : i32
      %dma_start3A_2401 = arith.constant 0 : i32
      %dma_start3A_2402 = tpu.memref_slice %arg5[%select_n3A, %select_n3A_30, %run_scoped3A_2361, %run_scoped3A_2362, %dma_start3A_2400, %dma_start3A_2401] : memref<2x16x2x10x16x16xf32, #tpu.memory_space<hbm>> -> memref<1x1x1x1x16x16xf32, #tpu.memory_space<hbm>>
      %dma_start3A_2403 = tpu.memref_squeeze %dma_start3A_2402 : memref<1x1x1x1x16x16xf32, #tpu.memory_space<hbm>> -> memref<16x16xf32, #tpu.memory_space<hbm>>
      tpu.enqueue_dma source(%arg16 : memref<16x16xf32, #tpu.memory_space<vmem>>) target(%dma_start3A_2403 : memref<16x16xf32, #tpu.memory_space<hbm>>) target_semaphore(%run_scoped3A_2395 : memref<!tpu.dma_semaphore, #tpu.memory_space<semaphore_mem>>)
      %dma_wait3A_2404 = arith.constant 0 : i32
      %dma_wait3A_2405 = arith.constant 0 : i32
      %dma_wait3A_2406 = tpu.memref_slice %arg5[%select_n3A, %select_n3A_30, %run_scoped3A_2361, %run_scoped3A_2362, %dma_wait3A_2404, %dma_wait3A_2405] : memref<2x16x2x10x16x16xf32, #tpu.memory_space<hbm>> -> memref<1x1x1x1x16x16xf32, #tpu.memory_space<hbm>>
      %dma_wait3A_2407 = tpu.memref_squeeze %dma_wait3A_2406 : memref<1x1x1x1x16x16xf32, #tpu.memory_space<hbm>> -> memref<16x16xf32, #tpu.memory_space<hbm>>
      %dma_wait3A_2408 = arith.constant 0 : i32
      %dma_wait3A_2409 = arith.constant 0 : i32
      %dma_wait3A_2410 = tpu.memref_slice %arg5[%select_n3A, %select_n3A_30, %run_scoped3A_2361, %run_scoped3A_2362, %dma_wait3A_2408, %dma_wait3A_2409] : memref<2x16x2x10x16x16xf32, #tpu.memory_space<hbm>> -> memref<1x1x1x1x16x16xf32, #tpu.memory_space<hbm>>
      %dma_wait3A_2411 = tpu.memref_squeeze %dma_wait3A_2410 : memref<1x1x1x1x16x16xf32, #tpu.memory_space<hbm>> -> memref<16x16xf32, #tpu.memory_space<hbm>>
      tpu.wait_dma2 semaphore(%run_scoped3A_2395 : memref<!tpu.dma_semaphore, #tpu.memory_space<semaphore_mem>>) src(%arg16 : memref<16x16xf32, #tpu.memory_space<vmem>>) dst(%dma_wait3A_2411 : memref<16x16xf32, #tpu.memory_space<hbm>>)
      tpu.yield
    }) : () -> ()
    %run_scoped3A_2363 = arith.constant 0 : i32
    %run_scoped3A_2364 = arith.constant 4 : i32
    "tpu.region"() ({
      %run_scoped3A_2395 = tpu.sem_alloc : memref<!tpu.dma_semaphore, #tpu.memory_space<semaphore_mem>>
      %dma_start3A_2396 = arith.constant 0 : i32
      %dma_start3A_2397 = arith.constant 0 : i32
      %dma_start3A_2398 = tpu.memref_slice %arg5[%select_n3A, %select_n3A_30, %run_scoped3A_2363, %run_scoped3A_2364, %dma_start3A_2396, %dma_start3A_2397] : memref<2x16x2x10x16x16xf32, #tpu.memory_space<hbm>> -> memref<1x1x1x1x16x16xf32, #tpu.memory_space<hbm>>
      %dma_start3A_2399 = tpu.memref_squeeze %dma_start3A_2398 : memref<1x1x1x1x16x16xf32, #tpu.memory_space<hbm>> -> memref<16x16xf32, #tpu.memory_space<hbm>>
      %dma_start3A_2400 = arith.constant 0 : i32
      %dma_start3A_2401 = arith.constant 0 : i32
      %dma_start3A_2402 = tpu.memref_slice %arg5[%select_n3A, %select_n3A_30, %run_scoped3A_2363, %run_scoped3A_2364, %dma_start3A_2400, %dma_start3A_2401] : memref<2x16x2x10x16x16xf32, #tpu.memory_space<hbm>> -> memref<1x1x1x1x16x16xf32, #tpu.memory_space<hbm>>
      %dma_start3A_2403 = tpu.memref_squeeze %dma_start3A_2402 : memref<1x1x1x1x16x16xf32, #tpu.memory_space<hbm>> -> memref<16x16xf32, #tpu.memory_space<hbm>>
      tpu.enqueue_dma source(%arg17 : memref<16x16xf32, #tpu.memory_space<vmem>>) target(%dma_start3A_2403 : memref<16x16xf32, #tpu.memory_space<hbm>>) target_semaphore(%run_scoped3A_2395 : memref<!tpu.dma_semaphore, #tpu.memory_space<semaphore_mem>>)
      %dma_wait3A_2404 = arith.constant 0 : i32
      %dma_wait3A_2405 = arith.constant 0 : i32
      %dma_wait3A_2406 = tpu.memref_slice %arg5[%select_n3A, %select_n3A_30, %run_scoped3A_2363, %run_scoped3A_2364, %dma_wait3A_2404, %dma_wait3A_2405] : memref<2x16x2x10x16x16xf32, #tpu.memory_space<hbm>> -> memref<1x1x1x1x16x16xf32, #tpu.memory_space<hbm>>
      %dma_wait3A_2407 = tpu.memref_squeeze %dma_wait3A_2406 : memref<1x1x1x1x16x16xf32, #tpu.memory_space<hbm>> -> memref<16x16xf32, #tpu.memory_space<hbm>>
      %dma_wait3A_2408 = arith.constant 0 : i32
      %dma_wait3A_2409 = arith.constant 0 : i32
      %dma_wait3A_2410 = tpu.memref_slice %arg5[%select_n3A, %select_n3A_30, %run_scoped3A_2363, %run_scoped3A_2364, %dma_wait3A_2408, %dma_wait3A_2409] : memref<2x16x2x10x16x16xf32, #tpu.memory_space<hbm>> -> memref<1x1x1x1x16x16xf32, #tpu.memory_space<hbm>>
      %dma_wait3A_2411 = tpu.memref_squeeze %dma_wait3A_2410 : memref<1x1x1x1x16x16xf32, #tpu.memory_space<hbm>> -> memref<16x16xf32, #tpu.memory_space<hbm>>
      tpu.wait_dma2 semaphore(%run_scoped3A_2395 : memref<!tpu.dma_semaphore, #tpu.memory_space<semaphore_mem>>) src(%arg17 : memref<16x16xf32, #tpu.memory_space<vmem>>) dst(%dma_wait3A_2411 : memref<16x16xf32, #tpu.memory_space<hbm>>)
      tpu.yield
    }) : () -> ()
    %run_scoped3A_2365 = arith.constant 0 : i32
    %run_scoped3A_2366 = arith.constant 5 : i32
    "tpu.region"() ({
      %run_scoped3A_2395 = tpu.sem_alloc : memref<!tpu.dma_semaphore, #tpu.memory_space<semaphore_mem>>
      %dma_start3A_2396 = arith.constant 0 : i32
      %dma_start3A_2397 = arith.constant 0 : i32
      %dma_start3A_2398 = tpu.memref_slice %arg5[%select_n3A, %select_n3A_30, %run_scoped3A_2365, %run_scoped3A_2366, %dma_start3A_2396, %dma_start3A_2397] : memref<2x16x2x10x16x16xf32, #tpu.memory_space<hbm>> -> memref<1x1x1x1x16x16xf32, #tpu.memory_space<hbm>>
      %dma_start3A_2399 = tpu.memref_squeeze %dma_start3A_2398 : memref<1x1x1x1x16x16xf32, #tpu.memory_space<hbm>> -> memref<16x16xf32, #tpu.memory_space<hbm>>
      %dma_start3A_2400 = arith.constant 0 : i32
      %dma_start3A_2401 = arith.constant 0 : i32
      %dma_start3A_2402 = tpu.memref_slice %arg5[%select_n3A, %select_n3A_30, %run_scoped3A_2365, %run_scoped3A_2366, %dma_start3A_2400, %dma_start3A_2401] : memref<2x16x2x10x16x16xf32, #tpu.memory_space<hbm>> -> memref<1x1x1x1x16x16xf32, #tpu.memory_space<hbm>>
      %dma_start3A_2403 = tpu.memref_squeeze %dma_start3A_2402 : memref<1x1x1x1x16x16xf32, #tpu.memory_space<hbm>> -> memref<16x16xf32, #tpu.memory_space<hbm>>
      tpu.enqueue_dma source(%arg18 : memref<16x16xf32, #tpu.memory_space<vmem>>) target(%dma_start3A_2403 : memref<16x16xf32, #tpu.memory_space<hbm>>) target_semaphore(%run_scoped3A_2395 : memref<!tpu.dma_semaphore, #tpu.memory_space<semaphore_mem>>)
      %dma_wait3A_2404 = arith.constant 0 : i32
      %dma_wait3A_2405 = arith.constant 0 : i32
      %dma_wait3A_2406 = tpu.memref_slice %arg5[%select_n3A, %select_n3A_30, %run_scoped3A_2365, %run_scoped3A_2366, %dma_wait3A_2404, %dma_wait3A_2405] : memref<2x16x2x10x16x16xf32, #tpu.memory_space<hbm>> -> memref<1x1x1x1x16x16xf32, #tpu.memory_space<hbm>>
      %dma_wait3A_2407 = tpu.memref_squeeze %dma_wait3A_2406 : memref<1x1x1x1x16x16xf32, #tpu.memory_space<hbm>> -> memref<16x16xf32, #tpu.memory_space<hbm>>
      %dma_wait3A_2408 = arith.constant 0 : i32
      %dma_wait3A_2409 = arith.constant 0 : i32
      %dma_wait3A_2410 = tpu.memref_slice %arg5[%select_n3A, %select_n3A_30, %run_scoped3A_2365, %run_scoped3A_2366, %dma_wait3A_2408, %dma_wait3A_2409] : memref<2x16x2x10x16x16xf32, #tpu.memory_space<hbm>> -> memref<1x1x1x1x16x16xf32, #tpu.memory_space<hbm>>
      %dma_wait3A_2411 = tpu.memref_squeeze %dma_wait3A_2410 : memref<1x1x1x1x16x16xf32, #tpu.memory_space<hbm>> -> memref<16x16xf32, #tpu.memory_space<hbm>>
      tpu.wait_dma2 semaphore(%run_scoped3A_2395 : memref<!tpu.dma_semaphore, #tpu.memory_space<semaphore_mem>>) src(%arg18 : memref<16x16xf32, #tpu.memory_space<vmem>>) dst(%dma_wait3A_2411 : memref<16x16xf32, #tpu.memory_space<hbm>>)
      tpu.yield
    }) : () -> ()
    %run_scoped3A_2367 = arith.constant 0 : i32
    %run_scoped3A_2368 = arith.constant 6 : i32
    "tpu.region"() ({
      %run_scoped3A_2395 = tpu.sem_alloc : memref<!tpu.dma_semaphore, #tpu.memory_space<semaphore_mem>>
      %dma_start3A_2396 = arith.constant 0 : i32
      %dma_start3A_2397 = arith.constant 0 : i32
      %dma_start3A_2398 = tpu.memref_slice %arg5[%select_n3A, %select_n3A_30, %run_scoped3A_2367, %run_scoped3A_2368, %dma_start3A_2396, %dma_start3A_2397] : memref<2x16x2x10x16x16xf32, #tpu.memory_space<hbm>> -> memref<1x1x1x1x16x16xf32, #tpu.memory_space<hbm>>
      %dma_start3A_2399 = tpu.memref_squeeze %dma_start3A_2398 : memref<1x1x1x1x16x16xf32, #tpu.memory_space<hbm>> -> memref<16x16xf32, #tpu.memory_space<hbm>>
      %dma_start3A_2400 = arith.constant 0 : i32
      %dma_start3A_2401 = arith.constant 0 : i32
      %dma_start3A_2402 = tpu.memref_slice %arg5[%select_n3A, %select_n3A_30, %run_scoped3A_2367, %run_scoped3A_2368, %dma_start3A_2400, %dma_start3A_2401] : memref<2x16x2x10x16x16xf32, #tpu.memory_space<hbm>> -> memref<1x1x1x1x16x16xf32, #tpu.memory_space<hbm>>
      %dma_start3A_2403 = tpu.memref_squeeze %dma_start3A_2402 : memref<1x1x1x1x16x16xf32, #tpu.memory_space<hbm>> -> memref<16x16xf32, #tpu.memory_space<hbm>>
      tpu.enqueue_dma source(%arg19 : memref<16x16xf32, #tpu.memory_space<vmem>>) target(%dma_start3A_2403 : memref<16x16xf32, #tpu.memory_space<hbm>>) target_semaphore(%run_scoped3A_2395 : memref<!tpu.dma_semaphore, #tpu.memory_space<semaphore_mem>>)
      %dma_wait3A_2404 = arith.constant 0 : i32
      %dma_wait3A_2405 = arith.constant 0 : i32
      %dma_wait3A_2406 = tpu.memref_slice %arg5[%select_n3A, %select_n3A_30, %run_scoped3A_2367, %run_scoped3A_2368, %dma_wait3A_2404, %dma_wait3A_2405] : memref<2x16x2x10x16x16xf32, #tpu.memory_space<hbm>> -> memref<1x1x1x1x16x16xf32, #tpu.memory_space<hbm>>
      %dma_wait3A_2407 = tpu.memref_squeeze %dma_wait3A_2406 : memref<1x1x1x1x16x16xf32, #tpu.memory_space<hbm>> -> memref<16x16xf32, #tpu.memory_space<hbm>>
      %dma_wait3A_2408 = arith.constant 0 : i32
      %dma_wait3A_2409 = arith.constant 0 : i32
      %dma_wait3A_2410 = tpu.memref_slice %arg5[%select_n3A, %select_n3A_30, %run_scoped3A_2367, %run_scoped3A_2368, %dma_wait3A_2408, %dma_wait3A_2409] : memref<2x16x2x10x16x16xf32, #tpu.memory_space<hbm>> -> memref<1x1x1x1x16x16xf32, #tpu.memory_space<hbm>>
      %dma_wait3A_2411 = tpu.memref_squeeze %dma_wait3A_2410 : memref<1x1x1x1x16x16xf32, #tpu.memory_space<hbm>> -> memref<16x16xf32, #tpu.memory_space<hbm>>
      tpu.wait_dma2 semaphore(%run_scoped3A_2395 : memref<!tpu.dma_semaphore, #tpu.memory_space<semaphore_mem>>) src(%arg19 : memref<16x16xf32, #tpu.memory_space<vmem>>) dst(%dma_wait3A_2411 : memref<16x16xf32, #tpu.memory_space<hbm>>)
      tpu.yield
    }) : () -> ()
    %run_scoped3A_2369 = arith.constant 0 : i32
    %run_scoped3A_2370 = arith.constant 7 : i32
    "tpu.region"() ({
      %run_scoped3A_2395 = tpu.sem_alloc : memref<!tpu.dma_semaphore, #tpu.memory_space<semaphore_mem>>
      %dma_start3A_2396 = arith.constant 0 : i32
      %dma_start3A_2397 = arith.constant 0 : i32
      %dma_start3A_2398 = tpu.memref_slice %arg5[%select_n3A, %select_n3A_30, %run_scoped3A_2369, %run_scoped3A_2370, %dma_start3A_2396, %dma_start3A_2397] : memref<2x16x2x10x16x16xf32, #tpu.memory_space<hbm>> -> memref<1x1x1x1x16x16xf32, #tpu.memory_space<hbm>>
      %dma_start3A_2399 = tpu.memref_squeeze %dma_start3A_2398 : memref<1x1x1x1x16x16xf32, #tpu.memory_space<hbm>> -> memref<16x16xf32, #tpu.memory_space<hbm>>
      %dma_start3A_2400 = arith.constant 0 : i32
      %dma_start3A_2401 = arith.constant 0 : i32
      %dma_start3A_2402 = tpu.memref_slice %arg5[%select_n3A, %select_n3A_30, %run_scoped3A_2369, %run_scoped3A_2370, %dma_start3A_2400, %dma_start3A_2401] : memref<2x16x2x10x16x16xf32, #tpu.memory_space<hbm>> -> memref<1x1x1x1x16x16xf32, #tpu.memory_space<hbm>>
      %dma_start3A_2403 = tpu.memref_squeeze %dma_start3A_2402 : memref<1x1x1x1x16x16xf32, #tpu.memory_space<hbm>> -> memref<16x16xf32, #tpu.memory_space<hbm>>
      tpu.enqueue_dma source(%arg20 : memref<16x16xf32, #tpu.memory_space<vmem>>) target(%dma_start3A_2403 : memref<16x16xf32, #tpu.memory_space<hbm>>) target_semaphore(%run_scoped3A_2395 : memref<!tpu.dma_semaphore, #tpu.memory_space<semaphore_mem>>)
      %dma_wait3A_2404 = arith.constant 0 : i32
      %dma_wait3A_2405 = arith.constant 0 : i32
      %dma_wait3A_2406 = tpu.memref_slice %arg5[%select_n3A, %select_n3A_30, %run_scoped3A_2369, %run_scoped3A_2370, %dma_wait3A_2404, %dma_wait3A_2405] : memref<2x16x2x10x16x16xf32, #tpu.memory_space<hbm>> -> memref<1x1x1x1x16x16xf32, #tpu.memory_space<hbm>>
      %dma_wait3A_2407 = tpu.memref_squeeze %dma_wait3A_2406 : memref<1x1x1x1x16x16xf32, #tpu.memory_space<hbm>> -> memref<16x16xf32, #tpu.memory_space<hbm>>
      %dma_wait3A_2408 = arith.constant 0 : i32
      %dma_wait3A_2409 = arith.constant 0 : i32
      %dma_wait3A_2410 = tpu.memref_slice %arg5[%select_n3A, %select_n3A_30, %run_scoped3A_2369, %run_scoped3A_2370, %dma_wait3A_2408, %dma_wait3A_2409] : memref<2x16x2x10x16x16xf32, #tpu.memory_space<hbm>> -> memref<1x1x1x1x16x16xf32, #tpu.memory_space<hbm>>
      %dma_wait3A_2411 = tpu.memref_squeeze %dma_wait3A_2410 : memref<1x1x1x1x16x16xf32, #tpu.memory_space<hbm>> -> memref<16x16xf32, #tpu.memory_space<hbm>>
      tpu.wait_dma2 semaphore(%run_scoped3A_2395 : memref<!tpu.dma_semaphore, #tpu.memory_space<semaphore_mem>>) src(%arg20 : memref<16x16xf32, #tpu.memory_space<vmem>>) dst(%dma_wait3A_2411 : memref<16x16xf32, #tpu.memory_space<hbm>>)
      tpu.yield
    }) : () -> ()
    %run_scoped3A_2371 = arith.constant 0 : i32
    %run_scoped3A_2372 = arith.constant 8 : i32
    "tpu.region"() ({
      %run_scoped3A_2395 = tpu.sem_alloc : memref<!tpu.dma_semaphore, #tpu.memory_space<semaphore_mem>>
      %dma_start3A_2396 = arith.constant 0 : i32
      %dma_start3A_2397 = arith.constant 0 : i32
      %dma_start3A_2398 = tpu.memref_slice %arg5[%select_n3A, %select_n3A_30, %run_scoped3A_2371, %run_scoped3A_2372, %dma_start3A_2396, %dma_start3A_2397] : memref<2x16x2x10x16x16xf32, #tpu.memory_space<hbm>> -> memref<1x1x1x1x16x16xf32, #tpu.memory_space<hbm>>
      %dma_start3A_2399 = tpu.memref_squeeze %dma_start3A_2398 : memref<1x1x1x1x16x16xf32, #tpu.memory_space<hbm>> -> memref<16x16xf32, #tpu.memory_space<hbm>>
      %dma_start3A_2400 = arith.constant 0 : i32
      %dma_start3A_2401 = arith.constant 0 : i32
      %dma_start3A_2402 = tpu.memref_slice %arg5[%select_n3A, %select_n3A_30, %run_scoped3A_2371, %run_scoped3A_2372, %dma_start3A_2400, %dma_start3A_2401] : memref<2x16x2x10x16x16xf32, #tpu.memory_space<hbm>> -> memref<1x1x1x1x16x16xf32, #tpu.memory_space<hbm>>
      %dma_start3A_2403 = tpu.memref_squeeze %dma_start3A_2402 : memref<1x1x1x1x16x16xf32, #tpu.memory_space<hbm>> -> memref<16x16xf32, #tpu.memory_space<hbm>>
      tpu.enqueue_dma source(%arg21 : memref<16x16xf32, #tpu.memory_space<vmem>>) target(%dma_start3A_2403 : memref<16x16xf32, #tpu.memory_space<hbm>>) target_semaphore(%run_scoped3A_2395 : memref<!tpu.dma_semaphore, #tpu.memory_space<semaphore_mem>>)
      %dma_wait3A_2404 = arith.constant 0 : i32
      %dma_wait3A_2405 = arith.constant 0 : i32
      %dma_wait3A_2406 = tpu.memref_slice %arg5[%select_n3A, %select_n3A_30, %run_scoped3A_2371, %run_scoped3A_2372, %dma_wait3A_2404, %dma_wait3A_2405] : memref<2x16x2x10x16x16xf32, #tpu.memory_space<hbm>> -> memref<1x1x1x1x16x16xf32, #tpu.memory_space<hbm>>
      %dma_wait3A_2407 = tpu.memref_squeeze %dma_wait3A_2406 : memref<1x1x1x1x16x16xf32, #tpu.memory_space<hbm>> -> memref<16x16xf32, #tpu.memory_space<hbm>>
      %dma_wait3A_2408 = arith.constant 0 : i32
      %dma_wait3A_2409 = arith.constant 0 : i32
      %dma_wait3A_2410 = tpu.memref_slice %arg5[%select_n3A, %select_n3A_30, %run_scoped3A_2371, %run_scoped3A_2372, %dma_wait3A_2408, %dma_wait3A_2409] : memref<2x16x2x10x16x16xf32, #tpu.memory_space<hbm>> -> memref<1x1x1x1x16x16xf32, #tpu.memory_space<hbm>>
      %dma_wait3A_2411 = tpu.memref_squeeze %dma_wait3A_2410 : memref<1x1x1x1x16x16xf32, #tpu.memory_space<hbm>> -> memref<16x16xf32, #tpu.memory_space<hbm>>
      tpu.wait_dma2 semaphore(%run_scoped3A_2395 : memref<!tpu.dma_semaphore, #tpu.memory_space<semaphore_mem>>) src(%arg21 : memref<16x16xf32, #tpu.memory_space<vmem>>) dst(%dma_wait3A_2411 : memref<16x16xf32, #tpu.memory_space<hbm>>)
      tpu.yield
    }) : () -> ()
    %run_scoped3A_2373 = arith.constant 0 : i32
    %run_scoped3A_2374 = arith.constant 9 : i32
    "tpu.region"() ({
      %run_scoped3A_2395 = tpu.sem_alloc : memref<!tpu.dma_semaphore, #tpu.memory_space<semaphore_mem>>
      %dma_start3A_2396 = arith.constant 0 : i32
      %dma_start3A_2397 = arith.constant 0 : i32
      %dma_start3A_2398 = tpu.memref_slice %arg5[%select_n3A, %select_n3A_30, %run_scoped3A_2373, %run_scoped3A_2374, %dma_start3A_2396, %dma_start3A_2397] : memref<2x16x2x10x16x16xf32, #tpu.memory_space<hbm>> -> memref<1x1x1x1x16x16xf32, #tpu.memory_space<hbm>>
      %dma_start3A_2399 = tpu.memref_squeeze %dma_start3A_2398 : memref<1x1x1x1x16x16xf32, #tpu.memory_space<hbm>> -> memref<16x16xf32, #tpu.memory_space<hbm>>
      %dma_start3A_2400 = arith.constant 0 : i32
      %dma_start3A_2401 = arith.constant 0 : i32
      %dma_start3A_2402 = tpu.memref_slice %arg5[%select_n3A, %select_n3A_30, %run_scoped3A_2373, %run_scoped3A_2374, %dma_start3A_2400, %dma_start3A_2401] : memref<2x16x2x10x16x16xf32, #tpu.memory_space<hbm>> -> memref<1x1x1x1x16x16xf32, #tpu.memory_space<hbm>>
      %dma_start3A_2403 = tpu.memref_squeeze %dma_start3A_2402 : memref<1x1x1x1x16x16xf32, #tpu.memory_space<hbm>> -> memref<16x16xf32, #tpu.memory_space<hbm>>
      tpu.enqueue_dma source(%arg22 : memref<16x16xf32, #tpu.memory_space<vmem>>) target(%dma_start3A_2403 : memref<16x16xf32, #tpu.memory_space<hbm>>) target_semaphore(%run_scoped3A_2395 : memref<!tpu.dma_semaphore, #tpu.memory_space<semaphore_mem>>)
      %dma_wait3A_2404 = arith.constant 0 : i32
      %dma_wait3A_2405 = arith.constant 0 : i32
      %dma_wait3A_2406 = tpu.memref_slice %arg5[%select_n3A, %select_n3A_30, %run_scoped3A_2373, %run_scoped3A_2374, %dma_wait3A_2404, %dma_wait3A_2405] : memref<2x16x2x10x16x16xf32, #tpu.memory_space<hbm>> -> memref<1x1x1x1x16x16xf32, #tpu.memory_space<hbm>>
      %dma_wait3A_2407 = tpu.memref_squeeze %dma_wait3A_2406 : memref<1x1x1x1x16x16xf32, #tpu.memory_space<hbm>> -> memref<16x16xf32, #tpu.memory_space<hbm>>
      %dma_wait3A_2408 = arith.constant 0 : i32
      %dma_wait3A_2409 = arith.constant 0 : i32
      %dma_wait3A_2410 = tpu.memref_slice %arg5[%select_n3A, %select_n3A_30, %run_scoped3A_2373, %run_scoped3A_2374, %dma_wait3A_2408, %dma_wait3A_2409] : memref<2x16x2x10x16x16xf32, #tpu.memory_space<hbm>> -> memref<1x1x1x1x16x16xf32, #tpu.memory_space<hbm>>
      %dma_wait3A_2411 = tpu.memref_squeeze %dma_wait3A_2410 : memref<1x1x1x1x16x16xf32, #tpu.memory_space<hbm>> -> memref<16x16xf32, #tpu.memory_space<hbm>>
      tpu.wait_dma2 semaphore(%run_scoped3A_2395 : memref<!tpu.dma_semaphore, #tpu.memory_space<semaphore_mem>>) src(%arg22 : memref<16x16xf32, #tpu.memory_space<vmem>>) dst(%dma_wait3A_2411 : memref<16x16xf32, #tpu.memory_space<hbm>>)
      tpu.yield
    }) : () -> ()
    %run_scoped3A_2375 = arith.constant 1 : i32
    %run_scoped3A_2376 = arith.constant 0 : i32
    "tpu.region"() ({
      %run_scoped3A_2395 = tpu.sem_alloc : memref<!tpu.dma_semaphore, #tpu.memory_space<semaphore_mem>>
      %dma_start3A_2396 = arith.constant 0 : i32
      %dma_start3A_2397 = arith.constant 0 : i32
      %dma_start3A_2398 = tpu.memref_slice %arg5[%select_n3A, %select_n3A_30, %run_scoped3A_2375, %run_scoped3A_2376, %dma_start3A_2396, %dma_start3A_2397] : memref<2x16x2x10x16x16xf32, #tpu.memory_space<hbm>> -> memref<1x1x1x1x16x16xf32, #tpu.memory_space<hbm>>
      %dma_start3A_2399 = tpu.memref_squeeze %dma_start3A_2398 : memref<1x1x1x1x16x16xf32, #tpu.memory_space<hbm>> -> memref<16x16xf32, #tpu.memory_space<hbm>>
      %dma_start3A_2400 = arith.constant 0 : i32
      %dma_start3A_2401 = arith.constant 0 : i32
      %dma_start3A_2402 = tpu.memref_slice %arg5[%select_n3A, %select_n3A_30, %run_scoped3A_2375, %run_scoped3A_2376, %dma_start3A_2400, %dma_start3A_2401] : memref<2x16x2x10x16x16xf32, #tpu.memory_space<hbm>> -> memref<1x1x1x1x16x16xf32, #tpu.memory_space<hbm>>
      %dma_start3A_2403 = tpu.memref_squeeze %dma_start3A_2402 : memref<1x1x1x1x16x16xf32, #tpu.memory_space<hbm>> -> memref<16x16xf32, #tpu.memory_space<hbm>>
      tpu.enqueue_dma source(%arg23 : memref<16x16xf32, #tpu.memory_space<vmem>>) target(%dma_start3A_2403 : memref<16x16xf32, #tpu.memory_space<hbm>>) target_semaphore(%run_scoped3A_2395 : memref<!tpu.dma_semaphore, #tpu.memory_space<semaphore_mem>>)
      %dma_wait3A_2404 = arith.constant 0 : i32
      %dma_wait3A_2405 = arith.constant 0 : i32
      %dma_wait3A_2406 = tpu.memref_slice %arg5[%select_n3A, %select_n3A_30, %run_scoped3A_2375, %run_scoped3A_2376, %dma_wait3A_2404, %dma_wait3A_2405] : memref<2x16x2x10x16x16xf32, #tpu.memory_space<hbm>> -> memref<1x1x1x1x16x16xf32, #tpu.memory_space<hbm>>
      %dma_wait3A_2407 = tpu.memref_squeeze %dma_wait3A_2406 : memref<1x1x1x1x16x16xf32, #tpu.memory_space<hbm>> -> memref<16x16xf32, #tpu.memory_space<hbm>>
      %dma_wait3A_2408 = arith.constant 0 : i32
      %dma_wait3A_2409 = arith.constant 0 : i32
      %dma_wait3A_2410 = tpu.memref_slice %arg5[%select_n3A, %select_n3A_30, %run_scoped3A_2375, %run_scoped3A_2376, %dma_wait3A_2408, %dma_wait3A_2409] : memref<2x16x2x10x16x16xf32, #tpu.memory_space<hbm>> -> memref<1x1x1x1x16x16xf32, #tpu.memory_space<hbm>>
      %dma_wait3A_2411 = tpu.memref_squeeze %dma_wait3A_2410 : memref<1x1x1x1x16x16xf32, #tpu.memory_space<hbm>> -> memref<16x16xf32, #tpu.memory_space<hbm>>
      tpu.wait_dma2 semaphore(%run_scoped3A_2395 : memref<!tpu.dma_semaphore, #tpu.memory_space<semaphore_mem>>) src(%arg23 : memref<16x16xf32, #tpu.memory_space<vmem>>) dst(%dma_wait3A_2411 : memref<16x16xf32, #tpu.memory_space<hbm>>)
      tpu.yield
    }) : () -> ()
    %run_scoped3A_2377 = arith.constant 1 : i32
    %run_scoped3A_2378 = arith.constant 1 : i32
    "tpu.region"() ({
      %run_scoped3A_2395 = tpu.sem_alloc : memref<!tpu.dma_semaphore, #tpu.memory_space<semaphore_mem>>
      %dma_start3A_2396 = arith.constant 0 : i32
      %dma_start3A_2397 = arith.constant 0 : i32
      %dma_start3A_2398 = tpu.memref_slice %arg5[%select_n3A, %select_n3A_30, %run_scoped3A_2377, %run_scoped3A_2378, %dma_start3A_2396, %dma_start3A_2397] : memref<2x16x2x10x16x16xf32, #tpu.memory_space<hbm>> -> memref<1x1x1x1x16x16xf32, #tpu.memory_space<hbm>>
      %dma_start3A_2399 = tpu.memref_squeeze %dma_start3A_2398 : memref<1x1x1x1x16x16xf32, #tpu.memory_space<hbm>> -> memref<16x16xf32, #tpu.memory_space<hbm>>
      %dma_start3A_2400 = arith.constant 0 : i32
      %dma_start3A_2401 = arith.constant 0 : i32
      %dma_start3A_2402 = tpu.memref_slice %arg5[%select_n3A, %select_n3A_30, %run_scoped3A_2377, %run_scoped3A_2378, %dma_start3A_2400, %dma_start3A_2401] : memref<2x16x2x10x16x16xf32, #tpu.memory_space<hbm>> -> memref<1x1x1x1x16x16xf32, #tpu.memory_space<hbm>>
      %dma_start3A_2403 = tpu.memref_squeeze %dma_start3A_2402 : memref<1x1x1x1x16x16xf32, #tpu.memory_space<hbm>> -> memref<16x16xf32, #tpu.memory_space<hbm>>
      tpu.enqueue_dma source(%arg24 : memref<16x16xf32, #tpu.memory_space<vmem>>) target(%dma_start3A_2403 : memref<16x16xf32, #tpu.memory_space<hbm>>) target_semaphore(%run_scoped3A_2395 : memref<!tpu.dma_semaphore, #tpu.memory_space<semaphore_mem>>)
      %dma_wait3A_2404 = arith.constant 0 : i32
      %dma_wait3A_2405 = arith.constant 0 : i32
      %dma_wait3A_2406 = tpu.memref_slice %arg5[%select_n3A, %select_n3A_30, %run_scoped3A_2377, %run_scoped3A_2378, %dma_wait3A_2404, %dma_wait3A_2405] : memref<2x16x2x10x16x16xf32, #tpu.memory_space<hbm>> -> memref<1x1x1x1x16x16xf32, #tpu.memory_space<hbm>>
      %dma_wait3A_2407 = tpu.memref_squeeze %dma_wait3A_2406 : memref<1x1x1x1x16x16xf32, #tpu.memory_space<hbm>> -> memref<16x16xf32, #tpu.memory_space<hbm>>
      %dma_wait3A_2408 = arith.constant 0 : i32
      %dma_wait3A_2409 = arith.constant 0 : i32
      %dma_wait3A_2410 = tpu.memref_slice %arg5[%select_n3A, %select_n3A_30, %run_scoped3A_2377, %run_scoped3A_2378, %dma_wait3A_2408, %dma_wait3A_2409] : memref<2x16x2x10x16x16xf32, #tpu.memory_space<hbm>> -> memref<1x1x1x1x16x16xf32, #tpu.memory_space<hbm>>
      %dma_wait3A_2411 = tpu.memref_squeeze %dma_wait3A_2410 : memref<1x1x1x1x16x16xf32, #tpu.memory_space<hbm>> -> memref<16x16xf32, #tpu.memory_space<hbm>>
      tpu.wait_dma2 semaphore(%run_scoped3A_2395 : memref<!tpu.dma_semaphore, #tpu.memory_space<semaphore_mem>>) src(%arg24 : memref<16x16xf32, #tpu.memory_space<vmem>>) dst(%dma_wait3A_2411 : memref<16x16xf32, #tpu.memory_space<hbm>>)
      tpu.yield
    }) : () -> ()
    %run_scoped3A_2379 = arith.constant 1 : i32
    %run_scoped3A_2380 = arith.constant 2 : i32
    "tpu.region"() ({
      %run_scoped3A_2395 = tpu.sem_alloc : memref<!tpu.dma_semaphore, #tpu.memory_space<semaphore_mem>>
      %dma_start3A_2396 = arith.constant 0 : i32
      %dma_start3A_2397 = arith.constant 0 : i32
      %dma_start3A_2398 = tpu.memref_slice %arg5[%select_n3A, %select_n3A_30, %run_scoped3A_2379, %run_scoped3A_2380, %dma_start3A_2396, %dma_start3A_2397] : memref<2x16x2x10x16x16xf32, #tpu.memory_space<hbm>> -> memref<1x1x1x1x16x16xf32, #tpu.memory_space<hbm>>
      %dma_start3A_2399 = tpu.memref_squeeze %dma_start3A_2398 : memref<1x1x1x1x16x16xf32, #tpu.memory_space<hbm>> -> memref<16x16xf32, #tpu.memory_space<hbm>>
      %dma_start3A_2400 = arith.constant 0 : i32
      %dma_start3A_2401 = arith.constant 0 : i32
      %dma_start3A_2402 = tpu.memref_slice %arg5[%select_n3A, %select_n3A_30, %run_scoped3A_2379, %run_scoped3A_2380, %dma_start3A_2400, %dma_start3A_2401] : memref<2x16x2x10x16x16xf32, #tpu.memory_space<hbm>> -> memref<1x1x1x1x16x16xf32, #tpu.memory_space<hbm>>
      %dma_start3A_2403 = tpu.memref_squeeze %dma_start3A_2402 : memref<1x1x1x1x16x16xf32, #tpu.memory_space<hbm>> -> memref<16x16xf32, #tpu.memory_space<hbm>>
      tpu.enqueue_dma source(%arg25 : memref<16x16xf32, #tpu.memory_space<vmem>>) target(%dma_start3A_2403 : memref<16x16xf32, #tpu.memory_space<hbm>>) target_semaphore(%run_scoped3A_2395 : memref<!tpu.dma_semaphore, #tpu.memory_space<semaphore_mem>>)
      %dma_wait3A_2404 = arith.constant 0 : i32
      %dma_wait3A_2405 = arith.constant 0 : i32
      %dma_wait3A_2406 = tpu.memref_slice %arg5[%select_n3A, %select_n3A_30, %run_scoped3A_2379, %run_scoped3A_2380, %dma_wait3A_2404, %dma_wait3A_2405] : memref<2x16x2x10x16x16xf32, #tpu.memory_space<hbm>> -> memref<1x1x1x1x16x16xf32, #tpu.memory_space<hbm>>
      %dma_wait3A_2407 = tpu.memref_squeeze %dma_wait3A_2406 : memref<1x1x1x1x16x16xf32, #tpu.memory_space<hbm>> -> memref<16x16xf32, #tpu.memory_space<hbm>>
      %dma_wait3A_2408 = arith.constant 0 : i32
      %dma_wait3A_2409 = arith.constant 0 : i32
      %dma_wait3A_2410 = tpu.memref_slice %arg5[%select_n3A, %select_n3A_30, %run_scoped3A_2379, %run_scoped3A_2380, %dma_wait3A_2408, %dma_wait3A_2409] : memref<2x16x2x10x16x16xf32, #tpu.memory_space<hbm>> -> memref<1x1x1x1x16x16xf32, #tpu.memory_space<hbm>>
      %dma_wait3A_2411 = tpu.memref_squeeze %dma_wait3A_2410 : memref<1x1x1x1x16x16xf32, #tpu.memory_space<hbm>> -> memref<16x16xf32, #tpu.memory_space<hbm>>
      tpu.wait_dma2 semaphore(%run_scoped3A_2395 : memref<!tpu.dma_semaphore, #tpu.memory_space<semaphore_mem>>) src(%arg25 : memref<16x16xf32, #tpu.memory_space<vmem>>) dst(%dma_wait3A_2411 : memref<16x16xf32, #tpu.memory_space<hbm>>)
      tpu.yield
    }) : () -> ()
    %run_scoped3A_2381 = arith.constant 1 : i32
    %run_scoped3A_2382 = arith.constant 3 : i32
    "tpu.region"() ({
      %run_scoped3A_2395 = tpu.sem_alloc : memref<!tpu.dma_semaphore, #tpu.memory_space<semaphore_mem>>
      %dma_start3A_2396 = arith.constant 0 : i32
      %dma_start3A_2397 = arith.constant 0 : i32
      %dma_start3A_2398 = tpu.memref_slice %arg5[%select_n3A, %select_n3A_30, %run_scoped3A_2381, %run_scoped3A_2382, %dma_start3A_2396, %dma_start3A_2397] : memref<2x16x2x10x16x16xf32, #tpu.memory_space<hbm>> -> memref<1x1x1x1x16x16xf32, #tpu.memory_space<hbm>>
      %dma_start3A_2399 = tpu.memref_squeeze %dma_start3A_2398 : memref<1x1x1x1x16x16xf32, #tpu.memory_space<hbm>> -> memref<16x16xf32, #tpu.memory_space<hbm>>
      %dma_start3A_2400 = arith.constant 0 : i32
      %dma_start3A_2401 = arith.constant 0 : i32
      %dma_start3A_2402 = tpu.memref_slice %arg5[%select_n3A, %select_n3A_30, %run_scoped3A_2381, %run_scoped3A_2382, %dma_start3A_2400, %dma_start3A_2401] : memref<2x16x2x10x16x16xf32, #tpu.memory_space<hbm>> -> memref<1x1x1x1x16x16xf32, #tpu.memory_space<hbm>>
      %dma_start3A_2403 = tpu.memref_squeeze %dma_start3A_2402 : memref<1x1x1x1x16x16xf32, #tpu.memory_space<hbm>> -> memref<16x16xf32, #tpu.memory_space<hbm>>
      tpu.enqueue_dma source(%arg26 : memref<16x16xf32, #tpu.memory_space<vmem>>) target(%dma_start3A_2403 : memref<16x16xf32, #tpu.memory_space<hbm>>) target_semaphore(%run_scoped3A_2395 : memref<!tpu.dma_semaphore, #tpu.memory_space<semaphore_mem>>)
      %dma_wait3A_2404 = arith.constant 0 : i32
      %dma_wait3A_2405 = arith.constant 0 : i32
      %dma_wait3A_2406 = tpu.memref_slice %arg5[%select_n3A, %select_n3A_30, %run_scoped3A_2381, %run_scoped3A_2382, %dma_wait3A_2404, %dma_wait3A_2405] : memref<2x16x2x10x16x16xf32, #tpu.memory_space<hbm>> -> memref<1x1x1x1x16x16xf32, #tpu.memory_space<hbm>>
      %dma_wait3A_2407 = tpu.memref_squeeze %dma_wait3A_2406 : memref<1x1x1x1x16x16xf32, #tpu.memory_space<hbm>> -> memref<16x16xf32, #tpu.memory_space<hbm>>
      %dma_wait3A_2408 = arith.constant 0 : i32
      %dma_wait3A_2409 = arith.constant 0 : i32
      %dma_wait3A_2410 = tpu.memref_slice %arg5[%select_n3A, %select_n3A_30, %run_scoped3A_2381, %run_scoped3A_2382, %dma_wait3A_2408, %dma_wait3A_2409] : memref<2x16x2x10x16x16xf32, #tpu.memory_space<hbm>> -> memref<1x1x1x1x16x16xf32, #tpu.memory_space<hbm>>
      %dma_wait3A_2411 = tpu.memref_squeeze %dma_wait3A_2410 : memref<1x1x1x1x16x16xf32, #tpu.memory_space<hbm>> -> memref<16x16xf32, #tpu.memory_space<hbm>>
      tpu.wait_dma2 semaphore(%run_scoped3A_2395 : memref<!tpu.dma_semaphore, #tpu.memory_space<semaphore_mem>>) src(%arg26 : memref<16x16xf32, #tpu.memory_space<vmem>>) dst(%dma_wait3A_2411 : memref<16x16xf32, #tpu.memory_space<hbm>>)
      tpu.yield
    }) : () -> ()
    %run_scoped3A_2383 = arith.constant 1 : i32
    %run_scoped3A_2384 = arith.constant 4 : i32
    "tpu.region"() ({
      %run_scoped3A_2395 = tpu.sem_alloc : memref<!tpu.dma_semaphore, #tpu.memory_space<semaphore_mem>>
      %dma_start3A_2396 = arith.constant 0 : i32
      %dma_start3A_2397 = arith.constant 0 : i32
      %dma_start3A_2398 = tpu.memref_slice %arg5[%select_n3A, %select_n3A_30, %run_scoped3A_2383, %run_scoped3A_2384, %dma_start3A_2396, %dma_start3A_2397] : memref<2x16x2x10x16x16xf32, #tpu.memory_space<hbm>> -> memref<1x1x1x1x16x16xf32, #tpu.memory_space<hbm>>
      %dma_start3A_2399 = tpu.memref_squeeze %dma_start3A_2398 : memref<1x1x1x1x16x16xf32, #tpu.memory_space<hbm>> -> memref<16x16xf32, #tpu.memory_space<hbm>>
      %dma_start3A_2400 = arith.constant 0 : i32
      %dma_start3A_2401 = arith.constant 0 : i32
      %dma_start3A_2402 = tpu.memref_slice %arg5[%select_n3A, %select_n3A_30, %run_scoped3A_2383, %run_scoped3A_2384, %dma_start3A_2400, %dma_start3A_2401] : memref<2x16x2x10x16x16xf32, #tpu.memory_space<hbm>> -> memref<1x1x1x1x16x16xf32, #tpu.memory_space<hbm>>
      %dma_start3A_2403 = tpu.memref_squeeze %dma_start3A_2402 : memref<1x1x1x1x16x16xf32, #tpu.memory_space<hbm>> -> memref<16x16xf32, #tpu.memory_space<hbm>>
      tpu.enqueue_dma source(%arg27 : memref<16x16xf32, #tpu.memory_space<vmem>>) target(%dma_start3A_2403 : memref<16x16xf32, #tpu.memory_space<hbm>>) target_semaphore(%run_scoped3A_2395 : memref<!tpu.dma_semaphore, #tpu.memory_space<semaphore_mem>>)
      %dma_wait3A_2404 = arith.constant 0 : i32
      %dma_wait3A_2405 = arith.constant 0 : i32
      %dma_wait3A_2406 = tpu.memref_slice %arg5[%select_n3A, %select_n3A_30, %run_scoped3A_2383, %run_scoped3A_2384, %dma_wait3A_2404, %dma_wait3A_2405] : memref<2x16x2x10x16x16xf32, #tpu.memory_space<hbm>> -> memref<1x1x1x1x16x16xf32, #tpu.memory_space<hbm>>
      %dma_wait3A_2407 = tpu.memref_squeeze %dma_wait3A_2406 : memref<1x1x1x1x16x16xf32, #tpu.memory_space<hbm>> -> memref<16x16xf32, #tpu.memory_space<hbm>>
      %dma_wait3A_2408 = arith.constant 0 : i32
      %dma_wait3A_2409 = arith.constant 0 : i32
      %dma_wait3A_2410 = tpu.memref_slice %arg5[%select_n3A, %select_n3A_30, %run_scoped3A_2383, %run_scoped3A_2384, %dma_wait3A_2408, %dma_wait3A_2409] : memref<2x16x2x10x16x16xf32, #tpu.memory_space<hbm>> -> memref<1x1x1x1x16x16xf32, #tpu.memory_space<hbm>>
      %dma_wait3A_2411 = tpu.memref_squeeze %dma_wait3A_2410 : memref<1x1x1x1x16x16xf32, #tpu.memory_space<hbm>> -> memref<16x16xf32, #tpu.memory_space<hbm>>
      tpu.wait_dma2 semaphore(%run_scoped3A_2395 : memref<!tpu.dma_semaphore, #tpu.memory_space<semaphore_mem>>) src(%arg27 : memref<16x16xf32, #tpu.memory_space<vmem>>) dst(%dma_wait3A_2411 : memref<16x16xf32, #tpu.memory_space<hbm>>)
      tpu.yield
    }) : () -> ()
    %run_scoped3A_2385 = arith.constant 1 : i32
    %run_scoped3A_2386 = arith.constant 5 : i32
    "tpu.region"() ({
      %run_scoped3A_2395 = tpu.sem_alloc : memref<!tpu.dma_semaphore, #tpu.memory_space<semaphore_mem>>
      %dma_start3A_2396 = arith.constant 0 : i32
      %dma_start3A_2397 = arith.constant 0 : i32
      %dma_start3A_2398 = tpu.memref_slice %arg5[%select_n3A, %select_n3A_30, %run_scoped3A_2385, %run_scoped3A_2386, %dma_start3A_2396, %dma_start3A_2397] : memref<2x16x2x10x16x16xf32, #tpu.memory_space<hbm>> -> memref<1x1x1x1x16x16xf32, #tpu.memory_space<hbm>>
      %dma_start3A_2399 = tpu.memref_squeeze %dma_start3A_2398 : memref<1x1x1x1x16x16xf32, #tpu.memory_space<hbm>> -> memref<16x16xf32, #tpu.memory_space<hbm>>
      %dma_start3A_2400 = arith.constant 0 : i32
      %dma_start3A_2401 = arith.constant 0 : i32
      %dma_start3A_2402 = tpu.memref_slice %arg5[%select_n3A, %select_n3A_30, %run_scoped3A_2385, %run_scoped3A_2386, %dma_start3A_2400, %dma_start3A_2401] : memref<2x16x2x10x16x16xf32, #tpu.memory_space<hbm>> -> memref<1x1x1x1x16x16xf32, #tpu.memory_space<hbm>>
      %dma_start3A_2403 = tpu.memref_squeeze %dma_start3A_2402 : memref<1x1x1x1x16x16xf32, #tpu.memory_space<hbm>> -> memref<16x16xf32, #tpu.memory_space<hbm>>
      tpu.enqueue_dma source(%arg28 : memref<16x16xf32, #tpu.memory_space<vmem>>) target(%dma_start3A_2403 : memref<16x16xf32, #tpu.memory_space<hbm>>) target_semaphore(%run_scoped3A_2395 : memref<!tpu.dma_semaphore, #tpu.memory_space<semaphore_mem>>)
      %dma_wait3A_2404 = arith.constant 0 : i32
      %dma_wait3A_2405 = arith.constant 0 : i32
      %dma_wait3A_2406 = tpu.memref_slice %arg5[%select_n3A, %select_n3A_30, %run_scoped3A_2385, %run_scoped3A_2386, %dma_wait3A_2404, %dma_wait3A_2405] : memref<2x16x2x10x16x16xf32, #tpu.memory_space<hbm>> -> memref<1x1x1x1x16x16xf32, #tpu.memory_space<hbm>>
      %dma_wait3A_2407 = tpu.memref_squeeze %dma_wait3A_2406 : memref<1x1x1x1x16x16xf32, #tpu.memory_space<hbm>> -> memref<16x16xf32, #tpu.memory_space<hbm>>
      %dma_wait3A_2408 = arith.constant 0 : i32
      %dma_wait3A_2409 = arith.constant 0 : i32
      %dma_wait3A_2410 = tpu.memref_slice %arg5[%select_n3A, %select_n3A_30, %run_scoped3A_2385, %run_scoped3A_2386, %dma_wait3A_2408, %dma_wait3A_2409] : memref<2x16x2x10x16x16xf32, #tpu.memory_space<hbm>> -> memref<1x1x1x1x16x16xf32, #tpu.memory_space<hbm>>
      %dma_wait3A_2411 = tpu.memref_squeeze %dma_wait3A_2410 : memref<1x1x1x1x16x16xf32, #tpu.memory_space<hbm>> -> memref<16x16xf32, #tpu.memory_space<hbm>>
      tpu.wait_dma2 semaphore(%run_scoped3A_2395 : memref<!tpu.dma_semaphore, #tpu.memory_space<semaphore_mem>>) src(%arg28 : memref<16x16xf32, #tpu.memory_space<vmem>>) dst(%dma_wait3A_2411 : memref<16x16xf32, #tpu.memory_space<hbm>>)
      tpu.yield
    }) : () -> ()
    %run_scoped3A_2387 = arith.constant 1 : i32
    %run_scoped3A_2388 = arith.constant 6 : i32
    "tpu.region"() ({
      %run_scoped3A_2395 = tpu.sem_alloc : memref<!tpu.dma_semaphore, #tpu.memory_space<semaphore_mem>>
      %dma_start3A_2396 = arith.constant 0 : i32
      %dma_start3A_2397 = arith.constant 0 : i32
      %dma_start3A_2398 = tpu.memref_slice %arg5[%select_n3A, %select_n3A_30, %run_scoped3A_2387, %run_scoped3A_2388, %dma_start3A_2396, %dma_start3A_2397] : memref<2x16x2x10x16x16xf32, #tpu.memory_space<hbm>> -> memref<1x1x1x1x16x16xf32, #tpu.memory_space<hbm>>
      %dma_start3A_2399 = tpu.memref_squeeze %dma_start3A_2398 : memref<1x1x1x1x16x16xf32, #tpu.memory_space<hbm>> -> memref<16x16xf32, #tpu.memory_space<hbm>>
      %dma_start3A_2400 = arith.constant 0 : i32
      %dma_start3A_2401 = arith.constant 0 : i32
      %dma_start3A_2402 = tpu.memref_slice %arg5[%select_n3A, %select_n3A_30, %run_scoped3A_2387, %run_scoped3A_2388, %dma_start3A_2400, %dma_start3A_2401] : memref<2x16x2x10x16x16xf32, #tpu.memory_space<hbm>> -> memref<1x1x1x1x16x16xf32, #tpu.memory_space<hbm>>
      %dma_start3A_2403 = tpu.memref_squeeze %dma_start3A_2402 : memref<1x1x1x1x16x16xf32, #tpu.memory_space<hbm>> -> memref<16x16xf32, #tpu.memory_space<hbm>>
      tpu.enqueue_dma source(%arg29 : memref<16x16xf32, #tpu.memory_space<vmem>>) target(%dma_start3A_2403 : memref<16x16xf32, #tpu.memory_space<hbm>>) target_semaphore(%run_scoped3A_2395 : memref<!tpu.dma_semaphore, #tpu.memory_space<semaphore_mem>>)
      %dma_wait3A_2404 = arith.constant 0 : i32
      %dma_wait3A_2405 = arith.constant 0 : i32
      %dma_wait3A_2406 = tpu.memref_slice %arg5[%select_n3A, %select_n3A_30, %run_scoped3A_2387, %run_scoped3A_2388, %dma_wait3A_2404, %dma_wait3A_2405] : memref<2x16x2x10x16x16xf32, #tpu.memory_space<hbm>> -> memref<1x1x1x1x16x16xf32, #tpu.memory_space<hbm>>
      %dma_wait3A_2407 = tpu.memref_squeeze %dma_wait3A_2406 : memref<1x1x1x1x16x16xf32, #tpu.memory_space<hbm>> -> memref<16x16xf32, #tpu.memory_space<hbm>>
      %dma_wait3A_2408 = arith.constant 0 : i32
      %dma_wait3A_2409 = arith.constant 0 : i32
      %dma_wait3A_2410 = tpu.memref_slice %arg5[%select_n3A, %select_n3A_30, %run_scoped3A_2387, %run_scoped3A_2388, %dma_wait3A_2408, %dma_wait3A_2409] : memref<2x16x2x10x16x16xf32, #tpu.memory_space<hbm>> -> memref<1x1x1x1x16x16xf32, #tpu.memory_space<hbm>>
      %dma_wait3A_2411 = tpu.memref_squeeze %dma_wait3A_2410 : memref<1x1x1x1x16x16xf32, #tpu.memory_space<hbm>> -> memref<16x16xf32, #tpu.memory_space<hbm>>
      tpu.wait_dma2 semaphore(%run_scoped3A_2395 : memref<!tpu.dma_semaphore, #tpu.memory_space<semaphore_mem>>) src(%arg29 : memref<16x16xf32, #tpu.memory_space<vmem>>) dst(%dma_wait3A_2411 : memref<16x16xf32, #tpu.memory_space<hbm>>)
      tpu.yield
    }) : () -> ()
    %run_scoped3A_2389 = arith.constant 1 : i32
    %run_scoped3A_2390 = arith.constant 7 : i32
    "tpu.region"() ({
      %run_scoped3A_2395 = tpu.sem_alloc : memref<!tpu.dma_semaphore, #tpu.memory_space<semaphore_mem>>
      %dma_start3A_2396 = arith.constant 0 : i32
      %dma_start3A_2397 = arith.constant 0 : i32
      %dma_start3A_2398 = tpu.memref_slice %arg5[%select_n3A, %select_n3A_30, %run_scoped3A_2389, %run_scoped3A_2390, %dma_start3A_2396, %dma_start3A_2397] : memref<2x16x2x10x16x16xf32, #tpu.memory_space<hbm>> -> memref<1x1x1x1x16x16xf32, #tpu.memory_space<hbm>>
      %dma_start3A_2399 = tpu.memref_squeeze %dma_start3A_2398 : memref<1x1x1x1x16x16xf32, #tpu.memory_space<hbm>> -> memref<16x16xf32, #tpu.memory_space<hbm>>
      %dma_start3A_2400 = arith.constant 0 : i32
      %dma_start3A_2401 = arith.constant 0 : i32
      %dma_start3A_2402 = tpu.memref_slice %arg5[%select_n3A, %select_n3A_30, %run_scoped3A_2389, %run_scoped3A_2390, %dma_start3A_2400, %dma_start3A_2401] : memref<2x16x2x10x16x16xf32, #tpu.memory_space<hbm>> -> memref<1x1x1x1x16x16xf32, #tpu.memory_space<hbm>>
      %dma_start3A_2403 = tpu.memref_squeeze %dma_start3A_2402 : memref<1x1x1x1x16x16xf32, #tpu.memory_space<hbm>> -> memref<16x16xf32, #tpu.memory_space<hbm>>
      tpu.enqueue_dma source(%arg30 : memref<16x16xf32, #tpu.memory_space<vmem>>) target(%dma_start3A_2403 : memref<16x16xf32, #tpu.memory_space<hbm>>) target_semaphore(%run_scoped3A_2395 : memref<!tpu.dma_semaphore, #tpu.memory_space<semaphore_mem>>)
      %dma_wait3A_2404 = arith.constant 0 : i32
      %dma_wait3A_2405 = arith.constant 0 : i32
      %dma_wait3A_2406 = tpu.memref_slice %arg5[%select_n3A, %select_n3A_30, %run_scoped3A_2389, %run_scoped3A_2390, %dma_wait3A_2404, %dma_wait3A_2405] : memref<2x16x2x10x16x16xf32, #tpu.memory_space<hbm>> -> memref<1x1x1x1x16x16xf32, #tpu.memory_space<hbm>>
      %dma_wait3A_2407 = tpu.memref_squeeze %dma_wait3A_2406 : memref<1x1x1x1x16x16xf32, #tpu.memory_space<hbm>> -> memref<16x16xf32, #tpu.memory_space<hbm>>
      %dma_wait3A_2408 = arith.constant 0 : i32
      %dma_wait3A_2409 = arith.constant 0 : i32
      %dma_wait3A_2410 = tpu.memref_slice %arg5[%select_n3A, %select_n3A_30, %run_scoped3A_2389, %run_scoped3A_2390, %dma_wait3A_2408, %dma_wait3A_2409] : memref<2x16x2x10x16x16xf32, #tpu.memory_space<hbm>> -> memref<1x1x1x1x16x16xf32, #tpu.memory_space<hbm>>
      %dma_wait3A_2411 = tpu.memref_squeeze %dma_wait3A_2410 : memref<1x1x1x1x16x16xf32, #tpu.memory_space<hbm>> -> memref<16x16xf32, #tpu.memory_space<hbm>>
      tpu.wait_dma2 semaphore(%run_scoped3A_2395 : memref<!tpu.dma_semaphore, #tpu.memory_space<semaphore_mem>>) src(%arg30 : memref<16x16xf32, #tpu.memory_space<vmem>>) dst(%dma_wait3A_2411 : memref<16x16xf32, #tpu.memory_space<hbm>>)
      tpu.yield
    }) : () -> ()
    %run_scoped3A_2391 = arith.constant 1 : i32
    %run_scoped3A_2392 = arith.constant 8 : i32
    "tpu.region"() ({
      %run_scoped3A_2395 = tpu.sem_alloc : memref<!tpu.dma_semaphore, #tpu.memory_space<semaphore_mem>>
      %dma_start3A_2396 = arith.constant 0 : i32
      %dma_start3A_2397 = arith.constant 0 : i32
      %dma_start3A_2398 = tpu.memref_slice %arg5[%select_n3A, %select_n3A_30, %run_scoped3A_2391, %run_scoped3A_2392, %dma_start3A_2396, %dma_start3A_2397] : memref<2x16x2x10x16x16xf32, #tpu.memory_space<hbm>> -> memref<1x1x1x1x16x16xf32, #tpu.memory_space<hbm>>
      %dma_start3A_2399 = tpu.memref_squeeze %dma_start3A_2398 : memref<1x1x1x1x16x16xf32, #tpu.memory_space<hbm>> -> memref<16x16xf32, #tpu.memory_space<hbm>>
      %dma_start3A_2400 = arith.constant 0 : i32
      %dma_start3A_2401 = arith.constant 0 : i32
      %dma_start3A_2402 = tpu.memref_slice %arg5[%select_n3A, %select_n3A_30, %run_scoped3A_2391, %run_scoped3A_2392, %dma_start3A_2400, %dma_start3A_2401] : memref<2x16x2x10x16x16xf32, #tpu.memory_space<hbm>> -> memref<1x1x1x1x16x16xf32, #tpu.memory_space<hbm>>
      %dma_start3A_2403 = tpu.memref_squeeze %dma_start3A_2402 : memref<1x1x1x1x16x16xf32, #tpu.memory_space<hbm>> -> memref<16x16xf32, #tpu.memory_space<hbm>>
      tpu.enqueue_dma source(%arg31 : memref<16x16xf32, #tpu.memory_space<vmem>>) target(%dma_start3A_2403 : memref<16x16xf32, #tpu.memory_space<hbm>>) target_semaphore(%run_scoped3A_2395 : memref<!tpu.dma_semaphore, #tpu.memory_space<semaphore_mem>>)
      %dma_wait3A_2404 = arith.constant 0 : i32
      %dma_wait3A_2405 = arith.constant 0 : i32
      %dma_wait3A_2406 = tpu.memref_slice %arg5[%select_n3A, %select_n3A_30, %run_scoped3A_2391, %run_scoped3A_2392, %dma_wait3A_2404, %dma_wait3A_2405] : memref<2x16x2x10x16x16xf32, #tpu.memory_space<hbm>> -> memref<1x1x1x1x16x16xf32, #tpu.memory_space<hbm>>
      %dma_wait3A_2407 = tpu.memref_squeeze %dma_wait3A_2406 : memref<1x1x1x1x16x16xf32, #tpu.memory_space<hbm>> -> memref<16x16xf32, #tpu.memory_space<hbm>>
      %dma_wait3A_2408 = arith.constant 0 : i32
      %dma_wait3A_2409 = arith.constant 0 : i32
      %dma_wait3A_2410 = tpu.memref_slice %arg5[%select_n3A, %select_n3A_30, %run_scoped3A_2391, %run_scoped3A_2392, %dma_wait3A_2408, %dma_wait3A_2409] : memref<2x16x2x10x16x16xf32, #tpu.memory_space<hbm>> -> memref<1x1x1x1x16x16xf32, #tpu.memory_space<hbm>>
      %dma_wait3A_2411 = tpu.memref_squeeze %dma_wait3A_2410 : memref<1x1x1x1x16x16xf32, #tpu.memory_space<hbm>> -> memref<16x16xf32, #tpu.memory_space<hbm>>
      tpu.wait_dma2 semaphore(%run_scoped3A_2395 : memref<!tpu.dma_semaphore, #tpu.memory_space<semaphore_mem>>) src(%arg31 : memref<16x16xf32, #tpu.memory_space<vmem>>) dst(%dma_wait3A_2411 : memref<16x16xf32, #tpu.memory_space<hbm>>)
      tpu.yield
    }) : () -> ()
    %run_scoped3A_2393 = arith.constant 1 : i32
    %run_scoped3A_2394 = arith.constant 9 : i32
    "tpu.region"() ({
      %run_scoped3A_2395 = tpu.sem_alloc : memref<!tpu.dma_semaphore, #tpu.memory_space<semaphore_mem>>
      %dma_start3A_2396 = arith.constant 0 : i32
      %dma_start3A_2397 = arith.constant 0 : i32
      %dma_start3A_2398 = tpu.memref_slice %arg5[%select_n3A, %select_n3A_30, %run_scoped3A_2393, %run_scoped3A_2394, %dma_start3A_2396, %dma_start3A_2397] : memref<2x16x2x10x16x16xf32, #tpu.memory_space<hbm>> -> memref<1x1x1x1x16x16xf32, #tpu.memory_space<hbm>>
      %dma_start3A_2399 = tpu.memref_squeeze %dma_start3A_2398 : memref<1x1x1x1x16x16xf32, #tpu.memory_space<hbm>> -> memref<16x16xf32, #tpu.memory_space<hbm>>
      %dma_start3A_2400 = arith.constant 0 : i32
      %dma_start3A_2401 = arith.constant 0 : i32
      %dma_start3A_2402 = tpu.memref_slice %arg5[%select_n3A, %select_n3A_30, %run_scoped3A_2393, %run_scoped3A_2394, %dma_start3A_2400, %dma_start3A_2401] : memref<2x16x2x10x16x16xf32, #tpu.memory_space<hbm>> -> memref<1x1x1x1x16x16xf32, #tpu.memory_space<hbm>>
      %dma_start3A_2403 = tpu.memref_squeeze %dma_start3A_2402 : memref<1x1x1x1x16x16xf32, #tpu.memory_space<hbm>> -> memref<16x16xf32, #tpu.memory_space<hbm>>
      tpu.enqueue_dma source(%arg32 : memref<16x16xf32, #tpu.memory_space<vmem>>) target(%dma_start3A_2403 : memref<16x16xf32, #tpu.memory_space<hbm>>) target_semaphore(%run_scoped3A_2395 : memref<!tpu.dma_semaphore, #tpu.memory_space<semaphore_mem>>)
      %dma_wait3A_2404 = arith.constant 0 : i32
      %dma_wait3A_2405 = arith.constant 0 : i32
      %dma_wait3A_2406 = tpu.memref_slice %arg5[%select_n3A, %select_n3A_30, %run_scoped3A_2393, %run_scoped3A_2394, %dma_wait3A_2404, %dma_wait3A_2405] : memref<2x16x2x10x16x16xf32, #tpu.memory_space<hbm>> -> memref<1x1x1x1x16x16xf32, #tpu.memory_space<hbm>>
      %dma_wait3A_2407 = tpu.memref_squeeze %dma_wait3A_2406 : memref<1x1x1x1x16x16xf32, #tpu.memory_space<hbm>> -> memref<16x16xf32, #tpu.memory_space<hbm>>
      %dma_wait3A_2408 = arith.constant 0 : i32
      %dma_wait3A_2409 = arith.constant 0 : i32
      %dma_wait3A_2410 = tpu.memref_slice %arg5[%select_n3A, %select_n3A_30, %run_scoped3A_2393, %run_scoped3A_2394, %dma_wait3A_2408, %dma_wait3A_2409] : memref<2x16x2x10x16x16xf32, #tpu.memory_space<hbm>> -> memref<1x1x1x1x16x16xf32, #tpu.memory_space<hbm>>
      %dma_wait3A_2411 = tpu.memref_squeeze %dma_wait3A_2410 : memref<1x1x1x1x16x16xf32, #tpu.memory_space<hbm>> -> memref<16x16xf32, #tpu.memory_space<hbm>>
      tpu.wait_dma2 semaphore(%run_scoped3A_2395 : memref<!tpu.dma_semaphore, #tpu.memory_space<semaphore_mem>>) src(%arg32 : memref<16x16xf32, #tpu.memory_space<vmem>>) dst(%dma_wait3A_2411 : memref<16x16xf32, #tpu.memory_space<hbm>>)
      tpu.yield
    }) : () -> ()
    return
  }
}

module attributes {stable_mosaic.version = 14 : i64} {
  func.func @_tc_body(%arg0: i32, %arg1: i32, %arg2: memref<1x1x384x512xf32, #tpu.memory_space<vmem>>, %arg3: memref<1x2x384x512xf32, #tpu.memory_space<vmem>>, %arg4: memref<1x1x384x512xi32, #tpu.memory_space<vmem>>, %arg5: memref<1x1x384x512xf32, #tpu.memory_space<vmem>>, %arg6: memref<1x16x1x10x16x16xf32, #tpu.memory_space<vmem>>, %arg7: memref<1x8x384x512xf32, #tpu.memory_space<vmem>>, %arg8: memref<3x8x128xf32, #tpu.memory_space<vmem>>) attributes {dimension_semantics = [#tpu.dimension_semantics<arbitrary>, #tpu.dimension_semantics<arbitrary>], iteration_bounds = array<i64: 2, 2>, scalar_prefetch = 0 : i64, scratch_operands = 0 : i64, tpu.core_type = #tpu.core_type<tc>, window_params = [{transform_indices = @transform_0, window_bounds = array<i64: 1, 1, 384, 512>}, {transform_indices = @transform_1, window_bounds = array<i64: 1, 2, 384, 512>}, {transform_indices = @transform_2, window_bounds = array<i64: 1, 1, 384, 512>}, {transform_indices = @transform_3, window_bounds = array<i64: 1, 1, 384, 512>}, {transform_indices = @transform_4, window_bounds = array<i64: 1, 16, 1, 10, 16, 16>}, {transform_indices = @transform_5, window_bounds = array<i64: 1, 8, 384, 512>}, {pipeline_mode = #tpu.pipeline_mode<synchronous>, transform_indices = @transform_6, window_bounds = array<i64: 3, 8, 128>}]} {
    %get3A = arith.constant 0 : index
    %get3A_0 = arith.constant 0 : index
    %get3A_1 = arith.constant 0 : index
    %get3A_2 = arith.constant 0 : index
    %get3A_3 = vector.load %arg4[%get3A, %get3A_0, %get3A_1, %get3A_2] : memref<1x1x384x512xi32, #tpu.memory_space<vmem>>, vector<1x1x384x512xi32>
    %get3A_4 = vector.shape_cast %get3A_3 : vector<1x1x384x512xi32> to vector<384x512xi32>
    %iota3A = tpu.iota {dimensions = array<i32: 0>} : vector<384x512xi32>
    %convert_element_type3A = arith.sitofp %iota3A : vector<384x512xi32> to vector<384x512xf32>
    %iota3A_5 = tpu.iota {dimensions = array<i32: 1>} : vector<384x512xi32>
    %convert_element_type3A_6 = arith.sitofp %iota3A_5 : vector<384x512xi32> to vector<384x512xf32>
    %mul3A = arith.constant 0.166666672 : f32
    %mul3A_7 = vector.broadcast %mul3A : f32 to vector<384x512xf32>
    %mul3A_8 = arith.mulf %convert_element_type3A, %mul3A_7 : vector<384x512xf32>
    %get3A_9 = arith.constant 0 : index
    %get3A_10 = arith.constant 0 : index
    %get3A_11 = arith.constant 0 : index
    %get3A_12 = arith.constant 0 : index
    %get3A_13 = vector.load %arg3[%get3A_9, %get3A_10, %get3A_11, %get3A_12] : memref<1x2x384x512xf32, #tpu.memory_space<vmem>>, vector<1x1x384x512xf32>
    %get3A_14 = vector.shape_cast %get3A_13 : vector<1x1x384x512xf32> to vector<384x512xf32>
    %add3A = arith.addf %mul3A_8, %get3A_14 : vector<384x512xf32>
    %mul3A_15 = arith.constant 1.562500e-02 : f32
    %mul3A_16 = vector.broadcast %mul3A_15 : f32 to vector<384x512xf32>
    %mul3A_17 = arith.mulf %add3A, %mul3A_16 : vector<384x512xf32>
    %mul3A_18 = arith.constant 1.250000e-01 : f32
    %mul3A_19 = vector.broadcast %mul3A_18 : f32 to vector<384x512xf32>
    %mul3A_20 = arith.mulf %convert_element_type3A_6, %mul3A_19 : vector<384x512xf32>
    %get3A_21 = arith.constant 0 : index
    %get3A_22 = arith.constant 1 : index
    %get3A_23 = arith.constant 0 : index
    %get3A_24 = arith.constant 0 : index
    %get3A_25 = vector.load %arg3[%get3A_21, %get3A_22, %get3A_23, %get3A_24] : memref<1x2x384x512xf32, #tpu.memory_space<vmem>>, vector<1x1x384x512xf32>
    %get3A_26 = vector.shape_cast %get3A_25 : vector<1x1x384x512xf32> to vector<384x512xf32>
    %add3A_27 = arith.addf %mul3A_20, %get3A_26 : vector<384x512xf32>
    %mul3A_28 = arith.constant 1.562500e-02 : f32
    %mul3A_29 = vector.broadcast %mul3A_28 : f32 to vector<384x512xf32>
    %mul3A_30 = arith.mulf %add3A_27, %mul3A_29 : vector<384x512xf32>
    %get3A_31 = arith.constant 0 : index
    %get3A_32 = arith.constant 0 : index
    %get3A_33 = arith.constant 0 : index
    %get3A_34 = arith.constant 0 : index
    %get3A_35 = vector.load %arg2[%get3A_31, %get3A_32, %get3A_33, %get3A_34] : memref<1x1x384x512xf32, #tpu.memory_space<vmem>>, vector<1x1x384x512xf32>
    %get3A_36 = vector.shape_cast %get3A_35 : vector<1x1x384x512xf32> to vector<384x512xf32>
    %get3A_37 = arith.constant 0 : index
    %get3A_38 = arith.constant 0 : index
    %get3A_39 = arith.constant 0 : index
    %get3A_40 = arith.constant 0 : index
    %get3A_41 = arith.constant 0 : index
    %get3A_42 = arith.constant 0 : index
    %get3A_43 = vector.load %arg6[%get3A_37, %get3A_38, %get3A_39, %get3A_40, %get3A_41, %get3A_42] : memref<1x16x1x10x16x16xf32, #tpu.memory_space<vmem>>, vector<1x16x1x10x16x16xf32>
    %get3A_44 = vector.shape_cast %get3A_43 : vector<1x16x1x10x16x16xf32> to vector<16x10x16x16xf32>
    %reduce_sum3A = arith.constant dense<0.000000e+00> : vector<10x16xf32>
    %reduce_sum3A_45 = vector.multi_reduction <add>, %get3A_44, %reduce_sum3A [0, 3] : vector<16x10x16x16xf32> to vector<10x16xf32>
    %slice3A = vector.extract_strided_slice %reduce_sum3A_45 {offsets = [0, 0], sizes = [5, 16], strides = [1, 1]} : vector<10x16xf32> to vector<5x16xf32>
    %slice3A_46 = vector.extract_strided_slice %reduce_sum3A_45 {offsets = [5, 0], sizes = [5, 16], strides = [1, 1]} : vector<10x16xf32> to vector<5x16xf32>
    %add3A_47 = arith.addf %slice3A, %slice3A_46 : vector<5x16xf32>
    %broadcast_in_dim3A = arith.constant 0.000000e+00 : f32
    %broadcast_in_dim3A_48 = vector.broadcast %broadcast_in_dim3A : f32 to vector<384x512xf32>
    %slice3A_49 = vector.extract_strided_slice %add3A_47 {offsets = [0, 1], sizes = [1, 1], strides = [1, 1]} : vector<5x16xf32> to vector<1x1xf32>
    %squeeze3A = vector.extract %slice3A_49[0, 0] : f32 from vector<1x1xf32>
    %slice3A_50 = vector.extract_strided_slice %add3A_47 {offsets = [1, 1], sizes = [1, 1], strides = [1, 1]} : vector<5x16xf32> to vector<1x1xf32>
    %squeeze3A_51 = vector.extract %slice3A_50[0, 0] : f32 from vector<1x1xf32>
    %div3A = arith.divf %squeeze3A_51, %squeeze3A : f32
    %slice3A_52 = vector.extract_strided_slice %add3A_47 {offsets = [2, 1], sizes = [1, 1], strides = [1, 1]} : vector<5x16xf32> to vector<1x1xf32>
    %squeeze3A_53 = vector.extract %slice3A_52[0, 0] : f32 from vector<1x1xf32>
    %slice3A_54 = vector.extract_strided_slice %add3A_47 {offsets = [3, 1], sizes = [1, 1], strides = [1, 1]} : vector<5x16xf32> to vector<1x1xf32>
    %squeeze3A_55 = vector.extract %slice3A_54[0, 0] : f32 from vector<1x1xf32>
    %div3A_56 = arith.divf %squeeze3A_55, %squeeze3A : f32
    %slice3A_57 = vector.extract_strided_slice %add3A_47 {offsets = [4, 1], sizes = [1, 1], strides = [1, 1]} : vector<5x16xf32> to vector<1x1xf32>
    %squeeze3A_58 = vector.extract %slice3A_57[0, 0] : f32 from vector<1x1xf32>
    %div3A_59 = arith.divf %squeeze3A_58, %squeeze3A : f32
    %add3A_60 = arith.constant 3.200000e+01 : f32
    %add3A_61 = arith.addf %add3A_60, %div3A : f32
    %mul3A_62 = arith.constant 2.000000e+00 : f32
    %mul3A_63 = arith.mulf %mul3A_62, %add3A_61 : f32
    %mul3A_64 = arith.mulf %mul3A_63, %add3A_61 : f32
    %div3A_65 = arith.constant 1.000000e+00 : f32
    %div3A_66 = arith.divf %div3A_65, %mul3A_64 : f32
    %eq3A = arith.constant 1 : i32
    %eq3A_67 = vector.broadcast %eq3A : i32 to vector<384x512xi32>
    %eq3A_68 = arith.cmpi eq, %get3A_4, %eq3A_67 : vector<384x512xi32>
    %sub3A = vector.broadcast %div3A_56 : f32 to vector<384x512xf32>
    %sub3A_69 = arith.subf %mul3A_17, %sub3A : vector<384x512xf32>
    %sub3A_70 = vector.broadcast %div3A_59 : f32 to vector<384x512xf32>
    %sub3A_71 = arith.subf %mul3A_30, %sub3A_70 : vector<384x512xf32>
    %mul3A_72 = arith.mulf %sub3A_69, %sub3A_69 : vector<384x512xf32>
    %mul3A_73 = arith.mulf %sub3A_71, %sub3A_71 : vector<384x512xf32>
    %add3A_74 = arith.addf %mul3A_72, %mul3A_73 : vector<384x512xf32>
    %mul3A_75 = vector.broadcast %div3A_66 : f32 to vector<384x512xf32>
    %mul3A_76 = arith.mulf %add3A_74, %mul3A_75 : vector<384x512xf32>
    %neg3A = arith.constant 0.000000e+00 : f32
    %neg3A_77 = vector.broadcast %neg3A : f32 to vector<384x512xf32>
    %neg3A_78 = arith.subf %neg3A_77, %mul3A_76 : vector<384x512xf32>
    %exp3A = math.exp %neg3A_78 : vector<384x512xf32>
    %eq3A_79 = arith.constant 1 : i32
    %eq3A_80 = arith.cmpi eq, %arg1, %eq3A_79 : i32
    %convert_element_type3A_81 = arith.extui %eq3A_80 : i1 to i32
    %cond3A = arith.constant 0 : i32
    %cond3A_82 = arith.cmpi ne, %convert_element_type3A_81, %cond3A : i32
    scf.if %cond3A_82 {
      %swap3A = arith.constant 0 : index
      %swap3A_690 = arith.constant 0 : index
      %swap3A_691 = arith.constant 0 : index
      %swap3A_692 = arith.constant 0 : index
      %swap3A_693 = vector.load %arg7[%swap3A, %swap3A_690, %swap3A_691, %swap3A_692] : memref<1x8x384x512xf32, #tpu.memory_space<vmem>>, vector<1x1x384x512xf32>
      %swap3A_694 = vector.shape_cast %swap3A_693 : vector<1x1x384x512xf32> to vector<384x512xf32>
      %swap3A_695 = vector.shape_cast %exp3A : vector<384x512xf32> to vector<1x1x384x512xf32>
      tpu.vector_store %arg7[%swap3A, %swap3A_690, %swap3A_691, %swap3A_692], %swap3A_695 {strides = array<i32>} : memref<1x8x384x512xf32, #tpu.memory_space<vmem>>, vector<1x1x384x512xf32>,
    } else {
    }
    %neg3A_83 = arith.constant 0.000000e+00 : f32
    %neg3A_84 = vector.broadcast %neg3A_83 : f32 to vector<384x512xf32>
    %neg3A_85 = arith.subf %neg3A_84, %mul3A_76 : vector<384x512xf32>
    %max3A = arith.constant -1.000000e+02 : f32
    %max3A_86 = vector.broadcast %max3A : f32 to vector<384x512xf32>
    %max3A_87 = arith.maximumf %neg3A_85, %max3A_86 : vector<384x512xf32>
    %sub3A_88 = arith.constant 1.000000e+00 : f32
    %sub3A_89 = vector.broadcast %sub3A_88 : f32 to vector<384x512xf32>
    %sub3A_90 = arith.subf %sub3A_89, %exp3A : vector<384x512xf32>
    %log3A = math.log %sub3A_90 : vector<384x512xf32>
    %max3A_91 = arith.constant -1.000000e+02 : f32
    %max3A_92 = vector.broadcast %max3A_91 : f32 to vector<384x512xf32>
    %max3A_93 = arith.maximumf %log3A, %max3A_92 : vector<384x512xf32>
    %reduce_sum3A_94 = vector.shape_cast %max3A_93 : vector<384x512xf32> to vector<1x384x512xf32>
    %reduce_sum3A_95 = arith.constant dense<0.000000e+00> : vector<1xf32>
    %reduce_sum3A_96 = vector.multi_reduction <add>, %reduce_sum3A_94, %reduce_sum3A_95 [1, 2] : vector<1x384x512xf32> to vector<1xf32>
    %reduce_sum3A_97 = vector.shape_cast %reduce_sum3A_96 : vector<1xf32> to vector<1x1x1xf32>
    %reduce_sum3A_98 = vector.extract %reduce_sum3A_97[0, 0, 0] : f32 from vector<1x1x1xf32>
    %sub3A_99 = arith.subf %max3A_87, %max3A_93 : vector<384x512xf32>
    %jit3A = arith.constant 0.000000e+00 : f32
    %broadcast_in_dim3A_100 = vector.broadcast %jit3A : f32 to vector<384x512xf32>
    %select_n3A = arith.select %eq3A_68, %sub3A_99, %broadcast_in_dim3A_100 : vector<384x512xi1>, vector<384x512xf32>
    %reduce_sum3A_101 = vector.shape_cast %select_n3A : vector<384x512xf32> to vector<1x384x512xf32>
    %reduce_sum3A_102 = arith.constant dense<0.000000e+00> : vector<1xf32>
    %reduce_sum3A_103 = vector.multi_reduction <add>, %reduce_sum3A_101, %reduce_sum3A_102 [1, 2] : vector<1x384x512xf32> to vector<1xf32>
    %reduce_sum3A_104 = vector.shape_cast %reduce_sum3A_103 : vector<1xf32> to vector<1x1x1xf32>
    %reduce_sum3A_105 = vector.extract %reduce_sum3A_104[0, 0, 0] : f32 from vector<1x1x1xf32>
    %add3A_106 = arith.addf %reduce_sum3A_98, %reduce_sum3A_105 : f32
    %sub3A_107 = arith.constant 0.000000e+00 : f32
    %sub3A_108 = arith.subf %sub3A_107, %add3A_106 : f32
    %div3A_109 = arith.divf %squeeze3A_53, %squeeze3A : f32
    %mul3A_110 = arith.mulf %div3A, %div3A : f32
    %sub3A_111 = arith.subf %div3A_109, %mul3A_110 : f32
    %add3A_112 = arith.constant 0.000000e+00 : f32
    %add3A_113 = arith.addf %add3A_112, %sub3A_111 : f32
    %jit3A_114 = arith.constant 0.000000e+00 : f32
    %broadcast_in_dim3A_115 = vector.broadcast %jit3A_114 : f32 to vector<384x512xf32>
    %select_n3A_116 = arith.select %eq3A_68, %exp3A, %broadcast_in_dim3A_115 : vector<384x512xi1>, vector<384x512xf32>
    %add3A_117 = arith.addf %broadcast_in_dim3A_48, %select_n3A_116 : vector<384x512xf32>
    %slice3A_118 = vector.extract_strided_slice %add3A_47 {offsets = [0, 2], sizes = [1, 1], strides = [1, 1]} : vector<5x16xf32> to vector<1x1xf32>
    %squeeze3A_119 = vector.extract %slice3A_118[0, 0] : f32 from vector<1x1xf32>
    %slice3A_120 = vector.extract_strided_slice %add3A_47 {offsets = [1, 2], sizes = [1, 1], strides = [1, 1]} : vector<5x16xf32> to vector<1x1xf32>
    %squeeze3A_121 = vector.extract %slice3A_120[0, 0] : f32 from vector<1x1xf32>
    %div3A_122 = arith.divf %squeeze3A_121, %squeeze3A_119 : f32
    %slice3A_123 = vector.extract_strided_slice %add3A_47 {offsets = [2, 2], sizes = [1, 1], strides = [1, 1]} : vector<5x16xf32> to vector<1x1xf32>
    %squeeze3A_124 = vector.extract %slice3A_123[0, 0] : f32 from vector<1x1xf32>
    %slice3A_125 = vector.extract_strided_slice %add3A_47 {offsets = [3, 2], sizes = [1, 1], strides = [1, 1]} : vector<5x16xf32> to vector<1x1xf32>
    %squeeze3A_126 = vector.extract %slice3A_125[0, 0] : f32 from vector<1x1xf32>
    %div3A_127 = arith.divf %squeeze3A_126, %squeeze3A_119 : f32
    %slice3A_128 = vector.extract_strided_slice %add3A_47 {offsets = [4, 2], sizes = [1, 1], strides = [1, 1]} : vector<5x16xf32> to vector<1x1xf32>
    %squeeze3A_129 = vector.extract %slice3A_128[0, 0] : f32 from vector<1x1xf32>
    %div3A_130 = arith.divf %squeeze3A_129, %squeeze3A_119 : f32
    %add3A_131 = arith.constant 3.200000e+01 : f32
    %add3A_132 = arith.addf %add3A_131, %div3A_122 : f32
    %mul3A_133 = arith.constant 2.000000e+00 : f32
    %mul3A_134 = arith.mulf %mul3A_133, %add3A_132 : f32
    %mul3A_135 = arith.mulf %mul3A_134, %add3A_132 : f32
    %div3A_136 = arith.constant 1.000000e+00 : f32
    %div3A_137 = arith.divf %div3A_136, %mul3A_135 : f32
    %eq3A_138 = arith.constant 2 : i32
    %eq3A_139 = vector.broadcast %eq3A_138 : i32 to vector<384x512xi32>
    %eq3A_140 = arith.cmpi eq, %get3A_4, %eq3A_139 : vector<384x512xi32>
    %sub3A_141 = vector.broadcast %div3A_127 : f32 to vector<384x512xf32>
    %sub3A_142 = arith.subf %mul3A_17, %sub3A_141 : vector<384x512xf32>
    %sub3A_143 = vector.broadcast %div3A_130 : f32 to vector<384x512xf32>
    %sub3A_144 = arith.subf %mul3A_30, %sub3A_143 : vector<384x512xf32>
    %mul3A_145 = arith.mulf %sub3A_142, %sub3A_142 : vector<384x512xf32>
    %mul3A_146 = arith.mulf %sub3A_144, %sub3A_144 : vector<384x512xf32>
    %add3A_147 = arith.addf %mul3A_145, %mul3A_146 : vector<384x512xf32>
    %mul3A_148 = vector.broadcast %div3A_137 : f32 to vector<384x512xf32>
    %mul3A_149 = arith.mulf %add3A_147, %mul3A_148 : vector<384x512xf32>
    %neg3A_150 = arith.constant 0.000000e+00 : f32
    %neg3A_151 = vector.broadcast %neg3A_150 : f32 to vector<384x512xf32>
    %neg3A_152 = arith.subf %neg3A_151, %mul3A_149 : vector<384x512xf32>
    %exp3A_153 = math.exp %neg3A_152 : vector<384x512xf32>
    %eq3A_154 = arith.constant 1 : i32
    %eq3A_155 = arith.cmpi eq, %arg1, %eq3A_154 : i32
    %convert_element_type3A_156 = arith.extui %eq3A_155 : i1 to i32
    %cond3A_157 = arith.constant 0 : i32
    %cond3A_158 = arith.cmpi ne, %convert_element_type3A_156, %cond3A_157 : i32
    scf.if %cond3A_158 {
      %swap3A = arith.constant 0 : index
      %swap3A_690 = arith.constant 1 : index
      %swap3A_691 = arith.constant 0 : index
      %swap3A_692 = arith.constant 0 : index
      %swap3A_693 = vector.load %arg7[%swap3A, %swap3A_690, %swap3A_691, %swap3A_692] : memref<1x8x384x512xf32, #tpu.memory_space<vmem>>, vector<1x1x384x512xf32>
      %swap3A_694 = vector.shape_cast %swap3A_693 : vector<1x1x384x512xf32> to vector<384x512xf32>
      %swap3A_695 = vector.shape_cast %exp3A_153 : vector<384x512xf32> to vector<1x1x384x512xf32>
      tpu.vector_store %arg7[%swap3A, %swap3A_690, %swap3A_691, %swap3A_692], %swap3A_695 {strides = array<i32>} : memref<1x8x384x512xf32, #tpu.memory_space<vmem>>, vector<1x1x384x512xf32>,
    } else {
    }
    %neg3A_159 = arith.constant 0.000000e+00 : f32
    %neg3A_160 = vector.broadcast %neg3A_159 : f32 to vector<384x512xf32>
    %neg3A_161 = arith.subf %neg3A_160, %mul3A_149 : vector<384x512xf32>
    %max3A_162 = arith.constant -1.000000e+02 : f32
    %max3A_163 = vector.broadcast %max3A_162 : f32 to vector<384x512xf32>
    %max3A_164 = arith.maximumf %neg3A_161, %max3A_163 : vector<384x512xf32>
    %sub3A_165 = arith.constant 1.000000e+00 : f32
    %sub3A_166 = vector.broadcast %sub3A_165 : f32 to vector<384x512xf32>
    %sub3A_167 = arith.subf %sub3A_166, %exp3A_153 : vector<384x512xf32>
    %log3A_168 = math.log %sub3A_167 : vector<384x512xf32>
    %max3A_169 = arith.constant -1.000000e+02 : f32
    %max3A_170 = vector.broadcast %max3A_169 : f32 to vector<384x512xf32>
    %max3A_171 = arith.maximumf %log3A_168, %max3A_170 : vector<384x512xf32>
    %reduce_sum3A_172 = vector.shape_cast %max3A_171 : vector<384x512xf32> to vector<1x384x512xf32>
    %reduce_sum3A_173 = arith.constant dense<0.000000e+00> : vector<1xf32>
    %reduce_sum3A_174 = vector.multi_reduction <add>, %reduce_sum3A_172, %reduce_sum3A_173 [1, 2] : vector<1x384x512xf32> to vector<1xf32>
    %reduce_sum3A_175 = vector.shape_cast %reduce_sum3A_174 : vector<1xf32> to vector<1x1x1xf32>
    %reduce_sum3A_176 = vector.extract %reduce_sum3A_175[0, 0, 0] : f32 from vector<1x1x1xf32>
    %sub3A_177 = arith.subf %max3A_164, %max3A_171 : vector<384x512xf32>
    %jit3A_178 = arith.constant 0.000000e+00 : f32
    %broadcast_in_dim3A_179 = vector.broadcast %jit3A_178 : f32 to vector<384x512xf32>
    %select_n3A_180 = arith.select %eq3A_140, %sub3A_177, %broadcast_in_dim3A_179 : vector<384x512xi1>, vector<384x512xf32>
    %reduce_sum3A_181 = vector.shape_cast %select_n3A_180 : vector<384x512xf32> to vector<1x384x512xf32>
    %reduce_sum3A_182 = arith.constant dense<0.000000e+00> : vector<1xf32>
    %reduce_sum3A_183 = vector.multi_reduction <add>, %reduce_sum3A_181, %reduce_sum3A_182 [1, 2] : vector<1x384x512xf32> to vector<1xf32>
    %reduce_sum3A_184 = vector.shape_cast %reduce_sum3A_183 : vector<1xf32> to vector<1x1x1xf32>
    %reduce_sum3A_185 = vector.extract %reduce_sum3A_184[0, 0, 0] : f32 from vector<1x1x1xf32>
    %add3A_186 = arith.addf %reduce_sum3A_176, %reduce_sum3A_185 : f32
    %sub3A_187 = arith.subf %sub3A_108, %add3A_186 : f32
    %div3A_188 = arith.divf %squeeze3A_124, %squeeze3A_119 : f32
    %mul3A_189 = arith.mulf %div3A_122, %div3A_122 : f32
    %sub3A_190 = arith.subf %div3A_188, %mul3A_189 : f32
    %add3A_191 = arith.addf %add3A_113, %sub3A_190 : f32
    %jit3A_192 = arith.constant 0.000000e+00 : f32
    %broadcast_in_dim3A_193 = vector.broadcast %jit3A_192 : f32 to vector<384x512xf32>
    %select_n3A_194 = arith.select %eq3A_140, %exp3A_153, %broadcast_in_dim3A_193 : vector<384x512xi1>, vector<384x512xf32>
    %add3A_195 = arith.addf %add3A_117, %select_n3A_194 : vector<384x512xf32>
    %slice3A_196 = vector.extract_strided_slice %add3A_47 {offsets = [0, 3], sizes = [1, 1], strides = [1, 1]} : vector<5x16xf32> to vector<1x1xf32>
    %squeeze3A_197 = vector.extract %slice3A_196[0, 0] : f32 from vector<1x1xf32>
    %slice3A_198 = vector.extract_strided_slice %add3A_47 {offsets = [1, 3], sizes = [1, 1], strides = [1, 1]} : vector<5x16xf32> to vector<1x1xf32>
    %squeeze3A_199 = vector.extract %slice3A_198[0, 0] : f32 from vector<1x1xf32>
    %div3A_200 = arith.divf %squeeze3A_199, %squeeze3A_197 : f32
    %slice3A_201 = vector.extract_strided_slice %add3A_47 {offsets = [2, 3], sizes = [1, 1], strides = [1, 1]} : vector<5x16xf32> to vector<1x1xf32>
    %squeeze3A_202 = vector.extract %slice3A_201[0, 0] : f32 from vector<1x1xf32>
    %slice3A_203 = vector.extract_strided_slice %add3A_47 {offsets = [3, 3], sizes = [1, 1], strides = [1, 1]} : vector<5x16xf32> to vector<1x1xf32>
    %squeeze3A_204 = vector.extract %slice3A_203[0, 0] : f32 from vector<1x1xf32>
    %div3A_205 = arith.divf %squeeze3A_204, %squeeze3A_197 : f32
    %slice3A_206 = vector.extract_strided_slice %add3A_47 {offsets = [4, 3], sizes = [1, 1], strides = [1, 1]} : vector<5x16xf32> to vector<1x1xf32>
    %squeeze3A_207 = vector.extract %slice3A_206[0, 0] : f32 from vector<1x1xf32>
    %div3A_208 = arith.divf %squeeze3A_207, %squeeze3A_197 : f32
    %add3A_209 = arith.constant 3.200000e+01 : f32
    %add3A_210 = arith.addf %add3A_209, %div3A_200 : f32
    %mul3A_211 = arith.constant 2.000000e+00 : f32
    %mul3A_212 = arith.mulf %mul3A_211, %add3A_210 : f32
    %mul3A_213 = arith.mulf %mul3A_212, %add3A_210 : f32
    %div3A_214 = arith.constant 1.000000e+00 : f32
    %div3A_215 = arith.divf %div3A_214, %mul3A_213 : f32
    %eq3A_216 = arith.constant 3 : i32
    %eq3A_217 = vector.broadcast %eq3A_216 : i32 to vector<384x512xi32>
    %eq3A_218 = arith.cmpi eq, %get3A_4, %eq3A_217 : vector<384x512xi32>
    %sub3A_219 = vector.broadcast %div3A_205 : f32 to vector<384x512xf32>
    %sub3A_220 = arith.subf %mul3A_17, %sub3A_219 : vector<384x512xf32>
    %sub3A_221 = vector.broadcast %div3A_208 : f32 to vector<384x512xf32>
    %sub3A_222 = arith.subf %mul3A_30, %sub3A_221 : vector<384x512xf32>
    %mul3A_223 = arith.mulf %sub3A_220, %sub3A_220 : vector<384x512xf32>
    %mul3A_224 = arith.mulf %sub3A_222, %sub3A_222 : vector<384x512xf32>
    %add3A_225 = arith.addf %mul3A_223, %mul3A_224 : vector<384x512xf32>
    %mul3A_226 = vector.broadcast %div3A_215 : f32 to vector<384x512xf32>
    %mul3A_227 = arith.mulf %add3A_225, %mul3A_226 : vector<384x512xf32>
    %neg3A_228 = arith.constant 0.000000e+00 : f32
    %neg3A_229 = vector.broadcast %neg3A_228 : f32 to vector<384x512xf32>
    %neg3A_230 = arith.subf %neg3A_229, %mul3A_227 : vector<384x512xf32>
    %exp3A_231 = math.exp %neg3A_230 : vector<384x512xf32>
    %eq3A_232 = arith.constant 1 : i32
    %eq3A_233 = arith.cmpi eq, %arg1, %eq3A_232 : i32
    %convert_element_type3A_234 = arith.extui %eq3A_233 : i1 to i32
    %cond3A_235 = arith.constant 0 : i32
    %cond3A_236 = arith.cmpi ne, %convert_element_type3A_234, %cond3A_235 : i32
    scf.if %cond3A_236 {
      %swap3A = arith.constant 0 : index
      %swap3A_690 = arith.constant 2 : index
      %swap3A_691 = arith.constant 0 : index
      %swap3A_692 = arith.constant 0 : index
      %swap3A_693 = vector.load %arg7[%swap3A, %swap3A_690, %swap3A_691, %swap3A_692] : memref<1x8x384x512xf32, #tpu.memory_space<vmem>>, vector<1x1x384x512xf32>
      %swap3A_694 = vector.shape_cast %swap3A_693 : vector<1x1x384x512xf32> to vector<384x512xf32>
      %swap3A_695 = vector.shape_cast %exp3A_231 : vector<384x512xf32> to vector<1x1x384x512xf32>
      tpu.vector_store %arg7[%swap3A, %swap3A_690, %swap3A_691, %swap3A_692], %swap3A_695 {strides = array<i32>} : memref<1x8x384x512xf32, #tpu.memory_space<vmem>>, vector<1x1x384x512xf32>,
    } else {
    }
    %neg3A_237 = arith.constant 0.000000e+00 : f32
    %neg3A_238 = vector.broadcast %neg3A_237 : f32 to vector<384x512xf32>
    %neg3A_239 = arith.subf %neg3A_238, %mul3A_227 : vector<384x512xf32>
    %max3A_240 = arith.constant -1.000000e+02 : f32
    %max3A_241 = vector.broadcast %max3A_240 : f32 to vector<384x512xf32>
    %max3A_242 = arith.maximumf %neg3A_239, %max3A_241 : vector<384x512xf32>
    %sub3A_243 = arith.constant 1.000000e+00 : f32
    %sub3A_244 = vector.broadcast %sub3A_243 : f32 to vector<384x512xf32>
    %sub3A_245 = arith.subf %sub3A_244, %exp3A_231 : vector<384x512xf32>
    %log3A_246 = math.log %sub3A_245 : vector<384x512xf32>
    %max3A_247 = arith.constant -1.000000e+02 : f32
    %max3A_248 = vector.broadcast %max3A_247 : f32 to vector<384x512xf32>
    %max3A_249 = arith.maximumf %log3A_246, %max3A_248 : vector<384x512xf32>
    %reduce_sum3A_250 = vector.shape_cast %max3A_249 : vector<384x512xf32> to vector<1x384x512xf32>
    %reduce_sum3A_251 = arith.constant dense<0.000000e+00> : vector<1xf32>
    %reduce_sum3A_252 = vector.multi_reduction <add>, %reduce_sum3A_250, %reduce_sum3A_251 [1, 2] : vector<1x384x512xf32> to vector<1xf32>
    %reduce_sum3A_253 = vector.shape_cast %reduce_sum3A_252 : vector<1xf32> to vector<1x1x1xf32>
    %reduce_sum3A_254 = vector.extract %reduce_sum3A_253[0, 0, 0] : f32 from vector<1x1x1xf32>
    %sub3A_255 = arith.subf %max3A_242, %max3A_249 : vector<384x512xf32>
    %jit3A_256 = arith.constant 0.000000e+00 : f32
    %broadcast_in_dim3A_257 = vector.broadcast %jit3A_256 : f32 to vector<384x512xf32>
    %select_n3A_258 = arith.select %eq3A_218, %sub3A_255, %broadcast_in_dim3A_257 : vector<384x512xi1>, vector<384x512xf32>
    %reduce_sum3A_259 = vector.shape_cast %select_n3A_258 : vector<384x512xf32> to vector<1x384x512xf32>
    %reduce_sum3A_260 = arith.constant dense<0.000000e+00> : vector<1xf32>
    %reduce_sum3A_261 = vector.multi_reduction <add>, %reduce_sum3A_259, %reduce_sum3A_260 [1, 2] : vector<1x384x512xf32> to vector<1xf32>
    %reduce_sum3A_262 = vector.shape_cast %reduce_sum3A_261 : vector<1xf32> to vector<1x1x1xf32>
    %reduce_sum3A_263 = vector.extract %reduce_sum3A_262[0, 0, 0] : f32 from vector<1x1x1xf32>
    %add3A_264 = arith.addf %reduce_sum3A_254, %reduce_sum3A_263 : f32
    %sub3A_265 = arith.subf %sub3A_187, %add3A_264 : f32
    %div3A_266 = arith.divf %squeeze3A_202, %squeeze3A_197 : f32
    %mul3A_267 = arith.mulf %div3A_200, %div3A_200 : f32
    %sub3A_268 = arith.subf %div3A_266, %mul3A_267 : f32
    %add3A_269 = arith.addf %add3A_191, %sub3A_268 : f32
    %jit3A_270 = arith.constant 0.000000e+00 : f32
    %broadcast_in_dim3A_271 = vector.broadcast %jit3A_270 : f32 to vector<384x512xf32>
    %select_n3A_272 = arith.select %eq3A_218, %exp3A_231, %broadcast_in_dim3A_271 : vector<384x512xi1>, vector<384x512xf32>
    %add3A_273 = arith.addf %add3A_195, %select_n3A_272 : vector<384x512xf32>
    %slice3A_274 = vector.extract_strided_slice %add3A_47 {offsets = [0, 4], sizes = [1, 1], strides = [1, 1]} : vector<5x16xf32> to vector<1x1xf32>
    %squeeze3A_275 = vector.extract %slice3A_274[0, 0] : f32 from vector<1x1xf32>
    %slice3A_276 = vector.extract_strided_slice %add3A_47 {offsets = [1, 4], sizes = [1, 1], strides = [1, 1]} : vector<5x16xf32> to vector<1x1xf32>
    %squeeze3A_277 = vector.extract %slice3A_276[0, 0] : f32 from vector<1x1xf32>
    %div3A_278 = arith.divf %squeeze3A_277, %squeeze3A_275 : f32
    %slice3A_279 = vector.extract_strided_slice %add3A_47 {offsets = [2, 4], sizes = [1, 1], strides = [1, 1]} : vector<5x16xf32> to vector<1x1xf32>
    %squeeze3A_280 = vector.extract %slice3A_279[0, 0] : f32 from vector<1x1xf32>
    %slice3A_281 = vector.extract_strided_slice %add3A_47 {offsets = [3, 4], sizes = [1, 1], strides = [1, 1]} : vector<5x16xf32> to vector<1x1xf32>
    %squeeze3A_282 = vector.extract %slice3A_281[0, 0] : f32 from vector<1x1xf32>
    %div3A_283 = arith.divf %squeeze3A_282, %squeeze3A_275 : f32
    %slice3A_284 = vector.extract_strided_slice %add3A_47 {offsets = [4, 4], sizes = [1, 1], strides = [1, 1]} : vector<5x16xf32> to vector<1x1xf32>
    %squeeze3A_285 = vector.extract %slice3A_284[0, 0] : f32 from vector<1x1xf32>
    %div3A_286 = arith.divf %squeeze3A_285, %squeeze3A_275 : f32
    %add3A_287 = arith.constant 3.200000e+01 : f32
    %add3A_288 = arith.addf %add3A_287, %div3A_278 : f32
    %mul3A_289 = arith.constant 2.000000e+00 : f32
    %mul3A_290 = arith.mulf %mul3A_289, %add3A_288 : f32
    %mul3A_291 = arith.mulf %mul3A_290, %add3A_288 : f32
    %div3A_292 = arith.constant 1.000000e+00 : f32
    %div3A_293 = arith.divf %div3A_292, %mul3A_291 : f32
    %eq3A_294 = arith.constant 4 : i32
    %eq3A_295 = vector.broadcast %eq3A_294 : i32 to vector<384x512xi32>
    %eq3A_296 = arith.cmpi eq, %get3A_4, %eq3A_295 : vector<384x512xi32>
    %sub3A_297 = vector.broadcast %div3A_283 : f32 to vector<384x512xf32>
    %sub3A_298 = arith.subf %mul3A_17, %sub3A_297 : vector<384x512xf32>
    %sub3A_299 = vector.broadcast %div3A_286 : f32 to vector<384x512xf32>
    %sub3A_300 = arith.subf %mul3A_30, %sub3A_299 : vector<384x512xf32>
    %mul3A_301 = arith.mulf %sub3A_298, %sub3A_298 : vector<384x512xf32>
    %mul3A_302 = arith.mulf %sub3A_300, %sub3A_300 : vector<384x512xf32>
    %add3A_303 = arith.addf %mul3A_301, %mul3A_302 : vector<384x512xf32>
    %mul3A_304 = vector.broadcast %div3A_293 : f32 to vector<384x512xf32>
    %mul3A_305 = arith.mulf %add3A_303, %mul3A_304 : vector<384x512xf32>
    %neg3A_306 = arith.constant 0.000000e+00 : f32
    %neg3A_307 = vector.broadcast %neg3A_306 : f32 to vector<384x512xf32>
    %neg3A_308 = arith.subf %neg3A_307, %mul3A_305 : vector<384x512xf32>
    %exp3A_309 = math.exp %neg3A_308 : vector<384x512xf32>
    %eq3A_310 = arith.constant 1 : i32
    %eq3A_311 = arith.cmpi eq, %arg1, %eq3A_310 : i32
    %convert_element_type3A_312 = arith.extui %eq3A_311 : i1 to i32
    %cond3A_313 = arith.constant 0 : i32
    %cond3A_314 = arith.cmpi ne, %convert_element_type3A_312, %cond3A_313 : i32
    scf.if %cond3A_314 {
      %swap3A = arith.constant 0 : index
      %swap3A_690 = arith.constant 3 : index
      %swap3A_691 = arith.constant 0 : index
      %swap3A_692 = arith.constant 0 : index
      %swap3A_693 = vector.load %arg7[%swap3A, %swap3A_690, %swap3A_691, %swap3A_692] : memref<1x8x384x512xf32, #tpu.memory_space<vmem>>, vector<1x1x384x512xf32>
      %swap3A_694 = vector.shape_cast %swap3A_693 : vector<1x1x384x512xf32> to vector<384x512xf32>
      %swap3A_695 = vector.shape_cast %exp3A_309 : vector<384x512xf32> to vector<1x1x384x512xf32>
      tpu.vector_store %arg7[%swap3A, %swap3A_690, %swap3A_691, %swap3A_692], %swap3A_695 {strides = array<i32>} : memref<1x8x384x512xf32, #tpu.memory_space<vmem>>, vector<1x1x384x512xf32>,
    } else {
    }
    %neg3A_315 = arith.constant 0.000000e+00 : f32
    %neg3A_316 = vector.broadcast %neg3A_315 : f32 to vector<384x512xf32>
    %neg3A_317 = arith.subf %neg3A_316, %mul3A_305 : vector<384x512xf32>
    %max3A_318 = arith.constant -1.000000e+02 : f32
    %max3A_319 = vector.broadcast %max3A_318 : f32 to vector<384x512xf32>
    %max3A_320 = arith.maximumf %neg3A_317, %max3A_319 : vector<384x512xf32>
    %sub3A_321 = arith.constant 1.000000e+00 : f32
    %sub3A_322 = vector.broadcast %sub3A_321 : f32 to vector<384x512xf32>
    %sub3A_323 = arith.subf %sub3A_322, %exp3A_309 : vector<384x512xf32>
    %log3A_324 = math.log %sub3A_323 : vector<384x512xf32>
    %max3A_325 = arith.constant -1.000000e+02 : f32
    %max3A_326 = vector.broadcast %max3A_325 : f32 to vector<384x512xf32>
    %max3A_327 = arith.maximumf %log3A_324, %max3A_326 : vector<384x512xf32>
    %reduce_sum3A_328 = vector.shape_cast %max3A_327 : vector<384x512xf32> to vector<1x384x512xf32>
    %reduce_sum3A_329 = arith.constant dense<0.000000e+00> : vector<1xf32>
    %reduce_sum3A_330 = vector.multi_reduction <add>, %reduce_sum3A_328, %reduce_sum3A_329 [1, 2] : vector<1x384x512xf32> to vector<1xf32>
    %reduce_sum3A_331 = vector.shape_cast %reduce_sum3A_330 : vector<1xf32> to vector<1x1x1xf32>
    %reduce_sum3A_332 = vector.extract %reduce_sum3A_331[0, 0, 0] : f32 from vector<1x1x1xf32>
    %sub3A_333 = arith.subf %max3A_320, %max3A_327 : vector<384x512xf32>
    %jit3A_334 = arith.constant 0.000000e+00 : f32
    %broadcast_in_dim3A_335 = vector.broadcast %jit3A_334 : f32 to vector<384x512xf32>
    %select_n3A_336 = arith.select %eq3A_296, %sub3A_333, %broadcast_in_dim3A_335 : vector<384x512xi1>, vector<384x512xf32>
    %reduce_sum3A_337 = vector.shape_cast %select_n3A_336 : vector<384x512xf32> to vector<1x384x512xf32>
    %reduce_sum3A_338 = arith.constant dense<0.000000e+00> : vector<1xf32>
    %reduce_sum3A_339 = vector.multi_reduction <add>, %reduce_sum3A_337, %reduce_sum3A_338 [1, 2] : vector<1x384x512xf32> to vector<1xf32>
    %reduce_sum3A_340 = vector.shape_cast %reduce_sum3A_339 : vector<1xf32> to vector<1x1x1xf32>
    %reduce_sum3A_341 = vector.extract %reduce_sum3A_340[0, 0, 0] : f32 from vector<1x1x1xf32>
    %add3A_342 = arith.addf %reduce_sum3A_332, %reduce_sum3A_341 : f32
    %sub3A_343 = arith.subf %sub3A_265, %add3A_342 : f32
    %div3A_344 = arith.divf %squeeze3A_280, %squeeze3A_275 : f32
    %mul3A_345 = arith.mulf %div3A_278, %div3A_278 : f32
    %sub3A_346 = arith.subf %div3A_344, %mul3A_345 : f32
    %add3A_347 = arith.addf %add3A_269, %sub3A_346 : f32
    %jit3A_348 = arith.constant 0.000000e+00 : f32
    %broadcast_in_dim3A_349 = vector.broadcast %jit3A_348 : f32 to vector<384x512xf32>
    %select_n3A_350 = arith.select %eq3A_296, %exp3A_309, %broadcast_in_dim3A_349 : vector<384x512xi1>, vector<384x512xf32>
    %add3A_351 = arith.addf %add3A_273, %select_n3A_350 : vector<384x512xf32>
    %slice3A_352 = vector.extract_strided_slice %add3A_47 {offsets = [0, 5], sizes = [1, 1], strides = [1, 1]} : vector<5x16xf32> to vector<1x1xf32>
    %squeeze3A_353 = vector.extract %slice3A_352[0, 0] : f32 from vector<1x1xf32>
    %slice3A_354 = vector.extract_strided_slice %add3A_47 {offsets = [1, 5], sizes = [1, 1], strides = [1, 1]} : vector<5x16xf32> to vector<1x1xf32>
    %squeeze3A_355 = vector.extract %slice3A_354[0, 0] : f32 from vector<1x1xf32>
    %div3A_356 = arith.divf %squeeze3A_355, %squeeze3A_353 : f32
    %slice3A_357 = vector.extract_strided_slice %add3A_47 {offsets = [2, 5], sizes = [1, 1], strides = [1, 1]} : vector<5x16xf32> to vector<1x1xf32>
    %squeeze3A_358 = vector.extract %slice3A_357[0, 0] : f32 from vector<1x1xf32>
    %slice3A_359 = vector.extract_strided_slice %add3A_47 {offsets = [3, 5], sizes = [1, 1], strides = [1, 1]} : vector<5x16xf32> to vector<1x1xf32>
    %squeeze3A_360 = vector.extract %slice3A_359[0, 0] : f32 from vector<1x1xf32>
    %div3A_361 = arith.divf %squeeze3A_360, %squeeze3A_353 : f32
    %slice3A_362 = vector.extract_strided_slice %add3A_47 {offsets = [4, 5], sizes = [1, 1], strides = [1, 1]} : vector<5x16xf32> to vector<1x1xf32>
    %squeeze3A_363 = vector.extract %slice3A_362[0, 0] : f32 from vector<1x1xf32>
    %div3A_364 = arith.divf %squeeze3A_363, %squeeze3A_353 : f32
    %add3A_365 = arith.constant 3.200000e+01 : f32
    %add3A_366 = arith.addf %add3A_365, %div3A_356 : f32
    %mul3A_367 = arith.constant 2.000000e+00 : f32
    %mul3A_368 = arith.mulf %mul3A_367, %add3A_366 : f32
    %mul3A_369 = arith.mulf %mul3A_368, %add3A_366 : f32
    %div3A_370 = arith.constant 1.000000e+00 : f32
    %div3A_371 = arith.divf %div3A_370, %mul3A_369 : f32
    %eq3A_372 = arith.constant 5 : i32
    %eq3A_373 = vector.broadcast %eq3A_372 : i32 to vector<384x512xi32>
    %eq3A_374 = arith.cmpi eq, %get3A_4, %eq3A_373 : vector<384x512xi32>
    %sub3A_375 = vector.broadcast %div3A_361 : f32 to vector<384x512xf32>
    %sub3A_376 = arith.subf %mul3A_17, %sub3A_375 : vector<384x512xf32>
    %sub3A_377 = vector.broadcast %div3A_364 : f32 to vector<384x512xf32>
    %sub3A_378 = arith.subf %mul3A_30, %sub3A_377 : vector<384x512xf32>
    %mul3A_379 = arith.mulf %sub3A_376, %sub3A_376 : vector<384x512xf32>
    %mul3A_380 = arith.mulf %sub3A_378, %sub3A_378 : vector<384x512xf32>
    %add3A_381 = arith.addf %mul3A_379, %mul3A_380 : vector<384x512xf32>
    %mul3A_382 = vector.broadcast %div3A_371 : f32 to vector<384x512xf32>
    %mul3A_383 = arith.mulf %add3A_381, %mul3A_382 : vector<384x512xf32>
    %neg3A_384 = arith.constant 0.000000e+00 : f32
    %neg3A_385 = vector.broadcast %neg3A_384 : f32 to vector<384x512xf32>
    %neg3A_386 = arith.subf %neg3A_385, %mul3A_383 : vector<384x512xf32>
    %exp3A_387 = math.exp %neg3A_386 : vector<384x512xf32>
    %eq3A_388 = arith.constant 1 : i32
    %eq3A_389 = arith.cmpi eq, %arg1, %eq3A_388 : i32
    %convert_element_type3A_390 = arith.extui %eq3A_389 : i1 to i32
    %cond3A_391 = arith.constant 0 : i32
    %cond3A_392 = arith.cmpi ne, %convert_element_type3A_390, %cond3A_391 : i32
    scf.if %cond3A_392 {
      %swap3A = arith.constant 0 : index
      %swap3A_690 = arith.constant 4 : index
      %swap3A_691 = arith.constant 0 : index
      %swap3A_692 = arith.constant 0 : index
      %swap3A_693 = vector.load %arg7[%swap3A, %swap3A_690, %swap3A_691, %swap3A_692] : memref<1x8x384x512xf32, #tpu.memory_space<vmem>>, vector<1x1x384x512xf32>
      %swap3A_694 = vector.shape_cast %swap3A_693 : vector<1x1x384x512xf32> to vector<384x512xf32>
      %swap3A_695 = vector.shape_cast %exp3A_387 : vector<384x512xf32> to vector<1x1x384x512xf32>
      tpu.vector_store %arg7[%swap3A, %swap3A_690, %swap3A_691, %swap3A_692], %swap3A_695 {strides = array<i32>} : memref<1x8x384x512xf32, #tpu.memory_space<vmem>>, vector<1x1x384x512xf32>,
    } else {
    }
    %neg3A_393 = arith.constant 0.000000e+00 : f32
    %neg3A_394 = vector.broadcast %neg3A_393 : f32 to vector<384x512xf32>
    %neg3A_395 = arith.subf %neg3A_394, %mul3A_383 : vector<384x512xf32>
    %max3A_396 = arith.constant -1.000000e+02 : f32
    %max3A_397 = vector.broadcast %max3A_396 : f32 to vector<384x512xf32>
    %max3A_398 = arith.maximumf %neg3A_395, %max3A_397 : vector<384x512xf32>
    %sub3A_399 = arith.constant 1.000000e+00 : f32
    %sub3A_400 = vector.broadcast %sub3A_399 : f32 to vector<384x512xf32>
    %sub3A_401 = arith.subf %sub3A_400, %exp3A_387 : vector<384x512xf32>
    %log3A_402 = math.log %sub3A_401 : vector<384x512xf32>
    %max3A_403 = arith.constant -1.000000e+02 : f32
    %max3A_404 = vector.broadcast %max3A_403 : f32 to vector<384x512xf32>
    %max3A_405 = arith.maximumf %log3A_402, %max3A_404 : vector<384x512xf32>
    %reduce_sum3A_406 = vector.shape_cast %max3A_405 : vector<384x512xf32> to vector<1x384x512xf32>
    %reduce_sum3A_407 = arith.constant dense<0.000000e+00> : vector<1xf32>
    %reduce_sum3A_408 = vector.multi_reduction <add>, %reduce_sum3A_406, %reduce_sum3A_407 [1, 2] : vector<1x384x512xf32> to vector<1xf32>
    %reduce_sum3A_409 = vector.shape_cast %reduce_sum3A_408 : vector<1xf32> to vector<1x1x1xf32>
    %reduce_sum3A_410 = vector.extract %reduce_sum3A_409[0, 0, 0] : f32 from vector<1x1x1xf32>
    %sub3A_411 = arith.subf %max3A_398, %max3A_405 : vector<384x512xf32>
    %jit3A_412 = arith.constant 0.000000e+00 : f32
    %broadcast_in_dim3A_413 = vector.broadcast %jit3A_412 : f32 to vector<384x512xf32>
    %select_n3A_414 = arith.select %eq3A_374, %sub3A_411, %broadcast_in_dim3A_413 : vector<384x512xi1>, vector<384x512xf32>
    %reduce_sum3A_415 = vector.shape_cast %select_n3A_414 : vector<384x512xf32> to vector<1x384x512xf32>
    %reduce_sum3A_416 = arith.constant dense<0.000000e+00> : vector<1xf32>
    %reduce_sum3A_417 = vector.multi_reduction <add>, %reduce_sum3A_415, %reduce_sum3A_416 [1, 2] : vector<1x384x512xf32> to vector<1xf32>
    %reduce_sum3A_418 = vector.shape_cast %reduce_sum3A_417 : vector<1xf32> to vector<1x1x1xf32>
    %reduce_sum3A_419 = vector.extract %reduce_sum3A_418[0, 0, 0] : f32 from vector<1x1x1xf32>
    %add3A_420 = arith.addf %reduce_sum3A_410, %reduce_sum3A_419 : f32
    %sub3A_421 = arith.subf %sub3A_343, %add3A_420 : f32
    %div3A_422 = arith.divf %squeeze3A_358, %squeeze3A_353 : f32
    %mul3A_423 = arith.mulf %div3A_356, %div3A_356 : f32
    %sub3A_424 = arith.subf %div3A_422, %mul3A_423 : f32
    %add3A_425 = arith.addf %add3A_347, %sub3A_424 : f32
    %jit3A_426 = arith.constant 0.000000e+00 : f32
    %broadcast_in_dim3A_427 = vector.broadcast %jit3A_426 : f32 to vector<384x512xf32>
    %select_n3A_428 = arith.select %eq3A_374, %exp3A_387, %broadcast_in_dim3A_427 : vector<384x512xi1>, vector<384x512xf32>
    %add3A_429 = arith.addf %add3A_351, %select_n3A_428 : vector<384x512xf32>
    %slice3A_430 = vector.extract_strided_slice %add3A_47 {offsets = [0, 6], sizes = [1, 1], strides = [1, 1]} : vector<5x16xf32> to vector<1x1xf32>
    %squeeze3A_431 = vector.extract %slice3A_430[0, 0] : f32 from vector<1x1xf32>
    %slice3A_432 = vector.extract_strided_slice %add3A_47 {offsets = [1, 6], sizes = [1, 1], strides = [1, 1]} : vector<5x16xf32> to vector<1x1xf32>
    %squeeze3A_433 = vector.extract %slice3A_432[0, 0] : f32 from vector<1x1xf32>
    %div3A_434 = arith.divf %squeeze3A_433, %squeeze3A_431 : f32
    %slice3A_435 = vector.extract_strided_slice %add3A_47 {offsets = [2, 6], sizes = [1, 1], strides = [1, 1]} : vector<5x16xf32> to vector<1x1xf32>
    %squeeze3A_436 = vector.extract %slice3A_435[0, 0] : f32 from vector<1x1xf32>
    %slice3A_437 = vector.extract_strided_slice %add3A_47 {offsets = [3, 6], sizes = [1, 1], strides = [1, 1]} : vector<5x16xf32> to vector<1x1xf32>
    %squeeze3A_438 = vector.extract %slice3A_437[0, 0] : f32 from vector<1x1xf32>
    %div3A_439 = arith.divf %squeeze3A_438, %squeeze3A_431 : f32
    %slice3A_440 = vector.extract_strided_slice %add3A_47 {offsets = [4, 6], sizes = [1, 1], strides = [1, 1]} : vector<5x16xf32> to vector<1x1xf32>
    %squeeze3A_441 = vector.extract %slice3A_440[0, 0] : f32 from vector<1x1xf32>
    %div3A_442 = arith.divf %squeeze3A_441, %squeeze3A_431 : f32
    %add3A_443 = arith.constant 3.200000e+01 : f32
    %add3A_444 = arith.addf %add3A_443, %div3A_434 : f32
    %mul3A_445 = arith.constant 2.000000e+00 : f32
    %mul3A_446 = arith.mulf %mul3A_445, %add3A_444 : f32
    %mul3A_447 = arith.mulf %mul3A_446, %add3A_444 : f32
    %div3A_448 = arith.constant 1.000000e+00 : f32
    %div3A_449 = arith.divf %div3A_448, %mul3A_447 : f32
    %eq3A_450 = arith.constant 6 : i32
    %eq3A_451 = vector.broadcast %eq3A_450 : i32 to vector<384x512xi32>
    %eq3A_452 = arith.cmpi eq, %get3A_4, %eq3A_451 : vector<384x512xi32>
    %sub3A_453 = vector.broadcast %div3A_439 : f32 to vector<384x512xf32>
    %sub3A_454 = arith.subf %mul3A_17, %sub3A_453 : vector<384x512xf32>
    %sub3A_455 = vector.broadcast %div3A_442 : f32 to vector<384x512xf32>
    %sub3A_456 = arith.subf %mul3A_30, %sub3A_455 : vector<384x512xf32>
    %mul3A_457 = arith.mulf %sub3A_454, %sub3A_454 : vector<384x512xf32>
    %mul3A_458 = arith.mulf %sub3A_456, %sub3A_456 : vector<384x512xf32>
    %add3A_459 = arith.addf %mul3A_457, %mul3A_458 : vector<384x512xf32>
    %mul3A_460 = vector.broadcast %div3A_449 : f32 to vector<384x512xf32>
    %mul3A_461 = arith.mulf %add3A_459, %mul3A_460 : vector<384x512xf32>
    %neg3A_462 = arith.constant 0.000000e+00 : f32
    %neg3A_463 = vector.broadcast %neg3A_462 : f32 to vector<384x512xf32>
    %neg3A_464 = arith.subf %neg3A_463, %mul3A_461 : vector<384x512xf32>
    %exp3A_465 = math.exp %neg3A_464 : vector<384x512xf32>
    %eq3A_466 = arith.constant 1 : i32
    %eq3A_467 = arith.cmpi eq, %arg1, %eq3A_466 : i32
    %convert_element_type3A_468 = arith.extui %eq3A_467 : i1 to i32
    %cond3A_469 = arith.constant 0 : i32
    %cond3A_470 = arith.cmpi ne, %convert_element_type3A_468, %cond3A_469 : i32
    scf.if %cond3A_470 {
      %swap3A = arith.constant 0 : index
      %swap3A_690 = arith.constant 5 : index
      %swap3A_691 = arith.constant 0 : index
      %swap3A_692 = arith.constant 0 : index
      %swap3A_693 = vector.load %arg7[%swap3A, %swap3A_690, %swap3A_691, %swap3A_692] : memref<1x8x384x512xf32, #tpu.memory_space<vmem>>, vector<1x1x384x512xf32>
      %swap3A_694 = vector.shape_cast %swap3A_693 : vector<1x1x384x512xf32> to vector<384x512xf32>
      %swap3A_695 = vector.shape_cast %exp3A_465 : vector<384x512xf32> to vector<1x1x384x512xf32>
      tpu.vector_store %arg7[%swap3A, %swap3A_690, %swap3A_691, %swap3A_692], %swap3A_695 {strides = array<i32>} : memref<1x8x384x512xf32, #tpu.memory_space<vmem>>, vector<1x1x384x512xf32>,
    } else {
    }
    %neg3A_471 = arith.constant 0.000000e+00 : f32
    %neg3A_472 = vector.broadcast %neg3A_471 : f32 to vector<384x512xf32>
    %neg3A_473 = arith.subf %neg3A_472, %mul3A_461 : vector<384x512xf32>
    %max3A_474 = arith.constant -1.000000e+02 : f32
    %max3A_475 = vector.broadcast %max3A_474 : f32 to vector<384x512xf32>
    %max3A_476 = arith.maximumf %neg3A_473, %max3A_475 : vector<384x512xf32>
    %sub3A_477 = arith.constant 1.000000e+00 : f32
    %sub3A_478 = vector.broadcast %sub3A_477 : f32 to vector<384x512xf32>
    %sub3A_479 = arith.subf %sub3A_478, %exp3A_465 : vector<384x512xf32>
    %log3A_480 = math.log %sub3A_479 : vector<384x512xf32>
    %max3A_481 = arith.constant -1.000000e+02 : f32
    %max3A_482 = vector.broadcast %max3A_481 : f32 to vector<384x512xf32>
    %max3A_483 = arith.maximumf %log3A_480, %max3A_482 : vector<384x512xf32>
    %reduce_sum3A_484 = vector.shape_cast %max3A_483 : vector<384x512xf32> to vector<1x384x512xf32>
    %reduce_sum3A_485 = arith.constant dense<0.000000e+00> : vector<1xf32>
    %reduce_sum3A_486 = vector.multi_reduction <add>, %reduce_sum3A_484, %reduce_sum3A_485 [1, 2] : vector<1x384x512xf32> to vector<1xf32>
    %reduce_sum3A_487 = vector.shape_cast %reduce_sum3A_486 : vector<1xf32> to vector<1x1x1xf32>
    %reduce_sum3A_488 = vector.extract %reduce_sum3A_487[0, 0, 0] : f32 from vector<1x1x1xf32>
    %sub3A_489 = arith.subf %max3A_476, %max3A_483 : vector<384x512xf32>
    %jit3A_490 = arith.constant 0.000000e+00 : f32
    %broadcast_in_dim3A_491 = vector.broadcast %jit3A_490 : f32 to vector<384x512xf32>
    %select_n3A_492 = arith.select %eq3A_452, %sub3A_489, %broadcast_in_dim3A_491 : vector<384x512xi1>, vector<384x512xf32>
    %reduce_sum3A_493 = vector.shape_cast %select_n3A_492 : vector<384x512xf32> to vector<1x384x512xf32>
    %reduce_sum3A_494 = arith.constant dense<0.000000e+00> : vector<1xf32>
    %reduce_sum3A_495 = vector.multi_reduction <add>, %reduce_sum3A_493, %reduce_sum3A_494 [1, 2] : vector<1x384x512xf32> to vector<1xf32>
    %reduce_sum3A_496 = vector.shape_cast %reduce_sum3A_495 : vector<1xf32> to vector<1x1x1xf32>
    %reduce_sum3A_497 = vector.extract %reduce_sum3A_496[0, 0, 0] : f32 from vector<1x1x1xf32>
    %add3A_498 = arith.addf %reduce_sum3A_488, %reduce_sum3A_497 : f32
    %sub3A_499 = arith.subf %sub3A_421, %add3A_498 : f32
    %div3A_500 = arith.divf %squeeze3A_436, %squeeze3A_431 : f32
    %mul3A_501 = arith.mulf %div3A_434, %div3A_434 : f32
    %sub3A_502 = arith.subf %div3A_500, %mul3A_501 : f32
    %add3A_503 = arith.addf %add3A_425, %sub3A_502 : f32
    %jit3A_504 = arith.constant 0.000000e+00 : f32
    %broadcast_in_dim3A_505 = vector.broadcast %jit3A_504 : f32 to vector<384x512xf32>
    %select_n3A_506 = arith.select %eq3A_452, %exp3A_465, %broadcast_in_dim3A_505 : vector<384x512xi1>, vector<384x512xf32>
    %add3A_507 = arith.addf %add3A_429, %select_n3A_506 : vector<384x512xf32>
    %slice3A_508 = vector.extract_strided_slice %add3A_47 {offsets = [0, 7], sizes = [1, 1], strides = [1, 1]} : vector<5x16xf32> to vector<1x1xf32>
    %squeeze3A_509 = vector.extract %slice3A_508[0, 0] : f32 from vector<1x1xf32>
    %slice3A_510 = vector.extract_strided_slice %add3A_47 {offsets = [1, 7], sizes = [1, 1], strides = [1, 1]} : vector<5x16xf32> to vector<1x1xf32>
    %squeeze3A_511 = vector.extract %slice3A_510[0, 0] : f32 from vector<1x1xf32>
    %div3A_512 = arith.divf %squeeze3A_511, %squeeze3A_509 : f32
    %slice3A_513 = vector.extract_strided_slice %add3A_47 {offsets = [2, 7], sizes = [1, 1], strides = [1, 1]} : vector<5x16xf32> to vector<1x1xf32>
    %squeeze3A_514 = vector.extract %slice3A_513[0, 0] : f32 from vector<1x1xf32>
    %slice3A_515 = vector.extract_strided_slice %add3A_47 {offsets = [3, 7], sizes = [1, 1], strides = [1, 1]} : vector<5x16xf32> to vector<1x1xf32>
    %squeeze3A_516 = vector.extract %slice3A_515[0, 0] : f32 from vector<1x1xf32>
    %div3A_517 = arith.divf %squeeze3A_516, %squeeze3A_509 : f32
    %slice3A_518 = vector.extract_strided_slice %add3A_47 {offsets = [4, 7], sizes = [1, 1], strides = [1, 1]} : vector<5x16xf32> to vector<1x1xf32>
    %squeeze3A_519 = vector.extract %slice3A_518[0, 0] : f32 from vector<1x1xf32>
    %div3A_520 = arith.divf %squeeze3A_519, %squeeze3A_509 : f32
    %add3A_521 = arith.constant 3.200000e+01 : f32
    %add3A_522 = arith.addf %add3A_521, %div3A_512 : f32
    %mul3A_523 = arith.constant 2.000000e+00 : f32
    %mul3A_524 = arith.mulf %mul3A_523, %add3A_522 : f32
    %mul3A_525 = arith.mulf %mul3A_524, %add3A_522 : f32
    %div3A_526 = arith.constant 1.000000e+00 : f32
    %div3A_527 = arith.divf %div3A_526, %mul3A_525 : f32
    %eq3A_528 = arith.constant 7 : i32
    %eq3A_529 = vector.broadcast %eq3A_528 : i32 to vector<384x512xi32>
    %eq3A_530 = arith.cmpi eq, %get3A_4, %eq3A_529 : vector<384x512xi32>
    %sub3A_531 = vector.broadcast %div3A_517 : f32 to vector<384x512xf32>
    %sub3A_532 = arith.subf %mul3A_17, %sub3A_531 : vector<384x512xf32>
    %sub3A_533 = vector.broadcast %div3A_520 : f32 to vector<384x512xf32>
    %sub3A_534 = arith.subf %mul3A_30, %sub3A_533 : vector<384x512xf32>
    %mul3A_535 = arith.mulf %sub3A_532, %sub3A_532 : vector<384x512xf32>
    %mul3A_536 = arith.mulf %sub3A_534, %sub3A_534 : vector<384x512xf32>
    %add3A_537 = arith.addf %mul3A_535, %mul3A_536 : vector<384x512xf32>
    %mul3A_538 = vector.broadcast %div3A_527 : f32 to vector<384x512xf32>
    %mul3A_539 = arith.mulf %add3A_537, %mul3A_538 : vector<384x512xf32>
    %neg3A_540 = arith.constant 0.000000e+00 : f32
    %neg3A_541 = vector.broadcast %neg3A_540 : f32 to vector<384x512xf32>
    %neg3A_542 = arith.subf %neg3A_541, %mul3A_539 : vector<384x512xf32>
    %exp3A_543 = math.exp %neg3A_542 : vector<384x512xf32>
    %eq3A_544 = arith.constant 1 : i32
    %eq3A_545 = arith.cmpi eq, %arg1, %eq3A_544 : i32
    %convert_element_type3A_546 = arith.extui %eq3A_545 : i1 to i32
    %cond3A_547 = arith.constant 0 : i32
    %cond3A_548 = arith.cmpi ne, %convert_element_type3A_546, %cond3A_547 : i32
    scf.if %cond3A_548 {
      %swap3A = arith.constant 0 : index
      %swap3A_690 = arith.constant 6 : index
      %swap3A_691 = arith.constant 0 : index
      %swap3A_692 = arith.constant 0 : index
      %swap3A_693 = vector.load %arg7[%swap3A, %swap3A_690, %swap3A_691, %swap3A_692] : memref<1x8x384x512xf32, #tpu.memory_space<vmem>>, vector<1x1x384x512xf32>
      %swap3A_694 = vector.shape_cast %swap3A_693 : vector<1x1x384x512xf32> to vector<384x512xf32>
      %swap3A_695 = vector.shape_cast %exp3A_543 : vector<384x512xf32> to vector<1x1x384x512xf32>
      tpu.vector_store %arg7[%swap3A, %swap3A_690, %swap3A_691, %swap3A_692], %swap3A_695 {strides = array<i32>} : memref<1x8x384x512xf32, #tpu.memory_space<vmem>>, vector<1x1x384x512xf32>,
    } else {
    }
    %neg3A_549 = arith.constant 0.000000e+00 : f32
    %neg3A_550 = vector.broadcast %neg3A_549 : f32 to vector<384x512xf32>
    %neg3A_551 = arith.subf %neg3A_550, %mul3A_539 : vector<384x512xf32>
    %max3A_552 = arith.constant -1.000000e+02 : f32
    %max3A_553 = vector.broadcast %max3A_552 : f32 to vector<384x512xf32>
    %max3A_554 = arith.maximumf %neg3A_551, %max3A_553 : vector<384x512xf32>
    %sub3A_555 = arith.constant 1.000000e+00 : f32
    %sub3A_556 = vector.broadcast %sub3A_555 : f32 to vector<384x512xf32>
    %sub3A_557 = arith.subf %sub3A_556, %exp3A_543 : vector<384x512xf32>
    %log3A_558 = math.log %sub3A_557 : vector<384x512xf32>
    %max3A_559 = arith.constant -1.000000e+02 : f32
    %max3A_560 = vector.broadcast %max3A_559 : f32 to vector<384x512xf32>
    %max3A_561 = arith.maximumf %log3A_558, %max3A_560 : vector<384x512xf32>
    %reduce_sum3A_562 = vector.shape_cast %max3A_561 : vector<384x512xf32> to vector<1x384x512xf32>
    %reduce_sum3A_563 = arith.constant dense<0.000000e+00> : vector<1xf32>
    %reduce_sum3A_564 = vector.multi_reduction <add>, %reduce_sum3A_562, %reduce_sum3A_563 [1, 2] : vector<1x384x512xf32> to vector<1xf32>
    %reduce_sum3A_565 = vector.shape_cast %reduce_sum3A_564 : vector<1xf32> to vector<1x1x1xf32>
    %reduce_sum3A_566 = vector.extract %reduce_sum3A_565[0, 0, 0] : f32 from vector<1x1x1xf32>
    %sub3A_567 = arith.subf %max3A_554, %max3A_561 : vector<384x512xf32>
    %jit3A_568 = arith.constant 0.000000e+00 : f32
    %broadcast_in_dim3A_569 = vector.broadcast %jit3A_568 : f32 to vector<384x512xf32>
    %select_n3A_570 = arith.select %eq3A_530, %sub3A_567, %broadcast_in_dim3A_569 : vector<384x512xi1>, vector<384x512xf32>
    %reduce_sum3A_571 = vector.shape_cast %select_n3A_570 : vector<384x512xf32> to vector<1x384x512xf32>
    %reduce_sum3A_572 = arith.constant dense<0.000000e+00> : vector<1xf32>
    %reduce_sum3A_573 = vector.multi_reduction <add>, %reduce_sum3A_571, %reduce_sum3A_572 [1, 2] : vector<1x384x512xf32> to vector<1xf32>
    %reduce_sum3A_574 = vector.shape_cast %reduce_sum3A_573 : vector<1xf32> to vector<1x1x1xf32>
    %reduce_sum3A_575 = vector.extract %reduce_sum3A_574[0, 0, 0] : f32 from vector<1x1x1xf32>
    %add3A_576 = arith.addf %reduce_sum3A_566, %reduce_sum3A_575 : f32
    %sub3A_577 = arith.subf %sub3A_499, %add3A_576 : f32
    %div3A_578 = arith.divf %squeeze3A_514, %squeeze3A_509 : f32
    %mul3A_579 = arith.mulf %div3A_512, %div3A_512 : f32
    %sub3A_580 = arith.subf %div3A_578, %mul3A_579 : f32
    %add3A_581 = arith.addf %add3A_503, %sub3A_580 : f32
    %jit3A_582 = arith.constant 0.000000e+00 : f32
    %broadcast_in_dim3A_583 = vector.broadcast %jit3A_582 : f32 to vector<384x512xf32>
    %select_n3A_584 = arith.select %eq3A_530, %exp3A_543, %broadcast_in_dim3A_583 : vector<384x512xi1>, vector<384x512xf32>
    %add3A_585 = arith.addf %add3A_507, %select_n3A_584 : vector<384x512xf32>
    %slice3A_586 = vector.extract_strided_slice %add3A_47 {offsets = [0, 8], sizes = [1, 1], strides = [1, 1]} : vector<5x16xf32> to vector<1x1xf32>
    %squeeze3A_587 = vector.extract %slice3A_586[0, 0] : f32 from vector<1x1xf32>
    %slice3A_588 = vector.extract_strided_slice %add3A_47 {offsets = [1, 8], sizes = [1, 1], strides = [1, 1]} : vector<5x16xf32> to vector<1x1xf32>
    %squeeze3A_589 = vector.extract %slice3A_588[0, 0] : f32 from vector<1x1xf32>
    %div3A_590 = arith.divf %squeeze3A_589, %squeeze3A_587 : f32
    %slice3A_591 = vector.extract_strided_slice %add3A_47 {offsets = [2, 8], sizes = [1, 1], strides = [1, 1]} : vector<5x16xf32> to vector<1x1xf32>
    %squeeze3A_592 = vector.extract %slice3A_591[0, 0] : f32 from vector<1x1xf32>
    %slice3A_593 = vector.extract_strided_slice %add3A_47 {offsets = [3, 8], sizes = [1, 1], strides = [1, 1]} : vector<5x16xf32> to vector<1x1xf32>
    %squeeze3A_594 = vector.extract %slice3A_593[0, 0] : f32 from vector<1x1xf32>
    %div3A_595 = arith.divf %squeeze3A_594, %squeeze3A_587 : f32
    %slice3A_596 = vector.extract_strided_slice %add3A_47 {offsets = [4, 8], sizes = [1, 1], strides = [1, 1]} : vector<5x16xf32> to vector<1x1xf32>
    %squeeze3A_597 = vector.extract %slice3A_596[0, 0] : f32 from vector<1x1xf32>
    %div3A_598 = arith.divf %squeeze3A_597, %squeeze3A_587 : f32
    %add3A_599 = arith.constant 3.200000e+01 : f32
    %add3A_600 = arith.addf %add3A_599, %div3A_590 : f32
    %mul3A_601 = arith.constant 2.000000e+00 : f32
    %mul3A_602 = arith.mulf %mul3A_601, %add3A_600 : f32
    %mul3A_603 = arith.mulf %mul3A_602, %add3A_600 : f32
    %div3A_604 = arith.constant 1.000000e+00 : f32
    %div3A_605 = arith.divf %div3A_604, %mul3A_603 : f32
    %eq3A_606 = arith.constant 8 : i32
    %eq3A_607 = vector.broadcast %eq3A_606 : i32 to vector<384x512xi32>
    %eq3A_608 = arith.cmpi eq, %get3A_4, %eq3A_607 : vector<384x512xi32>
    %sub3A_609 = vector.broadcast %div3A_595 : f32 to vector<384x512xf32>
    %sub3A_610 = arith.subf %mul3A_17, %sub3A_609 : vector<384x512xf32>
    %sub3A_611 = vector.broadcast %div3A_598 : f32 to vector<384x512xf32>
    %sub3A_612 = arith.subf %mul3A_30, %sub3A_611 : vector<384x512xf32>
    %mul3A_613 = arith.mulf %sub3A_610, %sub3A_610 : vector<384x512xf32>
    %mul3A_614 = arith.mulf %sub3A_612, %sub3A_612 : vector<384x512xf32>
    %add3A_615 = arith.addf %mul3A_613, %mul3A_614 : vector<384x512xf32>
    %mul3A_616 = vector.broadcast %div3A_605 : f32 to vector<384x512xf32>
    %mul3A_617 = arith.mulf %add3A_615, %mul3A_616 : vector<384x512xf32>
    %neg3A_618 = arith.constant 0.000000e+00 : f32
    %neg3A_619 = vector.broadcast %neg3A_618 : f32 to vector<384x512xf32>
    %neg3A_620 = arith.subf %neg3A_619, %mul3A_617 : vector<384x512xf32>
    %exp3A_621 = math.exp %neg3A_620 : vector<384x512xf32>
    %eq3A_622 = arith.constant 1 : i32
    %eq3A_623 = arith.cmpi eq, %arg1, %eq3A_622 : i32
    %convert_element_type3A_624 = arith.extui %eq3A_623 : i1 to i32
    %cond3A_625 = arith.constant 0 : i32
    %cond3A_626 = arith.cmpi ne, %convert_element_type3A_624, %cond3A_625 : i32
    scf.if %cond3A_626 {
      %swap3A = arith.constant 0 : index
      %swap3A_690 = arith.constant 7 : index
      %swap3A_691 = arith.constant 0 : index
      %swap3A_692 = arith.constant 0 : index
      %swap3A_693 = vector.load %arg7[%swap3A, %swap3A_690, %swap3A_691, %swap3A_692] : memref<1x8x384x512xf32, #tpu.memory_space<vmem>>, vector<1x1x384x512xf32>
      %swap3A_694 = vector.shape_cast %swap3A_693 : vector<1x1x384x512xf32> to vector<384x512xf32>
      %swap3A_695 = vector.shape_cast %exp3A_621 : vector<384x512xf32> to vector<1x1x384x512xf32>
      tpu.vector_store %arg7[%swap3A, %swap3A_690, %swap3A_691, %swap3A_692], %swap3A_695 {strides = array<i32>} : memref<1x8x384x512xf32, #tpu.memory_space<vmem>>, vector<1x1x384x512xf32>,
    } else {
    }
    %neg3A_627 = arith.constant 0.000000e+00 : f32
    %neg3A_628 = vector.broadcast %neg3A_627 : f32 to vector<384x512xf32>
    %neg3A_629 = arith.subf %neg3A_628, %mul3A_617 : vector<384x512xf32>
    %max3A_630 = arith.constant -1.000000e+02 : f32
    %max3A_631 = vector.broadcast %max3A_630 : f32 to vector<384x512xf32>
    %max3A_632 = arith.maximumf %neg3A_629, %max3A_631 : vector<384x512xf32>
    %sub3A_633 = arith.constant 1.000000e+00 : f32
    %sub3A_634 = vector.broadcast %sub3A_633 : f32 to vector<384x512xf32>
    %sub3A_635 = arith.subf %sub3A_634, %exp3A_621 : vector<384x512xf32>
    %log3A_636 = math.log %sub3A_635 : vector<384x512xf32>
    %max3A_637 = arith.constant -1.000000e+02 : f32
    %max3A_638 = vector.broadcast %max3A_637 : f32 to vector<384x512xf32>
    %max3A_639 = arith.maximumf %log3A_636, %max3A_638 : vector<384x512xf32>
    %reduce_sum3A_640 = vector.shape_cast %max3A_639 : vector<384x512xf32> to vector<1x384x512xf32>
    %reduce_sum3A_641 = arith.constant dense<0.000000e+00> : vector<1xf32>
    %reduce_sum3A_642 = vector.multi_reduction <add>, %reduce_sum3A_640, %reduce_sum3A_641 [1, 2] : vector<1x384x512xf32> to vector<1xf32>
    %reduce_sum3A_643 = vector.shape_cast %reduce_sum3A_642 : vector<1xf32> to vector<1x1x1xf32>
    %reduce_sum3A_644 = vector.extract %reduce_sum3A_643[0, 0, 0] : f32 from vector<1x1x1xf32>
    %sub3A_645 = arith.subf %max3A_632, %max3A_639 : vector<384x512xf32>
    %jit3A_646 = arith.constant 0.000000e+00 : f32
    %broadcast_in_dim3A_647 = vector.broadcast %jit3A_646 : f32 to vector<384x512xf32>
    %select_n3A_648 = arith.select %eq3A_608, %sub3A_645, %broadcast_in_dim3A_647 : vector<384x512xi1>, vector<384x512xf32>
    %reduce_sum3A_649 = vector.shape_cast %select_n3A_648 : vector<384x512xf32> to vector<1x384x512xf32>
    %reduce_sum3A_650 = arith.constant dense<0.000000e+00> : vector<1xf32>
    %reduce_sum3A_651 = vector.multi_reduction <add>, %reduce_sum3A_649, %reduce_sum3A_650 [1, 2] : vector<1x384x512xf32> to vector<1xf32>
    %reduce_sum3A_652 = vector.shape_cast %reduce_sum3A_651 : vector<1xf32> to vector<1x1x1xf32>
    %reduce_sum3A_653 = vector.extract %reduce_sum3A_652[0, 0, 0] : f32 from vector<1x1x1xf32>
    %add3A_654 = arith.addf %reduce_sum3A_644, %reduce_sum3A_653 : f32
    %sub3A_655 = arith.subf %sub3A_577, %add3A_654 : f32
    %div3A_656 = arith.divf %squeeze3A_592, %squeeze3A_587 : f32
    %mul3A_657 = arith.mulf %div3A_590, %div3A_590 : f32
    %sub3A_658 = arith.subf %div3A_656, %mul3A_657 : f32
    %add3A_659 = arith.addf %add3A_581, %sub3A_658 : f32
    %jit3A_660 = arith.constant 0.000000e+00 : f32
    %broadcast_in_dim3A_661 = vector.broadcast %jit3A_660 : f32 to vector<384x512xf32>
    %select_n3A_662 = arith.select %eq3A_608, %exp3A_621, %broadcast_in_dim3A_661 : vector<384x512xi1>, vector<384x512xf32>
    %add3A_663 = arith.addf %add3A_585, %select_n3A_662 : vector<384x512xf32>
    %sub3A_664 = arith.subf %get3A_36, %add3A_663 : vector<384x512xf32>
    %mul3A_665 = arith.mulf %sub3A_664, %sub3A_664 : vector<384x512xf32>
    %reduce_sum3A_666 = vector.shape_cast %mul3A_665 : vector<384x512xf32> to vector<1x384x512xf32>
    %reduce_sum3A_667 = arith.constant dense<0.000000e+00> : vector<1xf32>
    %reduce_sum3A_668 = vector.multi_reduction <add>, %reduce_sum3A_666, %reduce_sum3A_667 [1, 2] : vector<1x384x512xf32> to vector<1xf32>
    %reduce_sum3A_669 = vector.shape_cast %reduce_sum3A_668 : vector<1xf32> to vector<1x1x1xf32>
    %reduce_sum3A_670 = vector.extract %reduce_sum3A_669[0, 0, 0] : f32 from vector<1x1x1xf32>
    %mul3A_671 = arith.constant 5.08626317E-6 : f32
    %mul3A_672 = arith.mulf %reduce_sum3A_670, %mul3A_671 : f32
    %broadcast_in_dim3A_673 = vector.broadcast %sub3A_655 : f32 to vector<8x128xf32>
    %broadcast_in_dim3A_674 = vector.broadcast %add3A_659 : f32 to vector<8x128xf32>
    %broadcast_in_dim3A_675 = vector.broadcast %mul3A_672 : f32 to vector<8x128xf32>
    %stack3A = vector.shape_cast %broadcast_in_dim3A_673 : vector<8x128xf32> to vector<1x8x128xf32>
    %stack3A_676 = vector.shape_cast %broadcast_in_dim3A_674 : vector<8x128xf32> to vector<1x8x128xf32>
    %stack3A_677 = vector.shape_cast %broadcast_in_dim3A_675 : vector<8x128xf32> to vector<1x8x128xf32>
    %stack3A_678 = tpu.concatenate %stack3A, %stack3A_676, %stack3A_677 in 0 : vector<1x8x128xf32>, vector<1x8x128xf32>, vector<1x8x128xf32> -> vector<3x8x128xf32>
    %eq3A_679 = arith.constant 0 : i32
    %eq3A_680 = arith.cmpi eq, %arg0, %eq3A_679 : i32
    %eq3A_681 = arith.constant 0 : i32
    %eq3A_682 = arith.cmpi eq, %arg1, %eq3A_681 : i32
    %and3A = arith.andi %eq3A_680, %eq3A_682 : i1
    %convert_element_type3A_683 = arith.extui %and3A : i1 to i32
    %cond3A_684 = arith.constant 0 : i32
    %cond3A_685 = arith.cmpi ne, %convert_element_type3A_683, %cond3A_684 : i32
    scf.if %cond3A_685 {
      %swap3A = arith.constant 0 : index
      %swap3A_690 = arith.constant 0 : index
      %swap3A_691 = arith.constant 0 : index
      %swap3A_692 = vector.load %arg8[%swap3A, %swap3A_690, %swap3A_691] : memref<3x8x128xf32, #tpu.memory_space<vmem>>, vector<3x8x128xf32>
      tpu.vector_store %arg8[%swap3A, %swap3A_690, %swap3A_691], %stack3A_678 {strides = array<i32>} : memref<3x8x128xf32, #tpu.memory_space<vmem>>, vector<3x8x128xf32>,
    } else {
    }
    %not3A = arith.constant true
    %not3A_686 = arith.xori %and3A, %not3A : i1
    %convert_element_type3A_687 = arith.extui %not3A_686 : i1 to i32
    %cond3A_688 = arith.constant 0 : i32
    %cond3A_689 = arith.cmpi ne, %convert_element_type3A_687, %cond3A_688 : i32
    scf.if %cond3A_689 {
      %get3A_690 = arith.constant 0 : index
      %get3A_691 = arith.constant 0 : index
      %get3A_692 = arith.constant 0 : index
      %get3A_693 = vector.load %arg8[%get3A_690, %get3A_691, %get3A_692] : memref<3x8x128xf32, #tpu.memory_space<vmem>>, vector<3x8x128xf32>
      %add3A_694 = arith.addf %get3A_693, %stack3A_678 : vector<3x8x128xf32>
      %swap3A = arith.constant 0 : index
      %swap3A_695 = arith.constant 0 : index
      %swap3A_696 = arith.constant 0 : index
      %swap3A_697 = vector.load %arg8[%swap3A, %swap3A_695, %swap3A_696] : memref<3x8x128xf32, #tpu.memory_space<vmem>>, vector<3x8x128xf32>
      tpu.vector_store %arg8[%swap3A, %swap3A_695, %swap3A_696], %add3A_694 {strides = array<i32>} : memref<3x8x128xf32, #tpu.memory_space<vmem>>, vector<3x8x128xf32>,
    } else {
    }
    return
  }
  func.func @transform_0(%arg0: i32, %arg1: i32) -> (i32, i32, i32, i32) {
    %c0_i32 = arith.constant 0 : i32
    %c0_i32_0 = arith.constant 0 : i32
    %c0_i32_1 = arith.constant 0 : i32
    return %arg0, %arg1, %c0_i32, %c0_i32_0 : i32, i32, i32, i32
  }
  func.func @transform_1(%arg0: i32, %arg1: i32) -> (i32, i32, i32, i32) {
    %c0_i32 = arith.constant 0 : i32
    %c0_i32_0 = arith.constant 0 : i32
    %c0_i32_1 = arith.constant 0 : i32
    %c0_i32_2 = arith.constant 0 : i32
    return %arg0, %c0_i32, %c0_i32_0, %c0_i32_1 : i32, i32, i32, i32
  }
  func.func @transform_2(%arg0: i32, %arg1: i32) -> (i32, i32, i32, i32) {
    %c0_i32 = arith.constant 0 : i32
    %c0_i32_0 = arith.constant 0 : i32
    %c0_i32_1 = arith.constant 0 : i32
    return %arg0, %arg1, %c0_i32, %c0_i32_0 : i32, i32, i32, i32
  }
  func.func @transform_3(%arg0: i32, %arg1: i32) -> (i32, i32, i32, i32) {
    %c0_i32 = arith.constant 0 : i32
    %c0_i32_0 = arith.constant 0 : i32
    %c0_i32_1 = arith.constant 0 : i32
    %c0_i32_2 = arith.constant 0 : i32
    return %arg0, %c0_i32, %c0_i32_0, %c0_i32_1 : i32, i32, i32, i32
  }
  func.func @transform_4(%arg0: i32, %arg1: i32) -> (i32, i32, i32, i32, i32, i32) {
    %c0_i32 = arith.constant 0 : i32
    %c0_i32_0 = arith.constant 0 : i32
    %c0_i32_1 = arith.constant 0 : i32
    %c0_i32_2 = arith.constant 0 : i32
    %c0_i32_3 = arith.constant 0 : i32
    return %arg0, %c0_i32, %arg1, %c0_i32_0, %c0_i32_1, %c0_i32_2 : i32, i32, i32, i32, i32, i32
  }
  func.func @transform_5(%arg0: i32, %arg1: i32) -> (i32, i32, i32, i32) {
    %c0_i32 = arith.constant 0 : i32
    %c0_i32_0 = arith.constant 0 : i32
    %c0_i32_1 = arith.constant 0 : i32
    %c0_i32_2 = arith.constant 0 : i32
    return %arg0, %c0_i32, %c0_i32_0, %c0_i32_1 : i32, i32, i32, i32
  }
  func.func @transform_6(%arg0: i32, %arg1: i32) -> (i32, i32, i32) {
    %c0_i32 = arith.constant 0 : i32
    %c0_i32_0 = arith.constant 0 : i32
    %c0_i32_1 = arith.constant 0 : i32
    %c0_i32_2 = arith.constant 0 : i32
    return %c0_i32, %c0_i32_0, %c0_i32_1 : i32, i32, i32
  }
}

</mosaic_0001>

<sc_bundles>
// kernel: kernel.4.cloned.1.call-start
scs
__scs_entry_jumppad:
0x0: {  	(pc) =	sbr.rel $0x88, $3  }
0x1: {  	(tag) =	ssettag $0x0;
	lr =	simm.s32 $0x1  }
0x2: {  	[smem:$0x3F9D] =	sst lr;
	_ =	strace $0xD0000000  }
0x3: {  	_ = 	snop  }
0x4: {  	_ = 	snop  }
0x5: {  	_ = 	snop  }
0x6: {  	_ = 	snop  }
0x7: {  	_ = 	snop  }
__scs_overlays_trampoline_lowered:
0x8: {  	[smem:$0x3FAC] =	sst s0  }
0x9: {  	[smem:$0x3FAD] =	sst s1  }
0xa: {  	[smem:$0x3FAE] =	sst s2  }
0xb: {  	[smem:$0x3FAF] =	sst s3  }
0xc: {  	[smem:$0x3FB0] =	sst s4  }
0xd: {  	[smem:$0x3FB1] =	sst s5  }
0xe: {  	[smem:$0x3FB2] =	sst s6  }
0xf: {  	[smem:$0x3FB3] =	sst s7  }
0x10: {  	[smem:$0x3FB4] =	sst s8  }
0x11: {  	[smem:$0x3FB5] =	sst s9;
	s0 =	simm.s32 @!p0 $0x0  }
0x12: {  	s1 =	sld [smem:$0x3F9B];
	s0 =	simm.s32 @p0 $0x1  }
0x13: {  	[smem:$0x3FB6] =	sst s0;
	s0 =	simm.s32 @!p1 $0x0  }
0x14: {  	s2 =	sld [smem:$0x3F9A];
	s0 =	simm.s32 @p1 $0x1  }
0x15: {  	[smem:$0x3FB7] =	sst s0;
	s0 =	simm.s32 @!p2 $0x0  }
0x16: {  	s3 =	sld [smem:$0x3FDB];
	s0 =	simm.s32 @p2 $0x1  }
0x17: {  	s4 =	simm.s32 $0x1BF5;
	[smem:$0x3FB9] =	sst s0  }
0x18: {  	s0 =	sld [smem:$0x3F9C];
	_ =	swait.ge [sflag:s4], $0x0  }
0x19: {  	s7 =	sld [smem:$0x3F9D]  }
0x1a: {  	s8 =	sadd.s32 $0xFFFFE003, lr  }
0x1b: {  	s9 =	sadd.s32 $0xFFFFFEF7, lr;
	s5 =	simm.s32 $0xFFFFFFFF;
	p2 =	slt.u32 s8, $0xFFFFF086  }
0x1c: {  	p1 =	slt.u32 s9, $0xF7A;
	s5 =	simm.s32 @!p2 $0x0  }
0x1d: {  	s5 =	simm.s32 @p1 $0x1;
	p0 =	seq.s32 s7, s2  }
0x1e: {  	s7 =	smul.u32 @!p0 $0xF7A, s2;
	p2 =	seq.s32 @!p0 s5, $0x0  }
0x1f: {  	s9 =	smul.u32 $0xF7A, s1;
	s8 =	simm.s32 @!p0 $0x1BF5;
	p2 =	por !p2, p0  }
0x20: {  	[sflag:s8] =	ssyncset.s32 @!p0 $0xFFFFF086;
	s6 =	sadd.s32 @!p0 s3, s7;
	s7 =	simm.s32 @!p0 $0x108  }
0x21: {  	s3 =	sadd.s32 s3, s9;
	s6 =	sadd.s32 @!p0 $0x88, s6;
	s7 =	simm.s32 @p2 $0x1082  }
0x22: {  	[simem:s7], [sflag:s8] =	dma.local @!p0 [hbm:s6], $0xF7A  }
0x23: {  	s9 =	sor.u32 $0xD0000000, s2;
	s6 =	simm.s32 $0x108;
	_ =	swait.ge @!p0 [sflag:s8], $0x0  }
0x24: {  	s3 =	sadd.s32 $0x88, s3;
	s6 =	simm.s32 @!p1 $0x1082;
	[sflag:s4] =	ssyncset.s32 $0xFFFFF086  }
0x25: {  	[simem:s6], [sflag:s4] =	dma.local [hbm:s3], $0xF7A  }
0x26: {  	[smem:$0x3F9D] =	sst s1;
	(tag) =	ssettag s2;
	_ =	strace s9  }
0x27: {  	s1 =	sld [smem:$0x3FAD]  }
0x28: {  	s2 =	sld [smem:$0x3FAE]  }
0x29: {  	s4 =	sld [smem:$0x3FB0]  }
0x2a: {  	p0 =	seq.s32 s5, $0x0;
	s5 =	sld [smem:$0x3FB1]  }
0x2b: {  	s6 =	sld [smem:$0x3FB2]  }
0x2c: {  	s7 =	sld [smem:$0x3FB3]  }
0x2d: {  	s3 =	simm.s32 $0x108;
	s8 =	sld [smem:$0x3FB4]  }
0x2e: {  	s3 =	simm.s32 @!p0 $0x1082;
	s9 =	sld [smem:$0x3FB5]  }
0x2f: {  	lr =	sadd.s32 s0, s3;
	s0 =	sld [smem:$0x3FAC]  }
0x30: {  	s3 =	sld [smem:$0x3FAF]  }
0x31: {  	[smem:$0x3FB8] =	sst s10  }
0x32: {  	s10 =	sld [smem:$0x3FB6];
	_ =	sdelay $0x3  }
0x33: {  	p0 =	seq.s32 s10, $0x1;
	s10 =	sld [smem:$0x3FB8];
	_ =	sdelay $0x3  }
0x34: {  	[smem:$0x3FB8] =	sst s10  }
0x35: {  	s10 =	sld [smem:$0x3FB7];
	_ =	sdelay $0x3  }
0x36: {  	p1 =	seq.s32 s10, $0x1;
	s10 =	sld [smem:$0x3FB8];
	_ =	sdelay $0x3  }
0x37: {  	[smem:$0x3FB8] =	sst s10  }
0x38: {  	s10 =	sld [smem:$0x3FB9]  }
0x39: {  	_ = 	snop;
	(pc) =	sbr.ind lr, $3  }
0x3a: {  	_ = 	snop  }
0x3b: {  	_ = 	snop  }
0x3c: {  	p2 =	seq.s32 s10, $0x1;
	s10 =	sld [smem:$0x3FB8]  }
0x3d: {  	_ =	shalt  }
0x3e: {  	_ =	shalt  }
0x3f: {  	_ =	shalt  }
0x40: {  	_ =	shalt  }
0x41: {  	_ =	shalt  }
0x42: {  	_ =	shalt  }
0x43: {  	_ =	shalt  }
0x44: {  	_ =	shalt  }
0x45: {  	_ =	shalt  }
0x46: {  	_ =	shalt  }
0x47: {  	_ =	shalt  }
0x48: {  	_ =	shalt  }
0x49: {  	_ =	shalt  }
0x4a: {  	_ =	shalt  }
0x4b: {  	_ =	shalt  }
0x4c: {  	_ =	shalt  }
0x4d: {  	_ =	shalt  }
0x4e: {  	_ =	shalt  }
0x4f: {  	_ =	shalt  }
0x50: {  	_ =	shalt  }
0x51: {  	_ =	shalt  }
0x52: {  	_ =	shalt  }
0x53: {  	_ =	shalt  }
0x54: {  	_ =	shalt  }
0x55: {  	_ =	shalt  }
0x56: {  	_ =	shalt  }
0x57: {  	_ =	shalt  }
0x58: {  	_ =	shalt  }
0x59: {  	_ =	shalt  }
0x5a: {  	_ =	shalt  }
0x5b: {  	_ =	shalt  }
0x5c: {  	_ =	shalt  }
0x5d: {  	_ =	shalt  }
0x5e: {  	_ =	shalt  }
0x5f: {  	_ =	shalt  }
0x60: {  	_ =	shalt  }
0x61: {  	_ =	shalt  }
0x62: {  	_ =	shalt  }
0x63: {  	_ =	shalt  }
0x64: {  	_ =	shalt  }
0x65: {  	_ =	shalt  }
0x66: {  	_ =	shalt  }
0x67: {  	_ =	shalt  }
0x68: {  	_ =	shalt  }
0x69: {  	_ =	shalt  }
0x6a: {  	_ =	shalt  }
0x6b: {  	_ =	shalt  }
0x6c: {  	_ =	shalt  }
0x6d: {  	_ =	shalt  }
0x6e: {  	_ =	shalt  }
0x6f: {  	_ =	shalt  }
0x70: {  	_ =	shalt  }
0x71: {  	_ =	shalt  }
0x72: {  	_ =	shalt  }
0x73: {  	_ =	shalt  }
0x74: {  	_ =	shalt  }
0x75: {  	_ =	shalt  }
0x76: {  	_ =	shalt  }
0x77: {  	_ =	shalt  }
0x78: {  	_ =	shalt  }
0x79: {  	_ =	shalt  }
0x7a: {  	_ =	shalt  }
0x7b: {  	_ =	shalt  }
0x7c: {  	_ =	shalt  }
0x7d: {  	_ =	shalt  }
0x7e: {  	_ =	shalt  }
0x7f: {  	_ =	shalt  }
0x80: {  	_ =	shalt  }
0x81: {  	_ =	shalt  }
0x82: {  	_ =	shalt  }
0x83: {  	_ =	shalt  }
0x84: {  	_ =	shalt  }
0x85: {  	_ =	shalt  }
0x86: {  	_ =	shalt  }
0x87: {  	_ =	shalt  }
.Lfunc_end0:
.L_simem_size_0:
called_computation_lowered:
.L_overlay_start_0:
0x88: {  	s2 =	sld [smem:$0x3FD9]  }
0x89: {  	s3 =	sld [smem:$0x3FFE];
	_ =	sdelay $0x1  }
0x8a: {  	s1 =	srdreg.scid  }
0x8b: {  	s0 =	sand.u32 $0x1, s1  }
0x8c: {  	s15 =	sshll.u32 s0, $0xA;
	s2 =	sadd.s32 s3, s2  }
0x8d: {  	s2 =	sadd.s32 s2, s15  }
0x8e: {  	[smem:$0x3FC4] =	sst s2  }
0x8f: {  	_ = 	snop  }
0x90: {  	s2 =	sld [smem:$0x3FD0]  }
0x91: {  	s16 =	sld [smem:$0x3FC8]  }
0x92: {  	s4 =	sld [smem:$0x3FC7]  }
0x93: {  	s6 =	simm.s32 $0xA;
	s7 =	simm.s32 $0x10;
	s5 =	sld [smem:$0x3FC6]  }
0x94: {  	[smem:s7], [sflag:s6] =	dma.local [hbm:s2], $0x1  }
0x95: {  	_ =	swait.eq [sflag:s6], $0x1  }
0x96: {  	[sflag:s6] =	ssyncset.done $0x0  }
0x97: {  	[sflag:s6] =	ssyncadd.s32 $0xFFFFFFFF  }
0x98: {  	s17 =	sld [smem:$0x11];
	(tm) =	ssettm $0x1  }
0x99: {  	s18 =	sld [smem:$0x3FFB];
	_ =	sdelay $0x3  }
0x9a: {  	_ =	strace s18  }
0x9b: {  	s6 =	sld [smem:$0x3FFC];
	_ =	sdelay $0x3  }
0x9c: {  	_ =	strace s6  }
0x9d: {  	s6 =	sld [smem:$0x3FFD];
	_ =	sdelay $0x3  }
0x9e: {  	_ =	strace s6  }
0x9f: {  	_ =	strace $0x8FFFFFFF  }
0xa0: {  	s19 =	sld [smem:$0x3FDB];
	_ =	sdelay $0x1  }
0xa1: {  	s20 =	simm.s32 $_scs_section_size  }
0xa2: {  	s8 =	simm.s32 $_size__tile_overlayer_lowered;
	s9 =	simm.s32 $_tile_overlayer_lowered  }
0xa3: {  	s23 =	simm.s32 $0x1BFF;
	s22 =	sshll.u32 s9, $0x1;
	s6 =	sadd.s32 s20, s19  }
0xa4: {  	s10 =	simm.s32 $0x0;
	s21 =	sshll.u32 s8, $0x1;
	s8 =	sadd.s32 s22, s6  }
0xa5: {  	[timem:s10], [sflag:s23] =	dma.local [hbm:s8], s21  }
0xa6: {  	_ =	swait.ge [sflag:s23], s21  }
0xa7: {  	s7 =	ssub.s32 $0x0, s21;
	[sflag:s23] =	ssyncset.done $0x0  }
0xa8: {  	[sflag:s23] =	ssyncadd.s32 s7;
	_ =	sdelay $0x1  }
0xa9: {  	s24 =	simm.s32 $0x1B8B  }
0xaa: {  	_ =	swait.ge [sflag:s24], $0x1  }
0xab: {  	[sflag:s24] =	ssyncset.done $0x0  }
0xac: {  	s25 =	simm.s32 $0x1B8E;
	[sflag:s24] =	ssyncadd.s32 $0xFFFFFFFF  }
0xad: {  	s26 =	simm.s32 $execute0_lowered;
	[smem:$0x3FD2] =	sst s25  }
0xae: {  	s7 =	sshll.u32 s26, $0x1;
	_ =	strace $0x80000046;
	[dreg:$0x1] =	wrdreg $0xFFFFFFFF  }
0xaf: {  	s28 =	simm.s32 $_size_execute0_lowered;
	s6 =	sadd.s32 s6, s7;
	[dreg:$0x0] =	wrdreg $0x0  }
0xb0: {  	s7 =	sshll.u32 s28, $0x1;
	[dreg:$0x2] =	wrdreg s6  }
0xb1: {  	[dreg:$0x3] =	wrdreg s7  }
0xb2: {  	[dreg:$0x4] =	wrdreg $0xC0  }
0xb3: {  	_ =	task [dreg:s10], $0x5FFFF  }
0xb4: {  	[dreg:$0x1] =	wrdreg $0xFFFFFFFF  }
0xb5: {  	[dreg:$0x0] =	wrdreg $0x60  }
0xb6: {  	[dreg:$0x2] =	wrdreg s4  }
0xb7: {  	[dreg:$0x3] =	wrdreg s5  }
0xb8: {  	[dreg:$0x4] =	wrdreg s16  }
0xb9: {  	[dreg:$0x5] =	wrdreg s17  }
0xba: {  	[dreg:$0x6] =	wrdreg $0x9  }
0xbb: {  	_ =	task.clear_ibuf [dreg:s10], $0x7FFFF;
	_ =	strace $0x90000046  }
0xbc: {  	s29 =	simm.s32 $0x9;
	_ =	strace $0x80000048  }
0xbd: {  	_ =	swait.ge [sflag:s29], $0x1  }
0xbe: {  	[sflag:s29] =	ssyncadd.s32 $0xFFFFFFFF  }
0xbf: {  	_ =	strace $0x90000048  }
0xc0: {  	_ =	sfence  }
0xc1: {  	s30 =	sld [smem:$0x0];
	_ =	sdelay $0x2  }
0xc2: {  	s31 =	sshll.u32 s1, $0xD;
	s1 =	sshrl.u32 s1, $0x2  }
0xc3: {  	s3 =	sand.u32 $0x4000, s31;
	s1 =	sadd.s32 s1, s30  }
0xc4: {  	s0 =	sor.u32 s3, s0;
	s1 =	sshll.u32 s1, $0x11  }
0xc5: {  	s0 =	sor.u32 s1, s0  }
0xc6: {  	s0 =	sadd.s32 $0x8F2B, s0  }
0xc7: {  	[sflag:s0] =	ssyncadd.remote.s32 $0x1  }
0xc8: {  	_ =	sfence.sel $0xFFFF  }
0xc9: {  	[dreg:$0x0] =	wrdreg $0xFFFFFFFF;
	(pc) =	sbr.abs _section_cstart, $3  }
0xca: {  	[dreg:$0x1] =	wrdreg $0xFFFFFFFF  }
0xcb: {  	_ =	task.clear_ibuf [dreg:s10], $0x2FFFF;
	_ =	strace $0x9FFFFFFF  }
0xcc: {  	(tm) =	ssettm $0x7FFFFFFF  }
0xcd: {  	_ =	shalt  }
tec
execute0_lowered:
.L_overlay_start_1:
0x0: {  	(tag) =	ssettag $0x1  }
0x1: {  	s0 =	rddreg [dreg:$0x0]  }
0x2: {  	s1 =	rddreg [dreg:$0x1]  }
0x3: {  	s4 =	rddreg [dreg:$0x2]  }
0x4: {  	s5 =	rddreg [dreg:$0x3];
	s29 =	simm.s32 $0x0;
	s2 =	stileid.u32  }
0x5: {  	s3 =	srdreg.scid;
	[smem:$0x7FF] =	sst s29;
	s7 =	sshrl.u32 s2, $0x3  }
0x6: {  	s6 =	sshll.u32 s2, $0x1;
	s3 =	sand.u32 $0x1, s3;
	s9 =	smul.u32 $0x60000, s7  }
0x7: {  	s6 =	sand.u32 $0xE, s6;
	s8 =	ssub.s32 $0x2, s3;
	s13 =	smul.u32 $0x6000, s7  }
0x8: {  	_ =	strace $0x80000047;
	s7 =	smul.u32 $0xA0000, s7;
	s6 =	sor.u32 s3, s6  }
0x9: {  	s10 =	sshrl.u32 s8, $0x1;
	s9 =	sshrl.u32 s9, $0x3;
	s20 =	smul.u32 $0x600, s6  }
0xa: {  	s8 =	ssub.s32 s8, s10;
	s14 =	smul.u32 $0x3000, s6;
	s11 =	sadd.s32 s0, s9  }
0xb: {  	s1 =	sadd.s32 s1, s13;
	s12 =	sadd.s32 $0x6000, s9;
	s21 =	sadd.s32 s20, s11  }
0xc: {  	s9 =	sadd.s32 s4, s9;
	s23 =	sadd.s32 s20, s1;
	[dreg:$0x5] =	wrdreg s21  }
0xd: {  	s0 =	sadd.s32 s0, s12;
	s24 =	sadd.s32 s20, s9;
	[dreg:$0x7] =	wrdreg s23  }
0xe: {  	s4 =	sadd.s32 s4, s12;
	s22 =	sadd.s32 s20, s0;
	[dreg:$0x8] =	wrdreg s24  }
0xf: {  	s25 =	sshrl.u32 s14, $0x3;
	s26 =	sadd.s32 s20, s4;
	[dreg:$0x6] =	wrdreg s22  }
0x10: {  	s30 =	sadd.s32 $0x200, s25;
	s20 =	smax.u32 s8, $0x1;
	[dreg:$0x9] =	wrdreg s26  }
0x11: {  	s3 =	smul.u32 $0x18, s6;
	s31 =	sadd.s32 s30, s11;
	[dreg:$0x1a] =	wrdreg s20  }
0x12: {  	s6 =	smul.u32 $0xA000, s6;
	s0 =	sadd.s32 s30, s0;
	[dreg:$0xa] =	wrdreg s31  }
0x13: {  	s1 =	sadd.s32 s30, s1;
	[dreg:$0xb] =	wrdreg s0  }
0x14: {  	s6 =	sadd.s32 s7, s6;
	s7 =	sadd.s32 s30, s9;
	[dreg:$0xc] =	wrdreg s1  }
0x15: {  	s6 =	sshrl.u32 s6, $0x3;
	s9 =	sadd.s32 s30, s4;
	[dreg:$0xd] =	wrdreg s7  }
0x16: {  	s0 =	sadd.s32 s5, s6;
	[dreg:$0xf] =	wrdreg s9  }
0x17: {  	s10 =	sadd.s32 $0x100, s0;
	[dreg:$0xe] =	wrdreg s0  }
0x18: {  	s11 =	sadd.s32 $0x200, s0;
	[dreg:$0x10] =	wrdreg s10  }
0x19: {  	s12 =	sadd.s32 $0x300, s0;
	[dreg:$0x11] =	wrdreg s11  }
0x1a: {  	s13 =	sadd.s32 $0x400, s0;
	[dreg:$0x12] =	wrdreg s12  }
0x1b: {  	s14 =	sadd.s32 $0x500, s0;
	[dreg:$0x13] =	wrdreg s13  }
0x1c: {  	s15 =	sadd.s32 $0x600, s0;
	[dreg:$0x14] =	wrdreg s14  }
0x1d: {  	s16 =	sadd.s32 $0x700, s0;
	[dreg:$0x15] =	wrdreg s15  }
0x1e: {  	s17 =	sadd.s32 $0x800, s0;
	[dreg:$0x16] =	wrdreg s16  }
0x1f: {  	s18 =	sadd.s32 $0x900, s0;
	[dreg:$0x17] =	wrdreg s17  }
0x20: {  	s19 =	sadd.s32 $0xA00, s0;
	[dreg:$0x18] =	wrdreg s18  }
0x21: {  	s21 =	sadd.s32 $0xB00, s0;
	[dreg:$0x19] =	wrdreg s19  }
0x22: {  	s22 =	sadd.s32 $0xC00, s0;
	[dreg:$0x1b] =	wrdreg s21  }
0x23: {  	s23 =	sadd.s32 $0xD00, s0;
	[dreg:$0x1c] =	wrdreg s22  }
0x24: {  	s24 =	sadd.s32 $0xE00, s0;
	[dreg:$0x1d] =	wrdreg s23  }
0x25: {  	s25 =	sadd.s32 $0xF00, s0;
	[dreg:$0x1e] =	wrdreg s24  }
0x26: {  	s28 =	simm.s32 $0x18800;
	s26 =	sadd.s32 $0x1000, s0;
	[dreg:$0x1f] =	wrdreg s25  }
0x27: {  	s2 =	simm.s32 $0x0;
	s30 =	sadd.s32 $0x1100, s0;
	[smem:$0x7FA] =	sst s26  }
0x28: {  	s8 =	simm.s32 $0xF800;
	s31 =	sadd.s32 $0x1200, s0;
	[smem:$0x7FB] =	sst s30  }
0x29: {  	s20 =	simm.s32 $0x12800;
	s0 =	sadd.s32 $0x1300, s0;
	[smem:$0x7FC] =	sst s31  }
0x2a: {  	s7 =	simm.s32 $0xF000;
	s9 =	simm.s32 $0x10000;
	[smem:$0x7FD] =	sst s0  }
0x2b: {  	s10 =	simm.s32 $0x10800;
	s11 =	simm.s32 $0x11000;
	s12 =	simm.s32 $0x14000  }
0x2c: {  	s14 =	simm.s32 $0x14800;
	s15 =	simm.s32 $0x15000;
	s16 =	simm.s32 $0x15800  }
0x2d: {  	s17 =	simm.s32 $0x16000;
	s18 =	simm.s32 $0x11800;
	s19 =	simm.s32 $0x12000  }
0x2e: {  	s21 =	simm.s32 $0x13000;
	s22 =	simm.s32 $0x13800;
	s23 =	simm.s32 $0x16800  }
0x2f: {  	v0 =	vimm.f32 $0.0e+00;
	v1 =	vimm.f32 $1.000000000e+00;
	v2 =	vlaneseq.u32;
	s24 =	simm.s32 $0x17000;
	s25 =	simm.s32 $0x17800;
	s26 =	simm.s32 $0x18000  }
.LBB2_1:
0x30: {  	[smem:$0x7F9] =	sst s2  }
0x31: {  	s0 =	rddreg [dreg:$0x5]  }
0x32: {  	[tilespmem:s29], [sflag:$0x1] =	stream.linear.gather [hbm4b:s0+s29], $0x1000, $0x38;
	[tilespmem:$0x19000] =	vst v63  }
0x33: {  	s2 =	rddreg [dreg:$0x6];
	s1 =	simm.s32 $0x3000  }
0x34: {  	[tilespmem:s1], [sflag:$0x1] =	stream.linear.gather [hbm4b:s2+s29], $0x1000, $0x38;
	[tilespmem:$0x19000] =	vst v63  }
0x35: {  	s4 =	rddreg [dreg:$0x7];
	s5 =	simm.s32 $0x6000  }
0x36: {  	[tilespmem:s5], [sflag:$0x1] =	stream.linear.gather [hbm4b:s4+s29], $0x1000, $0x38;
	[tilespmem:$0x19000] =	vst v63  }
0x37: {  	s6 =	rddreg [dreg:$0x8];
	s13 =	simm.s32 $0x9000  }
0x38: {  	[tilespmem:s13], [sflag:$0x1] =	stream.linear.gather [hbm4b:s6+s29], $0x1000, $0x38;
	[tilespmem:$0x19000] =	vst v63  }
0x39: {  	s30 =	rddreg [dreg:$0x9];
	s31 =	simm.s32 $0xC000  }
0x3a: {  	[tilespmem:s31], [sflag:$0x1] =	stream.linear.gather [hbm4b:s30+s29], $0x1000, $0x38;
	[tilespmem:$0x19000] =	vst v63  }
0x3b: {  	s1 =	rddreg [dreg:$0xa];
	s2 =	simm.s32 $0x1000  }
0x3c: {  	[tilespmem:s2], [sflag:$0x2] =	stream.linear.gather [hbm4b:s1+s29], $0x2000, $0x38;
	[tilespmem:$0x19000] =	vst v63  }
0x3d: {  	s4 =	rddreg [dreg:$0xb];
	s5 =	simm.s32 $0x4000  }
0x3e: {  	[tilespmem:s5], [sflag:$0x2] =	stream.linear.gather [hbm4b:s4+s29], $0x2000, $0x38;
	[tilespmem:$0x19000] =	vst v63  }
0x3f: {  	s6 =	rddreg [dreg:$0xc];
	s13 =	simm.s32 $0x7000  }
0x40: {  	[tilespmem:s13], [sflag:$0x2] =	stream.linear.gather [hbm4b:s6+s29], $0x2000, $0x38;
	[tilespmem:$0x19000] =	vst v63  }
0x41: {  	s30 =	rddreg [dreg:$0xd];
	s31 =	simm.s32 $0xA000  }
0x42: {  	[tilespmem:s31], [sflag:$0x2] =	stream.linear.gather [hbm4b:s30+s29], $0x2000, $0x38;
	[tilespmem:$0x19000] =	vst v63  }
0x43: {  	s1 =	rddreg [dreg:$0xf];
	s2 =	simm.s32 $0xD000  }
0x44: {  	[tilespmem:s2], [sflag:$0x2] =	stream.linear.gather [hbm4b:s1+s29], $0x2000, $0x38;
	[tilespmem:$0x19000] =	vst v63  }
0x45: {  	[tilespmem:$0xF000] =	vst v0  }
0x46: {  	[tilespmem:$0xF080] =	vst v0  }
0x47: {  	[tilespmem:$0xF100] =	vst v0  }
0x48: {  	[tilespmem:$0xF180] =	vst v0  }
0x49: {  	[tilespmem:$0xF200] =	vst v0  }
0x4a: {  	[tilespmem:$0xF280] =	vst v0  }
0x4b: {  	[tilespmem:$0xF300] =	vst v0  }
0x4c: {  	[tilespmem:$0xF380] =	vst v0  }
0x4d: {  	[tilespmem:$0xF400] =	vst v0  }
0x4e: {  	[tilespmem:$0xF480] =	vst v0  }
0x4f: {  	[tilespmem:$0xF500] =	vst v0  }
0x50: {  	[tilespmem:$0xF580] =	vst v0  }
0x51: {  	[tilespmem:$0xF600] =	vst v0  }
0x52: {  	[tilespmem:$0xF680] =	vst v0  }
0x53: {  	[tilespmem:$0xF700] =	vst v0  }
0x54: {  	[tilespmem:$0xF780] =	vst v0  }
0x55: {  	[tilespmem:$0xF800] =	vst v0  }
0x56: {  	[tilespmem:$0xF880] =	vst v0  }
0x57: {  	[tilespmem:$0xF900] =	vst v0  }
0x58: {  	[tilespmem:$0xF980] =	vst v0  }
0x59: {  	[tilespmem:$0xFA00] =	vst v0  }
0x5a: {  	[tilespmem:$0xFA80] =	vst v0  }
0x5b: {  	[tilespmem:$0xFB00] =	vst v0  }
0x5c: {  	[tilespmem:$0xFB80] =	vst v0  }
0x5d: {  	[tilespmem:$0xFC00] =	vst v0  }
0x5e: {  	[tilespmem:$0xFC80] =	vst v0  }
0x5f: {  	[tilespmem:$0xFD00] =	vst v0  }
0x60: {  	[tilespmem:$0xFD80] =	vst v0  }
0x61: {  	[tilespmem:$0xFE00] =	vst v0  }
0x62: {  	[tilespmem:$0xFE80] =	vst v0  }
0x63: {  	[tilespmem:$0xFF00] =	vst v0  }
0x64: {  	[tilespmem:$0xFF80] =	vst v0  }
0x65: {  	[tilespmem:$0x10000] =	vst v0  }
0x66: {  	[tilespmem:$0x10080] =	vst v0  }
0x67: {  	[tilespmem:$0x10100] =	vst v0  }
0x68: {  	[tilespmem:$0x10180] =	vst v0  }
0x69: {  	[tilespmem:$0x10200] =	vst v0  }
0x6a: {  	[tilespmem:$0x10280] =	vst v0  }
0x6b: {  	[tilespmem:$0x10300] =	vst v0  }
0x6c: {  	[tilespmem:$0x10380] =	vst v0  }
0x6d: {  	[tilespmem:$0x10400] =	vst v0  }
0x6e: {  	[tilespmem:$0x10480] =	vst v0  }
0x6f: {  	[tilespmem:$0x10500] =	vst v0  }
0x70: {  	[tilespmem:$0x10580] =	vst v0  }
0x71: {  	[tilespmem:$0x10600] =	vst v0  }
0x72: {  	[tilespmem:$0x10680] =	vst v0  }
0x73: {  	[tilespmem:$0x10700] =	vst v0  }
0x74: {  	[tilespmem:$0x10780] =	vst v0  }
0x75: {  	[tilespmem:$0x10800] =	vst v0  }
0x76: {  	[tilespmem:$0x10880] =	vst v0  }
0x77: {  	[tilespmem:$0x10900] =	vst v0  }
0x78: {  	[tilespmem:$0x10980] =	vst v0  }
0x79: {  	[tilespmem:$0x10A00] =	vst v0  }
0x7a: {  	[tilespmem:$0x10A80] =	vst v0  }
0x7b: {  	[tilespmem:$0x10B00] =	vst v0  }
0x7c: {  	[tilespmem:$0x10B80] =	vst v0  }
0x7d: {  	[tilespmem:$0x10C00] =	vst v0  }
0x7e: {  	[tilespmem:$0x10C80] =	vst v0  }
0x7f: {  	[tilespmem:$0x10D00] =	vst v0  }
0x80: {  	[tilespmem:$0x10D80] =	vst v0  }
0x81: {  	[tilespmem:$0x10E00] =	vst v0  }
0x82: {  	[tilespmem:$0x10E80] =	vst v0  }
0x83: {  	[tilespmem:$0x10F00] =	vst v0  }
0x84: {  	[tilespmem:$0x10F80] =	vst v0  }
0x85: {  	[tilespmem:$0x11000] =	vst v0  }
0x86: {  	[tilespmem:$0x11080] =	vst v0  }
0x87: {  	[tilespmem:$0x11100] =	vst v0  }
0x88: {  	[tilespmem:$0x11180] =	vst v0  }
0x89: {  	[tilespmem:$0x11200] =	vst v0  }
0x8a: {  	[tilespmem:$0x11280] =	vst v0  }
0x8b: {  	[tilespmem:$0x11300] =	vst v0  }
0x8c: {  	[tilespmem:$0x11380] =	vst v0  }
0x8d: {  	[tilespmem:$0x11400] =	vst v0  }
0x8e: {  	[tilespmem:$0x11480] =	vst v0  }
0x8f: {  	[tilespmem:$0x11500] =	vst v0  }
0x90: {  	[tilespmem:$0x11580] =	vst v0  }
0x91: {  	[tilespmem:$0x11600] =	vst v0  }
0x92: {  	[tilespmem:$0x11680] =	vst v0  }
0x93: {  	[tilespmem:$0x11700] =	vst v0  }
0x94: {  	[tilespmem:$0x11780] =	vst v0  }
0x95: {  	[tilespmem:$0x11800] =	vst v0  }
0x96: {  	[tilespmem:$0x11880] =	vst v0  }
0x97: {  	[tilespmem:$0x11900] =	vst v0  }
0x98: {  	[tilespmem:$0x11980] =	vst v0  }
0x99: {  	[tilespmem:$0x11A00] =	vst v0  }
0x9a: {  	[tilespmem:$0x11A80] =	vst v0  }
0x9b: {  	[tilespmem:$0x11B00] =	vst v0  }
0x9c: {  	[tilespmem:$0x11B80] =	vst v0  }
0x9d: {  	[tilespmem:$0x11C00] =	vst v0  }
0x9e: {  	[tilespmem:$0x11C80] =	vst v0  }
0x9f: {  	[tilespmem:$0x11D00] =	vst v0  }
0xa0: {  	[tilespmem:$0x11D80] =	vst v0  }
0xa1: {  	[tilespmem:$0x11E00] =	vst v0  }
0xa2: {  	[tilespmem:$0x11E80] =	vst v0  }
0xa3: {  	[tilespmem:$0x11F00] =	vst v0  }
0xa4: {  	[tilespmem:$0x11F80] =	vst v0  }
0xa5: {  	[tilespmem:$0x12000] =	vst v0  }
0xa6: {  	[tilespmem:$0x12080] =	vst v0  }
0xa7: {  	[tilespmem:$0x12100] =	vst v0  }
0xa8: {  	[tilespmem:$0x12180] =	vst v0  }
0xa9: {  	[tilespmem:$0x12200] =	vst v0  }
0xaa: {  	[tilespmem:$0x12280] =	vst v0  }
0xab: {  	[tilespmem:$0x12300] =	vst v0  }
0xac: {  	[tilespmem:$0x12380] =	vst v0  }
0xad: {  	[tilespmem:$0x12400] =	vst v0  }
0xae: {  	[tilespmem:$0x12480] =	vst v0  }
0xaf: {  	[tilespmem:$0x12500] =	vst v0  }
0xb0: {  	[tilespmem:$0x12580] =	vst v0  }
0xb1: {  	[tilespmem:$0x12600] =	vst v0  }
0xb2: {  	[tilespmem:$0x12680] =	vst v0  }
0xb3: {  	[tilespmem:$0x12700] =	vst v0  }
0xb4: {  	[tilespmem:$0x12780] =	vst v0  }
0xb5: {  	[tilespmem:$0x12800] =	vst v0  }
0xb6: {  	[tilespmem:$0x12880] =	vst v0  }
0xb7: {  	[tilespmem:$0x12900] =	vst v0  }
0xb8: {  	[tilespmem:$0x12980] =	vst v0  }
0xb9: {  	[tilespmem:$0x12A00] =	vst v0  }
0xba: {  	[tilespmem:$0x12A80] =	vst v0  }
0xbb: {  	[tilespmem:$0x12B00] =	vst v0  }
0xbc: {  	[tilespmem:$0x12B80] =	vst v0  }
0xbd: {  	[tilespmem:$0x12C00] =	vst v0  }
0xbe: {  	[tilespmem:$0x12C80] =	vst v0  }
0xbf: {  	[tilespmem:$0x12D00] =	vst v0  }
0xc0: {  	[tilespmem:$0x12D80] =	vst v0  }
0xc1: {  	[tilespmem:$0x12E00] =	vst v0  }
0xc2: {  	[tilespmem:$0x12E80] =	vst v0  }
0xc3: {  	[tilespmem:$0x12F00] =	vst v0  }
0xc4: {  	[tilespmem:$0x12F80] =	vst v0  }
0xc5: {  	[tilespmem:$0x13000] =	vst v0  }
0xc6: {  	[tilespmem:$0x13080] =	vst v0  }
0xc7: {  	[tilespmem:$0x13100] =	vst v0  }
0xc8: {  	[tilespmem:$0x13180] =	vst v0  }
0xc9: {  	[tilespmem:$0x13200] =	vst v0  }
0xca: {  	[tilespmem:$0x13280] =	vst v0  }
0xcb: {  	[tilespmem:$0x13300] =	vst v0  }
0xcc: {  	[tilespmem:$0x13380] =	vst v0  }
0xcd: {  	[tilespmem:$0x13400] =	vst v0  }
0xce: {  	[tilespmem:$0x13480] =	vst v0  }
0xcf: {  	[tilespmem:$0x13500] =	vst v0  }
0xd0: {  	[tilespmem:$0x13580] =	vst v0  }
0xd1: {  	[tilespmem:$0x13600] =	vst v0  }
0xd2: {  	[tilespmem:$0x13680] =	vst v0  }
0xd3: {  	[tilespmem:$0x13700] =	vst v0  }
0xd4: {  	[tilespmem:$0x13780] =	vst v0  }
0xd5: {  	[tilespmem:$0x13800] =	vst v0  }
0xd6: {  	[tilespmem:$0x13880] =	vst v0  }
0xd7: {  	[tilespmem:$0x13900] =	vst v0  }
0xd8: {  	[tilespmem:$0x13980] =	vst v0  }
0xd9: {  	[tilespmem:$0x13A00] =	vst v0  }
0xda: {  	[tilespmem:$0x13A80] =	vst v0  }
0xdb: {  	[tilespmem:$0x13B00] =	vst v0  }
0xdc: {  	[tilespmem:$0x13B80] =	vst v0  }
0xdd: {  	[tilespmem:$0x13C00] =	vst v0  }
0xde: {  	[tilespmem:$0x13C80] =	vst v0  }
0xdf: {  	[tilespmem:$0x13D00] =	vst v0  }
0xe0: {  	[tilespmem:$0x13D80] =	vst v0  }
0xe1: {  	[tilespmem:$0x13E00] =	vst v0  }
0xe2: {  	[tilespmem:$0x13E80] =	vst v0  }
0xe3: {  	[tilespmem:$0x13F00] =	vst v0  }
0xe4: {  	[tilespmem:$0x13F80] =	vst v0  }
0xe5: {  	[tilespmem:$0x14000] =	vst v0  }
0xe6: {  	[tilespmem:$0x14080] =	vst v0  }
0xe7: {  	[tilespmem:$0x14100] =	vst v0  }
0xe8: {  	[tilespmem:$0x14180] =	vst v0  }
0xe9: {  	[tilespmem:$0x14200] =	vst v0  }
0xea: {  	[tilespmem:$0x14280] =	vst v0  }
0xeb: {  	[tilespmem:$0x14300] =	vst v0  }
0xec: {  	[tilespmem:$0x14380] =	vst v0  }
0xed: {  	[tilespmem:$0x14400] =	vst v0  }
0xee: {  	[tilespmem:$0x14480] =	vst v0  }
0xef: {  	[tilespmem:$0x14500] =	vst v0  }
0xf0: {  	[tilespmem:$0x14580] =	vst v0  }
0xf1: {  	[tilespmem:$0x14600] =	vst v0  }
0xf2: {  	[tilespmem:$0x14680] =	vst v0  }
0xf3: {  	[tilespmem:$0x14700] =	vst v0  }
0xf4: {  	[tilespmem:$0x14780] =	vst v0  }
0xf5: {  	[tilespmem:$0x14800] =	vst v0  }
0xf6: {  	[tilespmem:$0x14880] =	vst v0  }
0xf7: {  	[tilespmem:$0x14900] =	vst v0  }
0xf8: {  	[tilespmem:$0x14980] =	vst v0  }
0xf9: {  	[tilespmem:$0x14A00] =	vst v0  }
0xfa: {  	[tilespmem:$0x14A80] =	vst v0  }
0xfb: {  	[tilespmem:$0x14B00] =	vst v0  }
0xfc: {  	[tilespmem:$0x14B80] =	vst v0  }
0xfd: {  	[tilespmem:$0x14C00] =	vst v0  }
0xfe: {  	[tilespmem:$0x14C80] =	vst v0  }
0xff: {  	[tilespmem:$0x14D00] =	vst v0  }
0x100: {  	[tilespmem:$0x14D80] =	vst v0  }
0x101: {  	[tilespmem:$0x14E00] =	vst v0  }
0x102: {  	[tilespmem:$0x14E80] =	vst v0  }
0x103: {  	[tilespmem:$0x14F00] =	vst v0  }
0x104: {  	[tilespmem:$0x14F80] =	vst v0  }
0x105: {  	[tilespmem:$0x15000] =	vst v0  }
0x106: {  	[tilespmem:$0x15080] =	vst v0  }
0x107: {  	[tilespmem:$0x15100] =	vst v0  }
0x108: {  	[tilespmem:$0x15180] =	vst v0  }
0x109: {  	[tilespmem:$0x15200] =	vst v0  }
0x10a: {  	[tilespmem:$0x15280] =	vst v0  }
0x10b: {  	[tilespmem:$0x15300] =	vst v0  }
0x10c: {  	[tilespmem:$0x15380] =	vst v0  }
0x10d: {  	[tilespmem:$0x15400] =	vst v0  }
0x10e: {  	[tilespmem:$0x15480] =	vst v0  }
0x10f: {  	[tilespmem:$0x15500] =	vst v0  }
0x110: {  	[tilespmem:$0x15580] =	vst v0  }
0x111: {  	[tilespmem:$0x15600] =	vst v0  }
0x112: {  	[tilespmem:$0x15680] =	vst v0  }
0x113: {  	[tilespmem:$0x15700] =	vst v0  }
0x114: {  	[tilespmem:$0x15780] =	vst v0  }
0x115: {  	[tilespmem:$0x15800] =	vst v0  }
0x116: {  	[tilespmem:$0x15880] =	vst v0  }
0x117: {  	[tilespmem:$0x15900] =	vst v0  }
0x118: {  	[tilespmem:$0x15980] =	vst v0  }
0x119: {  	[tilespmem:$0x15A00] =	vst v0  }
0x11a: {  	[tilespmem:$0x15A80] =	vst v0  }
0x11b: {  	[tilespmem:$0x15B00] =	vst v0  }
0x11c: {  	[tilespmem:$0x15B80] =	vst v0  }
0x11d: {  	[tilespmem:$0x15C00] =	vst v0  }
0x11e: {  	[tilespmem:$0x15C80] =	vst v0  }
0x11f: {  	[tilespmem:$0x15D00] =	vst v0  }
0x120: {  	[tilespmem:$0x15D80] =	vst v0  }
0x121: {  	[tilespmem:$0x15E00] =	vst v0  }
0x122: {  	[tilespmem:$0x15E80] =	vst v0  }
0x123: {  	[tilespmem:$0x15F00] =	vst v0  }
0x124: {  	[tilespmem:$0x15F80] =	vst v0  }
0x125: {  	[tilespmem:$0x16000] =	vst v0  }
0x126: {  	[tilespmem:$0x16080] =	vst v0  }
0x127: {  	[tilespmem:$0x16100] =	vst v0  }
0x128: {  	[tilespmem:$0x16180] =	vst v0  }
0x129: {  	[tilespmem:$0x16200] =	vst v0  }
0x12a: {  	[tilespmem:$0x16280] =	vst v0  }
0x12b: {  	[tilespmem:$0x16300] =	vst v0  }
0x12c: {  	[tilespmem:$0x16380] =	vst v0  }
0x12d: {  	[tilespmem:$0x16400] =	vst v0  }
0x12e: {  	[tilespmem:$0x16480] =	vst v0  }
0x12f: {  	[tilespmem:$0x16500] =	vst v0  }
0x130: {  	[tilespmem:$0x16580] =	vst v0  }
0x131: {  	[tilespmem:$0x16600] =	vst v0  }
0x132: {  	[tilespmem:$0x16680] =	vst v0  }
0x133: {  	[tilespmem:$0x16700] =	vst v0  }
0x134: {  	[tilespmem:$0x16780] =	vst v0  }
0x135: {  	[tilespmem:$0x16800] =	vst v0  }
0x136: {  	[tilespmem:$0x16880] =	vst v0  }
0x137: {  	[tilespmem:$0x16900] =	vst v0  }
0x138: {  	[tilespmem:$0x16980] =	vst v0  }
0x139: {  	[tilespmem:$0x16A00] =	vst v0  }
0x13a: {  	[tilespmem:$0x16A80] =	vst v0  }
0x13b: {  	[tilespmem:$0x16B00] =	vst v0  }
0x13c: {  	[tilespmem:$0x16B80] =	vst v0  }
0x13d: {  	[tilespmem:$0x16C00] =	vst v0  }
0x13e: {  	[tilespmem:$0x16C80] =	vst v0  }
0x13f: {  	[tilespmem:$0x16D00] =	vst v0  }
0x140: {  	[tilespmem:$0x16D80] =	vst v0  }
0x141: {  	[tilespmem:$0x16E00] =	vst v0  }
0x142: {  	[tilespmem:$0x16E80] =	vst v0  }
0x143: {  	[tilespmem:$0x18F00] =	vst v0  }
0x144: {  	[tilespmem:$0x18F80] =	vst v0  }
0x145: {  	[tilespmem:$0x16F80] =	vst v0  }
0x146: {  	[tilespmem:$0x17000] =	vst v0  }
0x147: {  	[tilespmem:$0x17080] =	vst v0  }
0x148: {  	[tilespmem:$0x17100] =	vst v0  }
0x149: {  	[tilespmem:$0x17180] =	vst v0  }
0x14a: {  	[tilespmem:$0x17200] =	vst v0  }
0x14b: {  	[tilespmem:$0x17280] =	vst v0  }
0x14c: {  	[tilespmem:$0x17300] =	vst v0  }
0x14d: {  	[tilespmem:$0x17380] =	vst v0  }
0x14e: {  	[tilespmem:$0x17400] =	vst v0  }
0x14f: {  	[tilespmem:$0x17480] =	vst v0  }
0x150: {  	[tilespmem:$0x17500] =	vst v0  }
0x151: {  	[tilespmem:$0x17580] =	vst v0  }
0x152: {  	[tilespmem:$0x17600] =	vst v0  }
0x153: {  	[tilespmem:$0x17680] =	vst v0  }
0x154: {  	[tilespmem:$0x17700] =	vst v0  }
0x155: {  	[tilespmem:$0x17780] =	vst v0  }
0x156: {  	[tilespmem:$0x17800] =	vst v0  }
0x157: {  	[tilespmem:$0x17880] =	vst v0  }
0x158: {  	[tilespmem:$0x17900] =	vst v0  }
0x159: {  	[tilespmem:$0x17980] =	vst v0  }
0x15a: {  	[tilespmem:$0x17A00] =	vst v0  }
0x15b: {  	[tilespmem:$0x17A80] =	vst v0  }
0x15c: {  	[tilespmem:$0x17B00] =	vst v0  }
0x15d: {  	[tilespmem:$0x17B80] =	vst v0  }
0x15e: {  	[tilespmem:$0x17C00] =	vst v0  }
0x15f: {  	[tilespmem:$0x17C80] =	vst v0  }
0x160: {  	[tilespmem:$0x17D00] =	vst v0  }
0x161: {  	[tilespmem:$0x17D80] =	vst v0  }
0x162: {  	[tilespmem:$0x17E00] =	vst v0  }
0x163: {  	[tilespmem:$0x17E80] =	vst v0  }
0x164: {  	[tilespmem:$0x17F00] =	vst v0  }
0x165: {  	[tilespmem:$0x17F80] =	vst v0  }
0x166: {  	[tilespmem:$0x18000] =	vst v0  }
0x167: {  	[tilespmem:$0x18080] =	vst v0  }
0x168: {  	[tilespmem:$0x18100] =	vst v0  }
0x169: {  	[tilespmem:$0x18180] =	vst v0  }
0x16a: {  	[tilespmem:$0x18200] =	vst v0  }
0x16b: {  	[tilespmem:$0x18280] =	vst v0  }
0x16c: {  	[tilespmem:$0x18300] =	vst v0  }
0x16d: {  	[tilespmem:$0x18380] =	vst v0  }
0x16e: {  	[tilespmem:$0x18400] =	vst v0  }
0x16f: {  	[tilespmem:$0x18480] =	vst v0  }
0x170: {  	[tilespmem:$0x18500] =	vst v0  }
0x171: {  	[tilespmem:$0x18580] =	vst v0  }
0x172: {  	[tilespmem:$0x18600] =	vst v0  }
0x173: {  	[tilespmem:$0x18680] =	vst v0  }
0x174: {  	[tilespmem:$0x18700] =	vst v0  }
0x175: {  	[tilespmem:$0x18780] =	vst v0  }
0x176: {  	[tilespmem:$0x18800] =	vst v0  }
0x177: {  	[tilespmem:$0x18880] =	vst v0  }
0x178: {  	[tilespmem:$0x18900] =	vst v0  }
0x179: {  	[tilespmem:$0x18980] =	vst v0  }
0x17a: {  	[tilespmem:$0x18A00] =	vst v0  }
0x17b: {  	[tilespmem:$0x18A80] =	vst v0  }
0x17c: {  	[tilespmem:$0x18B00] =	vst v0  }
0x17d: {  	[tilespmem:$0x18B80] =	vst v0  }
0x17e: {  	[tilespmem:$0x18C00] =	vst v0  }
0x17f: {  	[tilespmem:$0x18C80] =	vst v0  }
0x180: {  	[tilespmem:$0x18D00] =	vst v0  }
0x181: {  	[tilespmem:$0x18D80] =	vst v0  }
0x182: {  	[tilespmem:$0x18E00] =	vst v0  }
0x183: {  	[tilespmem:$0x18E80] =	vst v0  }
0x184: {  	s4 =	simm.s32 $0x1;
	[tilespmem:$0x16F00] =	vst v0  }
0x185: {  	_ =	swait.ge [sflag:s4], $0x1000  }
0x186: {  	[sflag:s4] =	ssyncset.done $0x0  }
0x187: {  	[sflag:s4] =	ssyncadd.s32 $0xFFFFF000  }
0x188: {  	_ =	swait.ge [sflag:s4], $0x1000  }
0x189: {  	[sflag:s4] =	ssyncset.done $0x0  }
0x18a: {  	[sflag:s4] =	ssyncadd.s32 $0xFFFFF000  }
0x18b: {  	_ =	swait.ge [sflag:s4], $0x1000  }
0x18c: {  	[sflag:s4] =	ssyncset.done $0x0  }
0x18d: {  	[sflag:s4] =	ssyncadd.s32 $0xFFFFF000  }
0x18e: {  	_ =	swait.ge [sflag:s4], $0x1000  }
0x18f: {  	[sflag:s4] =	ssyncset.done $0x0  }
0x190: {  	[sflag:s4] =	ssyncadd.s32 $0xFFFFF000  }
0x191: {  	s1 =	sand.u32 $0x180, s29;
	_ =	swait.ge [sflag:s4], $0x1000  }
0x192: {  	s5 =	sshll.u32 s1, $0x3;
	[sflag:s4] =	ssyncset.done $0x0  }
0x193: {  	s0 =	sadd.s32 $0x0, s5;
	[sflag:s4] =	ssyncadd.s32 $0xFFFFF000  }
0x194: {  	v3 =	vld [tilespmem:s0+$0x6060];
	_ =	sdelay $0x2  }
0x195: {  	v4 =	vld [tilespmem:s0+$0x6040];
	_ =	sdelay $0x1  }
0x196: {  	v3 =	vmul.f32 $-7.812500000e-03, v3;
	_ =	sdelay $0x1  }
0x197: {  	v3 =	vmul.f32 $1.442695020e+00, v3  }
0x198: {  	v4 =	vmul.f32 $-7.812500000e-03, v4  }
0x199: {  	v5 =	vld [tilespmem:s0+$0x6000];
	(erf) = vpow2.f32 v3  }
0x19a: {  	v4 =	vmul.f32 $1.442695020e+00, v4;
	v3 =	vld [tilespmem:s0+$0x6020];
	_ =	sdelay $0x1  }
0x19b: {  	(erf) = vpow2.f32 v4;
	_ =	sdelay $0x2  }
0x19c: {  	v4 =	vmul.f32 $-7.812500000e-03, v5;
	v3 =	vmul.f32 $-7.812500000e-03, v3;
	_ =	sdelay $0x1  }
0x19d: {  	v4 =	vmul.f32 $1.442695020e+00, v4;
	v3 =	vmul.f32 $1.442695020e+00, v3  }
0x19e: {  	v11 =	vld [tilespmem:s0+$0x0];
	v5 =	vpop (erf)  }
0x19f: {  	(erf) = vpow2.f32 v3;
	v3 =	vadd.f32 $1.000000000e+00, v5  }
0x1a0: {  	(erf) = vpow2.f32 v4  }
0x1a1: {  	v15 =	vld [tilespmem:s0+$0x20];
	v4 =	vpop (erf);
	(erf) = vrcp.f32 v3  }
0x1a2: {  	v6 =	vld [tilespmem:s0+$0xC000]  }
0x1a3: {  	v11 =	vshll.u32 v11, $0x7;
	v5 =	vld [tilespmem:s0+$0x60]  }
0x1a4: {  	v7 =	vld [tilespmem:s0+$0x40];
	v11 =	vor.u32 v2, v11;
	v3 =	vadd.f32 $1.000000000e+00, v4  }
0x1a5: {  	v8 =	vld [tilespmem:s0+$0x9000]  }
0x1a6: {  	v12 =	vld [tilespmem:s0+$0x9060];
	v15 =	vshll.u32 v15, $0x7;
	(erf) = vrcp.f32 v3  }
0x1a7: {  	s5 =	sor.u32 $0x60, s1;
	v16 =	vld [tilespmem:s0+$0xC060];
	v15 =	vor.u32 v2, v15  }
0x1a8: {  	v14 =	vor.u32 s5, v2;
	s4 =	simm.s32 $0x0;
	v18 =	vld [tilespmem:s0+$0x9040];
	v5 =	vshll.u32 v5, $0x7;
	v9 =	vpop (erf)  }
0x1a9: {  	s4 =	sor.u32 s3, s4;
	v7 =	vshll.u32 v7, $0x7;
	[tilespmem:v11+s7+$0x0] =	vst.idx.add.f32.msk $0xffff, v1;
	v5 =	vor.u32 v2, v5;
	v10 =	vpop (erf);
	v9 =	vadd.f32 $1.000000000e+00, v9  }
0x1aa: {  	v14 =	vcvt.s32.f32 v14;
	s4 =	scvt.s32.f32 s4;
	v7 =	vor.u32 v2, v7;
	v4 =	vld [tilespmem:s0+$0xC020];
	v13 =	vpop (erf)  }
0x1ab: {  	v3 =	vld [tilespmem:s0+$0x9020];
	(erf) = vrcp.f32 v9;
	v13 =	vmul.f32 $6.400000000e+01, v13  }
0x1ac: {  	v14 =	vmul.f32 $1.250000000e-01, v14;
	s4 =	smul.f32 $1.666666720e-01, s4;
	[tilespmem:v15+s7+$0x0] =	vst.idx.add.f32.msk $0xffff, v1  }
0x1ad: {  	s6 =	sor.u32 $0x40, s1;
	v9 =	vld [tilespmem:s0+$0xC040];
	v13 =	vadd.f32 $-3.200000000e+01, v13  }
0x1ae: {  	v20 =	vor.u32 s6, v2;
	v12 =	vadd.f32 s4, v12;
	v14 =	vadd.f32 v16, v14;
	[tilespmem:v5+s7+$0x0] =	vst.idx.add.f32.msk $0xffff, v1  }
0x1af: {  	v16 =	vcvt.s32.f32 v20;
	v10 =	vadd.f32 $1.000000000e+00, v10;
	[tilespmem:v7+s7+$0x0] =	vst.idx.add.f32.msk $0xffff, v1;
	v17 =	vpop (erf);
	v19 =	vmul.f32 v13, v13  }
0x1b0: {  	v12 =	vmul.f32 $1.562500000e-02, v12;
	v17 =	vmul.f32 $6.400000000e+01, v17;
	[tilespmem:v5+s8+$0x0] =	vst.idx.add.f32.msk $0xffff, v13  }
0x1b1: {  	v14 =	vmul.f32 $1.562500000e-02, v14;
	(erf) = vrcp.f32 v10;
	[tilespmem:v5+s9+$0x0] =	vst.idx.add.f32.msk $0xffff, v19  }
0x1b2: {  	s13 =	sor.u32 $0x20, s1;
	v10 =	vmul.f32 $1.250000000e-01, v16;
	v17 =	vadd.f32 $-3.200000000e+01, v17;
	[tilespmem:v5+s10+$0x0] =	vst.idx.add.f32.msk $0xffff, v12  }
0x1b3: {  	v18 =	vadd.f32 s4, v18;
	[tilespmem:v5+s11+$0x0] =	vst.idx.add.f32.msk $0xffff, v14;
	v5 =	vor.u32 s13, v2  }
0x1b4: {  	v9 =	vadd.f32 v9, v10;
	[tilespmem:v7+s8+$0x0] =	vst.idx.add.f32.msk $0xffff, v17;
	v10 =	vmul.f32 v17, v17;
	v16 =	vpop (erf);
	v5 =	vcvt.s32.f32 v5  }
0x1b5: {  	v18 =	vmul.f32 $1.562500000e-02, v18;
	v16 =	vmul.f32 $6.400000000e+01, v16;
	v20 =	vld [tilespmem:s0+$0x3060]  }
0x1b6: {  	v9 =	vmul.f32 $1.562500000e-02, v9;
	[tilespmem:v7+s9+$0x0] =	vst.idx.add.f32.msk $0xffff, v10;
	v5 =	vmul.f32 $1.250000000e-01, v5  }
0x1b7: {  	[tilespmem:v7+s10+$0x0] =	vst.idx.add.f32.msk $0xffff, v18;
	v16 =	vadd.f32 $-3.200000000e+01, v16  }
0x1b8: {  	v3 =	vadd.f32 s4, v3;
	[tilespmem:v7+s11+$0x0] =	vst.idx.add.f32.msk $0xffff, v9  }
0x1b9: {  	v21 =	vmul.f32 v16, v16;
	v4 =	vadd.f32 v4, v5;
	[tilespmem:v15+s8+$0x0] =	vst.idx.add.f32.msk $0xffff, v16  }
0x1ba: {  	v3 =	vmul.f32 $1.562500000e-02, v3;
	v7 =	vshll.u32 v20, $0x7;
	v20 =	vld [tilespmem:s0+$0x3040];
	v5 =	vpop (erf)  }
0x1bb: {  	[tilespmem:v15+s9+$0x0] =	vst.idx.add.f32.msk $0xffff, v21;
	v7 =	vor.u32 v2, v7;
	v4 =	vmul.f32 $1.562500000e-02, v4;
	v5 =	vmul.f32 $6.400000000e+01, v5  }
0x1bc: {  	[tilespmem:v15+s10+$0x0] =	vst.idx.add.f32.msk $0xffff, v3  }
0x1bd: {  	[tilespmem:v15+s11+$0x0] =	vst.idx.add.f32.msk $0xffff, v4;
	v5 =	vadd.f32 $-3.200000000e+01, v5  }
0x1be: {  	v15 =	vld [tilespmem:s0+$0x3020]  }
0x1bf: {  	v22 =	vor.u32 s1, v2;
	[tilespmem:v11+s8+$0x0] =	vst.idx.add.f32.msk $0xffff, v5  }
0x1c0: {  	v22 =	vcvt.s32.f32 v22;
	[tilespmem:v7+s12+$0x0] =	vst.idx.add.f32.msk $0xffff, v1  }
0x1c1: {  	[tilespmem:v7+s14+$0x0] =	vst.idx.add.f32.msk $0xffff, v13  }
0x1c2: {  	v8 =	vadd.f32 s4, v8;
	[tilespmem:v7+s15+$0x0] =	vst.idx.add.f32.msk $0xffff, v19;
	v19 =	vmul.f32 $1.250000000e-01, v22  }
0x1c3: {  	v13 =	vmul.f32 v5, v5;
	[tilespmem:v7+s16+$0x0] =	vst.idx.add.f32.msk $0xffff, v12;
	v12 =	vshll.u32 v15, $0x7;
	v15 =	vshll.u32 v20, $0x7  }
0x1c4: {  	v8 =	vmul.f32 $1.562500000e-02, v8;
	v6 =	vadd.f32 v6, v19;
	[tilespmem:v7+s17+$0x0] =	vst.idx.add.f32.msk $0xffff, v14;
	v7 =	vor.u32 v2, v15  }
0x1c5: {  	[tilespmem:v11+s9+$0x0] =	vst.idx.add.f32.msk $0xffff, v13  }
0x1c6: {  	[tilespmem:v11+s10+$0x0] =	vst.idx.add.f32.msk $0xffff, v8;
	v6 =	vmul.f32 $1.562500000e-02, v6  }
0x1c7: {  	v14 =	vld [tilespmem:s0+$0x6070]  }
0x1c8: {  	[tilespmem:v11+s11+$0x0] =	vst.idx.add.f32.msk $0xffff, v6  }
0x1c9: {  	[tilespmem:v7+s12+$0x0] =	vst.idx.add.f32.msk $0xffff, v1  }
0x1ca: {  	[tilespmem:v7+s14+$0x0] =	vst.idx.add.f32.msk $0xffff, v17  }
0x1cb: {  	[tilespmem:v7+s15+$0x0] =	vst.idx.add.f32.msk $0xffff, v10  }
0x1cc: {  	v12 =	vor.u32 v2, v12;
	v11 =	vmul.f32 $-7.812500000e-03, v14;
	[tilespmem:v7+s16+$0x0] =	vst.idx.add.f32.msk $0xffff, v18  }
0x1cd: {  	[tilespmem:v7+s17+$0x0] =	vst.idx.add.f32.msk $0xffff, v9  }
0x1ce: {  	v10 =	vmul.f32 $1.442695020e+00, v11;
	v7 =	vld [tilespmem:s0+$0x6050];
	_ =	sdelay $0x1  }
0x1cf: {  	(erf) = vpow2.f32 v10  }
0x1d0: {  	[tilespmem:v12+s12+$0x0] =	vst.idx.add.f32.msk $0xffff, v1  }
0x1d1: {  	[tilespmem:v12+s14+$0x0] =	vst.idx.add.f32.msk $0xffff, v16  }
0x1d2: {  	[tilespmem:v12+s15+$0x0] =	vst.idx.add.f32.msk $0xffff, v21;
	v7 =	vmul.f32 $-7.812500000e-03, v7  }
0x1d3: {  	[tilespmem:v12+s16+$0x0] =	vst.idx.add.f32.msk $0xffff, v3  }
0x1d4: {  	v3 =	vld [tilespmem:s0+$0x3000];
	v7 =	vmul.f32 $1.442695020e+00, v7  }
0x1d5: {  	[tilespmem:v12+s17+$0x0] =	vst.idx.add.f32.msk $0xffff, v4  }
0x1d6: {  	v4 =	vld [tilespmem:s0+$0x6030];
	_ =	sdelay $0x1  }
0x1d7: {  	(erf) = vpow2.f32 v7;
	v7 =	vpop (erf)  }
0x1d8: {  	v9 =	vld [tilespmem:s0+$0x50];
	v7 =	vadd.f32 $1.000000000e+00, v7  }
0x1d9: {  	v11 =	vld [tilespmem:s0+$0x70];
	v3 =	vshll.u32 v3, $0x7  }
0x1da: {  	v3 =	vor.u32 v2, v3;
	v4 =	vmul.f32 $-7.812500000e-03, v4;
	(erf) = vrcp.f32 v7  }
0x1db: {  	v12 =	vld [tilespmem:s0+$0xC070]  }
0x1dc: {  	v10 =	vld [tilespmem:s0+$0x9070];
	v4 =	vmul.f32 $1.442695020e+00, v4  }
0x1dd: {  	v15 =	vld [tilespmem:s0+$0x9030];
	v9 =	vshll.u32 v9, $0x7  }
0x1de: {  	v14 =	vld [tilespmem:s0+$0x9050];
	v17 =	vor.u32 v2, v9;
	v9 =	vshll.u32 v11, $0x7  }
0x1df: {  	v9 =	vor.u32 v2, v9;
	[tilespmem:v3+s12+$0x0] =	vst.idx.add.f32.msk $0xffff, v1;
	(erf) = vpow2.f32 v4  }
0x1e0: {  	[tilespmem:v3+s14+$0x0] =	vst.idx.add.f32.msk $0xffff, v5;
	v4 =	vpop (erf)  }
0x1e1: {  	v5 =	vld [tilespmem:s0+$0xC050];
	v4 =	vadd.f32 $1.000000000e+00, v4  }
0x1e2: {  	s29 =	sor.u32 $0x70, s1;
	[tilespmem:v3+s15+$0x0] =	vst.idx.add.f32.msk $0xffff, v13  }
0x1e3: {  	v11 =	vor.u32 s29, v2;
	[tilespmem:v3+s16+$0x0] =	vst.idx.add.f32.msk $0xffff, v8;
	v13 =	vpop (erf);
	(erf) = vrcp.f32 v4  }
0x1e4: {  	[tilespmem:v9+s18+$0x0] =	vst.idx.add.f32.msk $0xffff, v1;
	v4 =	vcvt.s32.f32 v11;
	v8 =	vmul.f32 $6.400000000e+01, v13  }
0x1e5: {  	[tilespmem:v3+s17+$0x0] =	vst.idx.add.f32.msk $0xffff, v6  }
0x1e6: {  	v7 =	vld [tilespmem:s0+$0x30];
	v4 =	vmul.f32 $1.250000000e-01, v4;
	v6 =	vadd.f32 $-3.200000000e+01, v8  }
0x1e7: {  	v10 =	vadd.f32 s4, v10;
	v3 =	vld [tilespmem:s0+$0x6010]  }
0x1e8: {  	v11 =	vld [tilespmem:s0+$0x10];
	v4 =	vadd.f32 v12, v4;
	v8 =	vpop (erf);
	v18 =	vmul.f32 v6, v6  }
0x1e9: {  	v19 =	vmul.f32 $1.562500000e-02, v10;
	[tilespmem:v9+s19+$0x0] =	vst.idx.add.f32.msk $0xffff, v6;
	v8 =	vadd.f32 $1.000000000e+00, v8  }
0x1ea: {  	v21 =	vmul.f32 $1.562500000e-02, v4;
	[tilespmem:v9+s20+$0x0] =	vst.idx.add.f32.msk $0xffff, v18  }
0x1eb: {  	s30 =	sor.u32 $0x50, s1;
	(erf) = vrcp.f32 v8;
	[tilespmem:v9+s21+$0x0] =	vst.idx.add.f32.msk $0xffff, v19  }
0x1ec: {  	v7 =	vshll.u32 v7, $0x7;
	v3 =	vmul.f32 $-7.812500000e-03, v3;
	v8 =	vor.u32 s30, v2;
	[tilespmem:v9+s22+$0x0] =	vst.idx.add.f32.msk $0xffff, v21  }
0x1ed: {  	v4 =	vor.u32 v2, v7;
	v7 =	vcvt.s32.f32 v8;
	v8 =	vshll.u32 v11, $0x7;
	v10 =	vpop (erf);
	v11 =	vld [tilespmem:s0+$0x3070]  }
0x1ee: {  	v16 =	vld [tilespmem:s0+$0xC030];
	v3 =	vmul.f32 $1.442695020e+00, v3;
	v12 =	vor.u32 v2, v8;
	v8 =	vmul.f32 $6.400000000e+01, v10  }
0x1ef: {  	[tilespmem:v17+s18+$0x0] =	vst.idx.add.f32.msk $0xffff, v1;
	v7 =	vmul.f32 $1.250000000e-01, v7  }
0x1f0: {  	v20 =	vld [tilespmem:s0+$0x9010];
	(erf) = vpow2.f32 v3;
	v9 =	vadd.f32 $-3.200000000e+01, v8  }
0x1f1: {  	v22 =	vld [tilespmem:s0+$0xC010];
	v8 =	vadd.f32 s4, v14;
	v5 =	vadd.f32 v5, v7  }
0x1f2: {  	[tilespmem:v4+s18+$0x0] =	vst.idx.add.f32.msk $0xffff, v1;
	v13 =	vmul.f32 v9, v9;
	v7 =	vshll.u32 v11, $0x7  }
0x1f3: {  	[tilespmem:v17+s19+$0x0] =	vst.idx.add.f32.msk $0xffff, v9;
	v10 =	vmul.f32 $1.562500000e-02, v8;
	v14 =	vmul.f32 $1.562500000e-02, v5;
	v5 =	vor.u32 v2, v7  }
0x1f4: {  	[tilespmem:v17+s20+$0x0] =	vst.idx.add.f32.msk $0xffff, v13;
	v3 =	vpop (erf)  }
0x1f5: {  	[tilespmem:v17+s21+$0x0] =	vst.idx.add.f32.msk $0xffff, v10;
	v3 =	vmul.f32 $6.400000000e+01, v3  }
0x1f6: {  	[tilespmem:v17+s22+$0x0] =	vst.idx.add.f32.msk $0xffff, v14  }
0x1f7: {  	s31 =	sor.u32 $0x30, s1;
	s1 =	sor.u32 $0x10, s1;
	v8 =	vadd.f32 $-3.200000000e+01, v3;
	v3 =	vld [tilespmem:s0+$0x3050]  }
0x1f8: {  	v11 =	vor.u32 s1, v2;
	v7 =	vor.u32 s31, v2;
	[tilespmem:v5+s23+$0x0] =	vst.idx.add.f32.msk $0xffff, v1  }
0x1f9: {  	v11 =	vcvt.s32.f32 v11;
	v7 =	vcvt.s32.f32 v7;
	[tilespmem:v5+s24+$0x0] =	vst.idx.add.f32.msk $0xffff, v6;
	v6 =	vadd.f32 s4, v15;
	v15 =	vpop (erf)  }
0x1fa: {  	[tilespmem:v12+s18+$0x0] =	vst.idx.add.f32.msk $0xffff, v1;
	v15 =	vadd.f32 $1.000000000e+00, v15  }
0x1fb: {  	v17 =	vmul.f32 $1.250000000e-01, v11;
	v7 =	vmul.f32 $1.250000000e-01, v7;
	[tilespmem:v4+s19+$0x0] =	vst.idx.add.f32.msk $0xffff, v8  }
0x1fc: {  	v11 =	vmul.f32 v8, v8;
	[tilespmem:v5+s25+$0x0] =	vst.idx.add.f32.msk $0xffff, v18;
	(erf) = vrcp.f32 v15  }
0x1fd: {  	[tilespmem:v5+s26+$0x0] =	vst.idx.add.f32.msk $0xffff, v19  }
0x1fe: {  	v7 =	vadd.f32 v16, v7;
	[tilespmem:v4+s20+$0x0] =	vst.idx.add.f32.msk $0xffff, v11;
	v3 =	vshll.u32 v3, $0x7  }
0x1ff: {  	v20 =	vadd.f32 s4, v20;
	s1 =	simm.s32 $0x0;
	s4 =	simm.s32 $0x0;
	[tilespmem:v5+s28+$0x0] =	vst.idx.add.f32.msk $0xffff, v21;
	v21 =	vadd.f32 v22, v17;
	v19 =	vor.u32 v2, v3  }
.LBB2_2:
0x200: {  	s1 =	sadd.s32 $0x4, s1;
	s4 =	sadd.s32 $0x80, s4  }
0x201: {  	v18 =	vmul.f32 $1.562500000e-02, v6;
	s5 =	sshrl.u32 s1, $0x4;
	s31 =	sand.u32 $0x180, s4;
	p0 =	slt.u32 s1, $0x7C  }
0x202: {  	v22 =	vmul.f32 $1.562500000e-02, v7;
	s13 =	sor.u32 s3, s5;
	s6 =	sshll.u32 s31, $0x3;
	s29 =	sshll.u32 s5, $0x7;
	v3 =	vor.u32 s31, v2  }
0x203: {  	s5 =	scvt.s32.f32 s13;
	s13 =	sadd.s32 s29, s6;
	v7 =	vcvt.s32.f32 v3;
	s6 =	sor.u32 $0x60, s31;
	[tilespmem:v4+s21+$0x0] =	vst.idx.add.f32.msk $0xffff, v18  }
0x204: {  	s2 =	sor.u32 $0x30, s31;
	s30 =	sor.u32 $0x40, s31;
	s29 =	sor.u32 $0x20, s31;
	v6 =	vor.u32 s6, v2;
	[tilespmem:v4+s22+$0x0] =	vst.idx.add.f32.msk $0xffff, v22  }
0x205: {  	v5 =	vor.u32 s30, v2;
	s30 =	sor.u32 $0x70, s31;
	s6 =	sor.u32 $0x10, s31;
	v4 =	vor.u32 s29, v2;
	s29 =	sor.u32 $0x50, s31;
	v15 =	vld [tilespmem:s13+$0xC020];
	v17 =	vcvt.s32.f32 v6;
	v3 =	vpop (erf)  }
0x206: {  	v16 =	vcvt.s32.f32 v5;
	v6 =	vor.u32 s2, v2;
	v23 =	vld [tilespmem:s13+$0x6060];
	v3 =	vmul.f32 $6.400000000e+01, v3  }
0x207: {  	v26 =	vor.u32 s30, v2;
	v25 =	vcvt.s32.f32 v4;
	v4 =	vor.u32 s29, v2;
	v24 =	vld [tilespmem:s13+$0x6020]  }
0x208: {  	v5 =	vcvt.s32.f32 v4;
	v4 =	vcvt.s32.f32 v26;
	v27 =	vld [tilespmem:s13+$0x6040];
	v26 =	vadd.f32 $-3.200000000e+01, v3  }
0x209: {  	v25 =	vmul.f32 $1.250000000e-01, v25;
	v3 =	vor.u32 s6, v2;
	v28 =	vld [tilespmem:s13+$0x6000]  }
0x20a: {  	v3 =	vcvt.s32.f32 v3;
	v29 =	vmul.f32 v26, v26;
	[tilespmem:v12+s19+$0x0] =	vst.idx.add.f32.msk $0xffff, v26  }
0x20b: {  	v20 =	vmul.f32 $1.562500000e-02, v20;
	v15 =	vadd.f32 v15, v25;
	[tilespmem:v19+s23+$0x0] =	vst.idx.add.f32.msk $0xffff, v1  }
0x20c: {  	v21 =	vmul.f32 $1.562500000e-02, v21;
	v23 =	vmul.f32 $-7.812500000e-03, v23;
	[tilespmem:v12+s20+$0x0] =	vst.idx.add.f32.msk $0xffff, v29  }
0x20d: {  	[tilespmem:v12+s21+$0x0] =	vst.idx.add.f32.msk $0xffff, v20  }
0x20e: {  	v23 =	vmul.f32 $1.442695020e+00, v23;
	[tilespmem:v12+s22+$0x0] =	vst.idx.add.f32.msk $0xffff, v21  }
0x20f: {  	v12 =	vmul.f32 $-7.812500000e-03, v27;
	v25 =	vld [tilespmem:s0+$0x3010]  }
0x210: {  	(erf) = vpow2.f32 v23;
	[tilespmem:v19+s24+$0x0] =	vst.idx.add.f32.msk $0xffff, v9  }
0x211: {  	v9 =	vmul.f32 $-7.812500000e-03, v24;
	v12 =	vmul.f32 $1.442695020e+00, v12;
	v23 =	vld [tilespmem:s0+$0x3030];
	s0 =	smov.u32 s13  }
0x212: {  	[tilespmem:v19+s25+$0x0] =	vst.idx.add.f32.msk $0xffff, v13  }
0x213: {  	v9 =	vmul.f32 $1.442695020e+00, v9;
	(erf) = vpow2.f32 v12;
	[tilespmem:v19+s26+$0x0] =	vst.idx.add.f32.msk $0xffff, v10  }
0x214: {  	v10 =	vshll.u32 v25, $0x7;
	[tilespmem:v19+s28+$0x0] =	vst.idx.add.f32.msk $0xffff, v14  }
0x215: {  	v12 =	vmul.f32 $-7.812500000e-03, v28;
	v13 =	vld [tilespmem:s0+$0x9020];
	(erf) = vpow2.f32 v9;
	v10 =	vor.u32 v2, v10  }
0x216: {  	v9 =	vld [tilespmem:s0+$0xC000];
	v14 =	vshll.u32 v23, $0x7  }
0x217: {  	v25 =	vmul.f32 $1.442695020e+00, v12;
	v19 =	vld [tilespmem:s0+$0x9000]  }
0x218: {  	s5 =	smul.f32 $1.666666720e-01, s5;
	v23 =	vld [tilespmem:s0+$0x40]  }
0x219: {  	v24 =	vld [tilespmem:s0+$0x60];
	(erf) = vpow2.f32 v25;
	v12 =	vpop (erf)  }
0x21a: {  	v14 =	vor.u32 v2, v14;
	v13 =	vadd.f32 s5, v13;
	v12 =	vadd.f32 $1.000000000e+00, v12;
	[tilespmem:v10+s23+$0x0] =	vst.idx.add.f32.msk $0xffff, v1  }
0x21b: {  	[tilespmem:v10+s24+$0x0] =	vst.idx.add.f32.msk $0xffff, v26  }
0x21c: {  	v19 =	vadd.f32 s5, v19;
	v25 =	vpop (erf);
	(erf) = vrcp.f32 v12;
	[tilespmem:v10+s25+$0x0] =	vst.idx.add.f32.msk $0xffff, v29  }
0x21d: {  	v12 =	vadd.f32 $1.000000000e+00, v25;
	[tilespmem:v10+s26+$0x0] =	vst.idx.add.f32.msk $0xffff, v20  }
0x21e: {  	v20 =	vpop (erf);
	[tilespmem:v10+s28+$0x0] =	vst.idx.add.f32.msk $0xffff, v21  }
0x21f: {  	v10 =	vadd.f32 $1.000000000e+00, v20;
	(erf) = vrcp.f32 v12;
	[tilespmem:v14+s23+$0x0] =	vst.idx.add.f32.msk $0xffff, v1  }
0x220: {  	[tilespmem:v14+s24+$0x0] =	vst.idx.add.f32.msk $0xffff, v8  }
0x221: {  	(erf) = vrcp.f32 v10;
	[tilespmem:v14+s25+$0x0] =	vst.idx.add.f32.msk $0xffff, v11  }
0x222: {  	v8 =	vpop (erf);
	[tilespmem:v14+s26+$0x0] =	vst.idx.add.f32.msk $0xffff, v18  }
0x223: {  	v18 =	vadd.f32 $1.000000000e+00, v8;
	[tilespmem:v14+s28+$0x0] =	vst.idx.add.f32.msk $0xffff, v22  }
0x224: {  	v11 =	vshll.u32 v24, $0x7;
	v10 =	vld [tilespmem:s0+$0x0]  }
0x225: {  	v11 =	vor.u32 v2, v11;
	v12 =	vld [tilespmem:s0+$0x9060];
	(erf) = vrcp.f32 v18;
	v8 =	vpop (erf)  }
0x226: {  	v14 =	vld [tilespmem:s0+$0x20];
	v8 =	vmul.f32 $6.400000000e+01, v8  }
0x227: {  	v18 =	vshll.u32 v23, $0x7;
	v20 =	vld [tilespmem:s0+$0xC060]  }
0x228: {  	v18 =	vor.u32 v2, v18;
	v21 =	vld [tilespmem:s0+$0xC040];
	v8 =	vadd.f32 $-3.200000000e+01, v8;
	v22 =	vpop (erf)  }
0x229: {  	v17 =	vmul.f32 $1.250000000e-01, v17;
	v10 =	vshll.u32 v10, $0x7;
	v22 =	vmul.f32 $6.400000000e+01, v22;
	v23 =	vld [tilespmem:s0+$0x9040]  }
0x22a: {  	v10 =	vor.u32 v2, v10;
	v12 =	vadd.f32 s5, v12;
	v24 =	vmul.f32 v8, v8;
	[tilespmem:v11+s7+$0x0] =	vst.idx.add.f32.msk $0xffff, v1;
	v25 =	vpop (erf)  }
0x22b: {  	v16 =	vmul.f32 $1.250000000e-01, v16;
	v25 =	vmul.f32 $6.400000000e+01, v25;
	v14 =	vshll.u32 v14, $0x7;
	[tilespmem:v11+s8+$0x0] =	vst.idx.add.f32.msk $0xffff, v8  }
0x22c: {  	v22 =	vadd.f32 $-3.200000000e+01, v22;
	v14 =	vor.u32 v2, v14;
	v17 =	vadd.f32 v20, v17;
	[tilespmem:v11+s9+$0x0] =	vst.idx.add.f32.msk $0xffff, v24  }
0x22d: {  	v12 =	vmul.f32 $1.562500000e-02, v12;
	v20 =	vadd.f32 $-3.200000000e+01, v25;
	v16 =	vadd.f32 v21, v16;
	[tilespmem:v18+s7+$0x0] =	vst.idx.add.f32.msk $0xffff, v1  }
0x22e: {  	v21 =	vadd.f32 s5, v23;
	[tilespmem:v18+s8+$0x0] =	vst.idx.add.f32.msk $0xffff, v22;
	v17 =	vmul.f32 $1.562500000e-02, v17;
	v23 =	vpop (erf)  }
0x22f: {  	v23 =	vmul.f32 $6.400000000e+01, v23;
	v25 =	vmul.f32 v20, v20;
	[tilespmem:v11+s10+$0x0] =	vst.idx.add.f32.msk $0xffff, v12  }
0x230: {  	[tilespmem:v11+s11+$0x0] =	vst.idx.add.f32.msk $0xffff, v17  }
0x231: {  	[tilespmem:v10+s7+$0x0] =	vst.idx.add.f32.msk $0xffff, v1  }
0x232: {  	v11 =	vmul.f32 v22, v22;
	[tilespmem:v14+s7+$0x0] =	vst.idx.add.f32.msk $0xffff, v1  }
0x233: {  	v21 =	vmul.f32 $1.562500000e-02, v21;
	v26 =	vld [tilespmem:s0+$0x3060]  }
0x234: {  	v16 =	vmul.f32 $1.562500000e-02, v16;
	[tilespmem:v18+s9+$0x0] =	vst.idx.add.f32.msk $0xffff, v11  }
0x235: {  	[tilespmem:v18+s10+$0x0] =	vst.idx.add.f32.msk $0xffff, v21  }
0x236: {  	[tilespmem:v18+s11+$0x0] =	vst.idx.add.f32.msk $0xffff, v16  }
0x237: {  	v13 =	vmul.f32 $1.562500000e-02, v13;
	[tilespmem:v14+s8+$0x0] =	vst.idx.add.f32.msk $0xffff, v20  }
0x238: {  	[tilespmem:v14+s9+$0x0] =	vst.idx.add.f32.msk $0xffff, v25;
	v18 =	vshll.u32 v26, $0x7  }
0x239: {  	v23 =	vadd.f32 $-3.200000000e+01, v23;
	[tilespmem:v14+s10+$0x0] =	vst.idx.add.f32.msk $0xffff, v13;
	v18 =	vor.u32 v2, v18  }
0x23a: {  	v15 =	vmul.f32 $1.562500000e-02, v15;
	v26 =	vld [tilespmem:s0+$0x3040]  }
0x23b: {  	[tilespmem:v10+s8+$0x0] =	vst.idx.add.f32.msk $0xffff, v23  }
0x23c: {  	[tilespmem:v14+s11+$0x0] =	vst.idx.add.f32.msk $0xffff, v15  }
0x23d: {  	v14 =	vld [tilespmem:s0+$0x3020]  }
0x23e: {  	[tilespmem:v18+s12+$0x0] =	vst.idx.add.f32.msk $0xffff, v1  }
0x23f: {  	v27 =	vmul.f32 v23, v23;
	v26 =	vshll.u32 v26, $0x7;
	[tilespmem:v18+s14+$0x0] =	vst.idx.add.f32.msk $0xffff, v8  }
0x240: {  	[tilespmem:v18+s15+$0x0] =	vst.idx.add.f32.msk $0xffff, v24  }
0x241: {  	v7 =	vmul.f32 $1.250000000e-01, v7;
	v8 =	vmul.f32 $1.562500000e-02, v19;
	[tilespmem:v18+s16+$0x0] =	vst.idx.add.f32.msk $0xffff, v12  }
0x242: {  	[tilespmem:v10+s9+$0x0] =	vst.idx.add.f32.msk $0xffff, v27;
	v12 =	vshll.u32 v14, $0x7  }
0x243: {  	v7 =	vadd.f32 v9, v7;
	[tilespmem:v10+s10+$0x0] =	vst.idx.add.f32.msk $0xffff, v8;
	v9 =	vor.u32 v2, v12  }
0x244: {  	[tilespmem:v18+s17+$0x0] =	vst.idx.add.f32.msk $0xffff, v17  }
0x245: {  	v12 =	vmul.f32 $1.562500000e-02, v7;
	v7 =	vor.u32 v2, v26;
	v14 =	vld [tilespmem:s0+$0x9070]  }
0x246: {  	v17 =	vld [tilespmem:s0+$0x6070]  }
0x247: {  	[tilespmem:v10+s11+$0x0] =	vst.idx.add.f32.msk $0xffff, v12  }
0x248: {  	[tilespmem:v9+s12+$0x0] =	vst.idx.add.f32.msk $0xffff, v1  }
0x249: {  	[tilespmem:v9+s14+$0x0] =	vst.idx.add.f32.msk $0xffff, v20  }
0x24a: {  	[tilespmem:v7+s12+$0x0] =	vst.idx.add.f32.msk $0xffff, v1;
	v10 =	vadd.f32 s5, v14  }
0x24b: {  	[tilespmem:v7+s14+$0x0] =	vst.idx.add.f32.msk $0xffff, v22;
	v14 =	vmul.f32 $-7.812500000e-03, v17  }
0x24c: {  	[tilespmem:v7+s15+$0x0] =	vst.idx.add.f32.msk $0xffff, v11  }
0x24d: {  	[tilespmem:v7+s16+$0x0] =	vst.idx.add.f32.msk $0xffff, v21;
	v11 =	vmul.f32 $1.442695020e+00, v14  }
0x24e: {  	[tilespmem:v7+s17+$0x0] =	vst.idx.add.f32.msk $0xffff, v16  }
0x24f: {  	v7 =	vld [tilespmem:s0+$0x6050];
	(erf) = vpow2.f32 v11  }
0x250: {  	[tilespmem:v9+s15+$0x0] =	vst.idx.add.f32.msk $0xffff, v25  }
0x251: {  	[tilespmem:v9+s16+$0x0] =	vst.idx.add.f32.msk $0xffff, v13  }
0x252: {  	v11 =	vld [tilespmem:s0+$0x3000]  }
0x253: {  	v13 =	vld [tilespmem:s0+$0x70]  }
0x254: {  	v7 =	vmul.f32 $-7.812500000e-03, v7;
	v14 =	vld [tilespmem:s0+$0xC070]  }
0x255: {  	[tilespmem:v9+s17+$0x0] =	vst.idx.add.f32.msk $0xffff, v15  }
0x256: {  	v9 =	vld [tilespmem:s0+$0x6030];
	v17 =	vmul.f32 $1.442695020e+00, v7  }
0x257: {  	v11 =	vshll.u32 v11, $0x7;
	v15 =	vld [tilespmem:s0+$0x30]  }
0x258: {  	v16 =	vld [tilespmem:s0+$0x50];
	(erf) = vpow2.f32 v17;
	v7 =	vpop (erf)  }
0x259: {  	v17 =	vld [tilespmem:s0+$0x9030];
	v7 =	vadd.f32 $1.000000000e+00, v7  }
0x25a: {  	v6 =	vcvt.s32.f32 v6;
	v11 =	vor.u32 v2, v11;
	v18 =	vld [tilespmem:s0+$0xC030]  }
0x25b: {  	v9 =	vmul.f32 $-7.812500000e-03, v9;
	(erf) = vrcp.f32 v7  }
0x25c: {  	v15 =	vshll.u32 v15, $0x7  }
0x25d: {  	v7 =	vmul.f32 $1.250000000e-01, v6;
	v9 =	vmul.f32 $1.442695020e+00, v9;
	v16 =	vshll.u32 v16, $0x7  }
0x25e: {  	v6 =	vadd.f32 s5, v17;
	v16 =	vor.u32 v2, v16  }
0x25f: {  	[tilespmem:v11+s12+$0x0] =	vst.idx.add.f32.msk $0xffff, v1;
	v7 =	vadd.f32 v18, v7;
	(erf) = vpow2.f32 v9  }
0x260: {  	[tilespmem:v11+s14+$0x0] =	vst.idx.add.f32.msk $0xffff, v23  }
0x261: {  	v13 =	vshll.u32 v13, $0x7;
	v9 =	vld [tilespmem:s0+$0xC050];
	v17 =	vpop (erf)  }
0x262: {  	v17 =	vadd.f32 $1.000000000e+00, v17;
	v18 =	vld [tilespmem:s0+$0x9050]  }
0x263: {  	v13 =	vor.u32 v2, v13;
	[tilespmem:v16+s18+$0x0] =	vst.idx.add.f32.msk $0xffff, v1  }
0x264: {  	v5 =	vmul.f32 $1.250000000e-01, v5;
	[tilespmem:v11+s15+$0x0] =	vst.idx.add.f32.msk $0xffff, v27;
	v19 =	vpop (erf)  }
0x265: {  	[tilespmem:v11+s16+$0x0] =	vst.idx.add.f32.msk $0xffff, v8;
	v19 =	vmul.f32 $6.400000000e+01, v19;
	(erf) = vrcp.f32 v17  }
0x266: {  	[tilespmem:v11+s17+$0x0] =	vst.idx.add.f32.msk $0xffff, v12;
	v5 =	vadd.f32 v9, v5  }
0x267: {  	v9 =	vld [tilespmem:s0+$0x6010];
	v11 =	vadd.f32 s5, v18;
	v17 =	vadd.f32 $-3.200000000e+01, v19  }
0x268: {  	[tilespmem:v13+s18+$0x0] =	vst.idx.add.f32.msk $0xffff, v1;
	v8 =	vpop (erf)  }
0x269: {  	v4 =	vmul.f32 $1.250000000e-01, v4;
	v12 =	vld [tilespmem:s0+$0x10];
	v8 =	vadd.f32 $1.000000000e+00, v8;
	v18 =	vmul.f32 v17, v17  }
0x26a: {  	v19 =	vmul.f32 $1.562500000e-02, v10;
	[tilespmem:v13+s19+$0x0] =	vst.idx.add.f32.msk $0xffff, v17  }
0x26b: {  	v10 =	vadd.f32 v14, v4;
	[tilespmem:v13+s20+$0x0] =	vst.idx.add.f32.msk $0xffff, v18;
	(erf) = vrcp.f32 v8  }
0x26c: {  	v4 =	vor.u32 v2, v15;
	v8 =	vmul.f32 $-7.812500000e-03, v9;
	[tilespmem:v13+s21+$0x0] =	vst.idx.add.f32.msk $0xffff, v19  }
0x26d: {  	v15 =	vmul.f32 $1.562500000e-02, v10;
	v14 =	vld [tilespmem:s0+$0x9010]  }
0x26e: {  	v8 =	vmul.f32 $1.442695020e+00, v8;
	v10 =	vld [tilespmem:s0+$0xC010];
	v9 =	vshll.u32 v12, $0x7;
	v20 =	vpop (erf)  }
0x26f: {  	v12 =	vor.u32 v2, v9;
	v9 =	vmul.f32 $6.400000000e+01, v20;
	[tilespmem:v13+s22+$0x0] =	vst.idx.add.f32.msk $0xffff, v15  }
0x270: {  	v22 =	vld [tilespmem:s0+$0x3070]  }
0x271: {  	v23 =	vmul.f32 $1.250000000e-01, v3;
	[tilespmem:v4+s18+$0x0] =	vst.idx.add.f32.msk $0xffff, v1;
	v9 =	vadd.f32 $-3.200000000e+01, v9;
	(erf) = vpow2.f32 v8  }
0x272: {  	v20 =	vadd.f32 s5, v14  }
0x273: {  	v21 =	vadd.f32 v10, v23;
	v10 =	vmul.f32 $1.562500000e-02, v11;
	v13 =	vmul.f32 v9, v9;
	[tilespmem:v16+s19+$0x0] =	vst.idx.add.f32.msk $0xffff, v9  }
0x274: {  	[tilespmem:v12+s18+$0x0] =	vst.idx.add.f32.msk $0xffff, v1;
	v3 =	vpop (erf)  }
0x275: {  	v3 =	vmul.f32 $6.400000000e+01, v3;
	[tilespmem:v16+s20+$0x0] =	vst.idx.add.f32.msk $0xffff, v13;
	v8 =	vshll.u32 v22, $0x7  }
0x276: {  	v14 =	vmul.f32 $1.562500000e-02, v5;
	[tilespmem:v16+s21+$0x0] =	vst.idx.add.f32.msk $0xffff, v10;
	v5 =	vor.u32 v2, v8;
	_ =	sdelay $0x1  }
0x277: {  	v8 =	vadd.f32 $-3.200000000e+01, v3;
	[tilespmem:v16+s22+$0x0] =	vst.idx.add.f32.msk $0xffff, v14  }
0x278: {  	v3 =	vld [tilespmem:s0+$0x3050]  }
0x279: {  	[tilespmem:v4+s19+$0x0] =	vst.idx.add.f32.msk $0xffff, v8;
	v11 =	vpop (erf)  }
0x27a: {  	v11 =	vadd.f32 $1.000000000e+00, v11;
	[tilespmem:v5+s23+$0x0] =	vst.idx.add.f32.msk $0xffff, v1  }
.Ltmp0:
0x27b: {  	[tilespmem:v5+s24+$0x0] =	vst.idx.add.f32.msk $0xffff, v17;
	(pc) =	sbr.rel @p0 .LBB2_2-.Ltmp0, $4  }
0x27c: {  	[tilespmem:v5+s25+$0x0] =	vst.idx.add.f32.msk $0xffff, v18;
	(erf) = vrcp.f32 v11  }
0x27d: {  	v11 =	vmul.f32 v8, v8;
	v3 =	vshll.u32 v3, $0x7;
	[tilespmem:v5+s26+$0x0] =	vst.idx.add.f32.msk $0xffff, v19  }
0x27e: {  	v19 =	vor.u32 v2, v3;
	[tilespmem:v5+s28+$0x0] =	vst.idx.add.f32.msk $0xffff, v15  }
0x27f: {  	[tilespmem:v4+s20+$0x0] =	vst.idx.add.f32.msk $0xffff, v11  }
0x280: {  	_ =	sdelay $0x4  }
0x281: {  	v3 =	vpop (erf)  }
0x282: {  	v6 =	vmul.f32 $1.562500000e-02, v6;
	v3 =	vmul.f32 $6.400000000e+01, v3  }
0x283: {  	v7 =	vmul.f32 $1.562500000e-02, v7  }
0x284: {  	[tilespmem:v4+s21+$0x0] =	vst.idx.add.f32.msk $0xffff, v6;
	v3 =	vadd.f32 $-3.200000000e+01, v3  }
0x285: {  	[tilespmem:v4+s22+$0x0] =	vst.idx.add.f32.msk $0xffff, v7  }
0x286: {  	v4 =	vld [tilespmem:s0+$0x3030];
	v5 =	vmul.f32 v3, v3  }
0x287: {  	v15 =	vmul.f32 $1.562500000e-02, v20;
	[tilespmem:v12+s19+$0x0] =	vst.idx.add.f32.msk $0xffff, v3  }
0x288: {  	v16 =	vmul.f32 $1.562500000e-02, v21;
	[tilespmem:v12+s20+$0x0] =	vst.idx.add.f32.msk $0xffff, v5  }
0x289: {  	[tilespmem:v12+s21+$0x0] =	vst.idx.add.f32.msk $0xffff, v15  }
0x28a: {  	[tilespmem:v12+s22+$0x0] =	vst.idx.add.f32.msk $0xffff, v16  }
0x28b: {  	v4 =	vshll.u32 v4, $0x7;
	v12 =	vld [tilespmem:s0+$0x3010]  }
0x28c: {  	[tilespmem:v19+s23+$0x0] =	vst.idx.add.f32.msk $0xffff, v1;
	v4 =	vor.u32 v2, v4  }
0x28d: {  	[tilespmem:v19+s24+$0x0] =	vst.idx.add.f32.msk $0xffff, v9  }
0x28e: {  	[tilespmem:v19+s25+$0x0] =	vst.idx.add.f32.msk $0xffff, v13  }
0x28f: {  	[tilespmem:v19+s26+$0x0] =	vst.idx.add.f32.msk $0xffff, v10  }
0x290: {  	[tilespmem:v19+s28+$0x0] =	vst.idx.add.f32.msk $0xffff, v14;
	v12 =	vshll.u32 v12, $0x7  }
0x291: {  	[tilespmem:v4+s23+$0x0] =	vst.idx.add.f32.msk $0xffff, v1;
	v12 =	vor.u32 v2, v12  }
0x292: {  	[tilespmem:v4+s24+$0x0] =	vst.idx.add.f32.msk $0xffff, v8  }
0x293: {  	[tilespmem:v4+s25+$0x0] =	vst.idx.add.f32.msk $0xffff, v11  }
0x294: {  	[tilespmem:v4+s26+$0x0] =	vst.idx.add.f32.msk $0xffff, v6  }
0x295: {  	[tilespmem:v4+s28+$0x0] =	vst.idx.add.f32.msk $0xffff, v7  }
0x296: {  	[tilespmem:v12+s23+$0x0] =	vst.idx.add.f32.msk $0xffff, v1  }
0x297: {  	[tilespmem:v12+s24+$0x0] =	vst.idx.add.f32.msk $0xffff, v3  }
0x298: {  	[tilespmem:v12+s25+$0x0] =	vst.idx.add.f32.msk $0xffff, v5  }
0x299: {  	[tilespmem:v12+s26+$0x0] =	vst.idx.add.f32.msk $0xffff, v15  }
0x29a: {  	s5 =	simm.s32 $0x2;
	[tilespmem:v12+s28+$0x0] =	vst.idx.add.f32.msk $0xffff, v16  }
0x29b: {  	_ =	swait.ge [sflag:s5], $0x2000  }
0x29c: {  	[sflag:s5] =	ssyncset.done $0x0  }
0x29d: {  	[sflag:s5] =	ssyncadd.s32 $0xFFFFE000  }
0x29e: {  	_ =	swait.ge [sflag:s5], $0x2000  }
0x29f: {  	[sflag:s5] =	ssyncset.done $0x0  }
0x2a0: {  	[sflag:s5] =	ssyncadd.s32 $0xFFFFE000  }
0x2a1: {  	_ =	swait.ge [sflag:s5], $0x2000  }
0x2a2: {  	[sflag:s5] =	ssyncset.done $0x0  }
0x2a3: {  	[sflag:s5] =	ssyncadd.s32 $0xFFFFE000  }
0x2a4: {  	_ =	swait.ge [sflag:s5], $0x2000  }
0x2a5: {  	s6 =	simm.s32 $0x1000;
	s13 =	simm.s32 $0x1000;
	[sflag:s5] =	ssyncset.done $0x0  }
0x2a6: {  	s4 =	simm.s32 $0x400;
	s1 =	sand.u32 $0x180, s6;
	[sflag:s5] =	ssyncadd.s32 $0xFFFFE000  }
0x2a7: {  	s2 =	sshll.u32 s1, $0x3;
	s0 =	sand.u32 $0x3000, s13;
	_ =	swait.ge [sflag:s5], $0x2000  }
0x2a8: {  	s29 =	sand.u32 $0x380, s4;
	s0 =	sor.u32 s2, s0;
	[sflag:s5] =	ssyncset.done $0x0  }
0x2a9: {  	s0 =	sor.u32 s29, s0;
	[sflag:s5] =	ssyncadd.s32 $0xFFFFE000  }
0x2aa: {  	v3 =	vld [tilespmem:s0+$0x6020]  }
0x2ab: {  	v4 =	vld [tilespmem:s0+$0x6000]  }
0x2ac: {  	v5 =	vld [tilespmem:s0+$0x6040];
	_ =	sdelay $0x2  }
0x2ad: {  	v3 =	vmul.f32 $-7.812500000e-03, v3  }
0x2ae: {  	v4 =	vmul.f32 $-7.812500000e-03, v4  }
0x2af: {  	v6 =	vld [tilespmem:s0+$0x6060];
	v5 =	vmul.f32 $-7.812500000e-03, v5;
	v3 =	vmul.f32 $1.442695020e+00, v3  }
0x2b0: {  	v4 =	vmul.f32 $1.442695020e+00, v4  }
0x2b1: {  	v5 =	vmul.f32 $1.442695020e+00, v5;
	(erf) = vpow2.f32 v3  }
0x2b2: {  	(erf) = vpow2.f32 v4  }
0x2b3: {  	(erf) = vpow2.f32 v5  }
0x2b4: {  	v3 =	vmul.f32 $-7.812500000e-03, v6;
	_ =	sdelay $0x1  }
0x2b5: {  	v3 =	vmul.f32 $1.442695020e+00, v3;
	_ =	sdelay $0x2  }
0x2b6: {  	(erf) = vpow2.f32 v3  }
0x2b7: {  	v3 =	vpop (erf)  }
0x2b8: {  	v5 =	vld [tilespmem:s0+$0x20];
	v3 =	vadd.f32 $1.000000000e+00, v3;
	v4 =	vpop (erf)  }
0x2b9: {  	v4 =	vadd.f32 $1.000000000e+00, v4;
	v6 =	vpop (erf)  }
0x2ba: {  	v7 =	vld [tilespmem:s0+$0xC040];
	v6 =	vadd.f32 $1.000000000e+00, v6;
	(erf) = vrcp.f32 v3  }
0x2bb: {  	v8 =	vld [tilespmem:s0+$0x40];
	(erf) = vrcp.f32 v4  }
0x2bc: {  	v3 =	vld [tilespmem:s0+$0x60];
	(erf) = vrcp.f32 v6  }
0x2bd: {  	v5 =	vshll.u32 v5, $0x7;
	v4 =	vld [tilespmem:s0+$0x0]  }
0x2be: {  	v10 =	vld [tilespmem:s0+$0x9020];
	v5 =	vor.u32 v2, v5  }
0x2bf: {  	v11 =	vld [tilespmem:s0+$0x9060];
	v9 =	vpop (erf)  }
0x2c0: {  	v12 =	vld [tilespmem:s0+$0xC000];
	v8 =	vshll.u32 v8, $0x7;
	v9 =	vadd.f32 $1.000000000e+00, v9  }
0x2c1: {  	v13 =	vld [tilespmem:s0+$0xC020];
	v8 =	vor.u32 v2, v8;
	v3 =	vshll.u32 v3, $0x7  }
0x2c2: {  	v17 =	vld [tilespmem:s0+$0xC060];
	(erf) = vrcp.f32 v9;
	v4 =	vshll.u32 v4, $0x7;
	v3 =	vor.u32 v2, v3  }
0x2c3: {  	s30 =	sor.u32 $0x40, s1;
	[tilespmem:v5+s7+$0x0] =	vst.idx.add.f32.msk $0xffff, v1;
	v4 =	vor.u32 v2, v4;
	v14 =	vpop (erf)  }
0x2c4: {  	s31 =	sadd.s32 $0x8, s3;
	v16 =	vor.u32 s30, v2;
	v9 =	vld [tilespmem:s0+$0x9040];
	v15 =	vpop (erf)  }
0x2c5: {  	v16 =	vcvt.s32.f32 v16;
	s5 =	scvt.s32.f32 s31;
	v6 =	vld [tilespmem:s0+$0x9000];
	v14 =	vmul.f32 $6.400000000e+01, v14;
	v18 =	vpop (erf)  }
0x2c6: {  	[tilespmem:v8+s7+$0x0] =	vst.idx.add.f32.msk $0xffff, v1;
	v15 =	vmul.f32 $6.400000000e+01, v15;
	v18 =	vmul.f32 $6.400000000e+01, v18  }
0x2c7: {  	v16 =	vmul.f32 $1.250000000e-01, v16;
	s4 =	smul.f32 $1.666666720e-01, s5;
	[tilespmem:v3+s7+$0x0] =	vst.idx.add.f32.msk $0xffff, v1;
	v14 =	vadd.f32 $-3.200000000e+01, v14  }
0x2c8: {  	[tilespmem:v4+s7+$0x0] =	vst.idx.add.f32.msk $0xffff, v1;
	v15 =	vadd.f32 $-3.200000000e+01, v15;
	v18 =	vadd.f32 $-3.200000000e+01, v18  }
0x2c9: {  	s6 =	sor.u32 $0x60, s1;
	v9 =	vadd.f32 s4, v9;
	[tilespmem:v5+s8+$0x0] =	vst.idx.add.f32.msk $0xffff, v14  }
0x2ca: {  	v19 =	vor.u32 s6, v2;
	v7 =	vadd.f32 v7, v16;
	[tilespmem:v4+s8+$0x0] =	vst.idx.add.f32.msk $0xffff, v15;
	v21 =	vmul.f32 v18, v18  }
0x2cb: {  	v19 =	vcvt.s32.f32 v19;
	v9 =	vmul.f32 $1.562500000e-02, v9;
	v16 =	vpop (erf);
	[tilespmem:v8+s8+$0x0] =	vst.idx.add.f32.msk $0xffff, v18  }
0x2cc: {  	v7 =	vmul.f32 $1.562500000e-02, v7;
	v16 =	vmul.f32 $6.400000000e+01, v16;
	[tilespmem:v8+s9+$0x0] =	vst.idx.add.f32.msk $0xffff, v21  }
0x2cd: {  	v20 =	vmul.f32 v14, v14;
	[tilespmem:v8+s10+$0x0] =	vst.idx.add.f32.msk $0xffff, v9  }
0x2ce: {  	v22 =	vor.u32 s1, v2;
	v19 =	vmul.f32 $1.250000000e-01, v19;
	[tilespmem:v8+s11+$0x0] =	vst.idx.add.f32.msk $0xffff, v7;
	v8 =	vadd.f32 $-3.200000000e+01, v16  }
0x2cf: {  	v11 =	vadd.f32 s4, v11;
	[tilespmem:v5+s9+$0x0] =	vst.idx.add.f32.msk $0xffff, v20;
	v16 =	vcvt.s32.f32 v22  }
0x2d0: {  	v17 =	vadd.f32 v17, v19;
	v22 =	vld [tilespmem:s0+$0x3040];
	v19 =	vmul.f32 v8, v8  }
0x2d1: {  	s13 =	sor.u32 $0x20, s1;
	v11 =	vmul.f32 $1.562500000e-02, v11;
	v16 =	vmul.f32 $1.250000000e-01, v16;
	[tilespmem:v3+s8+$0x0] =	vst.idx.add.f32.msk $0xffff, v8  }
0x2d2: {  	v23 =	vor.u32 s13, v2;
	v17 =	vmul.f32 $1.562500000e-02, v17;
	v6 =	vadd.f32 s4, v6;
	[tilespmem:v3+s9+$0x0] =	vst.idx.add.f32.msk $0xffff, v19  }
0x2d3: {  	v23 =	vcvt.s32.f32 v23;
	v12 =	vadd.f32 v12, v16;
	v16 =	vmul.f32 v15, v15;
	[tilespmem:v3+s10+$0x0] =	vst.idx.add.f32.msk $0xffff, v11  }
0x2d4: {  	v6 =	vmul.f32 $1.562500000e-02, v6;
	[tilespmem:v3+s11+$0x0] =	vst.idx.add.f32.msk $0xffff, v17  }
0x2d5: {  	v3 =	vmul.f32 $1.250000000e-01, v23;
	v12 =	vmul.f32 $1.562500000e-02, v12;
	[tilespmem:v4+s9+$0x0] =	vst.idx.add.f32.msk $0xffff, v16  }
0x2d6: {  	v10 =	vadd.f32 s4, v10;
	[tilespmem:v4+s10+$0x0] =	vst.idx.add.f32.msk $0xffff, v6  }
0x2d7: {  	v3 =	vadd.f32 v13, v3;
	v13 =	vshll.u32 v22, $0x7;
	[tilespmem:v4+s11+$0x0] =	vst.idx.add.f32.msk $0xffff, v12  }
0x2d8: {  	v4 =	vmul.f32 $1.562500000e-02, v10;
	v10 =	vor.u32 v2, v13;
	v13 =	vld [tilespmem:s0+$0x3000]  }
0x2d9: {  	v22 =	vld [tilespmem:s0+$0x3060];
	v3 =	vmul.f32 $1.562500000e-02, v3  }
0x2da: {  	[tilespmem:v5+s10+$0x0] =	vst.idx.add.f32.msk $0xffff, v4  }
0x2db: {  	[tilespmem:v5+s11+$0x0] =	vst.idx.add.f32.msk $0xffff, v3  }
0x2dc: {  	v5 =	vld [tilespmem:s0+$0x3020]  }
0x2dd: {  	[tilespmem:v10+s12+$0x0] =	vst.idx.add.f32.msk $0xffff, v1;
	v13 =	vshll.u32 v13, $0x7  }
0x2de: {  	[tilespmem:v10+s14+$0x0] =	vst.idx.add.f32.msk $0xffff, v18;
	v13 =	vor.u32 v2, v13  }
0x2df: {  	[tilespmem:v10+s15+$0x0] =	vst.idx.add.f32.msk $0xffff, v21  }
0x2e0: {  	[tilespmem:v10+s16+$0x0] =	vst.idx.add.f32.msk $0xffff, v9  }
0x2e1: {  	[tilespmem:v10+s17+$0x0] =	vst.idx.add.f32.msk $0xffff, v7  }
0x2e2: {  	v7 =	vld [tilespmem:s0+$0x6050]  }
0x2e3: {  	[tilespmem:v13+s12+$0x0] =	vst.idx.add.f32.msk $0xffff, v1  }
0x2e4: {  	[tilespmem:v13+s14+$0x0] =	vst.idx.add.f32.msk $0xffff, v15  }
0x2e5: {  	[tilespmem:v13+s15+$0x0] =	vst.idx.add.f32.msk $0xffff, v16  }
0x2e6: {  	[tilespmem:v13+s16+$0x0] =	vst.idx.add.f32.msk $0xffff, v6  }
0x2e7: {  	v9 =	vshll.u32 v22, $0x7;
	v5 =	vshll.u32 v5, $0x7;
	v7 =	vmul.f32 $-7.812500000e-03, v7;
	[tilespmem:v13+s17+$0x0] =	vst.idx.add.f32.msk $0xffff, v12  }
0x2e8: {  	v5 =	vor.u32 v2, v5;
	v6 =	vor.u32 v2, v9;
	v9 =	vld [tilespmem:s0+$0x6010]  }
0x2e9: {  	v7 =	vmul.f32 $1.442695020e+00, v7;
	_ =	sdelay $0x1  }
0x2ea: {  	(erf) = vpow2.f32 v7  }
0x2eb: {  	v10 =	vld [tilespmem:s0+$0x50]  }
0x2ec: {  	[tilespmem:v5+s12+$0x0] =	vst.idx.add.f32.msk $0xffff, v1;
	v7 =	vmul.f32 $-7.812500000e-03, v9  }
0x2ed: {  	[tilespmem:v5+s14+$0x0] =	vst.idx.add.f32.msk $0xffff, v14  }
0x2ee: {  	v18 =	vld [tilespmem:s0+$0x9010];
	v7 =	vmul.f32 $1.442695020e+00, v7  }
0x2ef: {  	[tilespmem:v5+s15+$0x0] =	vst.idx.add.f32.msk $0xffff, v20  }
0x2f0: {  	v20 =	vld [tilespmem:s0+$0xC010];
	(erf) = vpow2.f32 v7  }
0x2f1: {  	[tilespmem:v5+s16+$0x0] =	vst.idx.add.f32.msk $0xffff, v4  }
0x2f2: {  	[tilespmem:v6+s12+$0x0] =	vst.idx.add.f32.msk $0xffff, v1  }
0x2f3: {  	[tilespmem:v5+s17+$0x0] =	vst.idx.add.f32.msk $0xffff, v3;
	v4 =	vpop (erf)  }
0x2f4: {  	[tilespmem:v6+s14+$0x0] =	vst.idx.add.f32.msk $0xffff, v8;
	v3 =	vadd.f32 $1.000000000e+00, v4  }
0x2f5: {  	[tilespmem:v6+s15+$0x0] =	vst.idx.add.f32.msk $0xffff, v19  }
0x2f6: {  	[tilespmem:v6+s16+$0x0] =	vst.idx.add.f32.msk $0xffff, v11;
	(erf) = vrcp.f32 v3  }
0x2f7: {  	v4 =	vshll.u32 v10, $0x7;
	v3 =	vld [tilespmem:s0+$0x10]  }
0x2f8: {  	v7 =	vor.u32 v2, v4;
	v4 =	vld [tilespmem:s0+$0x30]  }
0x2f9: {  	[tilespmem:v6+s17+$0x0] =	vst.idx.add.f32.msk $0xffff, v17;
	v6 =	vpop (erf)  }
0x2fa: {  	v9 =	vld [tilespmem:s0+$0x6030];
	v6 =	vadd.f32 $1.000000000e+00, v6  }
0x2fb: {  	v10 =	vld [tilespmem:s0+$0x6070]  }
0x2fc: {  	v8 =	vld [tilespmem:s0+$0x9050];
	v3 =	vshll.u32 v3, $0x7;
	(erf) = vrcp.f32 v6  }
0x2fd: {  	s29 =	sor.u32 $0x50, s1;
	v5 =	vld [tilespmem:s0+$0xC050];
	v4 =	vshll.u32 v4, $0x7  }
0x2fe: {  	v16 =	vld [tilespmem:s0+$0xC030];
	v11 =	vor.u32 v2, v4;
	v4 =	vor.u32 s29, v2  }
0x2ff: {  	v12 =	vld [tilespmem:s0+$0x70];
	v9 =	vmul.f32 $-7.812500000e-03, v9;
	v4 =	vcvt.s32.f32 v4;
	v19 =	vor.u32 v2, v3;
	v3 =	vpop (erf)  }
0x300: {  	v21 =	vld [tilespmem:s0+$0x9070];
	v10 =	vmul.f32 $-7.812500000e-03, v10;
	v3 =	vmul.f32 $6.400000000e+01, v3  }
0x301: {  	v14 =	vld [tilespmem:s0+$0xC070];
	v8 =	vadd.f32 s4, v8;
	v9 =	vmul.f32 $1.442695020e+00, v9;
	v13 =	vmul.f32 $1.250000000e-01, v4  }
0x302: {  	[tilespmem:v7+s18+$0x0] =	vst.idx.add.f32.msk $0xffff, v1;
	v10 =	vmul.f32 $1.442695020e+00, v10;
	v4 =	vadd.f32 $-3.200000000e+01, v3  }
0x303: {  	v6 =	vld [tilespmem:s0+$0x9030];
	(erf) = vpow2.f32 v9;
	v5 =	vadd.f32 v5, v13  }
0x304: {  	s30 =	sor.u32 $0x10, s1;
	v9 =	vshll.u32 v12, $0x7;
	(erf) = vpow2.f32 v10;
	[tilespmem:v11+s18+$0x0] =	vst.idx.add.f32.msk $0xffff, v1;
	v17 =	vmul.f32 v4, v4  }
0x305: {  	v12 =	vmul.f32 $1.562500000e-02, v8;
	v3 =	vor.u32 s30, v2;
	v13 =	vmul.f32 $1.562500000e-02, v5;
	[tilespmem:v7+s19+$0x0] =	vst.idx.add.f32.msk $0xffff, v4;
	v8 =	vpop (erf)  }
0x306: {  	v3 =	vcvt.s32.f32 v3;
	[tilespmem:v7+s20+$0x0] =	vst.idx.add.f32.msk $0xffff, v17;
	v5 =	vmul.f32 $6.400000000e+01, v8  }
0x307: {  	s31 =	sor.u32 $0x30, s1;
	v15 =	vor.u32 v2, v9;
	[tilespmem:v7+s21+$0x0] =	vst.idx.add.f32.msk $0xffff, v12  }
0x308: {  	v3 =	vmul.f32 $1.250000000e-01, v3;
	v8 =	vor.u32 s31, v2;
	[tilespmem:v7+s22+$0x0] =	vst.idx.add.f32.msk $0xffff, v13;
	v9 =	vadd.f32 $-3.200000000e+01, v5  }
0x309: {  	v5 =	vcvt.s32.f32 v8;
	v8 =	vadd.f32 s4, v18;
	v22 =	vld [tilespmem:s0+$0x3050]  }
0x30a: {  	[tilespmem:v19+s18+$0x0] =	vst.idx.add.f32.msk $0xffff, v1;
	v3 =	vadd.f32 v20, v3;
	v7 =	vmul.f32 v9, v9  }
0x30b: {  	v8 =	vmul.f32 $1.562500000e-02, v8;
	[tilespmem:v19+s19+$0x0] =	vst.idx.add.f32.msk $0xffff, v9  }
0x30c: {  	s1 =	sor.u32 $0x70, s1;
	v18 =	vpop (erf);
	v10 =	vmul.f32 $1.562500000e-02, v3;
	v5 =	vmul.f32 $1.250000000e-01, v5;
	[tilespmem:v19+s20+$0x0] =	vst.idx.add.f32.msk $0xffff, v7  }
0x30d: {  	v20 =	vor.u32 s1, v2;
	v23 =	vadd.f32 $1.000000000e+00, v18;
	v18 =	vpop (erf);
	[tilespmem:v19+s21+$0x0] =	vst.idx.add.f32.msk $0xffff, v8  }
0x30e: {  	v24 =	vadd.f32 $1.000000000e+00, v18;
	v16 =	vadd.f32 v16, v5;
	v5 =	vshll.u32 v22, $0x7;
	[tilespmem:v19+s22+$0x0] =	vst.idx.add.f32.msk $0xffff, v10  }
0x30f: {  	v3 =	vcvt.s32.f32 v20;
	(erf) = vrcp.f32 v23;
	v20 =	vor.u32 v2, v5;
	v5 =	vld [tilespmem:s0+$0x3010]  }
0x310: {  	v21 =	vadd.f32 s4, v21;
	[tilespmem:v15+s18+$0x0] =	vst.idx.add.f32.msk $0xffff, v1;
	s1 =	simm.s32 $0x80;
	v18 =	vadd.f32 s4, v6;
	s4 =	simm.s32 $0x1080;
	(erf) = vrcp.f32 v24  }
.LBB2_4:
0x311: {  	s1 =	sadd.s32 $0x4, s1;
	s2 =	sand.u32 $0x180, s4  }
0x312: {  	s5 =	sshll.u32 s1, $0x5;
	s6 =	sshll.u32 s2, $0x3;
	s13 =	sshll.u32 s1, $0x3;
	v6 =	vor.u32 s2, v2  }
0x313: {  	s29 =	sshrl.u32 s1, $0x4;
	s30 =	sor.u32 $0x40, s2;
	s5 =	sand.u32 $0x3000, s5;
	v22 =	vcvt.s32.f32 v6  }
0x314: {  	s29 =	sadd.s32 s3, s29;
	s13 =	sand.u32 $0x380, s13;
	v6 =	vor.u32 s30, v2;
	s6 =	sor.u32 s6, s5;
	v28 =	vshll.u32 v5, $0x7;
	[tilespmem:v20+s23+$0x0] =	vst.idx.add.f32.msk $0xffff, v1  }
0x315: {  	s5 =	scvt.s32.f32 s29;
	v27 =	vcvt.s32.f32 v6;
	s13 =	sor.u32 s13, s6;
	s6 =	sor.u32 $0x20, s2;
	[tilespmem:v20+s24+$0x0] =	vst.idx.add.f32.msk $0xffff, v4  }
0x316: {  	s30 =	sor.u32 $0x60, s2;
	s29 =	sor.u32 $0x50, s2;
	v31 =	vor.u32 s6, v2;
	s6 =	sor.u32 $0x30, s2;
	v24 =	vld [tilespmem:s13+$0xC040]  }
0x317: {  	s31 =	sor.u32 $0x10, s2;
	p0 =	slt.u32 s1, $0x17C;
	v5 =	vor.u32 s30, v2;
	v30 =	vor.u32 s29, v2;
	s2 =	sor.u32 $0x70, s2;
	v23 =	vld [tilespmem:s13+$0x9000];
	v25 =	vcvt.s32.f32 v31  }
0x318: {  	v19 =	vcvt.s32.f32 v5;
	v6 =	vcvt.s32.f32 v30;
	v29 =	vor.u32 s6, v2;
	v26 =	vld [tilespmem:s13+$0x9020];
	v4 =	vpop (erf)  }
0x319: {  	v30 =	vor.u32 s31, v2;
	v5 =	vcvt.s32.f32 v29;
	v31 =	vld [tilespmem:s13+$0x20];
	v29 =	vmul.f32 $6.400000000e+01, v4;
	v32 =	vpop (erf)  }
0x31a: {  	v28 =	vor.u32 v2, v28;
	v4 =	vcvt.s32.f32 v30;
	v33 =	vld [tilespmem:s13+$0x0];
	v30 =	vmul.f32 $6.400000000e+01, v32  }
0x31b: {  	v32 =	vor.u32 s2, v2;
	v29 =	vadd.f32 $-3.200000000e+01, v29;
	[tilespmem:v20+s25+$0x0] =	vst.idx.add.f32.msk $0xffff, v17  }
0x31c: {  	v32 =	vcvt.s32.f32 v32;
	v17 =	vld [tilespmem:s13+$0x9060]  }
0x31d: {  	v34 =	vmul.f32 v29, v29;
	[tilespmem:v11+s19+$0x0] =	vst.idx.add.f32.msk $0xffff, v29  }
0x31e: {  	v35 =	vld [tilespmem:s13+$0x6020]  }
0x31f: {  	[tilespmem:v11+s20+$0x0] =	vst.idx.add.f32.msk $0xffff, v34  }
0x320: {  	v18 =	vmul.f32 $1.562500000e-02, v18;
	v36 =	vld [tilespmem:s13+$0x6060]  }
0x321: {  	v37 =	vld [tilespmem:s13+$0x6000]  }
0x322: {  	[tilespmem:v11+s21+$0x0] =	vst.idx.add.f32.msk $0xffff, v18  }
0x323: {  	v16 =	vmul.f32 $1.562500000e-02, v16;
	v38 =	vld [tilespmem:s13+$0xC000]  }
0x324: {  	v40 =	vmul.f32 $1.250000000e-01, v3;
	v30 =	vadd.f32 $-3.200000000e+01, v30;
	v3 =	vmov v32;
	v39 =	vld [tilespmem:s13+$0x6040]  }
0x325: {  	[tilespmem:v11+s22+$0x0] =	vst.idx.add.f32.msk $0xffff, v16  }
0x326: {  	v21 =	vmul.f32 $1.562500000e-02, v21;
	v14 =	vadd.f32 v14, v40;
	v32 =	vmul.f32 v30, v30;
	v11 =	vld [tilespmem:s0+$0x3030]  }
0x327: {  	v35 =	vmul.f32 $-7.812500000e-03, v35;
	v36 =	vmul.f32 $-7.812500000e-03, v36;
	[tilespmem:v15+s19+$0x0] =	vst.idx.add.f32.msk $0xffff, v30  }
0x328: {  	v14 =	vmul.f32 $1.562500000e-02, v14;
	v37 =	vmul.f32 $-7.812500000e-03, v37;
	[tilespmem:v15+s20+$0x0] =	vst.idx.add.f32.msk $0xffff, v32  }
0x329: {  	v35 =	vmul.f32 $1.442695020e+00, v35;
	v39 =	vmul.f32 $-7.812500000e-03, v39;
	[tilespmem:v15+s21+$0x0] =	vst.idx.add.f32.msk $0xffff, v21  }
0x32a: {  	v36 =	vmul.f32 $1.442695020e+00, v36;
	v37 =	vmul.f32 $1.442695020e+00, v37;
	[tilespmem:v15+s22+$0x0] =	vst.idx.add.f32.msk $0xffff, v14  }
0x32b: {  	v15 =	vmul.f32 $1.442695020e+00, v39;
	(erf) = vpow2.f32 v35;
	v11 =	vshll.u32 v11, $0x7;
	v35 =	vld [tilespmem:s0+$0x3070];
	s0 =	smov.u32 s13  }
0x32c: {  	(erf) = vpow2.f32 v37;
	[tilespmem:v20+s26+$0x0] =	vst.idx.add.f32.msk $0xffff, v12  }
0x32d: {  	v11 =	vor.u32 v2, v11;
	(erf) = vpow2.f32 v15;
	[tilespmem:v20+s28+$0x0] =	vst.idx.add.f32.msk $0xffff, v13  }
0x32e: {  	v12 =	vld [tilespmem:s0+$0x9040];
	(erf) = vpow2.f32 v36  }
0x32f: {  	v13 =	vld [tilespmem:s0+$0xC020]  }
0x330: {  	v15 =	vld [tilespmem:s0+$0x40];
	v20 =	vshll.u32 v35, $0x7  }
0x331: {  	[tilespmem:v28+s23+$0x0] =	vst.idx.add.f32.msk $0xffff, v1;
	v20 =	vor.u32 v2, v20  }
0x332: {  	[tilespmem:v11+s23+$0x0] =	vst.idx.add.f32.msk $0xffff, v1  }
0x333: {  	[tilespmem:v11+s24+$0x0] =	vst.idx.add.f32.msk $0xffff, v29  }
0x334: {  	v29 =	vpop (erf);
	[tilespmem:v11+s25+$0x0] =	vst.idx.add.f32.msk $0xffff, v34  }
0x335: {  	v35 =	vadd.f32 $1.000000000e+00, v29;
	v34 =	vpop (erf);
	[tilespmem:v11+s26+$0x0] =	vst.idx.add.f32.msk $0xffff, v18  }
0x336: {  	v33 =	vshll.u32 v33, $0x7;
	v18 =	vadd.f32 $1.000000000e+00, v34;
	v34 =	vpop (erf);
	[tilespmem:v20+s23+$0x0] =	vst.idx.add.f32.msk $0xffff, v1  }
0x337: {  	v33 =	vor.u32 v2, v33;
	v34 =	vadd.f32 $1.000000000e+00, v34;
	(erf) = vrcp.f32 v35;
	v29 =	vpop (erf);
	[tilespmem:v20+s24+$0x0] =	vst.idx.add.f32.msk $0xffff, v30  }
0x338: {  	v29 =	vadd.f32 $1.000000000e+00, v29;
	v30 =	vld [tilespmem:s0+$0x60];
	(erf) = vrcp.f32 v18  }
0x339: {  	v15 =	vshll.u32 v15, $0x7;
	(erf) = vrcp.f32 v34;
	[tilespmem:v28+s24+$0x0] =	vst.idx.add.f32.msk $0xffff, v9  }
0x33a: {  	v9 =	vor.u32 v2, v15;
	(erf) = vrcp.f32 v29;
	[tilespmem:v11+s28+$0x0] =	vst.idx.add.f32.msk $0xffff, v16  }
0x33b: {  	v11 =	vshll.u32 v31, $0x7;
	[tilespmem:v20+s25+$0x0] =	vst.idx.add.f32.msk $0xffff, v32  }
0x33c: {  	v15 =	vmul.f32 $1.250000000e-01, v22;
	v11 =	vor.u32 v2, v11;
	[tilespmem:v28+s25+$0x0] =	vst.idx.add.f32.msk $0xffff, v7  }
0x33d: {  	v7 =	vmul.f32 $1.250000000e-01, v27;
	v16 =	vshll.u32 v30, $0x7;
	[tilespmem:v28+s26+$0x0] =	vst.idx.add.f32.msk $0xffff, v8  }
0x33e: {  	v8 =	vadd.f32 v38, v15;
	v15 =	vor.u32 v2, v16;
	[tilespmem:v28+s28+$0x0] =	vst.idx.add.f32.msk $0xffff, v10  }
0x33f: {  	s5 =	smul.f32 $1.666666720e-01, s5;
	v7 =	vadd.f32 v24, v7;
	[tilespmem:v20+s26+$0x0] =	vst.idx.add.f32.msk $0xffff, v21  }
0x340: {  	v10 =	vmul.f32 $1.250000000e-01, v25;
	v16 =	vpop (erf);
	[tilespmem:v20+s28+$0x0] =	vst.idx.add.f32.msk $0xffff, v14  }
0x341: {  	v18 =	vadd.f32 s5, v26;
	v14 =	vadd.f32 s5, v23;
	v16 =	vmul.f32 $6.400000000e+01, v16;
	[tilespmem:v11+s7+$0x0] =	vst.idx.add.f32.msk $0xffff, v1;
	v20 =	vpop (erf)  }
0x342: {  	v10 =	vadd.f32 v13, v10;
	v13 =	vadd.f32 s5, v17;
	v17 =	vld [tilespmem:s0+$0xC060];
	v21 =	vpop (erf)  }
0x343: {  	v18 =	vmul.f32 $1.562500000e-02, v18;
	v16 =	vadd.f32 $-3.200000000e+01, v16;
	v21 =	vmul.f32 $6.400000000e+01, v21;
	[tilespmem:v15+s7+$0x0] =	vst.idx.add.f32.msk $0xffff, v1;
	v22 =	vpop (erf)  }
0x344: {  	[tilespmem:v33+s7+$0x0] =	vst.idx.add.f32.msk $0xffff, v1;
	v22 =	vmul.f32 $6.400000000e+01, v22  }
0x345: {  	v19 =	vmul.f32 $1.250000000e-01, v19;
	[tilespmem:v11+s8+$0x0] =	vst.idx.add.f32.msk $0xffff, v16;
	v21 =	vadd.f32 $-3.200000000e+01, v21  }
0x346: {  	v12 =	vadd.f32 s5, v12;
	v10 =	vmul.f32 $1.562500000e-02, v10;
	v23 =	vmul.f32 v16, v16;
	[tilespmem:v9+s7+$0x0] =	vst.idx.add.f32.msk $0xffff, v1  }
0x347: {  	v24 =	vmul.f32 v21, v21;
	[tilespmem:v9+s8+$0x0] =	vst.idx.add.f32.msk $0xffff, v21;
	v17 =	vadd.f32 v17, v19  }
0x348: {  	v12 =	vmul.f32 $1.562500000e-02, v12;
	[tilespmem:v11+s9+$0x0] =	vst.idx.add.f32.msk $0xffff, v23  }
0x349: {  	v7 =	vmul.f32 $1.562500000e-02, v7;
	v19 =	vmul.f32 $6.400000000e+01, v20;
	[tilespmem:v9+s9+$0x0] =	vst.idx.add.f32.msk $0xffff, v24  }
0x34a: {  	[tilespmem:v9+s10+$0x0] =	vst.idx.add.f32.msk $0xffff, v12  }
0x34b: {  	v19 =	vadd.f32 $-3.200000000e+01, v19;
	[tilespmem:v9+s11+$0x0] =	vst.idx.add.f32.msk $0xffff, v7;
	v9 =	vadd.f32 $-3.200000000e+01, v22  }
0x34c: {  	v20 =	vld [tilespmem:s0+$0x3040]  }
0x34d: {  	v22 =	vmul.f32 v19, v19;
	[tilespmem:v33+s8+$0x0] =	vst.idx.add.f32.msk $0xffff, v19;
	v25 =	vmul.f32 v9, v9  }
0x34e: {  	v13 =	vmul.f32 $1.562500000e-02, v13;
	[tilespmem:v15+s8+$0x0] =	vst.idx.add.f32.msk $0xffff, v9  }
0x34f: {  	v17 =	vmul.f32 $1.562500000e-02, v17;
	[tilespmem:v15+s9+$0x0] =	vst.idx.add.f32.msk $0xffff, v25  }
0x350: {  	[tilespmem:v15+s10+$0x0] =	vst.idx.add.f32.msk $0xffff, v13  }
0x351: {  	v14 =	vmul.f32 $1.562500000e-02, v14;
	v20 =	vshll.u32 v20, $0x7;
	[tilespmem:v15+s11+$0x0] =	vst.idx.add.f32.msk $0xffff, v17  }
0x352: {  	v8 =	vmul.f32 $1.562500000e-02, v8;
	[tilespmem:v33+s9+$0x0] =	vst.idx.add.f32.msk $0xffff, v22;
	v15 =	vor.u32 v2, v20  }
0x353: {  	v20 =	vld [tilespmem:s0+$0x3060]  }
0x354: {  	[tilespmem:v33+s10+$0x0] =	vst.idx.add.f32.msk $0xffff, v14  }
0x355: {  	[tilespmem:v11+s10+$0x0] =	vst.idx.add.f32.msk $0xffff, v18  }
0x356: {  	[tilespmem:v33+s11+$0x0] =	vst.idx.add.f32.msk $0xffff, v8  }
0x357: {  	v26 =	vld [tilespmem:s0+$0x3000]  }
0x358: {  	[tilespmem:v11+s11+$0x0] =	vst.idx.add.f32.msk $0xffff, v10;
	v11 =	vshll.u32 v20, $0x7  }
0x359: {  	v20 =	vld [tilespmem:s0+$0x3020]  }
0x35a: {  	[tilespmem:v15+s12+$0x0] =	vst.idx.add.f32.msk $0xffff, v1  }
0x35b: {  	[tilespmem:v15+s14+$0x0] =	vst.idx.add.f32.msk $0xffff, v21  }
0x35c: {  	v11 =	vor.u32 v2, v11;
	v21 =	vshll.u32 v26, $0x7;
	[tilespmem:v15+s15+$0x0] =	vst.idx.add.f32.msk $0xffff, v24  }
0x35d: {  	v21 =	vor.u32 v2, v21;
	[tilespmem:v15+s16+$0x0] =	vst.idx.add.f32.msk $0xffff, v12  }
0x35e: {  	v12 =	vshll.u32 v20, $0x7;
	[tilespmem:v15+s17+$0x0] =	vst.idx.add.f32.msk $0xffff, v7  }
0x35f: {  	v7 =	vld [tilespmem:s0+$0x50]  }
0x360: {  	v15 =	vld [tilespmem:s0+$0x6050]  }
0x361: {  	[tilespmem:v11+s12+$0x0] =	vst.idx.add.f32.msk $0xffff, v1  }
0x362: {  	[tilespmem:v21+s12+$0x0] =	vst.idx.add.f32.msk $0xffff, v1  }
0x363: {  	[tilespmem:v21+s14+$0x0] =	vst.idx.add.f32.msk $0xffff, v19  }
0x364: {  	[tilespmem:v21+s15+$0x0] =	vst.idx.add.f32.msk $0xffff, v22  }
0x365: {  	[tilespmem:v21+s16+$0x0] =	vst.idx.add.f32.msk $0xffff, v14;
	v14 =	vmul.f32 $-7.812500000e-03, v15  }
0x366: {  	v7 =	vshll.u32 v7, $0x7;
	[tilespmem:v21+s17+$0x0] =	vst.idx.add.f32.msk $0xffff, v8  }
0x367: {  	v12 =	vor.u32 v2, v12;
	v8 =	vld [tilespmem:s0+$0x6010];
	v14 =	vmul.f32 $1.442695020e+00, v14  }
0x368: {  	[tilespmem:v11+s14+$0x0] =	vst.idx.add.f32.msk $0xffff, v9  }
0x369: {  	[tilespmem:v11+s15+$0x0] =	vst.idx.add.f32.msk $0xffff, v25;
	(erf) = vpow2.f32 v14  }
0x36a: {  	v9 =	vld [tilespmem:s0+$0x9050]  }
0x36b: {  	[tilespmem:v11+s16+$0x0] =	vst.idx.add.f32.msk $0xffff, v13  }
0x36c: {  	v8 =	vmul.f32 $-7.812500000e-03, v8;
	[tilespmem:v12+s12+$0x0] =	vst.idx.add.f32.msk $0xffff, v1  }
0x36d: {  	v7 =	vor.u32 v2, v7;
	[tilespmem:v12+s14+$0x0] =	vst.idx.add.f32.msk $0xffff, v16  }
0x36e: {  	v8 =	vmul.f32 $1.442695020e+00, v8;
	[tilespmem:v12+s15+$0x0] =	vst.idx.add.f32.msk $0xffff, v23  }
0x36f: {  	[tilespmem:v12+s16+$0x0] =	vst.idx.add.f32.msk $0xffff, v18;
	v9 =	vadd.f32 s5, v9  }
0x370: {  	[tilespmem:v12+s17+$0x0] =	vst.idx.add.f32.msk $0xffff, v10;
	(erf) = vpow2.f32 v8  }
0x371: {  	v8 =	vld [tilespmem:s0+$0xC050]  }
0x372: {  	[tilespmem:v7+s18+$0x0] =	vst.idx.add.f32.msk $0xffff, v1;
	v10 =	vpop (erf)  }
0x373: {  	v12 =	vld [tilespmem:s0+$0x30];
	v10 =	vadd.f32 $1.000000000e+00, v10  }
0x374: {  	v6 =	vmul.f32 $1.250000000e-01, v6;
	v13 =	vld [tilespmem:s0+$0xC030]  }
0x375: {  	v14 =	vld [tilespmem:s0+$0x9030];
	(erf) = vrcp.f32 v10  }
0x376: {  	v6 =	vadd.f32 v8, v6;
	[tilespmem:v11+s17+$0x0] =	vst.idx.add.f32.msk $0xffff, v17  }
0x377: {  	v15 =	vmul.f32 $1.250000000e-01, v5;
	v8 =	vld [tilespmem:s0+$0x10]  }
0x378: {  	v10 =	vld [tilespmem:s0+$0x9010];
	v11 =	vshll.u32 v12, $0x7  }
0x379: {  	v12 =	vld [tilespmem:s0+$0xC010];
	v16 =	vadd.f32 v13, v15;
	v11 =	vor.u32 v2, v11;
	v5 =	vpop (erf)  }
0x37a: {  	v5 =	vadd.f32 $1.000000000e+00, v5;
	v13 =	vld [tilespmem:s0+$0x6030];
	v18 =	vadd.f32 s5, v14  }
0x37b: {  	v15 =	vld [tilespmem:s0+$0x6070]  }
0x37c: {  	v14 =	vmul.f32 $1.250000000e-01, v4;
	v8 =	vshll.u32 v8, $0x7;
	v17 =	vld [tilespmem:s0+$0x70];
	(erf) = vrcp.f32 v5  }
0x37d: {  	v5 =	vor.u32 v2, v8;
	v8 =	vld [tilespmem:s0+$0x9070]  }
0x37e: {  	v19 =	vadd.f32 v12, v14;
	[tilespmem:v11+s18+$0x0] =	vst.idx.add.f32.msk $0xffff, v1;
	v4 =	vpop (erf)  }
0x37f: {  	v12 =	vmul.f32 $-7.812500000e-03, v13;
	v4 =	vmul.f32 $6.400000000e+01, v4;
	v14 =	vld [tilespmem:s0+$0xC070]  }
0x380: {  	v13 =	vmul.f32 $-7.812500000e-03, v15  }
0x381: {  	v12 =	vmul.f32 $1.442695020e+00, v12;
	v4 =	vadd.f32 $-3.200000000e+01, v4;
	v15 =	vshll.u32 v17, $0x7  }
0x382: {  	[tilespmem:v5+s18+$0x0] =	vst.idx.add.f32.msk $0xffff, v1;
	v13 =	vmul.f32 $1.442695020e+00, v13;
	v21 =	vadd.f32 s5, v8  }
0x383: {  	v17 =	vmul.f32 v4, v4;
	[tilespmem:v7+s19+$0x0] =	vst.idx.add.f32.msk $0xffff, v4;
	(erf) = vpow2.f32 v12  }
0x384: {  	v15 =	vor.u32 v2, v15;
	v12 =	vmul.f32 $1.562500000e-02, v9;
	(erf) = vpow2.f32 v13  }
0x385: {  	v13 =	vmul.f32 $1.562500000e-02, v6;
	[tilespmem:v7+s20+$0x0] =	vst.idx.add.f32.msk $0xffff, v17;
	v6 =	vpop (erf)  }
0x386: {  	v6 =	vmul.f32 $6.400000000e+01, v6;
	[tilespmem:v7+s21+$0x0] =	vst.idx.add.f32.msk $0xffff, v12  }
0x387: {  	[tilespmem:v7+s22+$0x0] =	vst.idx.add.f32.msk $0xffff, v13  }
0x388: {  	v9 =	vadd.f32 $-3.200000000e+01, v6;
	v6 =	vld [tilespmem:s0+$0x3050]  }
0x389: {  	v8 =	vadd.f32 s5, v10;
	[tilespmem:v15+s18+$0x0] =	vst.idx.add.f32.msk $0xffff, v1  }
0x38a: {  	v7 =	vmul.f32 v9, v9  }
0x38b: {  	v8 =	vmul.f32 $1.562500000e-02, v8;
	[tilespmem:v5+s19+$0x0] =	vst.idx.add.f32.msk $0xffff, v9  }
.Ltmp1:
0x38c: {  	v10 =	vmul.f32 $1.562500000e-02, v19;
	[tilespmem:v5+s20+$0x0] =	vst.idx.add.f32.msk $0xffff, v7;
	v19 =	vpop (erf);
	(pc) =	sbr.rel @p0 .LBB2_4-.Ltmp1, $4  }
0x38d: {  	[tilespmem:v5+s21+$0x0] =	vst.idx.add.f32.msk $0xffff, v8;
	v19 =	vadd.f32 $1.000000000e+00, v19;
	v6 =	vshll.u32 v6, $0x7;
	v22 =	vpop (erf)  }
0x38e: {  	[tilespmem:v5+s22+$0x0] =	vst.idx.add.f32.msk $0xffff, v10;
	v20 =	vor.u32 v2, v6;
	v6 =	vadd.f32 $1.000000000e+00, v22  }
0x38f: {  	v5 =	vld [tilespmem:s0+$0x3010];
	(erf) = vrcp.f32 v19  }
0x390: {  	s4 =	sadd.s32 $0x80, s4;
	(erf) = vrcp.f32 v6  }
0x391: {  	_ =	sdelay $0x6  }
0x392: {  	v6 =	vpop (erf)  }
0x393: {  	v6 =	vmul.f32 $6.400000000e+01, v6;
	v19 =	vpop (erf)  }
0x394: {  	v19 =	vmul.f32 $6.400000000e+01, v19  }
0x395: {  	[tilespmem:v20+s23+$0x0] =	vst.idx.add.f32.msk $0xffff, v1;
	v6 =	vadd.f32 $-3.200000000e+01, v6  }
0x396: {  	[tilespmem:v20+s24+$0x0] =	vst.idx.add.f32.msk $0xffff, v4;
	v19 =	vadd.f32 $-3.200000000e+01, v19  }
0x397: {  	v22 =	vmul.f32 v6, v6;
	[tilespmem:v11+s19+$0x0] =	vst.idx.add.f32.msk $0xffff, v6  }
0x398: {  	v18 =	vmul.f32 $1.562500000e-02, v18;
	[tilespmem:v15+s19+$0x0] =	vst.idx.add.f32.msk $0xffff, v19  }
0x399: {  	v3 =	vmul.f32 $1.250000000e-01, v3;
	v61 =	vmul.f32 v19, v19;
	[tilespmem:v11+s20+$0x0] =	vst.idx.add.f32.msk $0xffff, v22  }
0x39a: {  	v16 =	vmul.f32 $1.562500000e-02, v16;
	[tilespmem:v11+s21+$0x0] =	vst.idx.add.f32.msk $0xffff, v18  }
0x39b: {  	v21 =	vmul.f32 $1.562500000e-02, v21;
	v3 =	vadd.f32 v14, v3;
	[tilespmem:v15+s20+$0x0] =	vst.idx.add.f32.msk $0xffff, v61  }
0x39c: {  	[tilespmem:v11+s22+$0x0] =	vst.idx.add.f32.msk $0xffff, v16  }
0x39d: {  	v3 =	vmul.f32 $1.562500000e-02, v3;
	[tilespmem:v15+s21+$0x0] =	vst.idx.add.f32.msk $0xffff, v21  }
0x39e: {  	v5 =	vshll.u32 v5, $0x7;
	v11 =	vld [tilespmem:s0+$0x3030]  }
0x39f: {  	v5 =	vor.u32 v2, v5;
	[tilespmem:v15+s22+$0x0] =	vst.idx.add.f32.msk $0xffff, v3  }
0x3a0: {  	v15 =	vld [tilespmem:s0+$0x3070]  }
0x3a1: {  	[tilespmem:v20+s25+$0x0] =	vst.idx.add.f32.msk $0xffff, v17  }
0x3a2: {  	[tilespmem:v20+s26+$0x0] =	vst.idx.add.f32.msk $0xffff, v12  }
0x3a3: {  	[tilespmem:v20+s28+$0x0] =	vst.idx.add.f32.msk $0xffff, v13;
	v11 =	vshll.u32 v11, $0x7  }
0x3a4: {  	[tilespmem:v5+s23+$0x0] =	vst.idx.add.f32.msk $0xffff, v1;
	v62 =	vor.u32 v2, v11  }
0x3a5: {  	[tilespmem:v5+s24+$0x0] =	vst.idx.add.f32.msk $0xffff, v9;
	v63 =	vshll.u32 v15, $0x7  }
0x3a6: {  	[tilespmem:v5+s25+$0x0] =	vst.idx.add.f32.msk $0xffff, v7;
	v11 =	vor.u32 v2, v63  }
0x3a7: {  	[tilespmem:v5+s26+$0x0] =	vst.idx.add.f32.msk $0xffff, v8  }
0x3a8: {  	[tilespmem:v5+s28+$0x0] =	vst.idx.add.f32.msk $0xffff, v10  }
0x3a9: {  	[tilespmem:v62+s23+$0x0] =	vst.idx.add.f32.msk $0xffff, v1  }
0x3aa: {  	[tilespmem:v62+s24+$0x0] =	vst.idx.add.f32.msk $0xffff, v6  }
0x3ab: {  	[tilespmem:v11+s23+$0x0] =	vst.idx.add.f32.msk $0xffff, v1  }
0x3ac: {  	[tilespmem:v62+s25+$0x0] =	vst.idx.add.f32.msk $0xffff, v22  }
0x3ad: {  	[tilespmem:v11+s24+$0x0] =	vst.idx.add.f32.msk $0xffff, v19  }
0x3ae: {  	[tilespmem:v62+s26+$0x0] =	vst.idx.add.f32.msk $0xffff, v18  }
0x3af: {  	[tilespmem:v11+s25+$0x0] =	vst.idx.add.f32.msk $0xffff, v61  }
0x3b0: {  	[tilespmem:v62+s28+$0x0] =	vst.idx.add.f32.msk $0xffff, v16  }
0x3b1: {  	[tilespmem:v11+s26+$0x0] =	vst.idx.add.f32.msk $0xffff, v21  }
0x3b2: {  	[tilespmem:v11+s28+$0x0] =	vst.idx.add.f32.msk $0xffff, v3  }
0x3b3: {  	s29 =	simm.s32 $0x0;
	s1 =	simm.s32 $0x3;
	s2 =	rddreg [dreg:$0xe]  }
0x3b4: {  	[hbm4b:s2+s29] =	stream.linear.scatter [tilespmem:s7], [sflag:$0x3], $0x800, $0x38;
	[tilespmem:$0x19000] =	vst v63  }
0x3b5: {  	_ =	swait.ge [sflag:s1], $0x800  }
0x3b6: {  	[sflag:s1] =	ssyncset.done $0x0  }
0x3b7: {  	s4 =	rddreg [dreg:$0x10];
	[sflag:s1] =	ssyncadd.s32 $0xFFFFF800  }
0x3b8: {  	[hbm4b:s4+s29] =	stream.linear.scatter [tilespmem:s8], [sflag:$0x3], $0x800, $0x38;
	[tilespmem:$0x19000] =	vst v63  }
0x3b9: {  	_ =	swait.ge [sflag:s1], $0x800  }
0x3ba: {  	[sflag:s1] =	ssyncset.done $0x0  }
0x3bb: {  	s5 =	rddreg [dreg:$0x11];
	[sflag:s1] =	ssyncadd.s32 $0xFFFFF800  }
0x3bc: {  	[hbm4b:s5+s29] =	stream.linear.scatter [tilespmem:s9], [sflag:$0x3], $0x800, $0x38;
	[tilespmem:$0x19000] =	vst v63  }
0x3bd: {  	_ =	swait.ge [sflag:s1], $0x800  }
0x3be: {  	[sflag:s1] =	ssyncset.done $0x0  }
0x3bf: {  	s6 =	rddreg [dreg:$0x12];
	[sflag:s1] =	ssyncadd.s32 $0xFFFFF800  }
0x3c0: {  	[hbm4b:s6+s29] =	stream.linear.scatter [tilespmem:s10], [sflag:$0x3], $0x800, $0x38;
	[tilespmem:$0x19000] =	vst v63  }
0x3c1: {  	_ =	swait.ge [sflag:s1], $0x800  }
0x3c2: {  	[sflag:s1] =	ssyncset.done $0x0  }
0x3c3: {  	s13 =	rddreg [dreg:$0x13];
	[sflag:s1] =	ssyncadd.s32 $0xFFFFF800  }
0x3c4: {  	[hbm4b:s13+s29] =	stream.linear.scatter [tilespmem:s11], [sflag:$0x3], $0x800, $0x38;
	[tilespmem:$0x19000] =	vst v63  }
0x3c5: {  	_ =	swait.ge [sflag:s1], $0x800  }
0x3c6: {  	[sflag:s1] =	ssyncset.done $0x0  }
0x3c7: {  	s30 =	rddreg [dreg:$0x14];
	[sflag:s1] =	ssyncadd.s32 $0xFFFFF800  }
0x3c8: {  	[hbm4b:s30+s29] =	stream.linear.scatter [tilespmem:s18], [sflag:$0x3], $0x800, $0x38;
	[tilespmem:$0x19000] =	vst v63  }
0x3c9: {  	_ =	swait.ge [sflag:s1], $0x800  }
0x3ca: {  	[sflag:s1] =	ssyncset.done $0x0  }
0x3cb: {  	s31 =	rddreg [dreg:$0x15];
	[sflag:s1] =	ssyncadd.s32 $0xFFFFF800  }
0x3cc: {  	[hbm4b:s31+s29] =	stream.linear.scatter [tilespmem:s19], [sflag:$0x3], $0x800, $0x38;
	[tilespmem:$0x19000] =	vst v63  }
0x3cd: {  	_ =	swait.ge [sflag:s1], $0x800  }
0x3ce: {  	[sflag:s1] =	ssyncset.done $0x0  }
0x3cf: {  	s2 =	rddreg [dreg:$0x16];
	[sflag:s1] =	ssyncadd.s32 $0xFFFFF800  }
0x3d0: {  	[hbm4b:s2+s29] =	stream.linear.scatter [tilespmem:s20], [sflag:$0x3], $0x800, $0x38;
	[tilespmem:$0x19000] =	vst v63  }
0x3d1: {  	_ =	swait.ge [sflag:s1], $0x800  }
0x3d2: {  	[sflag:s1] =	ssyncset.done $0x0  }
0x3d3: {  	s4 =	rddreg [dreg:$0x17];
	[sflag:s1] =	ssyncadd.s32 $0xFFFFF800  }
0x3d4: {  	[hbm4b:s4+s29] =	stream.linear.scatter [tilespmem:s21], [sflag:$0x3], $0x800, $0x38;
	[tilespmem:$0x19000] =	vst v63  }
0x3d5: {  	_ =	swait.ge [sflag:s1], $0x800  }
0x3d6: {  	[sflag:s1] =	ssyncset.done $0x0  }
0x3d7: {  	s5 =	rddreg [dreg:$0x18];
	[sflag:s1] =	ssyncadd.s32 $0xFFFFF800  }
0x3d8: {  	[hbm4b:s5+s29] =	stream.linear.scatter [tilespmem:s22], [sflag:$0x3], $0x800, $0x38;
	[tilespmem:$0x19000] =	vst v63  }
0x3d9: {  	_ =	swait.ge [sflag:s1], $0x800  }
0x3da: {  	[sflag:s1] =	ssyncset.done $0x0  }
0x3db: {  	s6 =	rddreg [dreg:$0x19];
	[sflag:s1] =	ssyncadd.s32 $0xFFFFF800  }
0x3dc: {  	[hbm4b:s6+s29] =	stream.linear.scatter [tilespmem:s12], [sflag:$0x3], $0x800, $0x38;
	[tilespmem:$0x19000] =	vst v63  }
0x3dd: {  	_ =	swait.ge [sflag:s1], $0x800  }
0x3de: {  	[sflag:s1] =	ssyncset.done $0x0  }
0x3df: {  	s13 =	rddreg [dreg:$0x1b];
	[sflag:s1] =	ssyncadd.s32 $0xFFFFF800  }
0x3e0: {  	[hbm4b:s13+s29] =	stream.linear.scatter [tilespmem:s14], [sflag:$0x3], $0x800, $0x38;
	[tilespmem:$0x19000] =	vst v63  }
0x3e1: {  	_ =	swait.ge [sflag:s1], $0x800  }
0x3e2: {  	[sflag:s1] =	ssyncset.done $0x0  }
0x3e3: {  	s30 =	rddreg [dreg:$0x1c];
	[sflag:s1] =	ssyncadd.s32 $0xFFFFF800  }
0x3e4: {  	[hbm4b:s30+s29] =	stream.linear.scatter [tilespmem:s15], [sflag:$0x3], $0x800, $0x38;
	[tilespmem:$0x19000] =	vst v63  }
0x3e5: {  	_ =	swait.ge [sflag:s1], $0x800  }
0x3e6: {  	[sflag:s1] =	ssyncset.done $0x0  }
0x3e7: {  	s31 =	rddreg [dreg:$0x1d];
	[sflag:s1] =	ssyncadd.s32 $0xFFFFF800  }
0x3e8: {  	[hbm4b:s31+s29] =	stream.linear.scatter [tilespmem:s16], [sflag:$0x3], $0x800, $0x38;
	[tilespmem:$0x19000] =	vst v63  }
0x3e9: {  	_ =	swait.ge [sflag:s1], $0x800  }
0x3ea: {  	[sflag:s1] =	ssyncset.done $0x0  }
0x3eb: {  	s2 =	rddreg [dreg:$0x1e];
	[sflag:s1] =	ssyncadd.s32 $0xFFFFF800  }
0x3ec: {  	[hbm4b:s2+s29] =	stream.linear.scatter [tilespmem:s17], [sflag:$0x3], $0x800, $0x38;
	[tilespmem:$0x19000] =	vst v63  }
0x3ed: {  	_ =	swait.ge [sflag:s1], $0x800  }
0x3ee: {  	[sflag:s1] =	ssyncset.done $0x0  }
0x3ef: {  	s4 =	rddreg [dreg:$0x1f];
	[sflag:s1] =	ssyncadd.s32 $0xFFFFF800  }
0x3f0: {  	[hbm4b:s4+s29] =	stream.linear.scatter [tilespmem:s23], [sflag:$0x3], $0x800, $0x38;
	[tilespmem:$0x19000] =	vst v63  }
0x3f1: {  	_ =	swait.ge [sflag:s1], $0x800  }
0x3f2: {  	s5 =	sld [smem:$0x7FA]  }
0x3f3: {  	[sflag:s1] =	ssyncset.done $0x0  }
0x3f4: {  	[sflag:s1] =	ssyncadd.s32 $0xFFFFF800  }
0x3f5: {  	[hbm4b:s5+s29] =	stream.linear.scatter [tilespmem:s24], [sflag:$0x3], $0x800, $0x38;
	[tilespmem:$0x19000] =	vst v63  }
0x3f6: {  	_ =	swait.ge [sflag:s1], $0x800  }
0x3f7: {  	s6 =	sld [smem:$0x7FB]  }
0x3f8: {  	[sflag:s1] =	ssyncset.done $0x0  }
0x3f9: {  	[sflag:s1] =	ssyncadd.s32 $0xFFFFF800  }
0x3fa: {  	[hbm4b:s6+s29] =	stream.linear.scatter [tilespmem:s25], [sflag:$0x3], $0x800, $0x38;
	[tilespmem:$0x19000] =	vst v63  }
0x3fb: {  	_ =	swait.ge [sflag:s1], $0x800  }
0x3fc: {  	s13 =	sld [smem:$0x7FC]  }
0x3fd: {  	[sflag:s1] =	ssyncset.done $0x0  }
0x3fe: {  	[sflag:s1] =	ssyncadd.s32 $0xFFFFF800  }
0x3ff: {  	[hbm4b:s13+s29] =	stream.linear.scatter [tilespmem:s26], [sflag:$0x3], $0x800, $0x38;
	[tilespmem:$0x19000] =	vst v63  }
0x400: {  	_ =	swait.ge [sflag:s1], $0x800  }
0x401: {  	s30 =	sld [smem:$0x7FD]  }
0x402: {  	[sflag:s1] =	ssyncset.done $0x0  }
0x403: {  	[sflag:s1] =	ssyncadd.s32 $0xFFFFF800  }
0x404: {  	[hbm4b:s30+s29] =	stream.linear.scatter [tilespmem:s28], [sflag:$0x3], $0x800, $0x38;
	[tilespmem:$0x19000] =	vst v63  }
0x405: {  	_ =	swait.ge [sflag:s1], $0x800  }
0x406: {  	s2 =	sld [smem:$0x7F9];
	_ =	sdelay $0x2  }
0x407: {  	s31 =	rddreg [dreg:$0x1a];
	s2 =	sadd.s32 $0x1, s2  }
0x408: {  	p0 =	sne.s32 s2, s31  }
.Ltmp2:
0x409: {  	_ = 	snop;
	(pc) =	sbr.rel @p0 .LBB2_1-.Ltmp2, $3  }
0x40a: {  	_ =	sdelay $0x1  }
0x40b: {  	[sflag:s1] =	ssyncset.done $0x0  }
0x40c: {  	[sflag:s1] =	ssyncadd.s32 $0xFFFFF800  }
0x40d: {  	_ =	sfence.sel $0x180000  }
0x40e: {  	[bflag:$0x0] =	sbarrier.arrive $0xFFFF  }
0x40f: {  	_ =	strace $0x90000047  }
0x410: {  	s0 =	stileid.u32;
	[bflag:$0x2] =	sbarrier.arrive $0xFFFF  }
0x411: {  	p0 =	sne.s32 s0, $0x0;
	s0 =	rddreg [dreg:$0x4]  }
0x412: {  	s0 =	sadd.s32 @!p0 $0x100000, s0  }
0x413: {  	[sflag:s0] =	ssyncadd.tile.s32 @!p0 $0x1;
	_ =	shalt  }
.Lfunc_end2:
_tile_overlayer_lowered:
.L_overlay_start_2:
0x414: {  	(tag) =	ssettag $0x2  }
0x415: {  	s0 =	rddreg [dreg:$0x0];
	s2 =	stileid.u32  }
0x416: {  	s1 =	rddreg [dreg:$0x1];
	p0 =	sne.s32 s2, $0x0  }
0x417: {  	s3 =	rddreg [dreg:$0x2];
	[bflag:$0x3] =	sbarrier.arrive $0xFFFF;
	s2 =	simm.s32 @!p0 $0x1C03  }
0x418: {  	[timem:s3], [sflag:s2] =	dma.local @!p0 [hbm:s0], s1  }
0x419: {  	s0 =	simm.s32 @!p0 $0x3  }
0x41a: {  	_ =	swait.ge @!p0 [sflag:s0], s1  }
0x41b: {  	s1 =	ssub.s32 @!p0 $0x0, s1;
	[sflag:s0] =	ssyncset.done @!p0 $0x0  }
0x41c: {  	[sflag:s0] =	ssyncadd.s32 @!p0 s1  }
0x41d: {  	[bflag:$0x3] =	sbarrier.arrive $0xFFFF  }
0x41e: {  	_ =	shalt  }

</sc_bundles>
